<compile_context>
chip_gen: v7x
topology: tpu7x:2x2x1
jax: 0.10.2.dev20260603
libtpu: 0.0.44.dev20260713+nightly
codegen_flags: <defaults>
</compile_context>

<pallas_src>
import functools

import jax
import jax.numpy as jnp
from jax import lax
from jax.experimental import pallas as pl
from jax.experimental.pallas import tpu as pltpu
from jax.experimental.pallas import tpu_sc as plsc

_ACCEPT_OVERLAP = 0.1
_ACCEPT_RADIUS2 = 0.01
_RMSE_THRESH = 0.2
_FMR_THRESH = 0.05

_NC = 2
_NS = 16
_NW = _NC * _NS
_L = 16


def _ceil_to(x, m):
    return (x + m - 1) // m * m


def _vnorm3(dx, dy, dz):
    m = jnp.maximum(jnp.maximum(jnp.abs(dx), jnp.abs(dy)), jnp.abs(dz))
    rm = 1.0 / jnp.maximum(m, jnp.float32(1e-30))
    nx, ny, nz = dx * rm, dy * rm, dz * rm
    s = nx * nx + ny * ny + nz * nz
    r = 1.0 / (0.4 * s + 0.6)
    r = r * (1.5 - 0.5 * s * r * r)
    r = r * (1.5 - 0.5 * s * r * r)
    r = r * (1.5 - 0.5 * s * r * r)
    return m * s * r


def _flat3(points, n_pad):
    n = points.shape[0]
    p = jnp.pad(points, ((0, n_pad - n), (0, 0)))
    return p.T.reshape(-1)


def kernel(ref_points_c, src_points_c, gt_node_corr_overlaps, gt_node_corr_indices,
           ref_node_corr_indices, src_node_corr_indices, ref_corr_points,
           src_corr_points, src_points, transform, estimated_transform):
    Nr = ref_points_c.shape[0]
    Ns = src_points_c.shape[0]
    G = gt_node_corr_overlaps.shape[0]
    K = ref_node_corr_indices.shape[0]
    C = ref_corr_points.shape[0]
    M = src_points.shape[0]

    K_pad = _ceil_to(K, _NW * 128)
    G_pad = _ceil_to(G, _NS * 128)
    C_pad = _ceil_to(C, _NW * _L)
    M_pad = _ceil_to(M, _NW * _L)
    QB = K_pad // _NW
    GB = G_pad // _NS
    FB = C_pad // _NW
    MB = M_pad // _NW
    QCH, GCH, FCH, MCH = QB // _L, GB // _L, FB // _L, MB // _L
    QI, GI = QB // 128, GB // 128
    DUMQ = Nr * Ns
    DUMG = DUMQ + K_pad
    MAPSTRIDE = DUMG + G_pad

    mesh = plsc.VectorSubcoreMesh(core_axis_name="c", subcore_axis_name="s")

    @functools.partial(
        pl.kernel,
        out_type=jax.ShapeDtypeStruct((_NW, 48), jnp.float32),
        mesh=mesh,
        scratch_types=[
            pltpu.HBM((_NC * MAPSTRIDE,), jnp.float32),
            pltpu.VMEM((QB,), jnp.int32),
            pltpu.VMEM((QB,), jnp.int32),
            pltpu.VMEM((GB,), jnp.int32),
            pltpu.VMEM((GB,), jnp.int32),
            pltpu.VMEM((GB,), jnp.float32),
            pltpu.VMEM((QB,), jnp.int32),
            pltpu.VMEM((GB,), jnp.int32),
            pltpu.VMEM((QB,), jnp.float32),
            pltpu.VMEM((GB,), jnp.float32),
            pltpu.VMEM((QB,), jnp.float32),
            pltpu.VMEM((FB,), jnp.float32),
            pltpu.VMEM((FB,), jnp.float32),
            pltpu.VMEM((FB,), jnp.float32),
            pltpu.VMEM((FB,), jnp.float32),
            pltpu.VMEM((FB,), jnp.float32),
            pltpu.VMEM((FB,), jnp.float32),
            pltpu.VMEM((MB,), jnp.float32),
            pltpu.VMEM((MB,), jnp.float32),
            pltpu.VMEM((MB,), jnp.float32),
            pltpu.VMEM((16,), jnp.float32),
            pltpu.VMEM((16,), jnp.float32),
            pltpu.VMEM((48,), jnp.float32),
            pltpu.SemaphoreType.DMA,
            pltpu.SemaphoreType.DMA,
            pltpu.SemaphoreType.DMA,
        ],
    )
    def sc_eval(qr_h, qs_h, gr_h, gs_h, gov_h, refc_h, srcc_h, spts_h, tg_h, te_h,
                out_h, map_h, q_r, q_s, g_r, g_s, g_ov, qidx, gidx, z128, o128,
                gat, frx, fry, frz, fsx, fsy, fsz, spx, spy, spz, tgv, tev, ob,
                sem_a, sem_b, sem_c):
        cid = lax.axis_index("c")
        sid = lax.axis_index("s")
        wid = sid * _NC + cid
        iota = lax.iota(jnp.int32, _L)
        zerov = jnp.broadcast_to(jnp.float32(0.0), (_L,))

        da = [pltpu.async_copy(qr_h.at[pl.ds(wid * QB, QB)], q_r, sem_a),
              pltpu.async_copy(qs_h.at[pl.ds(wid * QB, QB)], q_s, sem_a),
              pltpu.async_copy(gr_h.at[pl.ds(sid * GB, GB)], g_r, sem_a),
              pltpu.async_copy(gs_h.at[pl.ds(sid * GB, GB)], g_s, sem_a),
              pltpu.async_copy(gov_h.at[pl.ds(sid * GB, GB)], g_ov, sem_a)]
        db = [pltpu.async_copy(tg_h, tgv, sem_b),
              pltpu.async_copy(te_h, tev, sem_b)]
        for c in range(3):
            db.append(pltpu.async_copy(refc_h.at[pl.ds(c * C_pad + wid * FB, FB)],
                                       (frx, fry, frz)[c], sem_b))
            db.append(pltpu.async_copy(srcc_h.at[pl.ds(c * C_pad + wid * FB, FB)],
                                       (fsx, fsy, fsz)[c], sem_b))
            db.append(pltpu.async_copy(spts_h.at[pl.ds(c * M_pad + wid * MB, MB)],
                                       (spx, spy, spz)[c], sem_b))

        moff = cid * MAPSTRIDE
        for t in range(QCH):
            z128[pl.ds(t * _L, _L)] = zerov
        for t in range(GCH):
            o128[pl.ds(t * _L, _L)] = jnp.broadcast_to(jnp.float32(1.0), (_L,))
        for d in da:
            d.wait()
        for t in range(QCH):
            key = q_r[pl.ds(t * _L, _L)] * Ns + q_s[pl.ds(t * _L, _L)] + moff
            qidx[pl.ds(t * _L, _L)] = key
        for t in range(GCH):
            key = g_r[pl.ds(t * _L, _L)] * Ns + g_s[pl.ds(t * _L, _L)] + moff
            dummy = moff + DUMG + sid * GB + t * _L + iota
            key = jnp.where(g_ov[pl.ds(t * _L, _L)] > _ACCEPT_OVERLAP, key, dummy)
            gidx[pl.ds(t * _L, _L)] = key

        d_zero = pltpu.async_copy(z128, map_h.at[qidx], sem_c)

        for d in db:
            d.wait()
        tgq, teq = tgv[...], tev[...]

        def sp(vec, j):
            return jnp.broadcast_to(vec[j], (_L,))

        r00, r01, r02, t0 = sp(tgq, 0), sp(tgq, 1), sp(tgq, 2), sp(tgq, 3)
        r10, r11, r12, t1 = sp(tgq, 4), sp(tgq, 5), sp(tgq, 6), sp(tgq, 7)
        r20, r21, r22, t2 = sp(tgq, 8), sp(tgq, 9), sp(tgq, 10), sp(tgq, 11)
        e00, e01, e02, u0 = sp(teq, 0), sp(teq, 1), sp(teq, 2), sp(teq, 3)
        e10, e11, e12, u1 = sp(teq, 4), sp(teq, 5), sp(teq, 6), sp(teq, 7)
        e20, e21, e22, u2 = sp(teq, 8), sp(teq, 9), sp(teq, 10), sp(teq, 11)

        fbase = wid * FB

        @plsc.parallel_loop(0, FCH, unroll=4, carry=zerov)
        def fcnt(i, acc):
            o = i * _L
            ax, ay, az = fsx[pl.ds(o, _L)], fsy[pl.ds(o, _L)], fsz[pl.ds(o, _L)]
            dx = frx[pl.ds(o, _L)] - (r00 * ax + r01 * ay + r02 * az + t0)
            dy = fry[pl.ds(o, _L)] - (r10 * ax + r11 * ay + r12 * az + t1)
            dz = frz[pl.ds(o, _L)] - (r20 * ax + r21 * ay + r22 * az + t2)
            d2 = dx * dx + dy * dy + dz * dz
            valid = ((fbase + o + iota) < C) & (d2 < _ACCEPT_RADIUS2)
            return acc + jnp.where(valid, 1.0, 0.0)

        d_zero.wait()
        plsc.subcore_barrier()
        d_ones = pltpu.async_copy(o128, map_h.at[gidx], sem_c)

        mbase = wid * MB

        @plsc.parallel_loop(0, MCH, unroll=4, carry=zerov)
        def racc(i, acc):
            o = i * _L
            ax, ay, az = spx[pl.ds(o, _L)], spy[pl.ds(o, _L)], spz[pl.ds(o, _L)]
            qx = e00 * ax + e01 * ay + e02 * az + u0 - t0
            qy = e10 * ax + e11 * ay + e12 * az + u1 - t1
            qz = e20 * ax + e21 * ay + e22 * az + u2 - t2
            dx = r00 * qx + r10 * qy + r20 * qz - ax
            dy = r01 * qx + r11 * qy + r21 * qz - ay
            dz = r02 * qx + r12 * qy + r22 * qz - az
            valid = (mbase + o + iota) < M
            return acc + jnp.where(valid, _vnorm3(dx, dy, dz), 0.0)

        d_ones.wait()
        plsc.subcore_barrier()
        pltpu.async_copy(map_h.at[qidx], gat, sem_c).wait()
        hit = zerov
        for t in range(QCH):
            hv = gat[pl.ds(t * _L, _L)]
            valid = (wid * QB + t * _L + iota) < K
            hit = hit + jnp.where(valid, hv, 0.0)

        ob[pl.ds(0, _L)] = hit
        ob[pl.ds(16, _L)] = fcnt
        ob[pl.ds(32, _L)] = racc
        pltpu.sync_copy(ob, out_h.at[wid])

    i32 = jnp.int32
    qr_p = jnp.concatenate([ref_node_corr_indices.astype(i32),
                            jnp.full((K_pad - K,), Nr, i32)])
    qs_p = jnp.concatenate([src_node_corr_indices.astype(i32),
                            jnp.arange(K_pad - K, dtype=i32)])
    gr_p = jnp.concatenate([gt_node_corr_indices[:, 0].astype(i32),
                            jnp.zeros((G_pad - G,), i32)])
    gs_p = jnp.concatenate([gt_node_corr_indices[:, 1].astype(i32),
                            jnp.zeros((G_pad - G,), i32)])
    gov_p = jnp.concatenate([gt_node_corr_overlaps.astype(jnp.float32),
                             jnp.zeros((G_pad - G,), jnp.float32)])
    refc = _flat3(ref_corr_points, C_pad)
    srcc = _flat3(src_corr_points, C_pad)
    spts = _flat3(src_points, M_pad)
    tg = transform.reshape(16)
    te = estimated_transform.reshape(16)

    out = sc_eval(qr_p, qs_p, gr_p, gs_p, gov_p, refc, srcc, spts, tg, te)

    c_precision = jnp.sum(out[:, 0:16]) / K
    f_precision = jnp.sum(out[:, 16:32]) / C
    rmse = jnp.sum(out[:, 32:48]) / M
    R_gt = transform[:3, :3]
    R_est = estimated_transform[:3, :3]
    trace = jnp.trace(R_gt.T @ R_est)
    x = jnp.clip((trace - 1.0) * 0.5, -1.0, 1.0)
    rre = jnp.rad2deg(jnp.arccos(x))
    rte = jnp.linalg.norm(transform[:3, 3] - estimated_transform[:3, 3])
    recall = (rmse < _RMSE_THRESH).astype(jnp.float32)
    fmr = (f_precision > _FMR_THRESH).astype(jnp.float32)
    return jnp.stack([c_precision, f_precision, rre, rte, rmse, recall, fmr])

# --- scband reference (transcript-rebuilt; emitter-appended) ---
"""Pipeline reference for scband-evaluator-66090956751028 (READ-ONLY COPY).

The authoritative reference and input builder live on the scoring server;
editing this copy changes nothing except your own understanding.
"""

import jax, jax.numpy as jnp
import numpy as np

ACCEPT_OVERLAP = 0.1
ACCEPT_RADIUS = 0.1
RMSE_THRESH = 0.2
FMR_THRESH = 0.05


def _rigid_transform(key):
    k1, k2 = jax.random.split(key)
    A = jax.random.normal(k1, (3, 3))
    Q, R = jnp.linalg.qr(A)
    Q = Q * jnp.sign(jnp.diag(R))
    Q = Q.at[:, -1].multiply(jnp.linalg.det(Q))  # det = +1
    t = jax.random.normal(k2, (3,)) * 0.5
    T = jnp.eye(4, dtype=jnp.float32).at[:3, :3].set(Q).at[:3, 3].set(t)
    return T


def apply_transform(points, transform):
    rot = transform[:3, :3]
    trans = transform[:3, 3]
    return points @ rot.T + trans


def isotropic_transform_error(gt_transform, est_transform):
    R_gt = gt_transform[:3, :3]
    R_est = est_transform[:3, :3]
    t_gt = gt_transform[:3, 3]
    t_est = est_transform[:3, 3]
    trace = jnp.trace(R_gt.T @ R_est)
    x = jnp.clip((trace - 1.0) * 0.5, -1.0, 1.0)
    rre = jnp.rad2deg(jnp.arccos(x))
    rte = jnp.linalg.norm(t_gt - t_est)
    return rre, rte


def setup_inputs(seed: int = 0) -> dict:
    key = jax.random.key(seed)
    ks = jax.random.split(key, 12)
    Nr, Ns = 5000, 5000
    G, K, C, M = 20000, 10000, 50000, 100000
    inp = {}
    inp['ref_points_c'] = jax.random.normal(ks[0], (Nr, 3), dtype=jnp.float32)
    inp['src_points_c'] = jax.random.normal(ks[1], (Ns, 3), dtype=jnp.float32)
    inp['gt_node_corr_overlaps'] = jax.random.uniform(ks[2], (G,), dtype=jnp.float32)
    inp['gt_node_corr_indices'] = jax.random.randint(ks[3], (G, 2), 0, Nr)
    inp['ref_node_corr_indices'] = jax.random.randint(ks[4], (K,), 0, Nr)
    inp['src_node_corr_indices'] = jax.random.randint(ks[5], (K,), 0, Ns)
    inp['ref_corr_points'] = jax.random.normal(ks[6], (C, 3), dtype=jnp.float32)
    inp['src_corr_points'] = jax.random.normal(ks[7], (C, 3), dtype=jnp.float32)
    inp['src_points'] = jax.random.normal(ks[8], (M, 3), dtype=jnp.float32)
    inp['transform'] = _rigid_transform(ks[9])
    inp['estimated_transform'] = _rigid_transform(ks[10])
    return inp


def reference(ref_points_c, src_points_c, gt_node_corr_overlaps, gt_node_corr_indices,
              ref_node_corr_indices, src_node_corr_indices, ref_corr_points,
              src_corr_points, src_points, transform, estimated_transform):
    Nr = ref_points_c.shape[0]
    Ns = src_points_c.shape[0]
    # ---- evaluate_coarse ----
    masks = (gt_node_corr_overlaps > ACCEPT_OVERLAP).astype(jnp.float32)
    gt_map = jnp.zeros((Nr, Ns), dtype=jnp.float32)
    gt_map = gt_map.at[gt_node_corr_indices[:, 0], gt_node_corr_indices[:, 1]].max(masks)
    c_precision = gt_map[ref_node_corr_indices, src_node_corr_indices].mean()
    # ---- evaluate_fine ----
    src_corr_t = apply_transform(src_corr_points, transform)
    corr_distances = jnp.linalg.norm(ref_corr_points - src_corr_t, axis=1)
    f_precision = (corr_distances < ACCEPT_RADIUS).astype(jnp.float32).mean()
    # ---- evaluate_registration ----
    rre, rte = isotropic_transform_error(transform, estimated_transform)
    realignment = jnp.linalg.inv(transform) @ estimated_transform
    realigned_src = apply_transform(src_points, realignment)
    rmse = jnp.linalg.norm(realigned_src - src_points, axis=1).mean()
    recall = (rmse < RMSE_THRESH).astype(jnp.float32)
    # ---- evaluate_fmr ----
    fmr = (f_precision > FMR_THRESH).astype(jnp.float32).mean()
    return jnp.stack([c_precision, f_precision, rre, rte, rmse, recall, fmr])

if __name__ == "__main__":
    import jax
    _d = setup_inputs()
    print(jax.jit(kernel)(*tuple(_d.values())))

</pallas_src>

<mosaic_0001>
#map = affine_map<(d0, d1) -> (0)>
#map1 = affine_map<(d0, d1) -> (0, 0)>
module attributes {stable_mosaic.version = 14 : i64} {
  func.func @sc_eval(%arg0: i32, %arg1: i32, %arg2: memref<12288xi32, #tpu.memory_space<hbm>>, %arg3: memref<12288xi32, #tpu.memory_space<hbm>>, %arg4: memref<20480xi32, #tpu.memory_space<hbm>>, %arg5: memref<20480xi32, #tpu.memory_space<hbm>>, %arg6: memref<20480xf32, #tpu.memory_space<hbm>>, %arg7: memref<150528xf32, #tpu.memory_space<hbm>>, %arg8: memref<150528xf32, #tpu.memory_space<hbm>>, %arg9: memref<301056xf32, #tpu.memory_space<hbm>>, %arg10: memref<16xf32, #tpu.memory_space<hbm>>, %arg11: memref<16xf32, #tpu.memory_space<hbm>>, %arg12: memref<32x48xf32, #tpu.memory_space<hbm>>, %arg13: memref<50065536xf32, #tpu.memory_space<hbm>>, %arg14: memref<384xi32, #tpu.memory_space<vmem>>, %arg15: memref<384xi32, #tpu.memory_space<vmem>>, %arg16: memref<1280xi32, #tpu.memory_space<vmem>>, %arg17: memref<1280xi32, #tpu.memory_space<vmem>>, %arg18: memref<1280xf32, #tpu.memory_space<vmem>>, %arg19: memref<384xi32, #tpu.memory_space<vmem>>, %arg20: memref<1280xi32, #tpu.memory_space<vmem>>, %arg21: memref<384xf32, #tpu.memory_space<vmem>>, %arg22: memref<1280xf32, #tpu.memory_space<vmem>>, %arg23: memref<384xf32, #tpu.memory_space<vmem>>, %arg24: memref<1568xf32, #tpu.memory_space<vmem>>, %arg25: memref<1568xf32, #tpu.memory_space<vmem>>, %arg26: memref<1568xf32, #tpu.memory_space<vmem>>, %arg27: memref<1568xf32, #tpu.memory_space<vmem>>, %arg28: memref<1568xf32, #tpu.memory_space<vmem>>, %arg29: memref<1568xf32, #tpu.memory_space<vmem>>, %arg30: memref<3136xf32, #tpu.memory_space<vmem>>, %arg31: memref<3136xf32, #tpu.memory_space<vmem>>, %arg32: memref<3136xf32, #tpu.memory_space<vmem>>, %arg33: memref<16xf32, #tpu.memory_space<vmem>>, %arg34: memref<16xf32, #tpu.memory_space<vmem>>, %arg35: memref<48xf32, #tpu.memory_space<vmem>>, %arg36: memref<!tpu.dma_semaphore, #tpu.memory_space<semaphore_mem>>, %arg37: memref<!tpu.dma_semaphore, #tpu.memory_space<semaphore_mem>>, %arg38: memref<!tpu.dma_semaphore, #tpu.memory_space<semaphore_mem>>) attributes {dimension_semantics = [#tpu.dimension_semantics<core_parallel>, #tpu.dimension_semantics<subcore_parallel>], iteration_bounds = array<i64: 2, 16>, scalar_prefetch = 0 : i64, scratch_operands = 26 : i64, tpu.core_type = #tpu.core_type<sc_vector_subcore>, window_params = [{transform_indices = #map}, {transform_indices = #map}, {transform_indices = #map}, {transform_indices = #map}, {transform_indices = #map}, {transform_indices = #map}, {transform_indices = #map}, {transform_indices = #map}, {transform_indices = #map}, {transform_indices = #map}, {transform_indices = #map1}]} {
    %mul3A = arith.constant 2 : i32
    %mul3A_0 = arith.muli %arg1, %mul3A : i32
    %add3A = arith.addi %mul3A_0, %arg0 : i32
    %iota3A = tpu.iota {dimensions = array<i32: 0>} : vector<16xi32>
    %broadcast_in_dim3A = arith.constant 0.000000e+00 : f32
    %broadcast_in_dim3A_1 = vector.broadcast %broadcast_in_dim3A : f32 to vector<16xf32>
    %mul3A_2 = arith.constant 384 : i32
    %mul3A_3 = arith.muli %add3A, %mul3A_2 : i32
    %dma_start3A = tpu.memref_slice %arg2[%mul3A_3] : memref<12288xi32, #tpu.memory_space<hbm>> -> memref<384xi32, #tpu.memory_space<hbm>>
    %dma_start3A_4 = tpu.memref_slice %arg2[%mul3A_3] : memref<12288xi32, #tpu.memory_space<hbm>> -> memref<384xi32, #tpu.memory_space<hbm>>
    tpu.enqueue_dma source(%dma_start3A_4 : memref<384xi32, #tpu.memory_space<hbm>>) target(%arg14 : memref<384xi32, #tpu.memory_space<vmem>>) target_semaphore(%arg36 : memref<!tpu.dma_semaphore, #tpu.memory_space<semaphore_mem>>)
    %mul3A_5 = arith.constant 384 : i32
    %mul3A_6 = arith.muli %add3A, %mul3A_5 : i32
    %dma_start3A_7 = tpu.memref_slice %arg3[%mul3A_6] : memref<12288xi32, #tpu.memory_space<hbm>> -> memref<384xi32, #tpu.memory_space<hbm>>
    %dma_start3A_8 = tpu.memref_slice %arg3[%mul3A_6] : memref<12288xi32, #tpu.memory_space<hbm>> -> memref<384xi32, #tpu.memory_space<hbm>>
    tpu.enqueue_dma source(%dma_start3A_8 : memref<384xi32, #tpu.memory_space<hbm>>) target(%arg15 : memref<384xi32, #tpu.memory_space<vmem>>) target_semaphore(%arg36 : memref<!tpu.dma_semaphore, #tpu.memory_space<semaphore_mem>>)
    %mul3A_9 = arith.constant 1280 : i32
    %mul3A_10 = arith.muli %arg1, %mul3A_9 : i32
    %dma_start3A_11 = tpu.memref_slice %arg4[%mul3A_10] : memref<20480xi32, #tpu.memory_space<hbm>> -> memref<1280xi32, #tpu.memory_space<hbm>>
    %dma_start3A_12 = tpu.memref_slice %arg4[%mul3A_10] : memref<20480xi32, #tpu.memory_space<hbm>> -> memref<1280xi32, #tpu.memory_space<hbm>>
    tpu.enqueue_dma source(%dma_start3A_12 : memref<1280xi32, #tpu.memory_space<hbm>>) target(%arg16 : memref<1280xi32, #tpu.memory_space<vmem>>) target_semaphore(%arg36 : memref<!tpu.dma_semaphore, #tpu.memory_space<semaphore_mem>>)
    %mul3A_13 = arith.constant 1280 : i32
    %mul3A_14 = arith.muli %arg1, %mul3A_13 : i32
    %dma_start3A_15 = tpu.memref_slice %arg5[%mul3A_14] : memref<20480xi32, #tpu.memory_space<hbm>> -> memref<1280xi32, #tpu.memory_space<hbm>>
    %dma_start3A_16 = tpu.memref_slice %arg5[%mul3A_14] : memref<20480xi32, #tpu.memory_space<hbm>> -> memref<1280xi32, #tpu.memory_space<hbm>>
    tpu.enqueue_dma source(%dma_start3A_16 : memref<1280xi32, #tpu.memory_space<hbm>>) target(%arg17 : memref<1280xi32, #tpu.memory_space<vmem>>) target_semaphore(%arg36 : memref<!tpu.dma_semaphore, #tpu.memory_space<semaphore_mem>>)
    %mul3A_17 = arith.constant 1280 : i32
    %mul3A_18 = arith.muli %arg1, %mul3A_17 : i32
    %dma_start3A_19 = tpu.memref_slice %arg6[%mul3A_18] : memref<20480xf32, #tpu.memory_space<hbm>> -> memref<1280xf32, #tpu.memory_space<hbm>>
    %dma_start3A_20 = tpu.memref_slice %arg6[%mul3A_18] : memref<20480xf32, #tpu.memory_space<hbm>> -> memref<1280xf32, #tpu.memory_space<hbm>>
    tpu.enqueue_dma source(%dma_start3A_20 : memref<1280xf32, #tpu.memory_space<hbm>>) target(%arg18 : memref<1280xf32, #tpu.memory_space<vmem>>) target_semaphore(%arg36 : memref<!tpu.dma_semaphore, #tpu.memory_space<semaphore_mem>>)
    tpu.enqueue_dma source(%arg10 : memref<16xf32, #tpu.memory_space<hbm>>) target(%arg33 : memref<16xf32, #tpu.memory_space<vmem>>) target_semaphore(%arg37 : memref<!tpu.dma_semaphore, #tpu.memory_space<semaphore_mem>>)
    tpu.enqueue_dma source(%arg11 : memref<16xf32, #tpu.memory_space<hbm>>) target(%arg34 : memref<16xf32, #tpu.memory_space<vmem>>) target_semaphore(%arg37 : memref<!tpu.dma_semaphore, #tpu.memory_space<semaphore_mem>>)
    %mul3A_21 = arith.constant 1568 : i32
    %mul3A_22 = arith.muli %add3A, %mul3A_21 : i32
    %add3A_23 = arith.constant 0 : i32
    %add3A_24 = arith.addi %add3A_23, %mul3A_22 : i32
    %dma_start3A_25 = tpu.memref_slice %arg7[%add3A_24] : memref<150528xf32, #tpu.memory_space<hbm>> -> memref<1568xf32, #tpu.memory_space<hbm>>
    %dma_start3A_26 = tpu.memref_slice %arg7[%add3A_24] : memref<150528xf32, #tpu.memory_space<hbm>> -> memref<1568xf32, #tpu.memory_space<hbm>>
    tpu.enqueue_dma source(%dma_start3A_26 : memref<1568xf32, #tpu.memory_space<hbm>>) target(%arg24 : memref<1568xf32, #tpu.memory_space<vmem>>) target_semaphore(%arg37 : memref<!tpu.dma_semaphore, #tpu.memory_space<semaphore_mem>>)
    %mul3A_27 = arith.constant 1568 : i32
    %mul3A_28 = arith.muli %add3A, %mul3A_27 : i32
    %add3A_29 = arith.constant 0 : i32
    %add3A_30 = arith.addi %add3A_29, %mul3A_28 : i32
    %dma_start3A_31 = tpu.memref_slice %arg8[%add3A_30] : memref<150528xf32, #tpu.memory_space<hbm>> -> memref<1568xf32, #tpu.memory_space<hbm>>
    %dma_start3A_32 = tpu.memref_slice %arg8[%add3A_30] : memref<150528xf32, #tpu.memory_space<hbm>> -> memref<1568xf32, #tpu.memory_space<hbm>>
    tpu.enqueue_dma source(%dma_start3A_32 : memref<1568xf32, #tpu.memory_space<hbm>>) target(%arg27 : memref<1568xf32, #tpu.memory_space<vmem>>) target_semaphore(%arg37 : memref<!tpu.dma_semaphore, #tpu.memory_space<semaphore_mem>>)
    %mul3A_33 = arith.constant 3136 : i32
    %mul3A_34 = arith.muli %add3A, %mul3A_33 : i32
    %add3A_35 = arith.constant 0 : i32
    %add3A_36 = arith.addi %add3A_35, %mul3A_34 : i32
    %dma_start3A_37 = tpu.memref_slice %arg9[%add3A_36] : memref<301056xf32, #tpu.memory_space<hbm>> -> memref<3136xf32, #tpu.memory_space<hbm>>
    %dma_start3A_38 = tpu.memref_slice %arg9[%add3A_36] : memref<301056xf32, #tpu.memory_space<hbm>> -> memref<3136xf32, #tpu.memory_space<hbm>>
    tpu.enqueue_dma source(%dma_start3A_38 : memref<3136xf32, #tpu.memory_space<hbm>>) target(%arg30 : memref<3136xf32, #tpu.memory_space<vmem>>) target_semaphore(%arg37 : memref<!tpu.dma_semaphore, #tpu.memory_space<semaphore_mem>>)
    %mul3A_39 = arith.constant 1568 : i32
    %mul3A_40 = arith.muli %add3A, %mul3A_39 : i32
    %add3A_41 = arith.constant 50176 : i32
    %add3A_42 = arith.addi %add3A_41, %mul3A_40 : i32
    %dma_start3A_43 = tpu.memref_slice %arg7[%add3A_42] : memref<150528xf32, #tpu.memory_space<hbm>> -> memref<1568xf32, #tpu.memory_space<hbm>>
    %dma_start3A_44 = tpu.memref_slice %arg7[%add3A_42] : memref<150528xf32, #tpu.memory_space<hbm>> -> memref<1568xf32, #tpu.memory_space<hbm>>
    tpu.enqueue_dma source(%dma_start3A_44 : memref<1568xf32, #tpu.memory_space<hbm>>) target(%arg25 : memref<1568xf32, #tpu.memory_space<vmem>>) target_semaphore(%arg37 : memref<!tpu.dma_semaphore, #tpu.memory_space<semaphore_mem>>)
    %mul3A_45 = arith.constant 1568 : i32
    %mul3A_46 = arith.muli %add3A, %mul3A_45 : i32
    %add3A_47 = arith.constant 50176 : i32
    %add3A_48 = arith.addi %add3A_47, %mul3A_46 : i32
    %dma_start3A_49 = tpu.memref_slice %arg8[%add3A_48] : memref<150528xf32, #tpu.memory_space<hbm>> -> memref<1568xf32, #tpu.memory_space<hbm>>
    %dma_start3A_50 = tpu.memref_slice %arg8[%add3A_48] : memref<150528xf32, #tpu.memory_space<hbm>> -> memref<1568xf32, #tpu.memory_space<hbm>>
    tpu.enqueue_dma source(%dma_start3A_50 : memref<1568xf32, #tpu.memory_space<hbm>>) target(%arg28 : memref<1568xf32, #tpu.memory_space<vmem>>) target_semaphore(%arg37 : memref<!tpu.dma_semaphore, #tpu.memory_space<semaphore_mem>>)
    %mul3A_51 = arith.constant 3136 : i32
    %mul3A_52 = arith.muli %add3A, %mul3A_51 : i32
    %add3A_53 = arith.constant 100352 : i32
    %add3A_54 = arith.addi %add3A_53, %mul3A_52 : i32
    %dma_start3A_55 = tpu.memref_slice %arg9[%add3A_54] : memref<301056xf32, #tpu.memory_space<hbm>> -> memref<3136xf32, #tpu.memory_space<hbm>>
    %dma_start3A_56 = tpu.memref_slice %arg9[%add3A_54] : memref<301056xf32, #tpu.memory_space<hbm>> -> memref<3136xf32, #tpu.memory_space<hbm>>
    tpu.enqueue_dma source(%dma_start3A_56 : memref<3136xf32, #tpu.memory_space<hbm>>) target(%arg31 : memref<3136xf32, #tpu.memory_space<vmem>>) target_semaphore(%arg37 : memref<!tpu.dma_semaphore, #tpu.memory_space<semaphore_mem>>)
    %mul3A_57 = arith.constant 1568 : i32
    %mul3A_58 = arith.muli %add3A, %mul3A_57 : i32
    %add3A_59 = arith.constant 100352 : i32
    %add3A_60 = arith.addi %add3A_59, %mul3A_58 : i32
    %dma_start3A_61 = tpu.memref_slice %arg7[%add3A_60] : memref<150528xf32, #tpu.memory_space<hbm>> -> memref<1568xf32, #tpu.memory_space<hbm>>
    %dma_start3A_62 = tpu.memref_slice %arg7[%add3A_60] : memref<150528xf32, #tpu.memory_space<hbm>> -> memref<1568xf32, #tpu.memory_space<hbm>>
    tpu.enqueue_dma source(%dma_start3A_62 : memref<1568xf32, #tpu.memory_space<hbm>>) target(%arg26 : memref<1568xf32, #tpu.memory_space<vmem>>) target_semaphore(%arg37 : memref<!tpu.dma_semaphore, #tpu.memory_space<semaphore_mem>>)
    %mul3A_63 = arith.constant 1568 : i32
    %mul3A_64 = arith.muli %add3A, %mul3A_63 : i32
    %add3A_65 = arith.constant 100352 : i32
    %add3A_66 = arith.addi %add3A_65, %mul3A_64 : i32
    %dma_start3A_67 = tpu.memref_slice %arg8[%add3A_66] : memref<150528xf32, #tpu.memory_space<hbm>> -> memref<1568xf32, #tpu.memory_space<hbm>>
    %dma_start3A_68 = tpu.memref_slice %arg8[%add3A_66] : memref<150528xf32, #tpu.memory_space<hbm>> -> memref<1568xf32, #tpu.memory_space<hbm>>
    tpu.enqueue_dma source(%dma_start3A_68 : memref<1568xf32, #tpu.memory_space<hbm>>) target(%arg29 : memref<1568xf32, #tpu.memory_space<vmem>>) target_semaphore(%arg37 : memref<!tpu.dma_semaphore, #tpu.memory_space<semaphore_mem>>)
    %mul3A_69 = arith.constant 3136 : i32
    %mul3A_70 = arith.muli %add3A, %mul3A_69 : i32
    %add3A_71 = arith.constant 200704 : i32
    %add3A_72 = arith.addi %add3A_71, %mul3A_70 : i32
    %dma_start3A_73 = tpu.memref_slice %arg9[%add3A_72] : memref<301056xf32, #tpu.memory_space<hbm>> -> memref<3136xf32, #tpu.memory_space<hbm>>
    %dma_start3A_74 = tpu.memref_slice %arg9[%add3A_72] : memref<301056xf32, #tpu.memory_space<hbm>> -> memref<3136xf32, #tpu.memory_space<hbm>>
    tpu.enqueue_dma source(%dma_start3A_74 : memref<3136xf32, #tpu.memory_space<hbm>>) target(%arg32 : memref<3136xf32, #tpu.memory_space<vmem>>) target_semaphore(%arg37 : memref<!tpu.dma_semaphore, #tpu.memory_space<semaphore_mem>>)
    %mul3A_75 = arith.constant 25032768 : i32
    %mul3A_76 = arith.muli %arg0, %mul3A_75 : i32
    %swap3A = arith.constant 0 : index
    %swap3A_77 = tpu.vector_load %arg21[%swap3A] {strides = array<i32>} : memref<384xf32, #tpu.memory_space<vmem>>, vector<16xf32>,
    %swap3A_78 = vector.shape_cast %swap3A_77 : vector<16xf32> to vector<16xf32>
    %swap3A_79 = vector.shape_cast %broadcast_in_dim3A_1 : vector<16xf32> to vector<16xf32>
    tpu.vector_store %arg21[%swap3A], %swap3A_79 {strides = array<i32>} : memref<384xf32, #tpu.memory_space<vmem>>, vector<16xf32>,
    %swap3A_80 = arith.constant 16 : index
    %swap3A_81 = tpu.vector_load %arg21[%swap3A_80] {strides = array<i32>} : memref<384xf32, #tpu.memory_space<vmem>>, vector<16xf32>,
    %swap3A_82 = vector.shape_cast %swap3A_81 : vector<16xf32> to vector<16xf32>
    %swap3A_83 = vector.shape_cast %broadcast_in_dim3A_1 : vector<16xf32> to vector<16xf32>
    tpu.vector_store %arg21[%swap3A_80], %swap3A_83 {strides = array<i32>} : memref<384xf32, #tpu.memory_space<vmem>>, vector<16xf32>,
    %swap3A_84 = arith.constant 32 : index
    %swap3A_85 = tpu.vector_load %arg21[%swap3A_84] {strides = array<i32>} : memref<384xf32, #tpu.memory_space<vmem>>, vector<16xf32>,
    %swap3A_86 = vector.shape_cast %swap3A_85 : vector<16xf32> to vector<16xf32>
    %swap3A_87 = vector.shape_cast %broadcast_in_dim3A_1 : vector<16xf32> to vector<16xf32>
    tpu.vector_store %arg21[%swap3A_84], %swap3A_87 {strides = array<i32>} : memref<384xf32, #tpu.memory_space<vmem>>, vector<16xf32>,
    %swap3A_88 = arith.constant 48 : index
    %swap3A_89 = tpu.vector_load %arg21[%swap3A_88] {strides = array<i32>} : memref<384xf32, #tpu.memory_space<vmem>>, vector<16xf32>,
    %swap3A_90 = vector.shape_cast %swap3A_89 : vector<16xf32> to vector<16xf32>
    %swap3A_91 = vector.shape_cast %broadcast_in_dim3A_1 : vector<16xf32> to vector<16xf32>
    tpu.vector_store %arg21[%swap3A_88], %swap3A_91 {strides = array<i32>} : memref<384xf32, #tpu.memory_space<vmem>>, vector<16xf32>,
    %swap3A_92 = arith.constant 64 : index
    %swap3A_93 = tpu.vector_load %arg21[%swap3A_92] {strides = array<i32>} : memref<384xf32, #tpu.memory_space<vmem>>, vector<16xf32>,
    %swap3A_94 = vector.shape_cast %swap3A_93 : vector<16xf32> to vector<16xf32>
    %swap3A_95 = vector.shape_cast %broadcast_in_dim3A_1 : vector<16xf32> to vector<16xf32>
    tpu.vector_store %arg21[%swap3A_92], %swap3A_95 {strides = array<i32>} : memref<384xf32, #tpu.memory_space<vmem>>, vector<16xf32>,
    %swap3A_96 = arith.constant 80 : index
    %swap3A_97 = tpu.vector_load %arg21[%swap3A_96] {strides = array<i32>} : memref<384xf32, #tpu.memory_space<vmem>>, vector<16xf32>,
    %swap3A_98 = vector.shape_cast %swap3A_97 : vector<16xf32> to vector<16xf32>
    %swap3A_99 = vector.shape_cast %broadcast_in_dim3A_1 : vector<16xf32> to vector<16xf32>
    tpu.vector_store %arg21[%swap3A_96], %swap3A_99 {strides = array<i32>} : memref<384xf32, #tpu.memory_space<vmem>>, vector<16xf32>,
    %swap3A_100 = arith.constant 96 : index
    %swap3A_101 = tpu.vector_load %arg21[%swap3A_100] {strides = array<i32>} : memref<384xf32, #tpu.memory_space<vmem>>, vector<16xf32>,
    %swap3A_102 = vector.shape_cast %swap3A_101 : vector<16xf32> to vector<16xf32>
    %swap3A_103 = vector.shape_cast %broadcast_in_dim3A_1 : vector<16xf32> to vector<16xf32>
    tpu.vector_store %arg21[%swap3A_100], %swap3A_103 {strides = array<i32>} : memref<384xf32, #tpu.memory_space<vmem>>, vector<16xf32>,
    %swap3A_104 = arith.constant 112 : index
    %swap3A_105 = tpu.vector_load %arg21[%swap3A_104] {strides = array<i32>} : memref<384xf32, #tpu.memory_space<vmem>>, vector<16xf32>,
    %swap3A_106 = vector.shape_cast %swap3A_105 : vector<16xf32> to vector<16xf32>
    %swap3A_107 = vector.shape_cast %broadcast_in_dim3A_1 : vector<16xf32> to vector<16xf32>
    tpu.vector_store %arg21[%swap3A_104], %swap3A_107 {strides = array<i32>} : memref<384xf32, #tpu.memory_space<vmem>>, vector<16xf32>,
    %swap3A_108 = arith.constant 128 : index
    %swap3A_109 = tpu.vector_load %arg21[%swap3A_108] {strides = array<i32>} : memref<384xf32, #tpu.memory_space<vmem>>, vector<16xf32>,
    %swap3A_110 = vector.shape_cast %swap3A_109 : vector<16xf32> to vector<16xf32>
    %swap3A_111 = vector.shape_cast %broadcast_in_dim3A_1 : vector<16xf32> to vector<16xf32>
    tpu.vector_store %arg21[%swap3A_108], %swap3A_111 {strides = array<i32>} : memref<384xf32, #tpu.memory_space<vmem>>, vector<16xf32>,
    %swap3A_112 = arith.constant 144 : index
    %swap3A_113 = tpu.vector_load %arg21[%swap3A_112] {strides = array<i32>} : memref<384xf32, #tpu.memory_space<vmem>>, vector<16xf32>,
    %swap3A_114 = vector.shape_cast %swap3A_113 : vector<16xf32> to vector<16xf32>
    %swap3A_115 = vector.shape_cast %broadcast_in_dim3A_1 : vector<16xf32> to vector<16xf32>
    tpu.vector_store %arg21[%swap3A_112], %swap3A_115 {strides = array<i32>} : memref<384xf32, #tpu.memory_space<vmem>>, vector<16xf32>,
    %swap3A_116 = arith.constant 160 : index
    %swap3A_117 = tpu.vector_load %arg21[%swap3A_116] {strides = array<i32>} : memref<384xf32, #tpu.memory_space<vmem>>, vector<16xf32>,
    %swap3A_118 = vector.shape_cast %swap3A_117 : vector<16xf32> to vector<16xf32>
    %swap3A_119 = vector.shape_cast %broadcast_in_dim3A_1 : vector<16xf32> to vector<16xf32>
    tpu.vector_store %arg21[%swap3A_116], %swap3A_119 {strides = array<i32>} : memref<384xf32, #tpu.memory_space<vmem>>, vector<16xf32>,
    %swap3A_120 = arith.constant 176 : index
    %swap3A_121 = tpu.vector_load %arg21[%swap3A_120] {strides = array<i32>} : memref<384xf32, #tpu.memory_space<vmem>>, vector<16xf32>,
    %swap3A_122 = vector.shape_cast %swap3A_121 : vector<16xf32> to vector<16xf32>
    %swap3A_123 = vector.shape_cast %broadcast_in_dim3A_1 : vector<16xf32> to vector<16xf32>
    tpu.vector_store %arg21[%swap3A_120], %swap3A_123 {strides = array<i32>} : memref<384xf32, #tpu.memory_space<vmem>>, vector<16xf32>,
    %swap3A_124 = arith.constant 192 : index
    %swap3A_125 = tpu.vector_load %arg21[%swap3A_124] {strides = array<i32>} : memref<384xf32, #tpu.memory_space<vmem>>, vector<16xf32>,
    %swap3A_126 = vector.shape_cast %swap3A_125 : vector<16xf32> to vector<16xf32>
    %swap3A_127 = vector.shape_cast %broadcast_in_dim3A_1 : vector<16xf32> to vector<16xf32>
    tpu.vector_store %arg21[%swap3A_124], %swap3A_127 {strides = array<i32>} : memref<384xf32, #tpu.memory_space<vmem>>, vector<16xf32>,
    %swap3A_128 = arith.constant 208 : index
    %swap3A_129 = tpu.vector_load %arg21[%swap3A_128] {strides = array<i32>} : memref<384xf32, #tpu.memory_space<vmem>>, vector<16xf32>,
    %swap3A_130 = vector.shape_cast %swap3A_129 : vector<16xf32> to vector<16xf32>
    %swap3A_131 = vector.shape_cast %broadcast_in_dim3A_1 : vector<16xf32> to vector<16xf32>
    tpu.vector_store %arg21[%swap3A_128], %swap3A_131 {strides = array<i32>} : memref<384xf32, #tpu.memory_space<vmem>>, vector<16xf32>,
    %swap3A_132 = arith.constant 224 : index
    %swap3A_133 = tpu.vector_load %arg21[%swap3A_132] {strides = array<i32>} : memref<384xf32, #tpu.memory_space<vmem>>, vector<16xf32>,
    %swap3A_134 = vector.shape_cast %swap3A_133 : vector<16xf32> to vector<16xf32>
    %swap3A_135 = vector.shape_cast %broadcast_in_dim3A_1 : vector<16xf32> to vector<16xf32>
    tpu.vector_store %arg21[%swap3A_132], %swap3A_135 {strides = array<i32>} : memref<384xf32, #tpu.memory_space<vmem>>, vector<16xf32>,
    %swap3A_136 = arith.constant 240 : index
    %swap3A_137 = tpu.vector_load %arg21[%swap3A_136] {strides = array<i32>} : memref<384xf32, #tpu.memory_space<vmem>>, vector<16xf32>,
    %swap3A_138 = vector.shape_cast %swap3A_137 : vector<16xf32> to vector<16xf32>
    %swap3A_139 = vector.shape_cast %broadcast_in_dim3A_1 : vector<16xf32> to vector<16xf32>
    tpu.vector_store %arg21[%swap3A_136], %swap3A_139 {strides = array<i32>} : memref<384xf32, #tpu.memory_space<vmem>>, vector<16xf32>,
    %swap3A_140 = arith.constant 256 : index
    %swap3A_141 = tpu.vector_load %arg21[%swap3A_140] {strides = array<i32>} : memref<384xf32, #tpu.memory_space<vmem>>, vector<16xf32>,
    %swap3A_142 = vector.shape_cast %swap3A_141 : vector<16xf32> to vector<16xf32>
    %swap3A_143 = vector.shape_cast %broadcast_in_dim3A_1 : vector<16xf32> to vector<16xf32>
    tpu.vector_store %arg21[%swap3A_140], %swap3A_143 {strides = array<i32>} : memref<384xf32, #tpu.memory_space<vmem>>, vector<16xf32>,
    %swap3A_144 = arith.constant 272 : index
    %swap3A_145 = tpu.vector_load %arg21[%swap3A_144] {strides = array<i32>} : memref<384xf32, #tpu.memory_space<vmem>>, vector<16xf32>,
    %swap3A_146 = vector.shape_cast %swap3A_145 : vector<16xf32> to vector<16xf32>
    %swap3A_147 = vector.shape_cast %broadcast_in_dim3A_1 : vector<16xf32> to vector<16xf32>
    tpu.vector_store %arg21[%swap3A_144], %swap3A_147 {strides = array<i32>} : memref<384xf32, #tpu.memory_space<vmem>>, vector<16xf32>,
    %swap3A_148 = arith.constant 288 : index
    %swap3A_149 = tpu.vector_load %arg21[%swap3A_148] {strides = array<i32>} : memref<384xf32, #tpu.memory_space<vmem>>, vector<16xf32>,
    %swap3A_150 = vector.shape_cast %swap3A_149 : vector<16xf32> to vector<16xf32>
    %swap3A_151 = vector.shape_cast %broadcast_in_dim3A_1 : vector<16xf32> to vector<16xf32>
    tpu.vector_store %arg21[%swap3A_148], %swap3A_151 {strides = array<i32>} : memref<384xf32, #tpu.memory_space<vmem>>, vector<16xf32>,
    %swap3A_152 = arith.constant 304 : index
    %swap3A_153 = tpu.vector_load %arg21[%swap3A_152] {strides = array<i32>} : memref<384xf32, #tpu.memory_space<vmem>>, vector<16xf32>,
    %swap3A_154 = vector.shape_cast %swap3A_153 : vector<16xf32> to vector<16xf32>
    %swap3A_155 = vector.shape_cast %broadcast_in_dim3A_1 : vector<16xf32> to vector<16xf32>
    tpu.vector_store %arg21[%swap3A_152], %swap3A_155 {strides = array<i32>} : memref<384xf32, #tpu.memory_space<vmem>>, vector<16xf32>,
    %swap3A_156 = arith.constant 320 : index
    %swap3A_157 = tpu.vector_load %arg21[%swap3A_156] {strides = array<i32>} : memref<384xf32, #tpu.memory_space<vmem>>, vector<16xf32>,
    %swap3A_158 = vector.shape_cast %swap3A_157 : vector<16xf32> to vector<16xf32>
    %swap3A_159 = vector.shape_cast %broadcast_in_dim3A_1 : vector<16xf32> to vector<16xf32>
    tpu.vector_store %arg21[%swap3A_156], %swap3A_159 {strides = array<i32>} : memref<384xf32, #tpu.memory_space<vmem>>, vector<16xf32>,
    %swap3A_160 = arith.constant 336 : index
    %swap3A_161 = tpu.vector_load %arg21[%swap3A_160] {strides = array<i32>} : memref<384xf32, #tpu.memory_space<vmem>>, vector<16xf32>,
    %swap3A_162 = vector.shape_cast %swap3A_161 : vector<16xf32> to vector<16xf32>
    %swap3A_163 = vector.shape_cast %broadcast_in_dim3A_1 : vector<16xf32> to vector<16xf32>
    tpu.vector_store %arg21[%swap3A_160], %swap3A_163 {strides = array<i32>} : memref<384xf32, #tpu.memory_space<vmem>>, vector<16xf32>,
    %swap3A_164 = arith.constant 352 : index
    %swap3A_165 = tpu.vector_load %arg21[%swap3A_164] {strides = array<i32>} : memref<384xf32, #tpu.memory_space<vmem>>, vector<16xf32>,
    %swap3A_166 = vector.shape_cast %swap3A_165 : vector<16xf32> to vector<16xf32>
    %swap3A_167 = vector.shape_cast %broadcast_in_dim3A_1 : vector<16xf32> to vector<16xf32>
    tpu.vector_store %arg21[%swap3A_164], %swap3A_167 {strides = array<i32>} : memref<384xf32, #tpu.memory_space<vmem>>, vector<16xf32>,
    %swap3A_168 = arith.constant 368 : index
    %swap3A_169 = tpu.vector_load %arg21[%swap3A_168] {strides = array<i32>} : memref<384xf32, #tpu.memory_space<vmem>>, vector<16xf32>,
    %swap3A_170 = vector.shape_cast %swap3A_169 : vector<16xf32> to vector<16xf32>
    %swap3A_171 = vector.shape_cast %broadcast_in_dim3A_1 : vector<16xf32> to vector<16xf32>
    tpu.vector_store %arg21[%swap3A_168], %swap3A_171 {strides = array<i32>} : memref<384xf32, #tpu.memory_space<vmem>>, vector<16xf32>,
    %broadcast_in_dim3A_172 = arith.constant 1.000000e+00 : f32
    %broadcast_in_dim3A_173 = vector.broadcast %broadcast_in_dim3A_172 : f32 to vector<16xf32>
    %swap3A_174 = arith.constant 0 : index
    %swap3A_175 = tpu.vector_load %arg22[%swap3A_174] {strides = array<i32>} : memref<1280xf32, #tpu.memory_space<vmem>>, vector<16xf32>,
    %swap3A_176 = vector.shape_cast %swap3A_175 : vector<16xf32> to vector<16xf32>
    %swap3A_177 = vector.shape_cast %broadcast_in_dim3A_173 : vector<16xf32> to vector<16xf32>
    tpu.vector_store %arg22[%swap3A_174], %swap3A_177 {strides = array<i32>} : memref<1280xf32, #tpu.memory_space<vmem>>, vector<16xf32>,
    %broadcast_in_dim3A_178 = arith.constant 1.000000e+00 : f32
    %broadcast_in_dim3A_179 = vector.broadcast %broadcast_in_dim3A_178 : f32 to vector<16xf32>
    %swap3A_180 = arith.constant 16 : index
    %swap3A_181 = tpu.vector_load %arg22[%swap3A_180] {strides = array<i32>} : memref<1280xf32, #tpu.memory_space<vmem>>, vector<16xf32>,
    %swap3A_182 = vector.shape_cast %swap3A_181 : vector<16xf32> to vector<16xf32>
    %swap3A_183 = vector.shape_cast %broadcast_in_dim3A_179 : vector<16xf32> to vector<16xf32>
    tpu.vector_store %arg22[%swap3A_180], %swap3A_183 {strides = array<i32>} : memref<1280xf32, #tpu.memory_space<vmem>>, vector<16xf32>,
    %broadcast_in_dim3A_184 = arith.constant 1.000000e+00 : f32
    %broadcast_in_dim3A_185 = vector.broadcast %broadcast_in_dim3A_184 : f32 to vector<16xf32>
    %swap3A_186 = arith.constant 32 : index
    %swap3A_187 = tpu.vector_load %arg22[%swap3A_186] {strides = array<i32>} : memref<1280xf32, #tpu.memory_space<vmem>>, vector<16xf32>,
    %swap3A_188 = vector.shape_cast %swap3A_187 : vector<16xf32> to vector<16xf32>
    %swap3A_189 = vector.shape_cast %broadcast_in_dim3A_185 : vector<16xf32> to vector<16xf32>
    tpu.vector_store %arg22[%swap3A_186], %swap3A_189 {strides = array<i32>} : memref<1280xf32, #tpu.memory_space<vmem>>, vector<16xf32>,
    %broadcast_in_dim3A_190 = arith.constant 1.000000e+00 : f32
    %broadcast_in_dim3A_191 = vector.broadcast %broadcast_in_dim3A_190 : f32 to vector<16xf32>
    %swap3A_192 = arith.constant 48 : index
    %swap3A_193 = tpu.vector_load %arg22[%swap3A_192] {strides = array<i32>} : memref<1280xf32, #tpu.memory_space<vmem>>, vector<16xf32>,
    %swap3A_194 = vector.shape_cast %swap3A_193 : vector<16xf32> to vector<16xf32>
    %swap3A_195 = vector.shape_cast %broadcast_in_dim3A_191 : vector<16xf32> to vector<16xf32>
    tpu.vector_store %arg22[%swap3A_192], %swap3A_195 {strides = array<i32>} : memref<1280xf32, #tpu.memory_space<vmem>>, vector<16xf32>,
    %broadcast_in_dim3A_196 = arith.constant 1.000000e+00 : f32
    %broadcast_in_dim3A_197 = vector.broadcast %broadcast_in_dim3A_196 : f32 to vector<16xf32>
    %swap3A_198 = arith.constant 64 : index
    %swap3A_199 = tpu.vector_load %arg22[%swap3A_198] {strides = array<i32>} : memref<1280xf32, #tpu.memory_space<vmem>>, vector<16xf32>,
    %swap3A_200 = vector.shape_cast %swap3A_199 : vector<16xf32> to vector<16xf32>
    %swap3A_201 = vector.shape_cast %broadcast_in_dim3A_197 : vector<16xf32> to vector<16xf32>
    tpu.vector_store %arg22[%swap3A_198], %swap3A_201 {strides = array<i32>} : memref<1280xf32, #tpu.memory_space<vmem>>, vector<16xf32>,
    %broadcast_in_dim3A_202 = arith.constant 1.000000e+00 : f32
    %broadcast_in_dim3A_203 = vector.broadcast %broadcast_in_dim3A_202 : f32 to vector<16xf32>
    %swap3A_204 = arith.constant 80 : index
    %swap3A_205 = tpu.vector_load %arg22[%swap3A_204] {strides = array<i32>} : memref<1280xf32, #tpu.memory_space<vmem>>, vector<16xf32>,
    %swap3A_206 = vector.shape_cast %swap3A_205 : vector<16xf32> to vector<16xf32>
    %swap3A_207 = vector.shape_cast %broadcast_in_dim3A_203 : vector<16xf32> to vector<16xf32>
    tpu.vector_store %arg22[%swap3A_204], %swap3A_207 {strides = array<i32>} : memref<1280xf32, #tpu.memory_space<vmem>>, vector<16xf32>,
    %broadcast_in_dim3A_208 = arith.constant 1.000000e+00 : f32
    %broadcast_in_dim3A_209 = vector.broadcast %broadcast_in_dim3A_208 : f32 to vector<16xf32>
    %swap3A_210 = arith.constant 96 : index
    %swap3A_211 = tpu.vector_load %arg22[%swap3A_210] {strides = array<i32>} : memref<1280xf32, #tpu.memory_space<vmem>>, vector<16xf32>,
    %swap3A_212 = vector.shape_cast %swap3A_211 : vector<16xf32> to vector<16xf32>
    %swap3A_213 = vector.shape_cast %broadcast_in_dim3A_209 : vector<16xf32> to vector<16xf32>
    tpu.vector_store %arg22[%swap3A_210], %swap3A_213 {strides = array<i32>} : memref<1280xf32, #tpu.memory_space<vmem>>, vector<16xf32>,
    %broadcast_in_dim3A_214 = arith.constant 1.000000e+00 : f32
    %broadcast_in_dim3A_215 = vector.broadcast %broadcast_in_dim3A_214 : f32 to vector<16xf32>
    %swap3A_216 = arith.constant 112 : index
    %swap3A_217 = tpu.vector_load %arg22[%swap3A_216] {strides = array<i32>} : memref<1280xf32, #tpu.memory_space<vmem>>, vector<16xf32>,
    %swap3A_218 = vector.shape_cast %swap3A_217 : vector<16xf32> to vector<16xf32>
    %swap3A_219 = vector.shape_cast %broadcast_in_dim3A_215 : vector<16xf32> to vector<16xf32>
    tpu.vector_store %arg22[%swap3A_216], %swap3A_219 {strides = array<i32>} : memref<1280xf32, #tpu.memory_space<vmem>>, vector<16xf32>,
    %broadcast_in_dim3A_220 = arith.constant 1.000000e+00 : f32
    %broadcast_in_dim3A_221 = vector.broadcast %broadcast_in_dim3A_220 : f32 to vector<16xf32>
    %swap3A_222 = arith.constant 128 : index
    %swap3A_223 = tpu.vector_load %arg22[%swap3A_222] {strides = array<i32>} : memref<1280xf32, #tpu.memory_space<vmem>>, vector<16xf32>,
    %swap3A_224 = vector.shape_cast %swap3A_223 : vector<16xf32> to vector<16xf32>
    %swap3A_225 = vector.shape_cast %broadcast_in_dim3A_221 : vector<16xf32> to vector<16xf32>
    tpu.vector_store %arg22[%swap3A_222], %swap3A_225 {strides = array<i32>} : memref<1280xf32, #tpu.memory_space<vmem>>, vector<16xf32>,
    %broadcast_in_dim3A_226 = arith.constant 1.000000e+00 : f32
    %broadcast_in_dim3A_227 = vector.broadcast %broadcast_in_dim3A_226 : f32 to vector<16xf32>
    %swap3A_228 = arith.constant 144 : index
    %swap3A_229 = tpu.vector_load %arg22[%swap3A_228] {strides = array<i32>} : memref<1280xf32, #tpu.memory_space<vmem>>, vector<16xf32>,
    %swap3A_230 = vector.shape_cast %swap3A_229 : vector<16xf32> to vector<16xf32>
    %swap3A_231 = vector.shape_cast %broadcast_in_dim3A_227 : vector<16xf32> to vector<16xf32>
    tpu.vector_store %arg22[%swap3A_228], %swap3A_231 {strides = array<i32>} : memref<1280xf32, #tpu.memory_space<vmem>>, vector<16xf32>,
    %broadcast_in_dim3A_232 = arith.constant 1.000000e+00 : f32
    %broadcast_in_dim3A_233 = vector.broadcast %broadcast_in_dim3A_232 : f32 to vector<16xf32>
    %swap3A_234 = arith.constant 160 : index
    %swap3A_235 = tpu.vector_load %arg22[%swap3A_234] {strides = array<i32>} : memref<1280xf32, #tpu.memory_space<vmem>>, vector<16xf32>,
    %swap3A_236 = vector.shape_cast %swap3A_235 : vector<16xf32> to vector<16xf32>
    %swap3A_237 = vector.shape_cast %broadcast_in_dim3A_233 : vector<16xf32> to vector<16xf32>
    tpu.vector_store %arg22[%swap3A_234], %swap3A_237 {strides = array<i32>} : memref<1280xf32, #tpu.memory_space<vmem>>, vector<16xf32>,
    %broadcast_in_dim3A_238 = arith.constant 1.000000e+00 : f32
    %broadcast_in_dim3A_239 = vector.broadcast %broadcast_in_dim3A_238 : f32 to vector<16xf32>
    %swap3A_240 = arith.constant 176 : index
    %swap3A_241 = tpu.vector_load %arg22[%swap3A_240] {strides = array<i32>} : memref<1280xf32, #tpu.memory_space<vmem>>, vector<16xf32>,
    %swap3A_242 = vector.shape_cast %swap3A_241 : vector<16xf32> to vector<16xf32>
    %swap3A_243 = vector.shape_cast %broadcast_in_dim3A_239 : vector<16xf32> to vector<16xf32>
    tpu.vector_store %arg22[%swap3A_240], %swap3A_243 {strides = array<i32>} : memref<1280xf32, #tpu.memory_space<vmem>>, vector<16xf32>,
    %broadcast_in_dim3A_244 = arith.constant 1.000000e+00 : f32
    %broadcast_in_dim3A_245 = vector.broadcast %broadcast_in_dim3A_244 : f32 to vector<16xf32>
    %swap3A_246 = arith.constant 192 : index
    %swap3A_247 = tpu.vector_load %arg22[%swap3A_246] {strides = array<i32>} : memref<1280xf32, #tpu.memory_space<vmem>>, vector<16xf32>,
    %swap3A_248 = vector.shape_cast %swap3A_247 : vector<16xf32> to vector<16xf32>
    %swap3A_249 = vector.shape_cast %broadcast_in_dim3A_245 : vector<16xf32> to vector<16xf32>
    tpu.vector_store %arg22[%swap3A_246], %swap3A_249 {strides = array<i32>} : memref<1280xf32, #tpu.memory_space<vmem>>, vector<16xf32>,
    %broadcast_in_dim3A_250 = arith.constant 1.000000e+00 : f32
    %broadcast_in_dim3A_251 = vector.broadcast %broadcast_in_dim3A_250 : f32 to vector<16xf32>
    %swap3A_252 = arith.constant 208 : index
    %swap3A_253 = tpu.vector_load %arg22[%swap3A_252] {strides = array<i32>} : memref<1280xf32, #tpu.memory_space<vmem>>, vector<16xf32>,
    %swap3A_254 = vector.shape_cast %swap3A_253 : vector<16xf32> to vector<16xf32>
    %swap3A_255 = vector.shape_cast %broadcast_in_dim3A_251 : vector<16xf32> to vector<16xf32>
    tpu.vector_store %arg22[%swap3A_252], %swap3A_255 {strides = array<i32>} : memref<1280xf32, #tpu.memory_space<vmem>>, vector<16xf32>,
    %broadcast_in_dim3A_256 = arith.constant 1.000000e+00 : f32
    %broadcast_in_dim3A_257 = vector.broadcast %broadcast_in_dim3A_256 : f32 to vector<16xf32>
    %swap3A_258 = arith.constant 224 : index
    %swap3A_259 = tpu.vector_load %arg22[%swap3A_258] {strides = array<i32>} : memref<1280xf32, #tpu.memory_space<vmem>>, vector<16xf32>,
    %swap3A_260 = vector.shape_cast %swap3A_259 : vector<16xf32> to vector<16xf32>
    %swap3A_261 = vector.shape_cast %broadcast_in_dim3A_257 : vector<16xf32> to vector<16xf32>
    tpu.vector_store %arg22[%swap3A_258], %swap3A_261 {strides = array<i32>} : memref<1280xf32, #tpu.memory_space<vmem>>, vector<16xf32>,
    %broadcast_in_dim3A_262 = arith.constant 1.000000e+00 : f32
    %broadcast_in_dim3A_263 = vector.broadcast %broadcast_in_dim3A_262 : f32 to vector<16xf32>
    %swap3A_264 = arith.constant 240 : index
    %swap3A_265 = tpu.vector_load %arg22[%swap3A_264] {strides = array<i32>} : memref<1280xf32, #tpu.memory_space<vmem>>, vector<16xf32>,
    %swap3A_266 = vector.shape_cast %swap3A_265 : vector<16xf32> to vector<16xf32>
    %swap3A_267 = vector.shape_cast %broadcast_in_dim3A_263 : vector<16xf32> to vector<16xf32>
    tpu.vector_store %arg22[%swap3A_264], %swap3A_267 {strides = array<i32>} : memref<1280xf32, #tpu.memory_space<vmem>>, vector<16xf32>,
    %broadcast_in_dim3A_268 = arith.constant 1.000000e+00 : f32
    %broadcast_in_dim3A_269 = vector.broadcast %broadcast_in_dim3A_268 : f32 to vector<16xf32>
    %swap3A_270 = arith.constant 256 : index
    %swap3A_271 = tpu.vector_load %arg22[%swap3A_270] {strides = array<i32>} : memref<1280xf32, #tpu.memory_space<vmem>>, vector<16xf32>,
    %swap3A_272 = vector.shape_cast %swap3A_271 : vector<16xf32> to vector<16xf32>
    %swap3A_273 = vector.shape_cast %broadcast_in_dim3A_269 : vector<16xf32> to vector<16xf32>
    tpu.vector_store %arg22[%swap3A_270], %swap3A_273 {strides = array<i32>} : memref<1280xf32, #tpu.memory_space<vmem>>, vector<16xf32>,
    %broadcast_in_dim3A_274 = arith.constant 1.000000e+00 : f32
    %broadcast_in_dim3A_275 = vector.broadcast %broadcast_in_dim3A_274 : f32 to vector<16xf32>
    %swap3A_276 = arith.constant 272 : index
    %swap3A_277 = tpu.vector_load %arg22[%swap3A_276] {strides = array<i32>} : memref<1280xf32, #tpu.memory_space<vmem>>, vector<16xf32>,
    %swap3A_278 = vector.shape_cast %swap3A_277 : vector<16xf32> to vector<16xf32>
    %swap3A_279 = vector.shape_cast %broadcast_in_dim3A_275 : vector<16xf32> to vector<16xf32>
    tpu.vector_store %arg22[%swap3A_276], %swap3A_279 {strides = array<i32>} : memref<1280xf32, #tpu.memory_space<vmem>>, vector<16xf32>,
    %broadcast_in_dim3A_280 = arith.constant 1.000000e+00 : f32
    %broadcast_in_dim3A_281 = vector.broadcast %broadcast_in_dim3A_280 : f32 to vector<16xf32>
    %swap3A_282 = arith.constant 288 : index
    %swap3A_283 = tpu.vector_load %arg22[%swap3A_282] {strides = array<i32>} : memref<1280xf32, #tpu.memory_space<vmem>>, vector<16xf32>,
    %swap3A_284 = vector.shape_cast %swap3A_283 : vector<16xf32> to vector<16xf32>
    %swap3A_285 = vector.shape_cast %broadcast_in_dim3A_281 : vector<16xf32> to vector<16xf32>
    tpu.vector_store %arg22[%swap3A_282], %swap3A_285 {strides = array<i32>} : memref<1280xf32, #tpu.memory_space<vmem>>, vector<16xf32>,
    %broadcast_in_dim3A_286 = arith.constant 1.000000e+00 : f32
    %broadcast_in_dim3A_287 = vector.broadcast %broadcast_in_dim3A_286 : f32 to vector<16xf32>
    %swap3A_288 = arith.constant 304 : index
    %swap3A_289 = tpu.vector_load %arg22[%swap3A_288] {strides = array<i32>} : memref<1280xf32, #tpu.memory_space<vmem>>, vector<16xf32>,
    %swap3A_290 = vector.shape_cast %swap3A_289 : vector<16xf32> to vector<16xf32>
    %swap3A_291 = vector.shape_cast %broadcast_in_dim3A_287 : vector<16xf32> to vector<16xf32>
    tpu.vector_store %arg22[%swap3A_288], %swap3A_291 {strides = array<i32>} : memref<1280xf32, #tpu.memory_space<vmem>>, vector<16xf32>,
    %broadcast_in_dim3A_292 = arith.constant 1.000000e+00 : f32
    %broadcast_in_dim3A_293 = vector.broadcast %broadcast_in_dim3A_292 : f32 to vector<16xf32>
    %swap3A_294 = arith.constant 320 : index
    %swap3A_295 = tpu.vector_load %arg22[%swap3A_294] {strides = array<i32>} : memref<1280xf32, #tpu.memory_space<vmem>>, vector<16xf32>,
    %swap3A_296 = vector.shape_cast %swap3A_295 : vector<16xf32> to vector<16xf32>
    %swap3A_297 = vector.shape_cast %broadcast_in_dim3A_293 : vector<16xf32> to vector<16xf32>
    tpu.vector_store %arg22[%swap3A_294], %swap3A_297 {strides = array<i32>} : memref<1280xf32, #tpu.memory_space<vmem>>, vector<16xf32>,
    %broadcast_in_dim3A_298 = arith.constant 1.000000e+00 : f32
    %broadcast_in_dim3A_299 = vector.broadcast %broadcast_in_dim3A_298 : f32 to vector<16xf32>
    %swap3A_300 = arith.constant 336 : index
    %swap3A_301 = tpu.vector_load %arg22[%swap3A_300] {strides = array<i32>} : memref<1280xf32, #tpu.memory_space<vmem>>, vector<16xf32>,
    %swap3A_302 = vector.shape_cast %swap3A_301 : vector<16xf32> to vector<16xf32>
    %swap3A_303 = vector.shape_cast %broadcast_in_dim3A_299 : vector<16xf32> to vector<16xf32>
    tpu.vector_store %arg22[%swap3A_300], %swap3A_303 {strides = array<i32>} : memref<1280xf32, #tpu.memory_space<vmem>>, vector<16xf32>,
    %broadcast_in_dim3A_304 = arith.constant 1.000000e+00 : f32
    %broadcast_in_dim3A_305 = vector.broadcast %broadcast_in_dim3A_304 : f32 to vector<16xf32>
    %swap3A_306 = arith.constant 352 : index
    %swap3A_307 = tpu.vector_load %arg22[%swap3A_306] {strides = array<i32>} : memref<1280xf32, #tpu.memory_space<vmem>>, vector<16xf32>,
    %swap3A_308 = vector.shape_cast %swap3A_307 : vector<16xf32> to vector<16xf32>
    %swap3A_309 = vector.shape_cast %broadcast_in_dim3A_305 : vector<16xf32> to vector<16xf32>
    tpu.vector_store %arg22[%swap3A_306], %swap3A_309 {strides = array<i32>} : memref<1280xf32, #tpu.memory_space<vmem>>, vector<16xf32>,
    %broadcast_in_dim3A_310 = arith.constant 1.000000e+00 : f32
    %broadcast_in_dim3A_311 = vector.broadcast %broadcast_in_dim3A_310 : f32 to vector<16xf32>
    %swap3A_312 = arith.constant 368 : index
    %swap3A_313 = tpu.vector_load %arg22[%swap3A_312] {strides = array<i32>} : memref<1280xf32, #tpu.memory_space<vmem>>, vector<16xf32>,
    %swap3A_314 = vector.shape_cast %swap3A_313 : vector<16xf32> to vector<16xf32>
    %swap3A_315 = vector.shape_cast %broadcast_in_dim3A_311 : vector<16xf32> to vector<16xf32>
    tpu.vector_store %arg22[%swap3A_312], %swap3A_315 {strides = array<i32>} : memref<1280xf32, #tpu.memory_space<vmem>>, vector<16xf32>,
    %broadcast_in_dim3A_316 = arith.constant 1.000000e+00 : f32
    %broadcast_in_dim3A_317 = vector.broadcast %broadcast_in_dim3A_316 : f32 to vector<16xf32>
    %swap3A_318 = arith.constant 384 : index
    %swap3A_319 = tpu.vector_load %arg22[%swap3A_318] {strides = array<i32>} : memref<1280xf32, #tpu.memory_space<vmem>>, vector<16xf32>,
    %swap3A_320 = vector.shape_cast %swap3A_319 : vector<16xf32> to vector<16xf32>
    %swap3A_321 = vector.shape_cast %broadcast_in_dim3A_317 : vector<16xf32> to vector<16xf32>
    tpu.vector_store %arg22[%swap3A_318], %swap3A_321 {strides = array<i32>} : memref<1280xf32, #tpu.memory_space<vmem>>, vector<16xf32>,
    %broadcast_in_dim3A_322 = arith.constant 1.000000e+00 : f32
    %broadcast_in_dim3A_323 = vector.broadcast %broadcast_in_dim3A_322 : f32 to vector<16xf32>
    %swap3A_324 = arith.constant 400 : index
    %swap3A_325 = tpu.vector_load %arg22[%swap3A_324] {strides = array<i32>} : memref<1280xf32, #tpu.memory_space<vmem>>, vector<16xf32>,
    %swap3A_326 = vector.shape_cast %swap3A_325 : vector<16xf32> to vector<16xf32>
    %swap3A_327 = vector.shape_cast %broadcast_in_dim3A_323 : vector<16xf32> to vector<16xf32>
    tpu.vector_store %arg22[%swap3A_324], %swap3A_327 {strides = array<i32>} : memref<1280xf32, #tpu.memory_space<vmem>>, vector<16xf32>,
    %broadcast_in_dim3A_328 = arith.constant 1.000000e+00 : f32
    %broadcast_in_dim3A_329 = vector.broadcast %broadcast_in_dim3A_328 : f32 to vector<16xf32>
    %swap3A_330 = arith.constant 416 : index
    %swap3A_331 = tpu.vector_load %arg22[%swap3A_330] {strides = array<i32>} : memref<1280xf32, #tpu.memory_space<vmem>>, vector<16xf32>,
    %swap3A_332 = vector.shape_cast %swap3A_331 : vector<16xf32> to vector<16xf32>
    %swap3A_333 = vector.shape_cast %broadcast_in_dim3A_329 : vector<16xf32> to vector<16xf32>
    tpu.vector_store %arg22[%swap3A_330], %swap3A_333 {strides = array<i32>} : memref<1280xf32, #tpu.memory_space<vmem>>, vector<16xf32>,
    %broadcast_in_dim3A_334 = arith.constant 1.000000e+00 : f32
    %broadcast_in_dim3A_335 = vector.broadcast %broadcast_in_dim3A_334 : f32 to vector<16xf32>
    %swap3A_336 = arith.constant 432 : index
    %swap3A_337 = tpu.vector_load %arg22[%swap3A_336] {strides = array<i32>} : memref<1280xf32, #tpu.memory_space<vmem>>, vector<16xf32>,
    %swap3A_338 = vector.shape_cast %swap3A_337 : vector<16xf32> to vector<16xf32>
    %swap3A_339 = vector.shape_cast %broadcast_in_dim3A_335 : vector<16xf32> to vector<16xf32>
    tpu.vector_store %arg22[%swap3A_336], %swap3A_339 {strides = array<i32>} : memref<1280xf32, #tpu.memory_space<vmem>>, vector<16xf32>,
    %broadcast_in_dim3A_340 = arith.constant 1.000000e+00 : f32
    %broadcast_in_dim3A_341 = vector.broadcast %broadcast_in_dim3A_340 : f32 to vector<16xf32>
    %swap3A_342 = arith.constant 448 : index
    %swap3A_343 = tpu.vector_load %arg22[%swap3A_342] {strides = array<i32>} : memref<1280xf32, #tpu.memory_space<vmem>>, vector<16xf32>,
    %swap3A_344 = vector.shape_cast %swap3A_343 : vector<16xf32> to vector<16xf32>
    %swap3A_345 = vector.shape_cast %broadcast_in_dim3A_341 : vector<16xf32> to vector<16xf32>
    tpu.vector_store %arg22[%swap3A_342], %swap3A_345 {strides = array<i32>} : memref<1280xf32, #tpu.memory_space<vmem>>, vector<16xf32>,
    %broadcast_in_dim3A_346 = arith.constant 1.000000e+00 : f32
    %broadcast_in_dim3A_347 = vector.broadcast %broadcast_in_dim3A_346 : f32 to vector<16xf32>
    %swap3A_348 = arith.constant 464 : index
    %swap3A_349 = tpu.vector_load %arg22[%swap3A_348] {strides = array<i32>} : memref<1280xf32, #tpu.memory_space<vmem>>, vector<16xf32>,
    %swap3A_350 = vector.shape_cast %swap3A_349 : vector<16xf32> to vector<16xf32>
    %swap3A_351 = vector.shape_cast %broadcast_in_dim3A_347 : vector<16xf32> to vector<16xf32>
    tpu.vector_store %arg22[%swap3A_348], %swap3A_351 {strides = array<i32>} : memref<1280xf32, #tpu.memory_space<vmem>>, vector<16xf32>,
    %broadcast_in_dim3A_352 = arith.constant 1.000000e+00 : f32
    %broadcast_in_dim3A_353 = vector.broadcast %broadcast_in_dim3A_352 : f32 to vector<16xf32>
    %swap3A_354 = arith.constant 480 : index
    %swap3A_355 = tpu.vector_load %arg22[%swap3A_354] {strides = array<i32>} : memref<1280xf32, #tpu.memory_space<vmem>>, vector<16xf32>,
    %swap3A_356 = vector.shape_cast %swap3A_355 : vector<16xf32> to vector<16xf32>
    %swap3A_357 = vector.shape_cast %broadcast_in_dim3A_353 : vector<16xf32> to vector<16xf32>
    tpu.vector_store %arg22[%swap3A_354], %swap3A_357 {strides = array<i32>} : memref<1280xf32, #tpu.memory_space<vmem>>, vector<16xf32>,
    %broadcast_in_dim3A_358 = arith.constant 1.000000e+00 : f32
    %broadcast_in_dim3A_359 = vector.broadcast %broadcast_in_dim3A_358 : f32 to vector<16xf32>
    %swap3A_360 = arith.constant 496 : index
    %swap3A_361 = tpu.vector_load %arg22[%swap3A_360] {strides = array<i32>} : memref<1280xf32, #tpu.memory_space<vmem>>, vector<16xf32>,
    %swap3A_362 = vector.shape_cast %swap3A_361 : vector<16xf32> to vector<16xf32>
    %swap3A_363 = vector.shape_cast %broadcast_in_dim3A_359 : vector<16xf32> to vector<16xf32>
    tpu.vector_store %arg22[%swap3A_360], %swap3A_363 {strides = array<i32>} : memref<1280xf32, #tpu.memory_space<vmem>>, vector<16xf32>,
    %broadcast_in_dim3A_364 = arith.constant 1.000000e+00 : f32
    %broadcast_in_dim3A_365 = vector.broadcast %broadcast_in_dim3A_364 : f32 to vector<16xf32>
    %swap3A_366 = arith.constant 512 : index
    %swap3A_367 = tpu.vector_load %arg22[%swap3A_366] {strides = array<i32>} : memref<1280xf32, #tpu.memory_space<vmem>>, vector<16xf32>,
    %swap3A_368 = vector.shape_cast %swap3A_367 : vector<16xf32> to vector<16xf32>
    %swap3A_369 = vector.shape_cast %broadcast_in_dim3A_365 : vector<16xf32> to vector<16xf32>
    tpu.vector_store %arg22[%swap3A_366], %swap3A_369 {strides = array<i32>} : memref<1280xf32, #tpu.memory_space<vmem>>, vector<16xf32>,
    %broadcast_in_dim3A_370 = arith.constant 1.000000e+00 : f32
    %broadcast_in_dim3A_371 = vector.broadcast %broadcast_in_dim3A_370 : f32 to vector<16xf32>
    %swap3A_372 = arith.constant 528 : index
    %swap3A_373 = tpu.vector_load %arg22[%swap3A_372] {strides = array<i32>} : memref<1280xf32, #tpu.memory_space<vmem>>, vector<16xf32>,
    %swap3A_374 = vector.shape_cast %swap3A_373 : vector<16xf32> to vector<16xf32>
    %swap3A_375 = vector.shape_cast %broadcast_in_dim3A_371 : vector<16xf32> to vector<16xf32>
    tpu.vector_store %arg22[%swap3A_372], %swap3A_375 {strides = array<i32>} : memref<1280xf32, #tpu.memory_space<vmem>>, vector<16xf32>,
    %broadcast_in_dim3A_376 = arith.constant 1.000000e+00 : f32
    %broadcast_in_dim3A_377 = vector.broadcast %broadcast_in_dim3A_376 : f32 to vector<16xf32>
    %swap3A_378 = arith.constant 544 : index
    %swap3A_379 = tpu.vector_load %arg22[%swap3A_378] {strides = array<i32>} : memref<1280xf32, #tpu.memory_space<vmem>>, vector<16xf32>,
    %swap3A_380 = vector.shape_cast %swap3A_379 : vector<16xf32> to vector<16xf32>
    %swap3A_381 = vector.shape_cast %broadcast_in_dim3A_377 : vector<16xf32> to vector<16xf32>
    tpu.vector_store %arg22[%swap3A_378], %swap3A_381 {strides = array<i32>} : memref<1280xf32, #tpu.memory_space<vmem>>, vector<16xf32>,
    %broadcast_in_dim3A_382 = arith.constant 1.000000e+00 : f32
    %broadcast_in_dim3A_383 = vector.broadcast %broadcast_in_dim3A_382 : f32 to vector<16xf32>
    %swap3A_384 = arith.constant 560 : index
    %swap3A_385 = tpu.vector_load %arg22[%swap3A_384] {strides = array<i32>} : memref<1280xf32, #tpu.memory_space<vmem>>, vector<16xf32>,
    %swap3A_386 = vector.shape_cast %swap3A_385 : vector<16xf32> to vector<16xf32>
    %swap3A_387 = vector.shape_cast %broadcast_in_dim3A_383 : vector<16xf32> to vector<16xf32>
    tpu.vector_store %arg22[%swap3A_384], %swap3A_387 {strides = array<i32>} : memref<1280xf32, #tpu.memory_space<vmem>>, vector<16xf32>,
    %broadcast_in_dim3A_388 = arith.constant 1.000000e+00 : f32
    %broadcast_in_dim3A_389 = vector.broadcast %broadcast_in_dim3A_388 : f32 to vector<16xf32>
    %swap3A_390 = arith.constant 576 : index
    %swap3A_391 = tpu.vector_load %arg22[%swap3A_390] {strides = array<i32>} : memref<1280xf32, #tpu.memory_space<vmem>>, vector<16xf32>,
    %swap3A_392 = vector.shape_cast %swap3A_391 : vector<16xf32> to vector<16xf32>
    %swap3A_393 = vector.shape_cast %broadcast_in_dim3A_389 : vector<16xf32> to vector<16xf32>
    tpu.vector_store %arg22[%swap3A_390], %swap3A_393 {strides = array<i32>} : memref<1280xf32, #tpu.memory_space<vmem>>, vector<16xf32>,
    %broadcast_in_dim3A_394 = arith.constant 1.000000e+00 : f32
    %broadcast_in_dim3A_395 = vector.broadcast %broadcast_in_dim3A_394 : f32 to vector<16xf32>
    %swap3A_396 = arith.constant 592 : index
    %swap3A_397 = tpu.vector_load %arg22[%swap3A_396] {strides = array<i32>} : memref<1280xf32, #tpu.memory_space<vmem>>, vector<16xf32>,
    %swap3A_398 = vector.shape_cast %swap3A_397 : vector<16xf32> to vector<16xf32>
    %swap3A_399 = vector.shape_cast %broadcast_in_dim3A_395 : vector<16xf32> to vector<16xf32>
    tpu.vector_store %arg22[%swap3A_396], %swap3A_399 {strides = array<i32>} : memref<1280xf32, #tpu.memory_space<vmem>>, vector<16xf32>,
    %broadcast_in_dim3A_400 = arith.constant 1.000000e+00 : f32
    %broadcast_in_dim3A_401 = vector.broadcast %broadcast_in_dim3A_400 : f32 to vector<16xf32>
    %swap3A_402 = arith.constant 608 : index
    %swap3A_403 = tpu.vector_load %arg22[%swap3A_402] {strides = array<i32>} : memref<1280xf32, #tpu.memory_space<vmem>>, vector<16xf32>,
    %swap3A_404 = vector.shape_cast %swap3A_403 : vector<16xf32> to vector<16xf32>
    %swap3A_405 = vector.shape_cast %broadcast_in_dim3A_401 : vector<16xf32> to vector<16xf32>
    tpu.vector_store %arg22[%swap3A_402], %swap3A_405 {strides = array<i32>} : memref<1280xf32, #tpu.memory_space<vmem>>, vector<16xf32>,
    %broadcast_in_dim3A_406 = arith.constant 1.000000e+00 : f32
    %broadcast_in_dim3A_407 = vector.broadcast %broadcast_in_dim3A_406 : f32 to vector<16xf32>
    %swap3A_408 = arith.constant 624 : index
    %swap3A_409 = tpu.vector_load %arg22[%swap3A_408] {strides = array<i32>} : memref<1280xf32, #tpu.memory_space<vmem>>, vector<16xf32>,
    %swap3A_410 = vector.shape_cast %swap3A_409 : vector<16xf32> to vector<16xf32>
    %swap3A_411 = vector.shape_cast %broadcast_in_dim3A_407 : vector<16xf32> to vector<16xf32>
    tpu.vector_store %arg22[%swap3A_408], %swap3A_411 {strides = array<i32>} : memref<1280xf32, #tpu.memory_space<vmem>>, vector<16xf32>,
    %broadcast_in_dim3A_412 = arith.constant 1.000000e+00 : f32
    %broadcast_in_dim3A_413 = vector.broadcast %broadcast_in_dim3A_412 : f32 to vector<16xf32>
    %swap3A_414 = arith.constant 640 : index
    %swap3A_415 = tpu.vector_load %arg22[%swap3A_414] {strides = array<i32>} : memref<1280xf32, #tpu.memory_space<vmem>>, vector<16xf32>,
    %swap3A_416 = vector.shape_cast %swap3A_415 : vector<16xf32> to vector<16xf32>
    %swap3A_417 = vector.shape_cast %broadcast_in_dim3A_413 : vector<16xf32> to vector<16xf32>
    tpu.vector_store %arg22[%swap3A_414], %swap3A_417 {strides = array<i32>} : memref<1280xf32, #tpu.memory_space<vmem>>, vector<16xf32>,
    %broadcast_in_dim3A_418 = arith.constant 1.000000e+00 : f32
    %broadcast_in_dim3A_419 = vector.broadcast %broadcast_in_dim3A_418 : f32 to vector<16xf32>
    %swap3A_420 = arith.constant 656 : index
    %swap3A_421 = tpu.vector_load %arg22[%swap3A_420] {strides = array<i32>} : memref<1280xf32, #tpu.memory_space<vmem>>, vector<16xf32>,
    %swap3A_422 = vector.shape_cast %swap3A_421 : vector<16xf32> to vector<16xf32>
    %swap3A_423 = vector.shape_cast %broadcast_in_dim3A_419 : vector<16xf32> to vector<16xf32>
    tpu.vector_store %arg22[%swap3A_420], %swap3A_423 {strides = array<i32>} : memref<1280xf32, #tpu.memory_space<vmem>>, vector<16xf32>,
    %broadcast_in_dim3A_424 = arith.constant 1.000000e+00 : f32
    %broadcast_in_dim3A_425 = vector.broadcast %broadcast_in_dim3A_424 : f32 to vector<16xf32>
    %swap3A_426 = arith.constant 672 : index
    %swap3A_427 = tpu.vector_load %arg22[%swap3A_426] {strides = array<i32>} : memref<1280xf32, #tpu.memory_space<vmem>>, vector<16xf32>,
    %swap3A_428 = vector.shape_cast %swap3A_427 : vector<16xf32> to vector<16xf32>
    %swap3A_429 = vector.shape_cast %broadcast_in_dim3A_425 : vector<16xf32> to vector<16xf32>
    tpu.vector_store %arg22[%swap3A_426], %swap3A_429 {strides = array<i32>} : memref<1280xf32, #tpu.memory_space<vmem>>, vector<16xf32>,
    %broadcast_in_dim3A_430 = arith.constant 1.000000e+00 : f32
    %broadcast_in_dim3A_431 = vector.broadcast %broadcast_in_dim3A_430 : f32 to vector<16xf32>
    %swap3A_432 = arith.constant 688 : index
    %swap3A_433 = tpu.vector_load %arg22[%swap3A_432] {strides = array<i32>} : memref<1280xf32, #tpu.memory_space<vmem>>, vector<16xf32>,
    %swap3A_434 = vector.shape_cast %swap3A_433 : vector<16xf32> to vector<16xf32>
    %swap3A_435 = vector.shape_cast %broadcast_in_dim3A_431 : vector<16xf32> to vector<16xf32>
    tpu.vector_store %arg22[%swap3A_432], %swap3A_435 {strides = array<i32>} : memref<1280xf32, #tpu.memory_space<vmem>>, vector<16xf32>,
    %broadcast_in_dim3A_436 = arith.constant 1.000000e+00 : f32
    %broadcast_in_dim3A_437 = vector.broadcast %broadcast_in_dim3A_436 : f32 to vector<16xf32>
    %swap3A_438 = arith.constant 704 : index
    %swap3A_439 = tpu.vector_load %arg22[%swap3A_438] {strides = array<i32>} : memref<1280xf32, #tpu.memory_space<vmem>>, vector<16xf32>,
    %swap3A_440 = vector.shape_cast %swap3A_439 : vector<16xf32> to vector<16xf32>
    %swap3A_441 = vector.shape_cast %broadcast_in_dim3A_437 : vector<16xf32> to vector<16xf32>
    tpu.vector_store %arg22[%swap3A_438], %swap3A_441 {strides = array<i32>} : memref<1280xf32, #tpu.memory_space<vmem>>, vector<16xf32>,
    %broadcast_in_dim3A_442 = arith.constant 1.000000e+00 : f32
    %broadcast_in_dim3A_443 = vector.broadcast %broadcast_in_dim3A_442 : f32 to vector<16xf32>
    %swap3A_444 = arith.constant 720 : index
    %swap3A_445 = tpu.vector_load %arg22[%swap3A_444] {strides = array<i32>} : memref<1280xf32, #tpu.memory_space<vmem>>, vector<16xf32>,
    %swap3A_446 = vector.shape_cast %swap3A_445 : vector<16xf32> to vector<16xf32>
    %swap3A_447 = vector.shape_cast %broadcast_in_dim3A_443 : vector<16xf32> to vector<16xf32>
    tpu.vector_store %arg22[%swap3A_444], %swap3A_447 {strides = array<i32>} : memref<1280xf32, #tpu.memory_space<vmem>>, vector<16xf32>,
    %broadcast_in_dim3A_448 = arith.constant 1.000000e+00 : f32
    %broadcast_in_dim3A_449 = vector.broadcast %broadcast_in_dim3A_448 : f32 to vector<16xf32>
    %swap3A_450 = arith.constant 736 : index
    %swap3A_451 = tpu.vector_load %arg22[%swap3A_450] {strides = array<i32>} : memref<1280xf32, #tpu.memory_space<vmem>>, vector<16xf32>,
    %swap3A_452 = vector.shape_cast %swap3A_451 : vector<16xf32> to vector<16xf32>
    %swap3A_453 = vector.shape_cast %broadcast_in_dim3A_449 : vector<16xf32> to vector<16xf32>
    tpu.vector_store %arg22[%swap3A_450], %swap3A_453 {strides = array<i32>} : memref<1280xf32, #tpu.memory_space<vmem>>, vector<16xf32>,
    %broadcast_in_dim3A_454 = arith.constant 1.000000e+00 : f32
    %broadcast_in_dim3A_455 = vector.broadcast %broadcast_in_dim3A_454 : f32 to vector<16xf32>
    %swap3A_456 = arith.constant 752 : index
    %swap3A_457 = tpu.vector_load %arg22[%swap3A_456] {strides = array<i32>} : memref<1280xf32, #tpu.memory_space<vmem>>, vector<16xf32>,
    %swap3A_458 = vector.shape_cast %swap3A_457 : vector<16xf32> to vector<16xf32>
    %swap3A_459 = vector.shape_cast %broadcast_in_dim3A_455 : vector<16xf32> to vector<16xf32>
    tpu.vector_store %arg22[%swap3A_456], %swap3A_459 {strides = array<i32>} : memref<1280xf32, #tpu.memory_space<vmem>>, vector<16xf32>,
    %broadcast_in_dim3A_460 = arith.constant 1.000000e+00 : f32
    %broadcast_in_dim3A_461 = vector.broadcast %broadcast_in_dim3A_460 : f32 to vector<16xf32>
    %swap3A_462 = arith.constant 768 : index
    %swap3A_463 = tpu.vector_load %arg22[%swap3A_462] {strides = array<i32>} : memref<1280xf32, #tpu.memory_space<vmem>>, vector<16xf32>,
    %swap3A_464 = vector.shape_cast %swap3A_463 : vector<16xf32> to vector<16xf32>
    %swap3A_465 = vector.shape_cast %broadcast_in_dim3A_461 : vector<16xf32> to vector<16xf32>
    tpu.vector_store %arg22[%swap3A_462], %swap3A_465 {strides = array<i32>} : memref<1280xf32, #tpu.memory_space<vmem>>, vector<16xf32>,
    %broadcast_in_dim3A_466 = arith.constant 1.000000e+00 : f32
    %broadcast_in_dim3A_467 = vector.broadcast %broadcast_in_dim3A_466 : f32 to vector<16xf32>
    %swap3A_468 = arith.constant 784 : index
    %swap3A_469 = tpu.vector_load %arg22[%swap3A_468] {strides = array<i32>} : memref<1280xf32, #tpu.memory_space<vmem>>, vector<16xf32>,
    %swap3A_470 = vector.shape_cast %swap3A_469 : vector<16xf32> to vector<16xf32>
    %swap3A_471 = vector.shape_cast %broadcast_in_dim3A_467 : vector<16xf32> to vector<16xf32>
    tpu.vector_store %arg22[%swap3A_468], %swap3A_471 {strides = array<i32>} : memref<1280xf32, #tpu.memory_space<vmem>>, vector<16xf32>,
    %broadcast_in_dim3A_472 = arith.constant 1.000000e+00 : f32
    %broadcast_in_dim3A_473 = vector.broadcast %broadcast_in_dim3A_472 : f32 to vector<16xf32>
    %swap3A_474 = arith.constant 800 : index
    %swap3A_475 = tpu.vector_load %arg22[%swap3A_474] {strides = array<i32>} : memref<1280xf32, #tpu.memory_space<vmem>>, vector<16xf32>,
    %swap3A_476 = vector.shape_cast %swap3A_475 : vector<16xf32> to vector<16xf32>
    %swap3A_477 = vector.shape_cast %broadcast_in_dim3A_473 : vector<16xf32> to vector<16xf32>
    tpu.vector_store %arg22[%swap3A_474], %swap3A_477 {strides = array<i32>} : memref<1280xf32, #tpu.memory_space<vmem>>, vector<16xf32>,
    %broadcast_in_dim3A_478 = arith.constant 1.000000e+00 : f32
    %broadcast_in_dim3A_479 = vector.broadcast %broadcast_in_dim3A_478 : f32 to vector<16xf32>
    %swap3A_480 = arith.constant 816 : index
    %swap3A_481 = tpu.vector_load %arg22[%swap3A_480] {strides = array<i32>} : memref<1280xf32, #tpu.memory_space<vmem>>, vector<16xf32>,
    %swap3A_482 = vector.shape_cast %swap3A_481 : vector<16xf32> to vector<16xf32>
    %swap3A_483 = vector.shape_cast %broadcast_in_dim3A_479 : vector<16xf32> to vector<16xf32>
    tpu.vector_store %arg22[%swap3A_480], %swap3A_483 {strides = array<i32>} : memref<1280xf32, #tpu.memory_space<vmem>>, vector<16xf32>,
    %broadcast_in_dim3A_484 = arith.constant 1.000000e+00 : f32
    %broadcast_in_dim3A_485 = vector.broadcast %broadcast_in_dim3A_484 : f32 to vector<16xf32>
    %swap3A_486 = arith.constant 832 : index
    %swap3A_487 = tpu.vector_load %arg22[%swap3A_486] {strides = array<i32>} : memref<1280xf32, #tpu.memory_space<vmem>>, vector<16xf32>,
    %swap3A_488 = vector.shape_cast %swap3A_487 : vector<16xf32> to vector<16xf32>
    %swap3A_489 = vector.shape_cast %broadcast_in_dim3A_485 : vector<16xf32> to vector<16xf32>
    tpu.vector_store %arg22[%swap3A_486], %swap3A_489 {strides = array<i32>} : memref<1280xf32, #tpu.memory_space<vmem>>, vector<16xf32>,
    %broadcast_in_dim3A_490 = arith.constant 1.000000e+00 : f32
    %broadcast_in_dim3A_491 = vector.broadcast %broadcast_in_dim3A_490 : f32 to vector<16xf32>
    %swap3A_492 = arith.constant 848 : index
    %swap3A_493 = tpu.vector_load %arg22[%swap3A_492] {strides = array<i32>} : memref<1280xf32, #tpu.memory_space<vmem>>, vector<16xf32>,
    %swap3A_494 = vector.shape_cast %swap3A_493 : vector<16xf32> to vector<16xf32>
    %swap3A_495 = vector.shape_cast %broadcast_in_dim3A_491 : vector<16xf32> to vector<16xf32>
    tpu.vector_store %arg22[%swap3A_492], %swap3A_495 {strides = array<i32>} : memref<1280xf32, #tpu.memory_space<vmem>>, vector<16xf32>,
    %broadcast_in_dim3A_496 = arith.constant 1.000000e+00 : f32
    %broadcast_in_dim3A_497 = vector.broadcast %broadcast_in_dim3A_496 : f32 to vector<16xf32>
    %swap3A_498 = arith.constant 864 : index
    %swap3A_499 = tpu.vector_load %arg22[%swap3A_498] {strides = array<i32>} : memref<1280xf32, #tpu.memory_space<vmem>>, vector<16xf32>,
    %swap3A_500 = vector.shape_cast %swap3A_499 : vector<16xf32> to vector<16xf32>
    %swap3A_501 = vector.shape_cast %broadcast_in_dim3A_497 : vector<16xf32> to vector<16xf32>
    tpu.vector_store %arg22[%swap3A_498], %swap3A_501 {strides = array<i32>} : memref<1280xf32, #tpu.memory_space<vmem>>, vector<16xf32>,
    %broadcast_in_dim3A_502 = arith.constant 1.000000e+00 : f32
    %broadcast_in_dim3A_503 = vector.broadcast %broadcast_in_dim3A_502 : f32 to vector<16xf32>
    %swap3A_504 = arith.constant 880 : index
    %swap3A_505 = tpu.vector_load %arg22[%swap3A_504] {strides = array<i32>} : memref<1280xf32, #tpu.memory_space<vmem>>, vector<16xf32>,
    %swap3A_506 = vector.shape_cast %swap3A_505 : vector<16xf32> to vector<16xf32>
    %swap3A_507 = vector.shape_cast %broadcast_in_dim3A_503 : vector<16xf32> to vector<16xf32>
    tpu.vector_store %arg22[%swap3A_504], %swap3A_507 {strides = array<i32>} : memref<1280xf32, #tpu.memory_space<vmem>>, vector<16xf32>,
    %broadcast_in_dim3A_508 = arith.constant 1.000000e+00 : f32
    %broadcast_in_dim3A_509 = vector.broadcast %broadcast_in_dim3A_508 : f32 to vector<16xf32>
    %swap3A_510 = arith.constant 896 : index
    %swap3A_511 = tpu.vector_load %arg22[%swap3A_510] {strides = array<i32>} : memref<1280xf32, #tpu.memory_space<vmem>>, vector<16xf32>,
    %swap3A_512 = vector.shape_cast %swap3A_511 : vector<16xf32> to vector<16xf32>
    %swap3A_513 = vector.shape_cast %broadcast_in_dim3A_509 : vector<16xf32> to vector<16xf32>
    tpu.vector_store %arg22[%swap3A_510], %swap3A_513 {strides = array<i32>} : memref<1280xf32, #tpu.memory_space<vmem>>, vector<16xf32>,
    %broadcast_in_dim3A_514 = arith.constant 1.000000e+00 : f32
    %broadcast_in_dim3A_515 = vector.broadcast %broadcast_in_dim3A_514 : f32 to vector<16xf32>
    %swap3A_516 = arith.constant 912 : index
    %swap3A_517 = tpu.vector_load %arg22[%swap3A_516] {strides = array<i32>} : memref<1280xf32, #tpu.memory_space<vmem>>, vector<16xf32>,
    %swap3A_518 = vector.shape_cast %swap3A_517 : vector<16xf32> to vector<16xf32>
    %swap3A_519 = vector.shape_cast %broadcast_in_dim3A_515 : vector<16xf32> to vector<16xf32>
    tpu.vector_store %arg22[%swap3A_516], %swap3A_519 {strides = array<i32>} : memref<1280xf32, #tpu.memory_space<vmem>>, vector<16xf32>,
    %broadcast_in_dim3A_520 = arith.constant 1.000000e+00 : f32
    %broadcast_in_dim3A_521 = vector.broadcast %broadcast_in_dim3A_520 : f32 to vector<16xf32>
    %swap3A_522 = arith.constant 928 : index
    %swap3A_523 = tpu.vector_load %arg22[%swap3A_522] {strides = array<i32>} : memref<1280xf32, #tpu.memory_space<vmem>>, vector<16xf32>,
    %swap3A_524 = vector.shape_cast %swap3A_523 : vector<16xf32> to vector<16xf32>
    %swap3A_525 = vector.shape_cast %broadcast_in_dim3A_521 : vector<16xf32> to vector<16xf32>
    tpu.vector_store %arg22[%swap3A_522], %swap3A_525 {strides = array<i32>} : memref<1280xf32, #tpu.memory_space<vmem>>, vector<16xf32>,
    %broadcast_in_dim3A_526 = arith.constant 1.000000e+00 : f32
    %broadcast_in_dim3A_527 = vector.broadcast %broadcast_in_dim3A_526 : f32 to vector<16xf32>
    %swap3A_528 = arith.constant 944 : index
    %swap3A_529 = tpu.vector_load %arg22[%swap3A_528] {strides = array<i32>} : memref<1280xf32, #tpu.memory_space<vmem>>, vector<16xf32>,
    %swap3A_530 = vector.shape_cast %swap3A_529 : vector<16xf32> to vector<16xf32>
    %swap3A_531 = vector.shape_cast %broadcast_in_dim3A_527 : vector<16xf32> to vector<16xf32>
    tpu.vector_store %arg22[%swap3A_528], %swap3A_531 {strides = array<i32>} : memref<1280xf32, #tpu.memory_space<vmem>>, vector<16xf32>,
    %broadcast_in_dim3A_532 = arith.constant 1.000000e+00 : f32
    %broadcast_in_dim3A_533 = vector.broadcast %broadcast_in_dim3A_532 : f32 to vector<16xf32>
    %swap3A_534 = arith.constant 960 : index
    %swap3A_535 = tpu.vector_load %arg22[%swap3A_534] {strides = array<i32>} : memref<1280xf32, #tpu.memory_space<vmem>>, vector<16xf32>,
    %swap3A_536 = vector.shape_cast %swap3A_535 : vector<16xf32> to vector<16xf32>
    %swap3A_537 = vector.shape_cast %broadcast_in_dim3A_533 : vector<16xf32> to vector<16xf32>
    tpu.vector_store %arg22[%swap3A_534], %swap3A_537 {strides = array<i32>} : memref<1280xf32, #tpu.memory_space<vmem>>, vector<16xf32>,
    %broadcast_in_dim3A_538 = arith.constant 1.000000e+00 : f32
    %broadcast_in_dim3A_539 = vector.broadcast %broadcast_in_dim3A_538 : f32 to vector<16xf32>
    %swap3A_540 = arith.constant 976 : index
    %swap3A_541 = tpu.vector_load %arg22[%swap3A_540] {strides = array<i32>} : memref<1280xf32, #tpu.memory_space<vmem>>, vector<16xf32>,
    %swap3A_542 = vector.shape_cast %swap3A_541 : vector<16xf32> to vector<16xf32>
    %swap3A_543 = vector.shape_cast %broadcast_in_dim3A_539 : vector<16xf32> to vector<16xf32>
    tpu.vector_store %arg22[%swap3A_540], %swap3A_543 {strides = array<i32>} : memref<1280xf32, #tpu.memory_space<vmem>>, vector<16xf32>,
    %broadcast_in_dim3A_544 = arith.constant 1.000000e+00 : f32
    %broadcast_in_dim3A_545 = vector.broadcast %broadcast_in_dim3A_544 : f32 to vector<16xf32>
    %swap3A_546 = arith.constant 992 : index
    %swap3A_547 = tpu.vector_load %arg22[%swap3A_546] {strides = array<i32>} : memref<1280xf32, #tpu.memory_space<vmem>>, vector<16xf32>,
    %swap3A_548 = vector.shape_cast %swap3A_547 : vector<16xf32> to vector<16xf32>
    %swap3A_549 = vector.shape_cast %broadcast_in_dim3A_545 : vector<16xf32> to vector<16xf32>
    tpu.vector_store %arg22[%swap3A_546], %swap3A_549 {strides = array<i32>} : memref<1280xf32, #tpu.memory_space<vmem>>, vector<16xf32>,
    %broadcast_in_dim3A_550 = arith.constant 1.000000e+00 : f32
    %broadcast_in_dim3A_551 = vector.broadcast %broadcast_in_dim3A_550 : f32 to vector<16xf32>
    %swap3A_552 = arith.constant 1008 : index
    %swap3A_553 = tpu.vector_load %arg22[%swap3A_552] {strides = array<i32>} : memref<1280xf32, #tpu.memory_space<vmem>>, vector<16xf32>,
    %swap3A_554 = vector.shape_cast %swap3A_553 : vector<16xf32> to vector<16xf32>
    %swap3A_555 = vector.shape_cast %broadcast_in_dim3A_551 : vector<16xf32> to vector<16xf32>
    tpu.vector_store %arg22[%swap3A_552], %swap3A_555 {strides = array<i32>} : memref<1280xf32, #tpu.memory_space<vmem>>, vector<16xf32>,
    %broadcast_in_dim3A_556 = arith.constant 1.000000e+00 : f32
    %broadcast_in_dim3A_557 = vector.broadcast %broadcast_in_dim3A_556 : f32 to vector<16xf32>
    %swap3A_558 = arith.constant 1024 : index
    %swap3A_559 = tpu.vector_load %arg22[%swap3A_558] {strides = array<i32>} : memref<1280xf32, #tpu.memory_space<vmem>>, vector<16xf32>,
    %swap3A_560 = vector.shape_cast %swap3A_559 : vector<16xf32> to vector<16xf32>
    %swap3A_561 = vector.shape_cast %broadcast_in_dim3A_557 : vector<16xf32> to vector<16xf32>
    tpu.vector_store %arg22[%swap3A_558], %swap3A_561 {strides = array<i32>} : memref<1280xf32, #tpu.memory_space<vmem>>, vector<16xf32>,
    %broadcast_in_dim3A_562 = arith.constant 1.000000e+00 : f32
    %broadcast_in_dim3A_563 = vector.broadcast %broadcast_in_dim3A_562 : f32 to vector<16xf32>
    %swap3A_564 = arith.constant 1040 : index
    %swap3A_565 = tpu.vector_load %arg22[%swap3A_564] {strides = array<i32>} : memref<1280xf32, #tpu.memory_space<vmem>>, vector<16xf32>,
    %swap3A_566 = vector.shape_cast %swap3A_565 : vector<16xf32> to vector<16xf32>
    %swap3A_567 = vector.shape_cast %broadcast_in_dim3A_563 : vector<16xf32> to vector<16xf32>
    tpu.vector_store %arg22[%swap3A_564], %swap3A_567 {strides = array<i32>} : memref<1280xf32, #tpu.memory_space<vmem>>, vector<16xf32>,
    %broadcast_in_dim3A_568 = arith.constant 1.000000e+00 : f32
    %broadcast_in_dim3A_569 = vector.broadcast %broadcast_in_dim3A_568 : f32 to vector<16xf32>
    %swap3A_570 = arith.constant 1056 : index
    %swap3A_571 = tpu.vector_load %arg22[%swap3A_570] {strides = array<i32>} : memref<1280xf32, #tpu.memory_space<vmem>>, vector<16xf32>,
    %swap3A_572 = vector.shape_cast %swap3A_571 : vector<16xf32> to vector<16xf32>
    %swap3A_573 = vector.shape_cast %broadcast_in_dim3A_569 : vector<16xf32> to vector<16xf32>
    tpu.vector_store %arg22[%swap3A_570], %swap3A_573 {strides = array<i32>} : memref<1280xf32, #tpu.memory_space<vmem>>, vector<16xf32>,
    %broadcast_in_dim3A_574 = arith.constant 1.000000e+00 : f32
    %broadcast_in_dim3A_575 = vector.broadcast %broadcast_in_dim3A_574 : f32 to vector<16xf32>
    %swap3A_576 = arith.constant 1072 : index
    %swap3A_577 = tpu.vector_load %arg22[%swap3A_576] {strides = array<i32>} : memref<1280xf32, #tpu.memory_space<vmem>>, vector<16xf32>,
    %swap3A_578 = vector.shape_cast %swap3A_577 : vector<16xf32> to vector<16xf32>
    %swap3A_579 = vector.shape_cast %broadcast_in_dim3A_575 : vector<16xf32> to vector<16xf32>
    tpu.vector_store %arg22[%swap3A_576], %swap3A_579 {strides = array<i32>} : memref<1280xf32, #tpu.memory_space<vmem>>, vector<16xf32>,
    %broadcast_in_dim3A_580 = arith.constant 1.000000e+00 : f32
    %broadcast_in_dim3A_581 = vector.broadcast %broadcast_in_dim3A_580 : f32 to vector<16xf32>
    %swap3A_582 = arith.constant 1088 : index
    %swap3A_583 = tpu.vector_load %arg22[%swap3A_582] {strides = array<i32>} : memref<1280xf32, #tpu.memory_space<vmem>>, vector<16xf32>,
    %swap3A_584 = vector.shape_cast %swap3A_583 : vector<16xf32> to vector<16xf32>
    %swap3A_585 = vector.shape_cast %broadcast_in_dim3A_581 : vector<16xf32> to vector<16xf32>
    tpu.vector_store %arg22[%swap3A_582], %swap3A_585 {strides = array<i32>} : memref<1280xf32, #tpu.memory_space<vmem>>, vector<16xf32>,
    %broadcast_in_dim3A_586 = arith.constant 1.000000e+00 : f32
    %broadcast_in_dim3A_587 = vector.broadcast %broadcast_in_dim3A_586 : f32 to vector<16xf32>
    %swap3A_588 = arith.constant 1104 : index
    %swap3A_589 = tpu.vector_load %arg22[%swap3A_588] {strides = array<i32>} : memref<1280xf32, #tpu.memory_space<vmem>>, vector<16xf32>,
    %swap3A_590 = vector.shape_cast %swap3A_589 : vector<16xf32> to vector<16xf32>
    %swap3A_591 = vector.shape_cast %broadcast_in_dim3A_587 : vector<16xf32> to vector<16xf32>
    tpu.vector_store %arg22[%swap3A_588], %swap3A_591 {strides = array<i32>} : memref<1280xf32, #tpu.memory_space<vmem>>, vector<16xf32>,
    %broadcast_in_dim3A_592 = arith.constant 1.000000e+00 : f32
    %broadcast_in_dim3A_593 = vector.broadcast %broadcast_in_dim3A_592 : f32 to vector<16xf32>
    %swap3A_594 = arith.constant 1120 : index
    %swap3A_595 = tpu.vector_load %arg22[%swap3A_594] {strides = array<i32>} : memref<1280xf32, #tpu.memory_space<vmem>>, vector<16xf32>,
    %swap3A_596 = vector.shape_cast %swap3A_595 : vector<16xf32> to vector<16xf32>
    %swap3A_597 = vector.shape_cast %broadcast_in_dim3A_593 : vector<16xf32> to vector<16xf32>
    tpu.vector_store %arg22[%swap3A_594], %swap3A_597 {strides = array<i32>} : memref<1280xf32, #tpu.memory_space<vmem>>, vector<16xf32>,
    %broadcast_in_dim3A_598 = arith.constant 1.000000e+00 : f32
    %broadcast_in_dim3A_599 = vector.broadcast %broadcast_in_dim3A_598 : f32 to vector<16xf32>
    %swap3A_600 = arith.constant 1136 : index
    %swap3A_601 = tpu.vector_load %arg22[%swap3A_600] {strides = array<i32>} : memref<1280xf32, #tpu.memory_space<vmem>>, vector<16xf32>,
    %swap3A_602 = vector.shape_cast %swap3A_601 : vector<16xf32> to vector<16xf32>
    %swap3A_603 = vector.shape_cast %broadcast_in_dim3A_599 : vector<16xf32> to vector<16xf32>
    tpu.vector_store %arg22[%swap3A_600], %swap3A_603 {strides = array<i32>} : memref<1280xf32, #tpu.memory_space<vmem>>, vector<16xf32>,
    %broadcast_in_dim3A_604 = arith.constant 1.000000e+00 : f32
    %broadcast_in_dim3A_605 = vector.broadcast %broadcast_in_dim3A_604 : f32 to vector<16xf32>
    %swap3A_606 = arith.constant 1152 : index
    %swap3A_607 = tpu.vector_load %arg22[%swap3A_606] {strides = array<i32>} : memref<1280xf32, #tpu.memory_space<vmem>>, vector<16xf32>,
    %swap3A_608 = vector.shape_cast %swap3A_607 : vector<16xf32> to vector<16xf32>
    %swap3A_609 = vector.shape_cast %broadcast_in_dim3A_605 : vector<16xf32> to vector<16xf32>
    tpu.vector_store %arg22[%swap3A_606], %swap3A_609 {strides = array<i32>} : memref<1280xf32, #tpu.memory_space<vmem>>, vector<16xf32>,
    %broadcast_in_dim3A_610 = arith.constant 1.000000e+00 : f32
    %broadcast_in_dim3A_611 = vector.broadcast %broadcast_in_dim3A_610 : f32 to vector<16xf32>
    %swap3A_612 = arith.constant 1168 : index
    %swap3A_613 = tpu.vector_load %arg22[%swap3A_612] {strides = array<i32>} : memref<1280xf32, #tpu.memory_space<vmem>>, vector<16xf32>,
    %swap3A_614 = vector.shape_cast %swap3A_613 : vector<16xf32> to vector<16xf32>
    %swap3A_615 = vector.shape_cast %broadcast_in_dim3A_611 : vector<16xf32> to vector<16xf32>
    tpu.vector_store %arg22[%swap3A_612], %swap3A_615 {strides = array<i32>} : memref<1280xf32, #tpu.memory_space<vmem>>, vector<16xf32>,
    %broadcast_in_dim3A_616 = arith.constant 1.000000e+00 : f32
    %broadcast_in_dim3A_617 = vector.broadcast %broadcast_in_dim3A_616 : f32 to vector<16xf32>
    %swap3A_618 = arith.constant 1184 : index
    %swap3A_619 = tpu.vector_load %arg22[%swap3A_618] {strides = array<i32>} : memref<1280xf32, #tpu.memory_space<vmem>>, vector<16xf32>,
    %swap3A_620 = vector.shape_cast %swap3A_619 : vector<16xf32> to vector<16xf32>
    %swap3A_621 = vector.shape_cast %broadcast_in_dim3A_617 : vector<16xf32> to vector<16xf32>
    tpu.vector_store %arg22[%swap3A_618], %swap3A_621 {strides = array<i32>} : memref<1280xf32, #tpu.memory_space<vmem>>, vector<16xf32>,
    %broadcast_in_dim3A_622 = arith.constant 1.000000e+00 : f32
    %broadcast_in_dim3A_623 = vector.broadcast %broadcast_in_dim3A_622 : f32 to vector<16xf32>
    %swap3A_624 = arith.constant 1200 : index
    %swap3A_625 = tpu.vector_load %arg22[%swap3A_624] {strides = array<i32>} : memref<1280xf32, #tpu.memory_space<vmem>>, vector<16xf32>,
    %swap3A_626 = vector.shape_cast %swap3A_625 : vector<16xf32> to vector<16xf32>
    %swap3A_627 = vector.shape_cast %broadcast_in_dim3A_623 : vector<16xf32> to vector<16xf32>
    tpu.vector_store %arg22[%swap3A_624], %swap3A_627 {strides = array<i32>} : memref<1280xf32, #tpu.memory_space<vmem>>, vector<16xf32>,
    %broadcast_in_dim3A_628 = arith.constant 1.000000e+00 : f32
    %broadcast_in_dim3A_629 = vector.broadcast %broadcast_in_dim3A_628 : f32 to vector<16xf32>
    %swap3A_630 = arith.constant 1216 : index
    %swap3A_631 = tpu.vector_load %arg22[%swap3A_630] {strides = array<i32>} : memref<1280xf32, #tpu.memory_space<vmem>>, vector<16xf32>,
    %swap3A_632 = vector.shape_cast %swap3A_631 : vector<16xf32> to vector<16xf32>
    %swap3A_633 = vector.shape_cast %broadcast_in_dim3A_629 : vector<16xf32> to vector<16xf32>
    tpu.vector_store %arg22[%swap3A_630], %swap3A_633 {strides = array<i32>} : memref<1280xf32, #tpu.memory_space<vmem>>, vector<16xf32>,
    %broadcast_in_dim3A_634 = arith.constant 1.000000e+00 : f32
    %broadcast_in_dim3A_635 = vector.broadcast %broadcast_in_dim3A_634 : f32 to vector<16xf32>
    %swap3A_636 = arith.constant 1232 : index
    %swap3A_637 = tpu.vector_load %arg22[%swap3A_636] {strides = array<i32>} : memref<1280xf32, #tpu.memory_space<vmem>>, vector<16xf32>,
    %swap3A_638 = vector.shape_cast %swap3A_637 : vector<16xf32> to vector<16xf32>
    %swap3A_639 = vector.shape_cast %broadcast_in_dim3A_635 : vector<16xf32> to vector<16xf32>
    tpu.vector_store %arg22[%swap3A_636], %swap3A_639 {strides = array<i32>} : memref<1280xf32, #tpu.memory_space<vmem>>, vector<16xf32>,
    %broadcast_in_dim3A_640 = arith.constant 1.000000e+00 : f32
    %broadcast_in_dim3A_641 = vector.broadcast %broadcast_in_dim3A_640 : f32 to vector<16xf32>
    %swap3A_642 = arith.constant 1248 : index
    %swap3A_643 = tpu.vector_load %arg22[%swap3A_642] {strides = array<i32>} : memref<1280xf32, #tpu.memory_space<vmem>>, vector<16xf32>,
    %swap3A_644 = vector.shape_cast %swap3A_643 : vector<16xf32> to vector<16xf32>
    %swap3A_645 = vector.shape_cast %broadcast_in_dim3A_641 : vector<16xf32> to vector<16xf32>
    tpu.vector_store %arg22[%swap3A_642], %swap3A_645 {strides = array<i32>} : memref<1280xf32, #tpu.memory_space<vmem>>, vector<16xf32>,
    %broadcast_in_dim3A_646 = arith.constant 1.000000e+00 : f32
    %broadcast_in_dim3A_647 = vector.broadcast %broadcast_in_dim3A_646 : f32 to vector<16xf32>
    %swap3A_648 = arith.constant 1264 : index
    %swap3A_649 = tpu.vector_load %arg22[%swap3A_648] {strides = array<i32>} : memref<1280xf32, #tpu.memory_space<vmem>>, vector<16xf32>,
    %swap3A_650 = vector.shape_cast %swap3A_649 : vector<16xf32> to vector<16xf32>
    %swap3A_651 = vector.shape_cast %broadcast_in_dim3A_647 : vector<16xf32> to vector<16xf32>
    tpu.vector_store %arg22[%swap3A_648], %swap3A_651 {strides = array<i32>} : memref<1280xf32, #tpu.memory_space<vmem>>, vector<16xf32>,
    %dma_wait3A = tpu.memref_slice %arg2[%mul3A_3] : memref<12288xi32, #tpu.memory_space<hbm>> -> memref<384xi32, #tpu.memory_space<hbm>>
    %dma_wait3A_652 = tpu.memref_slice %arg2[%mul3A_3] : memref<12288xi32, #tpu.memory_space<hbm>> -> memref<384xi32, #tpu.memory_space<hbm>>
    tpu.wait_dma2 semaphore(%arg36 : memref<!tpu.dma_semaphore, #tpu.memory_space<semaphore_mem>>) src(%dma_wait3A_652 : memref<384xi32, #tpu.memory_space<hbm>>) dst(%arg14 : memref<384xi32, #tpu.memory_space<vmem>>)
    %dma_wait3A_653 = tpu.memref_slice %arg3[%mul3A_6] : memref<12288xi32, #tpu.memory_space<hbm>> -> memref<384xi32, #tpu.memory_space<hbm>>
    %dma_wait3A_654 = tpu.memref_slice %arg3[%mul3A_6] : memref<12288xi32, #tpu.memory_space<hbm>> -> memref<384xi32, #tpu.memory_space<hbm>>
    tpu.wait_dma2 semaphore(%arg36 : memref<!tpu.dma_semaphore, #tpu.memory_space<semaphore_mem>>) src(%dma_wait3A_654 : memref<384xi32, #tpu.memory_space<hbm>>) dst(%arg15 : memref<384xi32, #tpu.memory_space<vmem>>)
    %dma_wait3A_655 = tpu.memref_slice %arg4[%mul3A_10] : memref<20480xi32, #tpu.memory_space<hbm>> -> memref<1280xi32, #tpu.memory_space<hbm>>
    %dma_wait3A_656 = tpu.memref_slice %arg4[%mul3A_10] : memref<20480xi32, #tpu.memory_space<hbm>> -> memref<1280xi32, #tpu.memory_space<hbm>>
    tpu.wait_dma2 semaphore(%arg36 : memref<!tpu.dma_semaphore, #tpu.memory_space<semaphore_mem>>) src(%dma_wait3A_656 : memref<1280xi32, #tpu.memory_space<hbm>>) dst(%arg16 : memref<1280xi32, #tpu.memory_space<vmem>>)
    %dma_wait3A_657 = tpu.memref_slice %arg5[%mul3A_14] : memref<20480xi32, #tpu.memory_space<hbm>> -> memref<1280xi32, #tpu.memory_space<hbm>>
    %dma_wait3A_658 = tpu.memref_slice %arg5[%mul3A_14] : memref<20480xi32, #tpu.memory_space<hbm>> -> memref<1280xi32, #tpu.memory_space<hbm>>
    tpu.wait_dma2 semaphore(%arg36 : memref<!tpu.dma_semaphore, #tpu.memory_space<semaphore_mem>>) src(%dma_wait3A_658 : memref<1280xi32, #tpu.memory_space<hbm>>) dst(%arg17 : memref<1280xi32, #tpu.memory_space<vmem>>)
    %dma_wait3A_659 = tpu.memref_slice %arg6[%mul3A_18] : memref<20480xf32, #tpu.memory_space<hbm>> -> memref<1280xf32, #tpu.memory_space<hbm>>
    %dma_wait3A_660 = tpu.memref_slice %arg6[%mul3A_18] : memref<20480xf32, #tpu.memory_space<hbm>> -> memref<1280xf32, #tpu.memory_space<hbm>>
    tpu.wait_dma2 semaphore(%arg36 : memref<!tpu.dma_semaphore, #tpu.memory_space<semaphore_mem>>) src(%dma_wait3A_660 : memref<1280xf32, #tpu.memory_space<hbm>>) dst(%arg18 : memref<1280xf32, #tpu.memory_space<vmem>>)
    %get3A = arith.constant 0 : index
    %get3A_661 = tpu.vector_load %arg14[%get3A] {strides = array<i32>} : memref<384xi32, #tpu.memory_space<vmem>>, vector<16xi32>,
    %get3A_662 = vector.shape_cast %get3A_661 : vector<16xi32> to vector<16xi32>
    %mul3A_663 = arith.constant 5000 : i32
    %mul3A_664 = vector.broadcast %mul3A_663 : i32 to vector<16xi32>
    %mul3A_665 = arith.muli %get3A_662, %mul3A_664 : vector<16xi32>
    %get3A_666 = arith.constant 0 : index
    %get3A_667 = tpu.vector_load %arg15[%get3A_666] {strides = array<i32>} : memref<384xi32, #tpu.memory_space<vmem>>, vector<16xi32>,
    %get3A_668 = vector.shape_cast %get3A_667 : vector<16xi32> to vector<16xi32>
    %add3A_669 = arith.addi %mul3A_665, %get3A_668 : vector<16xi32>
    %add3A_670 = vector.broadcast %mul3A_76 : i32 to vector<16xi32>
    %add3A_671 = arith.addi %add3A_669, %add3A_670 : vector<16xi32>
    %swap3A_672 = arith.constant 0 : index
    %swap3A_673 = tpu.vector_load %arg19[%swap3A_672] {strides = array<i32>} : memref<384xi32, #tpu.memory_space<vmem>>, vector<16xi32>,
    %swap3A_674 = vector.shape_cast %swap3A_673 : vector<16xi32> to vector<16xi32>
    %swap3A_675 = vector.shape_cast %add3A_671 : vector<16xi32> to vector<16xi32>
    tpu.vector_store %arg19[%swap3A_672], %swap3A_675 {strides = array<i32>} : memref<384xi32, #tpu.memory_space<vmem>>, vector<16xi32>,
    %get3A_676 = arith.constant 16 : index
    %get3A_677 = tpu.vector_load %arg14[%get3A_676] {strides = array<i32>} : memref<384xi32, #tpu.memory_space<vmem>>, vector<16xi32>,
    %get3A_678 = vector.shape_cast %get3A_677 : vector<16xi32> to vector<16xi32>
    %mul3A_679 = arith.constant 5000 : i32
    %mul3A_680 = vector.broadcast %mul3A_679 : i32 to vector<16xi32>
    %mul3A_681 = arith.muli %get3A_678, %mul3A_680 : vector<16xi32>
    %get3A_682 = arith.constant 16 : index
    %get3A_683 = tpu.vector_load %arg15[%get3A_682] {strides = array<i32>} : memref<384xi32, #tpu.memory_space<vmem>>, vector<16xi32>,
    %get3A_684 = vector.shape_cast %get3A_683 : vector<16xi32> to vector<16xi32>
    %add3A_685 = arith.addi %mul3A_681, %get3A_684 : vector<16xi32>
    %add3A_686 = vector.broadcast %mul3A_76 : i32 to vector<16xi32>
    %add3A_687 = arith.addi %add3A_685, %add3A_686 : vector<16xi32>
    %swap3A_688 = arith.constant 16 : index
    %swap3A_689 = tpu.vector_load %arg19[%swap3A_688] {strides = array<i32>} : memref<384xi32, #tpu.memory_space<vmem>>, vector<16xi32>,
    %swap3A_690 = vector.shape_cast %swap3A_689 : vector<16xi32> to vector<16xi32>
    %swap3A_691 = vector.shape_cast %add3A_687 : vector<16xi32> to vector<16xi32>
    tpu.vector_store %arg19[%swap3A_688], %swap3A_691 {strides = array<i32>} : memref<384xi32, #tpu.memory_space<vmem>>, vector<16xi32>,
    %get3A_692 = arith.constant 32 : index
    %get3A_693 = tpu.vector_load %arg14[%get3A_692] {strides = array<i32>} : memref<384xi32, #tpu.memory_space<vmem>>, vector<16xi32>,
    %get3A_694 = vector.shape_cast %get3A_693 : vector<16xi32> to vector<16xi32>
    %mul3A_695 = arith.constant 5000 : i32
    %mul3A_696 = vector.broadcast %mul3A_695 : i32 to vector<16xi32>
    %mul3A_697 = arith.muli %get3A_694, %mul3A_696 : vector<16xi32>
    %get3A_698 = arith.constant 32 : index
    %get3A_699 = tpu.vector_load %arg15[%get3A_698] {strides = array<i32>} : memref<384xi32, #tpu.memory_space<vmem>>, vector<16xi32>,
    %get3A_700 = vector.shape_cast %get3A_699 : vector<16xi32> to vector<16xi32>
    %add3A_701 = arith.addi %mul3A_697, %get3A_700 : vector<16xi32>
    %add3A_702 = vector.broadcast %mul3A_76 : i32 to vector<16xi32>
    %add3A_703 = arith.addi %add3A_701, %add3A_702 : vector<16xi32>
    %swap3A_704 = arith.constant 32 : index
    %swap3A_705 = tpu.vector_load %arg19[%swap3A_704] {strides = array<i32>} : memref<384xi32, #tpu.memory_space<vmem>>, vector<16xi32>,
    %swap3A_706 = vector.shape_cast %swap3A_705 : vector<16xi32> to vector<16xi32>
    %swap3A_707 = vector.shape_cast %add3A_703 : vector<16xi32> to vector<16xi32>
    tpu.vector_store %arg19[%swap3A_704], %swap3A_707 {strides = array<i32>} : memref<384xi32, #tpu.memory_space<vmem>>, vector<16xi32>,
    %get3A_708 = arith.constant 48 : index
    %get3A_709 = tpu.vector_load %arg14[%get3A_708] {strides = array<i32>} : memref<384xi32, #tpu.memory_space<vmem>>, vector<16xi32>,
    %get3A_710 = vector.shape_cast %get3A_709 : vector<16xi32> to vector<16xi32>
    %mul3A_711 = arith.constant 5000 : i32
    %mul3A_712 = vector.broadcast %mul3A_711 : i32 to vector<16xi32>
    %mul3A_713 = arith.muli %get3A_710, %mul3A_712 : vector<16xi32>
    %get3A_714 = arith.constant 48 : index
    %get3A_715 = tpu.vector_load %arg15[%get3A_714] {strides = array<i32>} : memref<384xi32, #tpu.memory_space<vmem>>, vector<16xi32>,
    %get3A_716 = vector.shape_cast %get3A_715 : vector<16xi32> to vector<16xi32>
    %add3A_717 = arith.addi %mul3A_713, %get3A_716 : vector<16xi32>
    %add3A_718 = vector.broadcast %mul3A_76 : i32 to vector<16xi32>
    %add3A_719 = arith.addi %add3A_717, %add3A_718 : vector<16xi32>
    %swap3A_720 = arith.constant 48 : index
    %swap3A_721 = tpu.vector_load %arg19[%swap3A_720] {strides = array<i32>} : memref<384xi32, #tpu.memory_space<vmem>>, vector<16xi32>,
    %swap3A_722 = vector.shape_cast %swap3A_721 : vector<16xi32> to vector<16xi32>
    %swap3A_723 = vector.shape_cast %add3A_719 : vector<16xi32> to vector<16xi32>
    tpu.vector_store %arg19[%swap3A_720], %swap3A_723 {strides = array<i32>} : memref<384xi32, #tpu.memory_space<vmem>>, vector<16xi32>,
    %get3A_724 = arith.constant 64 : index
    %get3A_725 = tpu.vector_load %arg14[%get3A_724] {strides = array<i32>} : memref<384xi32, #tpu.memory_space<vmem>>, vector<16xi32>,
    %get3A_726 = vector.shape_cast %get3A_725 : vector<16xi32> to vector<16xi32>
    %mul3A_727 = arith.constant 5000 : i32
    %mul3A_728 = vector.broadcast %mul3A_727 : i32 to vector<16xi32>
    %mul3A_729 = arith.muli %get3A_726, %mul3A_728 : vector<16xi32>
    %get3A_730 = arith.constant 64 : index
    %get3A_731 = tpu.vector_load %arg15[%get3A_730] {strides = array<i32>} : memref<384xi32, #tpu.memory_space<vmem>>, vector<16xi32>,
    %get3A_732 = vector.shape_cast %get3A_731 : vector<16xi32> to vector<16xi32>
    %add3A_733 = arith.addi %mul3A_729, %get3A_732 : vector<16xi32>
    %add3A_734 = vector.broadcast %mul3A_76 : i32 to vector<16xi32>
    %add3A_735 = arith.addi %add3A_733, %add3A_734 : vector<16xi32>
    %swap3A_736 = arith.constant 64 : index
    %swap3A_737 = tpu.vector_load %arg19[%swap3A_736] {strides = array<i32>} : memref<384xi32, #tpu.memory_space<vmem>>, vector<16xi32>,
    %swap3A_738 = vector.shape_cast %swap3A_737 : vector<16xi32> to vector<16xi32>
    %swap3A_739 = vector.shape_cast %add3A_735 : vector<16xi32> to vector<16xi32>
    tpu.vector_store %arg19[%swap3A_736], %swap3A_739 {strides = array<i32>} : memref<384xi32, #tpu.memory_space<vmem>>, vector<16xi32>,
    %get3A_740 = arith.constant 80 : index
    %get3A_741 = tpu.vector_load %arg14[%get3A_740] {strides = array<i32>} : memref<384xi32, #tpu.memory_space<vmem>>, vector<16xi32>,
    %get3A_742 = vector.shape_cast %get3A_741 : vector<16xi32> to vector<16xi32>
    %mul3A_743 = arith.constant 5000 : i32
    %mul3A_744 = vector.broadcast %mul3A_743 : i32 to vector<16xi32>
    %mul3A_745 = arith.muli %get3A_742, %mul3A_744 : vector<16xi32>
    %get3A_746 = arith.constant 80 : index
    %get3A_747 = tpu.vector_load %arg15[%get3A_746] {strides = array<i32>} : memref<384xi32, #tpu.memory_space<vmem>>, vector<16xi32>,
    %get3A_748 = vector.shape_cast %get3A_747 : vector<16xi32> to vector<16xi32>
    %add3A_749 = arith.addi %mul3A_745, %get3A_748 : vector<16xi32>
    %add3A_750 = vector.broadcast %mul3A_76 : i32 to vector<16xi32>
    %add3A_751 = arith.addi %add3A_749, %add3A_750 : vector<16xi32>
    %swap3A_752 = arith.constant 80 : index
    %swap3A_753 = tpu.vector_load %arg19[%swap3A_752] {strides = array<i32>} : memref<384xi32, #tpu.memory_space<vmem>>, vector<16xi32>,
    %swap3A_754 = vector.shape_cast %swap3A_753 : vector<16xi32> to vector<16xi32>
    %swap3A_755 = vector.shape_cast %add3A_751 : vector<16xi32> to vector<16xi32>
    tpu.vector_store %arg19[%swap3A_752], %swap3A_755 {strides = array<i32>} : memref<384xi32, #tpu.memory_space<vmem>>, vector<16xi32>,
    %get3A_756 = arith.constant 96 : index
    %get3A_757 = tpu.vector_load %arg14[%get3A_756] {strides = array<i32>} : memref<384xi32, #tpu.memory_space<vmem>>, vector<16xi32>,
    %get3A_758 = vector.shape_cast %get3A_757 : vector<16xi32> to vector<16xi32>
    %mul3A_759 = arith.constant 5000 : i32
    %mul3A_760 = vector.broadcast %mul3A_759 : i32 to vector<16xi32>
    %mul3A_761 = arith.muli %get3A_758, %mul3A_760 : vector<16xi32>
    %get3A_762 = arith.constant 96 : index
    %get3A_763 = tpu.vector_load %arg15[%get3A_762] {strides = array<i32>} : memref<384xi32, #tpu.memory_space<vmem>>, vector<16xi32>,
    %get3A_764 = vector.shape_cast %get3A_763 : vector<16xi32> to vector<16xi32>
    %add3A_765 = arith.addi %mul3A_761, %get3A_764 : vector<16xi32>
    %add3A_766 = vector.broadcast %mul3A_76 : i32 to vector<16xi32>
    %add3A_767 = arith.addi %add3A_765, %add3A_766 : vector<16xi32>
    %swap3A_768 = arith.constant 96 : index
    %swap3A_769 = tpu.vector_load %arg19[%swap3A_768] {strides = array<i32>} : memref<384xi32, #tpu.memory_space<vmem>>, vector<16xi32>,
    %swap3A_770 = vector.shape_cast %swap3A_769 : vector<16xi32> to vector<16xi32>
    %swap3A_771 = vector.shape_cast %add3A_767 : vector<16xi32> to vector<16xi32>
    tpu.vector_store %arg19[%swap3A_768], %swap3A_771 {strides = array<i32>} : memref<384xi32, #tpu.memory_space<vmem>>, vector<16xi32>,
    %get3A_772 = arith.constant 112 : index
    %get3A_773 = tpu.vector_load %arg14[%get3A_772] {strides = array<i32>} : memref<384xi32, #tpu.memory_space<vmem>>, vector<16xi32>,
    %get3A_774 = vector.shape_cast %get3A_773 : vector<16xi32> to vector<16xi32>
    %mul3A_775 = arith.constant 5000 : i32
    %mul3A_776 = vector.broadcast %mul3A_775 : i32 to vector<16xi32>
    %mul3A_777 = arith.muli %get3A_774, %mul3A_776 : vector<16xi32>
    %get3A_778 = arith.constant 112 : index
    %get3A_779 = tpu.vector_load %arg15[%get3A_778] {strides = array<i32>} : memref<384xi32, #tpu.memory_space<vmem>>, vector<16xi32>,
    %get3A_780 = vector.shape_cast %get3A_779 : vector<16xi32> to vector<16xi32>
    %add3A_781 = arith.addi %mul3A_777, %get3A_780 : vector<16xi32>
    %add3A_782 = vector.broadcast %mul3A_76 : i32 to vector<16xi32>
    %add3A_783 = arith.addi %add3A_781, %add3A_782 : vector<16xi32>
    %swap3A_784 = arith.constant 112 : index
    %swap3A_785 = tpu.vector_load %arg19[%swap3A_784] {strides = array<i32>} : memref<384xi32, #tpu.memory_space<vmem>>, vector<16xi32>,
    %swap3A_786 = vector.shape_cast %swap3A_785 : vector<16xi32> to vector<16xi32>
    %swap3A_787 = vector.shape_cast %add3A_783 : vector<16xi32> to vector<16xi32>
    tpu.vector_store %arg19[%swap3A_784], %swap3A_787 {strides = array<i32>} : memref<384xi32, #tpu.memory_space<vmem>>, vector<16xi32>,
    %get3A_788 = arith.constant 128 : index
    %get3A_789 = tpu.vector_load %arg14[%get3A_788] {strides = array<i32>} : memref<384xi32, #tpu.memory_space<vmem>>, vector<16xi32>,
    %get3A_790 = vector.shape_cast %get3A_789 : vector<16xi32> to vector<16xi32>
    %mul3A_791 = arith.constant 5000 : i32
    %mul3A_792 = vector.broadcast %mul3A_791 : i32 to vector<16xi32>
    %mul3A_793 = arith.muli %get3A_790, %mul3A_792 : vector<16xi32>
    %get3A_794 = arith.constant 128 : index
    %get3A_795 = tpu.vector_load %arg15[%get3A_794] {strides = array<i32>} : memref<384xi32, #tpu.memory_space<vmem>>, vector<16xi32>,
    %get3A_796 = vector.shape_cast %get3A_795 : vector<16xi32> to vector<16xi32>
    %add3A_797 = arith.addi %mul3A_793, %get3A_796 : vector<16xi32>
    %add3A_798 = vector.broadcast %mul3A_76 : i32 to vector<16xi32>
    %add3A_799 = arith.addi %add3A_797, %add3A_798 : vector<16xi32>
    %swap3A_800 = arith.constant 128 : index
    %swap3A_801 = tpu.vector_load %arg19[%swap3A_800] {strides = array<i32>} : memref<384xi32, #tpu.memory_space<vmem>>, vector<16xi32>,
    %swap3A_802 = vector.shape_cast %swap3A_801 : vector<16xi32> to vector<16xi32>
    %swap3A_803 = vector.shape_cast %add3A_799 : vector<16xi32> to vector<16xi32>
    tpu.vector_store %arg19[%swap3A_800], %swap3A_803 {strides = array<i32>} : memref<384xi32, #tpu.memory_space<vmem>>, vector<16xi32>,
    %get3A_804 = arith.constant 144 : index
    %get3A_805 = tpu.vector_load %arg14[%get3A_804] {strides = array<i32>} : memref<384xi32, #tpu.memory_space<vmem>>, vector<16xi32>,
    %get3A_806 = vector.shape_cast %get3A_805 : vector<16xi32> to vector<16xi32>
    %mul3A_807 = arith.constant 5000 : i32
    %mul3A_808 = vector.broadcast %mul3A_807 : i32 to vector<16xi32>
    %mul3A_809 = arith.muli %get3A_806, %mul3A_808 : vector<16xi32>
    %get3A_810 = arith.constant 144 : index
    %get3A_811 = tpu.vector_load %arg15[%get3A_810] {strides = array<i32>} : memref<384xi32, #tpu.memory_space<vmem>>, vector<16xi32>,
    %get3A_812 = vector.shape_cast %get3A_811 : vector<16xi32> to vector<16xi32>
    %add3A_813 = arith.addi %mul3A_809, %get3A_812 : vector<16xi32>
    %add3A_814 = vector.broadcast %mul3A_76 : i32 to vector<16xi32>
    %add3A_815 = arith.addi %add3A_813, %add3A_814 : vector<16xi32>
    %swap3A_816 = arith.constant 144 : index
    %swap3A_817 = tpu.vector_load %arg19[%swap3A_816] {strides = array<i32>} : memref<384xi32, #tpu.memory_space<vmem>>, vector<16xi32>,
    %swap3A_818 = vector.shape_cast %swap3A_817 : vector<16xi32> to vector<16xi32>
    %swap3A_819 = vector.shape_cast %add3A_815 : vector<16xi32> to vector<16xi32>
    tpu.vector_store %arg19[%swap3A_816], %swap3A_819 {strides = array<i32>} : memref<384xi32, #tpu.memory_space<vmem>>, vector<16xi32>,
    %get3A_820 = arith.constant 160 : index
    %get3A_821 = tpu.vector_load %arg14[%get3A_820] {strides = array<i32>} : memref<384xi32, #tpu.memory_space<vmem>>, vector<16xi32>,
    %get3A_822 = vector.shape_cast %get3A_821 : vector<16xi32> to vector<16xi32>
    %mul3A_823 = arith.constant 5000 : i32
    %mul3A_824 = vector.broadcast %mul3A_823 : i32 to vector<16xi32>
    %mul3A_825 = arith.muli %get3A_822, %mul3A_824 : vector<16xi32>
    %get3A_826 = arith.constant 160 : index
    %get3A_827 = tpu.vector_load %arg15[%get3A_826] {strides = array<i32>} : memref<384xi32, #tpu.memory_space<vmem>>, vector<16xi32>,
    %get3A_828 = vector.shape_cast %get3A_827 : vector<16xi32> to vector<16xi32>
    %add3A_829 = arith.addi %mul3A_825, %get3A_828 : vector<16xi32>
    %add3A_830 = vector.broadcast %mul3A_76 : i32 to vector<16xi32>
    %add3A_831 = arith.addi %add3A_829, %add3A_830 : vector<16xi32>
    %swap3A_832 = arith.constant 160 : index
    %swap3A_833 = tpu.vector_load %arg19[%swap3A_832] {strides = array<i32>} : memref<384xi32, #tpu.memory_space<vmem>>, vector<16xi32>,
    %swap3A_834 = vector.shape_cast %swap3A_833 : vector<16xi32> to vector<16xi32>
    %swap3A_835 = vector.shape_cast %add3A_831 : vector<16xi32> to vector<16xi32>
    tpu.vector_store %arg19[%swap3A_832], %swap3A_835 {strides = array<i32>} : memref<384xi32, #tpu.memory_space<vmem>>, vector<16xi32>,
    %get3A_836 = arith.constant 176 : index
    %get3A_837 = tpu.vector_load %arg14[%get3A_836] {strides = array<i32>} : memref<384xi32, #tpu.memory_space<vmem>>, vector<16xi32>,
    %get3A_838 = vector.shape_cast %get3A_837 : vector<16xi32> to vector<16xi32>
    %mul3A_839 = arith.constant 5000 : i32
    %mul3A_840 = vector.broadcast %mul3A_839 : i32 to vector<16xi32>
    %mul3A_841 = arith.muli %get3A_838, %mul3A_840 : vector<16xi32>
    %get3A_842 = arith.constant 176 : index
    %get3A_843 = tpu.vector_load %arg15[%get3A_842] {strides = array<i32>} : memref<384xi32, #tpu.memory_space<vmem>>, vector<16xi32>,
    %get3A_844 = vector.shape_cast %get3A_843 : vector<16xi32> to vector<16xi32>
    %add3A_845 = arith.addi %mul3A_841, %get3A_844 : vector<16xi32>
    %add3A_846 = vector.broadcast %mul3A_76 : i32 to vector<16xi32>
    %add3A_847 = arith.addi %add3A_845, %add3A_846 : vector<16xi32>
    %swap3A_848 = arith.constant 176 : index
    %swap3A_849 = tpu.vector_load %arg19[%swap3A_848] {strides = array<i32>} : memref<384xi32, #tpu.memory_space<vmem>>, vector<16xi32>,
    %swap3A_850 = vector.shape_cast %swap3A_849 : vector<16xi32> to vector<16xi32>
    %swap3A_851 = vector.shape_cast %add3A_847 : vector<16xi32> to vector<16xi32>
    tpu.vector_store %arg19[%swap3A_848], %swap3A_851 {strides = array<i32>} : memref<384xi32, #tpu.memory_space<vmem>>, vector<16xi32>,
    %get3A_852 = arith.constant 192 : index
    %get3A_853 = tpu.vector_load %arg14[%get3A_852] {strides = array<i32>} : memref<384xi32, #tpu.memory_space<vmem>>, vector<16xi32>,
    %get3A_854 = vector.shape_cast %get3A_853 : vector<16xi32> to vector<16xi32>
    %mul3A_855 = arith.constant 5000 : i32
    %mul3A_856 = vector.broadcast %mul3A_855 : i32 to vector<16xi32>
    %mul3A_857 = arith.muli %get3A_854, %mul3A_856 : vector<16xi32>
    %get3A_858 = arith.constant 192 : index
    %get3A_859 = tpu.vector_load %arg15[%get3A_858] {strides = array<i32>} : memref<384xi32, #tpu.memory_space<vmem>>, vector<16xi32>,
    %get3A_860 = vector.shape_cast %get3A_859 : vector<16xi32> to vector<16xi32>
    %add3A_861 = arith.addi %mul3A_857, %get3A_860 : vector<16xi32>
    %add3A_862 = vector.broadcast %mul3A_76 : i32 to vector<16xi32>
    %add3A_863 = arith.addi %add3A_861, %add3A_862 : vector<16xi32>
    %swap3A_864 = arith.constant 192 : index
    %swap3A_865 = tpu.vector_load %arg19[%swap3A_864] {strides = array<i32>} : memref<384xi32, #tpu.memory_space<vmem>>, vector<16xi32>,
    %swap3A_866 = vector.shape_cast %swap3A_865 : vector<16xi32> to vector<16xi32>
    %swap3A_867 = vector.shape_cast %add3A_863 : vector<16xi32> to vector<16xi32>
    tpu.vector_store %arg19[%swap3A_864], %swap3A_867 {strides = array<i32>} : memref<384xi32, #tpu.memory_space<vmem>>, vector<16xi32>,
    %get3A_868 = arith.constant 208 : index
    %get3A_869 = tpu.vector_load %arg14[%get3A_868] {strides = array<i32>} : memref<384xi32, #tpu.memory_space<vmem>>, vector<16xi32>,
    %get3A_870 = vector.shape_cast %get3A_869 : vector<16xi32> to vector<16xi32>
    %mul3A_871 = arith.constant 5000 : i32
    %mul3A_872 = vector.broadcast %mul3A_871 : i32 to vector<16xi32>
    %mul3A_873 = arith.muli %get3A_870, %mul3A_872 : vector<16xi32>
    %get3A_874 = arith.constant 208 : index
    %get3A_875 = tpu.vector_load %arg15[%get3A_874] {strides = array<i32>} : memref<384xi32, #tpu.memory_space<vmem>>, vector<16xi32>,
    %get3A_876 = vector.shape_cast %get3A_875 : vector<16xi32> to vector<16xi32>
    %add3A_877 = arith.addi %mul3A_873, %get3A_876 : vector<16xi32>
    %add3A_878 = vector.broadcast %mul3A_76 : i32 to vector<16xi32>
    %add3A_879 = arith.addi %add3A_877, %add3A_878 : vector<16xi32>
    %swap3A_880 = arith.constant 208 : index
    %swap3A_881 = tpu.vector_load %arg19[%swap3A_880] {strides = array<i32>} : memref<384xi32, #tpu.memory_space<vmem>>, vector<16xi32>,
    %swap3A_882 = vector.shape_cast %swap3A_881 : vector<16xi32> to vector<16xi32>
    %swap3A_883 = vector.shape_cast %add3A_879 : vector<16xi32> to vector<16xi32>
    tpu.vector_store %arg19[%swap3A_880], %swap3A_883 {strides = array<i32>} : memref<384xi32, #tpu.memory_space<vmem>>, vector<16xi32>,
    %get3A_884 = arith.constant 224 : index
    %get3A_885 = tpu.vector_load %arg14[%get3A_884] {strides = array<i32>} : memref<384xi32, #tpu.memory_space<vmem>>, vector<16xi32>,
    %get3A_886 = vector.shape_cast %get3A_885 : vector<16xi32> to vector<16xi32>
    %mul3A_887 = arith.constant 5000 : i32
    %mul3A_888 = vector.broadcast %mul3A_887 : i32 to vector<16xi32>
    %mul3A_889 = arith.muli %get3A_886, %mul3A_888 : vector<16xi32>
    %get3A_890 = arith.constant 224 : index
    %get3A_891 = tpu.vector_load %arg15[%get3A_890] {strides = array<i32>} : memref<384xi32, #tpu.memory_space<vmem>>, vector<16xi32>,
    %get3A_892 = vector.shape_cast %get3A_891 : vector<16xi32> to vector<16xi32>
    %add3A_893 = arith.addi %mul3A_889, %get3A_892 : vector<16xi32>
    %add3A_894 = vector.broadcast %mul3A_76 : i32 to vector<16xi32>
    %add3A_895 = arith.addi %add3A_893, %add3A_894 : vector<16xi32>
    %swap3A_896 = arith.constant 224 : index
    %swap3A_897 = tpu.vector_load %arg19[%swap3A_896] {strides = array<i32>} : memref<384xi32, #tpu.memory_space<vmem>>, vector<16xi32>,
    %swap3A_898 = vector.shape_cast %swap3A_897 : vector<16xi32> to vector<16xi32>
    %swap3A_899 = vector.shape_cast %add3A_895 : vector<16xi32> to vector<16xi32>
    tpu.vector_store %arg19[%swap3A_896], %swap3A_899 {strides = array<i32>} : memref<384xi32, #tpu.memory_space<vmem>>, vector<16xi32>,
    %get3A_900 = arith.constant 240 : index
    %get3A_901 = tpu.vector_load %arg14[%get3A_900] {strides = array<i32>} : memref<384xi32, #tpu.memory_space<vmem>>, vector<16xi32>,
    %get3A_902 = vector.shape_cast %get3A_901 : vector<16xi32> to vector<16xi32>
    %mul3A_903 = arith.constant 5000 : i32
    %mul3A_904 = vector.broadcast %mul3A_903 : i32 to vector<16xi32>
    %mul3A_905 = arith.muli %get3A_902, %mul3A_904 : vector<16xi32>
    %get3A_906 = arith.constant 240 : index
    %get3A_907 = tpu.vector_load %arg15[%get3A_906] {strides = array<i32>} : memref<384xi32, #tpu.memory_space<vmem>>, vector<16xi32>,
    %get3A_908 = vector.shape_cast %get3A_907 : vector<16xi32> to vector<16xi32>
    %add3A_909 = arith.addi %mul3A_905, %get3A_908 : vector<16xi32>
    %add3A_910 = vector.broadcast %mul3A_76 : i32 to vector<16xi32>
    %add3A_911 = arith.addi %add3A_909, %add3A_910 : vector<16xi32>
    %swap3A_912 = arith.constant 240 : index
    %swap3A_913 = tpu.vector_load %arg19[%swap3A_912] {strides = array<i32>} : memref<384xi32, #tpu.memory_space<vmem>>, vector<16xi32>,
    %swap3A_914 = vector.shape_cast %swap3A_913 : vector<16xi32> to vector<16xi32>
    %swap3A_915 = vector.shape_cast %add3A_911 : vector<16xi32> to vector<16xi32>
    tpu.vector_store %arg19[%swap3A_912], %swap3A_915 {strides = array<i32>} : memref<384xi32, #tpu.memory_space<vmem>>, vector<16xi32>,
    %get3A_916 = arith.constant 256 : index
    %get3A_917 = tpu.vector_load %arg14[%get3A_916] {strides = array<i32>} : memref<384xi32, #tpu.memory_space<vmem>>, vector<16xi32>,
    %get3A_918 = vector.shape_cast %get3A_917 : vector<16xi32> to vector<16xi32>
    %mul3A_919 = arith.constant 5000 : i32
    %mul3A_920 = vector.broadcast %mul3A_919 : i32 to vector<16xi32>
    %mul3A_921 = arith.muli %get3A_918, %mul3A_920 : vector<16xi32>
    %get3A_922 = arith.constant 256 : index
    %get3A_923 = tpu.vector_load %arg15[%get3A_922] {strides = array<i32>} : memref<384xi32, #tpu.memory_space<vmem>>, vector<16xi32>,
    %get3A_924 = vector.shape_cast %get3A_923 : vector<16xi32> to vector<16xi32>
    %add3A_925 = arith.addi %mul3A_921, %get3A_924 : vector<16xi32>
    %add3A_926 = vector.broadcast %mul3A_76 : i32 to vector<16xi32>
    %add3A_927 = arith.addi %add3A_925, %add3A_926 : vector<16xi32>
    %swap3A_928 = arith.constant 256 : index
    %swap3A_929 = tpu.vector_load %arg19[%swap3A_928] {strides = array<i32>} : memref<384xi32, #tpu.memory_space<vmem>>, vector<16xi32>,
    %swap3A_930 = vector.shape_cast %swap3A_929 : vector<16xi32> to vector<16xi32>
    %swap3A_931 = vector.shape_cast %add3A_927 : vector<16xi32> to vector<16xi32>
    tpu.vector_store %arg19[%swap3A_928], %swap3A_931 {strides = array<i32>} : memref<384xi32, #tpu.memory_space<vmem>>, vector<16xi32>,
    %get3A_932 = arith.constant 272 : index
    %get3A_933 = tpu.vector_load %arg14[%get3A_932] {strides = array<i32>} : memref<384xi32, #tpu.memory_space<vmem>>, vector<16xi32>,
    %get3A_934 = vector.shape_cast %get3A_933 : vector<16xi32> to vector<16xi32>
    %mul3A_935 = arith.constant 5000 : i32
    %mul3A_936 = vector.broadcast %mul3A_935 : i32 to vector<16xi32>
    %mul3A_937 = arith.muli %get3A_934, %mul3A_936 : vector<16xi32>
    %get3A_938 = arith.constant 272 : index
    %get3A_939 = tpu.vector_load %arg15[%get3A_938] {strides = array<i32>} : memref<384xi32, #tpu.memory_space<vmem>>, vector<16xi32>,
    %get3A_940 = vector.shape_cast %get3A_939 : vector<16xi32> to vector<16xi32>
    %add3A_941 = arith.addi %mul3A_937, %get3A_940 : vector<16xi32>
    %add3A_942 = vector.broadcast %mul3A_76 : i32 to vector<16xi32>
    %add3A_943 = arith.addi %add3A_941, %add3A_942 : vector<16xi32>
    %swap3A_944 = arith.constant 272 : index
    %swap3A_945 = tpu.vector_load %arg19[%swap3A_944] {strides = array<i32>} : memref<384xi32, #tpu.memory_space<vmem>>, vector<16xi32>,
    %swap3A_946 = vector.shape_cast %swap3A_945 : vector<16xi32> to vector<16xi32>
    %swap3A_947 = vector.shape_cast %add3A_943 : vector<16xi32> to vector<16xi32>
    tpu.vector_store %arg19[%swap3A_944], %swap3A_947 {strides = array<i32>} : memref<384xi32, #tpu.memory_space<vmem>>, vector<16xi32>,
    %get3A_948 = arith.constant 288 : index
    %get3A_949 = tpu.vector_load %arg14[%get3A_948] {strides = array<i32>} : memref<384xi32, #tpu.memory_space<vmem>>, vector<16xi32>,
    %get3A_950 = vector.shape_cast %get3A_949 : vector<16xi32> to vector<16xi32>
    %mul3A_951 = arith.constant 5000 : i32
    %mul3A_952 = vector.broadcast %mul3A_951 : i32 to vector<16xi32>
    %mul3A_953 = arith.muli %get3A_950, %mul3A_952 : vector<16xi32>
    %get3A_954 = arith.constant 288 : index
    %get3A_955 = tpu.vector_load %arg15[%get3A_954] {strides = array<i32>} : memref<384xi32, #tpu.memory_space<vmem>>, vector<16xi32>,
    %get3A_956 = vector.shape_cast %get3A_955 : vector<16xi32> to vector<16xi32>
    %add3A_957 = arith.addi %mul3A_953, %get3A_956 : vector<16xi32>
    %add3A_958 = vector.broadcast %mul3A_76 : i32 to vector<16xi32>
    %add3A_959 = arith.addi %add3A_957, %add3A_958 : vector<16xi32>
    %swap3A_960 = arith.constant 288 : index
    %swap3A_961 = tpu.vector_load %arg19[%swap3A_960] {strides = array<i32>} : memref<384xi32, #tpu.memory_space<vmem>>, vector<16xi32>,
    %swap3A_962 = vector.shape_cast %swap3A_961 : vector<16xi32> to vector<16xi32>
    %swap3A_963 = vector.shape_cast %add3A_959 : vector<16xi32> to vector<16xi32>
    tpu.vector_store %arg19[%swap3A_960], %swap3A_963 {strides = array<i32>} : memref<384xi32, #tpu.memory_space<vmem>>, vector<16xi32>,
    %get3A_964 = arith.constant 304 : index
    %get3A_965 = tpu.vector_load %arg14[%get3A_964] {strides = array<i32>} : memref<384xi32, #tpu.memory_space<vmem>>, vector<16xi32>,
    %get3A_966 = vector.shape_cast %get3A_965 : vector<16xi32> to vector<16xi32>
    %mul3A_967 = arith.constant 5000 : i32
    %mul3A_968 = vector.broadcast %mul3A_967 : i32 to vector<16xi32>
    %mul3A_969 = arith.muli %get3A_966, %mul3A_968 : vector<16xi32>
    %get3A_970 = arith.constant 304 : index
    %get3A_971 = tpu.vector_load %arg15[%get3A_970] {strides = array<i32>} : memref<384xi32, #tpu.memory_space<vmem>>, vector<16xi32>,
    %get3A_972 = vector.shape_cast %get3A_971 : vector<16xi32> to vector<16xi32>
    %add3A_973 = arith.addi %mul3A_969, %get3A_972 : vector<16xi32>
    %add3A_974 = vector.broadcast %mul3A_76 : i32 to vector<16xi32>
    %add3A_975 = arith.addi %add3A_973, %add3A_974 : vector<16xi32>
    %swap3A_976 = arith.constant 304 : index
    %swap3A_977 = tpu.vector_load %arg19[%swap3A_976] {strides = array<i32>} : memref<384xi32, #tpu.memory_space<vmem>>, vector<16xi32>,
    %swap3A_978 = vector.shape_cast %swap3A_977 : vector<16xi32> to vector<16xi32>
    %swap3A_979 = vector.shape_cast %add3A_975 : vector<16xi32> to vector<16xi32>
    tpu.vector_store %arg19[%swap3A_976], %swap3A_979 {strides = array<i32>} : memref<384xi32, #tpu.memory_space<vmem>>, vector<16xi32>,
    %get3A_980 = arith.constant 320 : index
    %get3A_981 = tpu.vector_load %arg14[%get3A_980] {strides = array<i32>} : memref<384xi32, #tpu.memory_space<vmem>>, vector<16xi32>,
    %get3A_982 = vector.shape_cast %get3A_981 : vector<16xi32> to vector<16xi32>
    %mul3A_983 = arith.constant 5000 : i32
    %mul3A_984 = vector.broadcast %mul3A_983 : i32 to vector<16xi32>
    %mul3A_985 = arith.muli %get3A_982, %mul3A_984 : vector<16xi32>
    %get3A_986 = arith.constant 320 : index
    %get3A_987 = tpu.vector_load %arg15[%get3A_986] {strides = array<i32>} : memref<384xi32, #tpu.memory_space<vmem>>, vector<16xi32>,
    %get3A_988 = vector.shape_cast %get3A_987 : vector<16xi32> to vector<16xi32>
    %add3A_989 = arith.addi %mul3A_985, %get3A_988 : vector<16xi32>
    %add3A_990 = vector.broadcast %mul3A_76 : i32 to vector<16xi32>
    %add3A_991 = arith.addi %add3A_989, %add3A_990 : vector<16xi32>
    %swap3A_992 = arith.constant 320 : index
    %swap3A_993 = tpu.vector_load %arg19[%swap3A_992] {strides = array<i32>} : memref<384xi32, #tpu.memory_space<vmem>>, vector<16xi32>,
    %swap3A_994 = vector.shape_cast %swap3A_993 : vector<16xi32> to vector<16xi32>
    %swap3A_995 = vector.shape_cast %add3A_991 : vector<16xi32> to vector<16xi32>
    tpu.vector_store %arg19[%swap3A_992], %swap3A_995 {strides = array<i32>} : memref<384xi32, #tpu.memory_space<vmem>>, vector<16xi32>,
    %get3A_996 = arith.constant 336 : index
    %get3A_997 = tpu.vector_load %arg14[%get3A_996] {strides = array<i32>} : memref<384xi32, #tpu.memory_space<vmem>>, vector<16xi32>,
    %get3A_998 = vector.shape_cast %get3A_997 : vector<16xi32> to vector<16xi32>
    %mul3A_999 = arith.constant 5000 : i32
    %mul3A_1000 = vector.broadcast %mul3A_999 : i32 to vector<16xi32>
    %mul3A_1001 = arith.muli %get3A_998, %mul3A_1000 : vector<16xi32>
    %get3A_1002 = arith.constant 336 : index
    %get3A_1003 = tpu.vector_load %arg15[%get3A_1002] {strides = array<i32>} : memref<384xi32, #tpu.memory_space<vmem>>, vector<16xi32>,
    %get3A_1004 = vector.shape_cast %get3A_1003 : vector<16xi32> to vector<16xi32>
    %add3A_1005 = arith.addi %mul3A_1001, %get3A_1004 : vector<16xi32>
    %add3A_1006 = vector.broadcast %mul3A_76 : i32 to vector<16xi32>
    %add3A_1007 = arith.addi %add3A_1005, %add3A_1006 : vector<16xi32>
    %swap3A_1008 = arith.constant 336 : index
    %swap3A_1009 = tpu.vector_load %arg19[%swap3A_1008] {strides = array<i32>} : memref<384xi32, #tpu.memory_space<vmem>>, vector<16xi32>,
    %swap3A_1010 = vector.shape_cast %swap3A_1009 : vector<16xi32> to vector<16xi32>
    %swap3A_1011 = vector.shape_cast %add3A_1007 : vector<16xi32> to vector<16xi32>
    tpu.vector_store %arg19[%swap3A_1008], %swap3A_1011 {strides = array<i32>} : memref<384xi32, #tpu.memory_space<vmem>>, vector<16xi32>,
    %get3A_1012 = arith.constant 352 : index
    %get3A_1013 = tpu.vector_load %arg14[%get3A_1012] {strides = array<i32>} : memref<384xi32, #tpu.memory_space<vmem>>, vector<16xi32>,
    %get3A_1014 = vector.shape_cast %get3A_1013 : vector<16xi32> to vector<16xi32>
    %mul3A_1015 = arith.constant 5000 : i32
    %mul3A_1016 = vector.broadcast %mul3A_1015 : i32 to vector<16xi32>
    %mul3A_1017 = arith.muli %get3A_1014, %mul3A_1016 : vector<16xi32>
    %get3A_1018 = arith.constant 352 : index
    %get3A_1019 = tpu.vector_load %arg15[%get3A_1018] {strides = array<i32>} : memref<384xi32, #tpu.memory_space<vmem>>, vector<16xi32>,
    %get3A_1020 = vector.shape_cast %get3A_1019 : vector<16xi32> to vector<16xi32>
    %add3A_1021 = arith.addi %mul3A_1017, %get3A_1020 : vector<16xi32>
    %add3A_1022 = vector.broadcast %mul3A_76 : i32 to vector<16xi32>
    %add3A_1023 = arith.addi %add3A_1021, %add3A_1022 : vector<16xi32>
    %swap3A_1024 = arith.constant 352 : index
    %swap3A_1025 = tpu.vector_load %arg19[%swap3A_1024] {strides = array<i32>} : memref<384xi32, #tpu.memory_space<vmem>>, vector<16xi32>,
    %swap3A_1026 = vector.shape_cast %swap3A_1025 : vector<16xi32> to vector<16xi32>
    %swap3A_1027 = vector.shape_cast %add3A_1023 : vector<16xi32> to vector<16xi32>
    tpu.vector_store %arg19[%swap3A_1024], %swap3A_1027 {strides = array<i32>} : memref<384xi32, #tpu.memory_space<vmem>>, vector<16xi32>,
    %get3A_1028 = arith.constant 368 : index
    %get3A_1029 = tpu.vector_load %arg14[%get3A_1028] {strides = array<i32>} : memref<384xi32, #tpu.memory_space<vmem>>, vector<16xi32>,
    %get3A_1030 = vector.shape_cast %get3A_1029 : vector<16xi32> to vector<16xi32>
    %mul3A_1031 = arith.constant 5000 : i32
    %mul3A_1032 = vector.broadcast %mul3A_1031 : i32 to vector<16xi32>
    %mul3A_1033 = arith.muli %get3A_1030, %mul3A_1032 : vector<16xi32>
    %get3A_1034 = arith.constant 368 : index
    %get3A_1035 = tpu.vector_load %arg15[%get3A_1034] {strides = array<i32>} : memref<384xi32, #tpu.memory_space<vmem>>, vector<16xi32>,
    %get3A_1036 = vector.shape_cast %get3A_1035 : vector<16xi32> to vector<16xi32>
    %add3A_1037 = arith.addi %mul3A_1033, %get3A_1036 : vector<16xi32>
    %add3A_1038 = vector.broadcast %mul3A_76 : i32 to vector<16xi32>
    %add3A_1039 = arith.addi %add3A_1037, %add3A_1038 : vector<16xi32>
    %swap3A_1040 = arith.constant 368 : index
    %swap3A_1041 = tpu.vector_load %arg19[%swap3A_1040] {strides = array<i32>} : memref<384xi32, #tpu.memory_space<vmem>>, vector<16xi32>,
    %swap3A_1042 = vector.shape_cast %swap3A_1041 : vector<16xi32> to vector<16xi32>
    %swap3A_1043 = vector.shape_cast %add3A_1039 : vector<16xi32> to vector<16xi32>
    tpu.vector_store %arg19[%swap3A_1040], %swap3A_1043 {strides = array<i32>} : memref<384xi32, #tpu.memory_space<vmem>>, vector<16xi32>,
    %get3A_1044 = arith.constant 0 : index
    %get3A_1045 = tpu.vector_load %arg16[%get3A_1044] {strides = array<i32>} : memref<1280xi32, #tpu.memory_space<vmem>>, vector<16xi32>,
    %get3A_1046 = vector.shape_cast %get3A_1045 : vector<16xi32> to vector<16xi32>
    %mul3A_1047 = arith.constant 5000 : i32
    %mul3A_1048 = vector.broadcast %mul3A_1047 : i32 to vector<16xi32>
    %mul3A_1049 = arith.muli %get3A_1046, %mul3A_1048 : vector<16xi32>
    %get3A_1050 = arith.constant 0 : index
    %get3A_1051 = tpu.vector_load %arg17[%get3A_1050] {strides = array<i32>} : memref<1280xi32, #tpu.memory_space<vmem>>, vector<16xi32>,
    %get3A_1052 = vector.shape_cast %get3A_1051 : vector<16xi32> to vector<16xi32>
    %add3A_1053 = arith.addi %mul3A_1049, %get3A_1052 : vector<16xi32>
    %add3A_1054 = vector.broadcast %mul3A_76 : i32 to vector<16xi32>
    %add3A_1055 = arith.addi %add3A_1053, %add3A_1054 : vector<16xi32>
    %add3A_1056 = arith.constant 25012288 : i32
    %add3A_1057 = arith.addi %mul3A_76, %add3A_1056 : i32
    %mul3A_1058 = arith.constant 1280 : i32
    %mul3A_1059 = arith.muli %arg1, %mul3A_1058 : i32
    %add3A_1060 = arith.addi %add3A_1057, %mul3A_1059 : i32
    %add3A_1061 = arith.constant 0 : i32
    %add3A_1062 = arith.addi %add3A_1060, %add3A_1061 : i32
    %add3A_1063 = vector.broadcast %add3A_1062 : i32 to vector<16xi32>
    %add3A_1064 = arith.addi %add3A_1063, %iota3A : vector<16xi32>
    %get3A_1065 = arith.constant 0 : index
    %get3A_1066 = tpu.vector_load %arg18[%get3A_1065] {strides = array<i32>} : memref<1280xf32, #tpu.memory_space<vmem>>, vector<16xf32>,
    %get3A_1067 = vector.shape_cast %get3A_1066 : vector<16xf32> to vector<16xf32>
    %gt3A = arith.constant 1.000000e-01 : f32
    %gt3A_1068 = vector.broadcast %gt3A : f32 to vector<16xf32>
    %gt3A_1069 = arith.cmpf ogt, %get3A_1067, %gt3A_1068 : vector<16xf32>
    %select_n3A = arith.select %gt3A_1069, %add3A_1055, %add3A_1064 : vector<16xi1>, vector<16xi32>
    %swap3A_1070 = arith.constant 0 : index
    %swap3A_1071 = tpu.vector_load %arg20[%swap3A_1070] {strides = array<i32>} : memref<1280xi32, #tpu.memory_space<vmem>>, vector<16xi32>,
    %swap3A_1072 = vector.shape_cast %swap3A_1071 : vector<16xi32> to vector<16xi32>
    %swap3A_1073 = vector.shape_cast %select_n3A : vector<16xi32> to vector<16xi32>
    tpu.vector_store %arg20[%swap3A_1070], %swap3A_1073 {strides = array<i32>} : memref<1280xi32, #tpu.memory_space<vmem>>, vector<16xi32>,
    %get3A_1074 = arith.constant 16 : index
    %get3A_1075 = tpu.vector_load %arg16[%get3A_1074] {strides = array<i32>} : memref<1280xi32, #tpu.memory_space<vmem>>, vector<16xi32>,
    %get3A_1076 = vector.shape_cast %get3A_1075 : vector<16xi32> to vector<16xi32>
    %mul3A_1077 = arith.constant 5000 : i32
    %mul3A_1078 = vector.broadcast %mul3A_1077 : i32 to vector<16xi32>
    %mul3A_1079 = arith.muli %get3A_1076, %mul3A_1078 : vector<16xi32>
    %get3A_1080 = arith.constant 16 : index
    %get3A_1081 = tpu.vector_load %arg17[%get3A_1080] {strides = array<i32>} : memref<1280xi32, #tpu.memory_space<vmem>>, vector<16xi32>,
    %get3A_1082 = vector.shape_cast %get3A_1081 : vector<16xi32> to vector<16xi32>
    %add3A_1083 = arith.addi %mul3A_1079, %get3A_1082 : vector<16xi32>
    %add3A_1084 = vector.broadcast %mul3A_76 : i32 to vector<16xi32>
    %add3A_1085 = arith.addi %add3A_1083, %add3A_1084 : vector<16xi32>
    %add3A_1086 = arith.constant 25012288 : i32
    %add3A_1087 = arith.addi %mul3A_76, %add3A_1086 : i32
    %mul3A_1088 = arith.constant 1280 : i32
    %mul3A_1089 = arith.muli %arg1, %mul3A_1088 : i32
    %add3A_1090 = arith.addi %add3A_1087, %mul3A_1089 : i32
    %add3A_1091 = arith.constant 16 : i32
    %add3A_1092 = arith.addi %add3A_1090, %add3A_1091 : i32
    %add3A_1093 = vector.broadcast %add3A_1092 : i32 to vector<16xi32>
    %add3A_1094 = arith.addi %add3A_1093, %iota3A : vector<16xi32>
    %get3A_1095 = arith.constant 16 : index
    %get3A_1096 = tpu.vector_load %arg18[%get3A_1095] {strides = array<i32>} : memref<1280xf32, #tpu.memory_space<vmem>>, vector<16xf32>,
    %get3A_1097 = vector.shape_cast %get3A_1096 : vector<16xf32> to vector<16xf32>
    %gt3A_1098 = arith.constant 1.000000e-01 : f32
    %gt3A_1099 = vector.broadcast %gt3A_1098 : f32 to vector<16xf32>
    %gt3A_1100 = arith.cmpf ogt, %get3A_1097, %gt3A_1099 : vector<16xf32>
    %select_n3A_1101 = arith.select %gt3A_1100, %add3A_1085, %add3A_1094 : vector<16xi1>, vector<16xi32>
    %swap3A_1102 = arith.constant 16 : index
    %swap3A_1103 = tpu.vector_load %arg20[%swap3A_1102] {strides = array<i32>} : memref<1280xi32, #tpu.memory_space<vmem>>, vector<16xi32>,
    %swap3A_1104 = vector.shape_cast %swap3A_1103 : vector<16xi32> to vector<16xi32>
    %swap3A_1105 = vector.shape_cast %select_n3A_1101 : vector<16xi32> to vector<16xi32>
    tpu.vector_store %arg20[%swap3A_1102], %swap3A_1105 {strides = array<i32>} : memref<1280xi32, #tpu.memory_space<vmem>>, vector<16xi32>,
    %get3A_1106 = arith.constant 32 : index
    %get3A_1107 = tpu.vector_load %arg16[%get3A_1106] {strides = array<i32>} : memref<1280xi32, #tpu.memory_space<vmem>>, vector<16xi32>,
    %get3A_1108 = vector.shape_cast %get3A_1107 : vector<16xi32> to vector<16xi32>
    %mul3A_1109 = arith.constant 5000 : i32
    %mul3A_1110 = vector.broadcast %mul3A_1109 : i32 to vector<16xi32>
    %mul3A_1111 = arith.muli %get3A_1108, %mul3A_1110 : vector<16xi32>
    %get3A_1112 = arith.constant 32 : index
    %get3A_1113 = tpu.vector_load %arg17[%get3A_1112] {strides = array<i32>} : memref<1280xi32, #tpu.memory_space<vmem>>, vector<16xi32>,
    %get3A_1114 = vector.shape_cast %get3A_1113 : vector<16xi32> to vector<16xi32>
    %add3A_1115 = arith.addi %mul3A_1111, %get3A_1114 : vector<16xi32>
    %add3A_1116 = vector.broadcast %mul3A_76 : i32 to vector<16xi32>
    %add3A_1117 = arith.addi %add3A_1115, %add3A_1116 : vector<16xi32>
    %add3A_1118 = arith.constant 25012288 : i32
    %add3A_1119 = arith.addi %mul3A_76, %add3A_1118 : i32
    %mul3A_1120 = arith.constant 1280 : i32
    %mul3A_1121 = arith.muli %arg1, %mul3A_1120 : i32
    %add3A_1122 = arith.addi %add3A_1119, %mul3A_1121 : i32
    %add3A_1123 = arith.constant 32 : i32
    %add3A_1124 = arith.addi %add3A_1122, %add3A_1123 : i32
    %add3A_1125 = vector.broadcast %add3A_1124 : i32 to vector<16xi32>
    %add3A_1126 = arith.addi %add3A_1125, %iota3A : vector<16xi32>
    %get3A_1127 = arith.constant 32 : index
    %get3A_1128 = tpu.vector_load %arg18[%get3A_1127] {strides = array<i32>} : memref<1280xf32, #tpu.memory_space<vmem>>, vector<16xf32>,
    %get3A_1129 = vector.shape_cast %get3A_1128 : vector<16xf32> to vector<16xf32>
    %gt3A_1130 = arith.constant 1.000000e-01 : f32
    %gt3A_1131 = vector.broadcast %gt3A_1130 : f32 to vector<16xf32>
    %gt3A_1132 = arith.cmpf ogt, %get3A_1129, %gt3A_1131 : vector<16xf32>
    %select_n3A_1133 = arith.select %gt3A_1132, %add3A_1117, %add3A_1126 : vector<16xi1>, vector<16xi32>
    %swap3A_1134 = arith.constant 32 : index
    %swap3A_1135 = tpu.vector_load %arg20[%swap3A_1134] {strides = array<i32>} : memref<1280xi32, #tpu.memory_space<vmem>>, vector<16xi32>,
    %swap3A_1136 = vector.shape_cast %swap3A_1135 : vector<16xi32> to vector<16xi32>
    %swap3A_1137 = vector.shape_cast %select_n3A_1133 : vector<16xi32> to vector<16xi32>
    tpu.vector_store %arg20[%swap3A_1134], %swap3A_1137 {strides = array<i32>} : memref<1280xi32, #tpu.memory_space<vmem>>, vector<16xi32>,
    %get3A_1138 = arith.constant 48 : index
    %get3A_1139 = tpu.vector_load %arg16[%get3A_1138] {strides = array<i32>} : memref<1280xi32, #tpu.memory_space<vmem>>, vector<16xi32>,
    %get3A_1140 = vector.shape_cast %get3A_1139 : vector<16xi32> to vector<16xi32>
    %mul3A_1141 = arith.constant 5000 : i32
    %mul3A_1142 = vector.broadcast %mul3A_1141 : i32 to vector<16xi32>
    %mul3A_1143 = arith.muli %get3A_1140, %mul3A_1142 : vector<16xi32>
    %get3A_1144 = arith.constant 48 : index
    %get3A_1145 = tpu.vector_load %arg17[%get3A_1144] {strides = array<i32>} : memref<1280xi32, #tpu.memory_space<vmem>>, vector<16xi32>,
    %get3A_1146 = vector.shape_cast %get3A_1145 : vector<16xi32> to vector<16xi32>
    %add3A_1147 = arith.addi %mul3A_1143, %get3A_1146 : vector<16xi32>
    %add3A_1148 = vector.broadcast %mul3A_76 : i32 to vector<16xi32>
    %add3A_1149 = arith.addi %add3A_1147, %add3A_1148 : vector<16xi32>
    %add3A_1150 = arith.constant 25012288 : i32
    %add3A_1151 = arith.addi %mul3A_76, %add3A_1150 : i32
    %mul3A_1152 = arith.constant 1280 : i32
    %mul3A_1153 = arith.muli %arg1, %mul3A_1152 : i32
    %add3A_1154 = arith.addi %add3A_1151, %mul3A_1153 : i32
    %add3A_1155 = arith.constant 48 : i32
    %add3A_1156 = arith.addi %add3A_1154, %add3A_1155 : i32
    %add3A_1157 = vector.broadcast %add3A_1156 : i32 to vector<16xi32>
    %add3A_1158 = arith.addi %add3A_1157, %iota3A : vector<16xi32>
    %get3A_1159 = arith.constant 48 : index
    %get3A_1160 = tpu.vector_load %arg18[%get3A_1159] {strides = array<i32>} : memref<1280xf32, #tpu.memory_space<vmem>>, vector<16xf32>,
    %get3A_1161 = vector.shape_cast %get3A_1160 : vector<16xf32> to vector<16xf32>
    %gt3A_1162 = arith.constant 1.000000e-01 : f32
    %gt3A_1163 = vector.broadcast %gt3A_1162 : f32 to vector<16xf32>
    %gt3A_1164 = arith.cmpf ogt, %get3A_1161, %gt3A_1163 : vector<16xf32>
    %select_n3A_1165 = arith.select %gt3A_1164, %add3A_1149, %add3A_1158 : vector<16xi1>, vector<16xi32>
    %swap3A_1166 = arith.constant 48 : index
    %swap3A_1167 = tpu.vector_load %arg20[%swap3A_1166] {strides = array<i32>} : memref<1280xi32, #tpu.memory_space<vmem>>, vector<16xi32>,
    %swap3A_1168 = vector.shape_cast %swap3A_1167 : vector<16xi32> to vector<16xi32>
    %swap3A_1169 = vector.shape_cast %select_n3A_1165 : vector<16xi32> to vector<16xi32>
    tpu.vector_store %arg20[%swap3A_1166], %swap3A_1169 {strides = array<i32>} : memref<1280xi32, #tpu.memory_space<vmem>>, vector<16xi32>,
    %get3A_1170 = arith.constant 64 : index
    %get3A_1171 = tpu.vector_load %arg16[%get3A_1170] {strides = array<i32>} : memref<1280xi32, #tpu.memory_space<vmem>>, vector<16xi32>,
    %get3A_1172 = vector.shape_cast %get3A_1171 : vector<16xi32> to vector<16xi32>
    %mul3A_1173 = arith.constant 5000 : i32
    %mul3A_1174 = vector.broadcast %mul3A_1173 : i32 to vector<16xi32>
    %mul3A_1175 = arith.muli %get3A_1172, %mul3A_1174 : vector<16xi32>
    %get3A_1176 = arith.constant 64 : index
    %get3A_1177 = tpu.vector_load %arg17[%get3A_1176] {strides = array<i32>} : memref<1280xi32, #tpu.memory_space<vmem>>, vector<16xi32>,
    %get3A_1178 = vector.shape_cast %get3A_1177 : vector<16xi32> to vector<16xi32>
    %add3A_1179 = arith.addi %mul3A_1175, %get3A_1178 : vector<16xi32>
    %add3A_1180 = vector.broadcast %mul3A_76 : i32 to vector<16xi32>
    %add3A_1181 = arith.addi %add3A_1179, %add3A_1180 : vector<16xi32>
    %add3A_1182 = arith.constant 25012288 : i32
    %add3A_1183 = arith.addi %mul3A_76, %add3A_1182 : i32
    %mul3A_1184 = arith.constant 1280 : i32
    %mul3A_1185 = arith.muli %arg1, %mul3A_1184 : i32
    %add3A_1186 = arith.addi %add3A_1183, %mul3A_1185 : i32
    %add3A_1187 = arith.constant 64 : i32
    %add3A_1188 = arith.addi %add3A_1186, %add3A_1187 : i32
    %add3A_1189 = vector.broadcast %add3A_1188 : i32 to vector<16xi32>
    %add3A_1190 = arith.addi %add3A_1189, %iota3A : vector<16xi32>
    %get3A_1191 = arith.constant 64 : index
    %get3A_1192 = tpu.vector_load %arg18[%get3A_1191] {strides = array<i32>} : memref<1280xf32, #tpu.memory_space<vmem>>, vector<16xf32>,
    %get3A_1193 = vector.shape_cast %get3A_1192 : vector<16xf32> to vector<16xf32>
    %gt3A_1194 = arith.constant 1.000000e-01 : f32
    %gt3A_1195 = vector.broadcast %gt3A_1194 : f32 to vector<16xf32>
    %gt3A_1196 = arith.cmpf ogt, %get3A_1193, %gt3A_1195 : vector<16xf32>
    %select_n3A_1197 = arith.select %gt3A_1196, %add3A_1181, %add3A_1190 : vector<16xi1>, vector<16xi32>
    %swap3A_1198 = arith.constant 64 : index
    %swap3A_1199 = tpu.vector_load %arg20[%swap3A_1198] {strides = array<i32>} : memref<1280xi32, #tpu.memory_space<vmem>>, vector<16xi32>,
    %swap3A_1200 = vector.shape_cast %swap3A_1199 : vector<16xi32> to vector<16xi32>
    %swap3A_1201 = vector.shape_cast %select_n3A_1197 : vector<16xi32> to vector<16xi32>
    tpu.vector_store %arg20[%swap3A_1198], %swap3A_1201 {strides = array<i32>} : memref<1280xi32, #tpu.memory_space<vmem>>, vector<16xi32>,
    %get3A_1202 = arith.constant 80 : index
    %get3A_1203 = tpu.vector_load %arg16[%get3A_1202] {strides = array<i32>} : memref<1280xi32, #tpu.memory_space<vmem>>, vector<16xi32>,
    %get3A_1204 = vector.shape_cast %get3A_1203 : vector<16xi32> to vector<16xi32>
    %mul3A_1205 = arith.constant 5000 : i32
    %mul3A_1206 = vector.broadcast %mul3A_1205 : i32 to vector<16xi32>
    %mul3A_1207 = arith.muli %get3A_1204, %mul3A_1206 : vector<16xi32>
    %get3A_1208 = arith.constant 80 : index
    %get3A_1209 = tpu.vector_load %arg17[%get3A_1208] {strides = array<i32>} : memref<1280xi32, #tpu.memory_space<vmem>>, vector<16xi32>,
    %get3A_1210 = vector.shape_cast %get3A_1209 : vector<16xi32> to vector<16xi32>
    %add3A_1211 = arith.addi %mul3A_1207, %get3A_1210 : vector<16xi32>
    %add3A_1212 = vector.broadcast %mul3A_76 : i32 to vector<16xi32>
    %add3A_1213 = arith.addi %add3A_1211, %add3A_1212 : vector<16xi32>
    %add3A_1214 = arith.constant 25012288 : i32
    %add3A_1215 = arith.addi %mul3A_76, %add3A_1214 : i32
    %mul3A_1216 = arith.constant 1280 : i32
    %mul3A_1217 = arith.muli %arg1, %mul3A_1216 : i32
    %add3A_1218 = arith.addi %add3A_1215, %mul3A_1217 : i32
    %add3A_1219 = arith.constant 80 : i32
    %add3A_1220 = arith.addi %add3A_1218, %add3A_1219 : i32
    %add3A_1221 = vector.broadcast %add3A_1220 : i32 to vector<16xi32>
    %add3A_1222 = arith.addi %add3A_1221, %iota3A : vector<16xi32>
    %get3A_1223 = arith.constant 80 : index
    %get3A_1224 = tpu.vector_load %arg18[%get3A_1223] {strides = array<i32>} : memref<1280xf32, #tpu.memory_space<vmem>>, vector<16xf32>,
    %get3A_1225 = vector.shape_cast %get3A_1224 : vector<16xf32> to vector<16xf32>
    %gt3A_1226 = arith.constant 1.000000e-01 : f32
    %gt3A_1227 = vector.broadcast %gt3A_1226 : f32 to vector<16xf32>
    %gt3A_1228 = arith.cmpf ogt, %get3A_1225, %gt3A_1227 : vector<16xf32>
    %select_n3A_1229 = arith.select %gt3A_1228, %add3A_1213, %add3A_1222 : vector<16xi1>, vector<16xi32>
    %swap3A_1230 = arith.constant 80 : index
    %swap3A_1231 = tpu.vector_load %arg20[%swap3A_1230] {strides = array<i32>} : memref<1280xi32, #tpu.memory_space<vmem>>, vector<16xi32>,
    %swap3A_1232 = vector.shape_cast %swap3A_1231 : vector<16xi32> to vector<16xi32>
    %swap3A_1233 = vector.shape_cast %select_n3A_1229 : vector<16xi32> to vector<16xi32>
    tpu.vector_store %arg20[%swap3A_1230], %swap3A_1233 {strides = array<i32>} : memref<1280xi32, #tpu.memory_space<vmem>>, vector<16xi32>,
    %get3A_1234 = arith.constant 96 : index
    %get3A_1235 = tpu.vector_load %arg16[%get3A_1234] {strides = array<i32>} : memref<1280xi32, #tpu.memory_space<vmem>>, vector<16xi32>,
    %get3A_1236 = vector.shape_cast %get3A_1235 : vector<16xi32> to vector<16xi32>
    %mul3A_1237 = arith.constant 5000 : i32
    %mul3A_1238 = vector.broadcast %mul3A_1237 : i32 to vector<16xi32>
    %mul3A_1239 = arith.muli %get3A_1236, %mul3A_1238 : vector<16xi32>
    %get3A_1240 = arith.constant 96 : index
    %get3A_1241 = tpu.vector_load %arg17[%get3A_1240] {strides = array<i32>} : memref<1280xi32, #tpu.memory_space<vmem>>, vector<16xi32>,
    %get3A_1242 = vector.shape_cast %get3A_1241 : vector<16xi32> to vector<16xi32>
    %add3A_1243 = arith.addi %mul3A_1239, %get3A_1242 : vector<16xi32>
    %add3A_1244 = vector.broadcast %mul3A_76 : i32 to vector<16xi32>
    %add3A_1245 = arith.addi %add3A_1243, %add3A_1244 : vector<16xi32>
    %add3A_1246 = arith.constant 25012288 : i32
    %add3A_1247 = arith.addi %mul3A_76, %add3A_1246 : i32
    %mul3A_1248 = arith.constant 1280 : i32
    %mul3A_1249 = arith.muli %arg1, %mul3A_1248 : i32
    %add3A_1250 = arith.addi %add3A_1247, %mul3A_1249 : i32
    %add3A_1251 = arith.constant 96 : i32
    %add3A_1252 = arith.addi %add3A_1250, %add3A_1251 : i32
    %add3A_1253 = vector.broadcast %add3A_1252 : i32 to vector<16xi32>
    %add3A_1254 = arith.addi %add3A_1253, %iota3A : vector<16xi32>
    %get3A_1255 = arith.constant 96 : index
    %get3A_1256 = tpu.vector_load %arg18[%get3A_1255] {strides = array<i32>} : memref<1280xf32, #tpu.memory_space<vmem>>, vector<16xf32>,
    %get3A_1257 = vector.shape_cast %get3A_1256 : vector<16xf32> to vector<16xf32>
    %gt3A_1258 = arith.constant 1.000000e-01 : f32
    %gt3A_1259 = vector.broadcast %gt3A_1258 : f32 to vector<16xf32>
    %gt3A_1260 = arith.cmpf ogt, %get3A_1257, %gt3A_1259 : vector<16xf32>
    %select_n3A_1261 = arith.select %gt3A_1260, %add3A_1245, %add3A_1254 : vector<16xi1>, vector<16xi32>
    %swap3A_1262 = arith.constant 96 : index
    %swap3A_1263 = tpu.vector_load %arg20[%swap3A_1262] {strides = array<i32>} : memref<1280xi32, #tpu.memory_space<vmem>>, vector<16xi32>,
    %swap3A_1264 = vector.shape_cast %swap3A_1263 : vector<16xi32> to vector<16xi32>
    %swap3A_1265 = vector.shape_cast %select_n3A_1261 : vector<16xi32> to vector<16xi32>
    tpu.vector_store %arg20[%swap3A_1262], %swap3A_1265 {strides = array<i32>} : memref<1280xi32, #tpu.memory_space<vmem>>, vector<16xi32>,
    %get3A_1266 = arith.constant 112 : index
    %get3A_1267 = tpu.vector_load %arg16[%get3A_1266] {strides = array<i32>} : memref<1280xi32, #tpu.memory_space<vmem>>, vector<16xi32>,
    %get3A_1268 = vector.shape_cast %get3A_1267 : vector<16xi32> to vector<16xi32>
    %mul3A_1269 = arith.constant 5000 : i32
    %mul3A_1270 = vector.broadcast %mul3A_1269 : i32 to vector<16xi32>
    %mul3A_1271 = arith.muli %get3A_1268, %mul3A_1270 : vector<16xi32>
    %get3A_1272 = arith.constant 112 : index
    %get3A_1273 = tpu.vector_load %arg17[%get3A_1272] {strides = array<i32>} : memref<1280xi32, #tpu.memory_space<vmem>>, vector<16xi32>,
    %get3A_1274 = vector.shape_cast %get3A_1273 : vector<16xi32> to vector<16xi32>
    %add3A_1275 = arith.addi %mul3A_1271, %get3A_1274 : vector<16xi32>
    %add3A_1276 = vector.broadcast %mul3A_76 : i32 to vector<16xi32>
    %add3A_1277 = arith.addi %add3A_1275, %add3A_1276 : vector<16xi32>
    %add3A_1278 = arith.constant 25012288 : i32
    %add3A_1279 = arith.addi %mul3A_76, %add3A_1278 : i32
    %mul3A_1280 = arith.constant 1280 : i32
    %mul3A_1281 = arith.muli %arg1, %mul3A_1280 : i32
    %add3A_1282 = arith.addi %add3A_1279, %mul3A_1281 : i32
    %add3A_1283 = arith.constant 112 : i32
    %add3A_1284 = arith.addi %add3A_1282, %add3A_1283 : i32
    %add3A_1285 = vector.broadcast %add3A_1284 : i32 to vector<16xi32>
    %add3A_1286 = arith.addi %add3A_1285, %iota3A : vector<16xi32>
    %get3A_1287 = arith.constant 112 : index
    %get3A_1288 = tpu.vector_load %arg18[%get3A_1287] {strides = array<i32>} : memref<1280xf32, #tpu.memory_space<vmem>>, vector<16xf32>,
    %get3A_1289 = vector.shape_cast %get3A_1288 : vector<16xf32> to vector<16xf32>
    %gt3A_1290 = arith.constant 1.000000e-01 : f32
    %gt3A_1291 = vector.broadcast %gt3A_1290 : f32 to vector<16xf32>
    %gt3A_1292 = arith.cmpf ogt, %get3A_1289, %gt3A_1291 : vector<16xf32>
    %select_n3A_1293 = arith.select %gt3A_1292, %add3A_1277, %add3A_1286 : vector<16xi1>, vector<16xi32>
    %swap3A_1294 = arith.constant 112 : index
    %swap3A_1295 = tpu.vector_load %arg20[%swap3A_1294] {strides = array<i32>} : memref<1280xi32, #tpu.memory_space<vmem>>, vector<16xi32>,
    %swap3A_1296 = vector.shape_cast %swap3A_1295 : vector<16xi32> to vector<16xi32>
    %swap3A_1297 = vector.shape_cast %select_n3A_1293 : vector<16xi32> to vector<16xi32>
    tpu.vector_store %arg20[%swap3A_1294], %swap3A_1297 {strides = array<i32>} : memref<1280xi32, #tpu.memory_space<vmem>>, vector<16xi32>,
    %get3A_1298 = arith.constant 128 : index
    %get3A_1299 = tpu.vector_load %arg16[%get3A_1298] {strides = array<i32>} : memref<1280xi32, #tpu.memory_space<vmem>>, vector<16xi32>,
    %get3A_1300 = vector.shape_cast %get3A_1299 : vector<16xi32> to vector<16xi32>
    %mul3A_1301 = arith.constant 5000 : i32
    %mul3A_1302 = vector.broadcast %mul3A_1301 : i32 to vector<16xi32>
    %mul3A_1303 = arith.muli %get3A_1300, %mul3A_1302 : vector<16xi32>
    %get3A_1304 = arith.constant 128 : index
    %get3A_1305 = tpu.vector_load %arg17[%get3A_1304] {strides = array<i32>} : memref<1280xi32, #tpu.memory_space<vmem>>, vector<16xi32>,
    %get3A_1306 = vector.shape_cast %get3A_1305 : vector<16xi32> to vector<16xi32>
    %add3A_1307 = arith.addi %mul3A_1303, %get3A_1306 : vector<16xi32>
    %add3A_1308 = vector.broadcast %mul3A_76 : i32 to vector<16xi32>
    %add3A_1309 = arith.addi %add3A_1307, %add3A_1308 : vector<16xi32>
    %add3A_1310 = arith.constant 25012288 : i32
    %add3A_1311 = arith.addi %mul3A_76, %add3A_1310 : i32
    %mul3A_1312 = arith.constant 1280 : i32
    %mul3A_1313 = arith.muli %arg1, %mul3A_1312 : i32
    %add3A_1314 = arith.addi %add3A_1311, %mul3A_1313 : i32
    %add3A_1315 = arith.constant 128 : i32
    %add3A_1316 = arith.addi %add3A_1314, %add3A_1315 : i32
    %add3A_1317 = vector.broadcast %add3A_1316 : i32 to vector<16xi32>
    %add3A_1318 = arith.addi %add3A_1317, %iota3A : vector<16xi32>
    %get3A_1319 = arith.constant 128 : index
    %get3A_1320 = tpu.vector_load %arg18[%get3A_1319] {strides = array<i32>} : memref<1280xf32, #tpu.memory_space<vmem>>, vector<16xf32>,
    %get3A_1321 = vector.shape_cast %get3A_1320 : vector<16xf32> to vector<16xf32>
    %gt3A_1322 = arith.constant 1.000000e-01 : f32
    %gt3A_1323 = vector.broadcast %gt3A_1322 : f32 to vector<16xf32>
    %gt3A_1324 = arith.cmpf ogt, %get3A_1321, %gt3A_1323 : vector<16xf32>
    %select_n3A_1325 = arith.select %gt3A_1324, %add3A_1309, %add3A_1318 : vector<16xi1>, vector<16xi32>
    %swap3A_1326 = arith.constant 128 : index
    %swap3A_1327 = tpu.vector_load %arg20[%swap3A_1326] {strides = array<i32>} : memref<1280xi32, #tpu.memory_space<vmem>>, vector<16xi32>,
    %swap3A_1328 = vector.shape_cast %swap3A_1327 : vector<16xi32> to vector<16xi32>
    %swap3A_1329 = vector.shape_cast %select_n3A_1325 : vector<16xi32> to vector<16xi32>
    tpu.vector_store %arg20[%swap3A_1326], %swap3A_1329 {strides = array<i32>} : memref<1280xi32, #tpu.memory_space<vmem>>, vector<16xi32>,
    %get3A_1330 = arith.constant 144 : index
    %get3A_1331 = tpu.vector_load %arg16[%get3A_1330] {strides = array<i32>} : memref<1280xi32, #tpu.memory_space<vmem>>, vector<16xi32>,
    %get3A_1332 = vector.shape_cast %get3A_1331 : vector<16xi32> to vector<16xi32>
    %mul3A_1333 = arith.constant 5000 : i32
    %mul3A_1334 = vector.broadcast %mul3A_1333 : i32 to vector<16xi32>
    %mul3A_1335 = arith.muli %get3A_1332, %mul3A_1334 : vector<16xi32>
    %get3A_1336 = arith.constant 144 : index
    %get3A_1337 = tpu.vector_load %arg17[%get3A_1336] {strides = array<i32>} : memref<1280xi32, #tpu.memory_space<vmem>>, vector<16xi32>,
    %get3A_1338 = vector.shape_cast %get3A_1337 : vector<16xi32> to vector<16xi32>
    %add3A_1339 = arith.addi %mul3A_1335, %get3A_1338 : vector<16xi32>
    %add3A_1340 = vector.broadcast %mul3A_76 : i32 to vector<16xi32>
    %add3A_1341 = arith.addi %add3A_1339, %add3A_1340 : vector<16xi32>
    %add3A_1342 = arith.constant 25012288 : i32
    %add3A_1343 = arith.addi %mul3A_76, %add3A_1342 : i32
    %mul3A_1344 = arith.constant 1280 : i32
    %mul3A_1345 = arith.muli %arg1, %mul3A_1344 : i32
    %add3A_1346 = arith.addi %add3A_1343, %mul3A_1345 : i32
    %add3A_1347 = arith.constant 144 : i32
    %add3A_1348 = arith.addi %add3A_1346, %add3A_1347 : i32
    %add3A_1349 = vector.broadcast %add3A_1348 : i32 to vector<16xi32>
    %add3A_1350 = arith.addi %add3A_1349, %iota3A : vector<16xi32>
    %get3A_1351 = arith.constant 144 : index
    %get3A_1352 = tpu.vector_load %arg18[%get3A_1351] {strides = array<i32>} : memref<1280xf32, #tpu.memory_space<vmem>>, vector<16xf32>,
    %get3A_1353 = vector.shape_cast %get3A_1352 : vector<16xf32> to vector<16xf32>
    %gt3A_1354 = arith.constant 1.000000e-01 : f32
    %gt3A_1355 = vector.broadcast %gt3A_1354 : f32 to vector<16xf32>
    %gt3A_1356 = arith.cmpf ogt, %get3A_1353, %gt3A_1355 : vector<16xf32>
    %select_n3A_1357 = arith.select %gt3A_1356, %add3A_1341, %add3A_1350 : vector<16xi1>, vector<16xi32>
    %swap3A_1358 = arith.constant 144 : index
    %swap3A_1359 = tpu.vector_load %arg20[%swap3A_1358] {strides = array<i32>} : memref<1280xi32, #tpu.memory_space<vmem>>, vector<16xi32>,
    %swap3A_1360 = vector.shape_cast %swap3A_1359 : vector<16xi32> to vector<16xi32>
    %swap3A_1361 = vector.shape_cast %select_n3A_1357 : vector<16xi32> to vector<16xi32>
    tpu.vector_store %arg20[%swap3A_1358], %swap3A_1361 {strides = array<i32>} : memref<1280xi32, #tpu.memory_space<vmem>>, vector<16xi32>,
    %get3A_1362 = arith.constant 160 : index
    %get3A_1363 = tpu.vector_load %arg16[%get3A_1362] {strides = array<i32>} : memref<1280xi32, #tpu.memory_space<vmem>>, vector<16xi32>,
    %get3A_1364 = vector.shape_cast %get3A_1363 : vector<16xi32> to vector<16xi32>
    %mul3A_1365 = arith.constant 5000 : i32
    %mul3A_1366 = vector.broadcast %mul3A_1365 : i32 to vector<16xi32>
    %mul3A_1367 = arith.muli %get3A_1364, %mul3A_1366 : vector<16xi32>
    %get3A_1368 = arith.constant 160 : index
    %get3A_1369 = tpu.vector_load %arg17[%get3A_1368] {strides = array<i32>} : memref<1280xi32, #tpu.memory_space<vmem>>, vector<16xi32>,
    %get3A_1370 = vector.shape_cast %get3A_1369 : vector<16xi32> to vector<16xi32>
    %add3A_1371 = arith.addi %mul3A_1367, %get3A_1370 : vector<16xi32>
    %add3A_1372 = vector.broadcast %mul3A_76 : i32 to vector<16xi32>
    %add3A_1373 = arith.addi %add3A_1371, %add3A_1372 : vector<16xi32>
    %add3A_1374 = arith.constant 25012288 : i32
    %add3A_1375 = arith.addi %mul3A_76, %add3A_1374 : i32
    %mul3A_1376 = arith.constant 1280 : i32
    %mul3A_1377 = arith.muli %arg1, %mul3A_1376 : i32
    %add3A_1378 = arith.addi %add3A_1375, %mul3A_1377 : i32
    %add3A_1379 = arith.constant 160 : i32
    %add3A_1380 = arith.addi %add3A_1378, %add3A_1379 : i32
    %add3A_1381 = vector.broadcast %add3A_1380 : i32 to vector<16xi32>
    %add3A_1382 = arith.addi %add3A_1381, %iota3A : vector<16xi32>
    %get3A_1383 = arith.constant 160 : index
    %get3A_1384 = tpu.vector_load %arg18[%get3A_1383] {strides = array<i32>} : memref<1280xf32, #tpu.memory_space<vmem>>, vector<16xf32>,
    %get3A_1385 = vector.shape_cast %get3A_1384 : vector<16xf32> to vector<16xf32>
    %gt3A_1386 = arith.constant 1.000000e-01 : f32
    %gt3A_1387 = vector.broadcast %gt3A_1386 : f32 to vector<16xf32>
    %gt3A_1388 = arith.cmpf ogt, %get3A_1385, %gt3A_1387 : vector<16xf32>
    %select_n3A_1389 = arith.select %gt3A_1388, %add3A_1373, %add3A_1382 : vector<16xi1>, vector<16xi32>
    %swap3A_1390 = arith.constant 160 : index
    %swap3A_1391 = tpu.vector_load %arg20[%swap3A_1390] {strides = array<i32>} : memref<1280xi32, #tpu.memory_space<vmem>>, vector<16xi32>,
    %swap3A_1392 = vector.shape_cast %swap3A_1391 : vector<16xi32> to vector<16xi32>
    %swap3A_1393 = vector.shape_cast %select_n3A_1389 : vector<16xi32> to vector<16xi32>
    tpu.vector_store %arg20[%swap3A_1390], %swap3A_1393 {strides = array<i32>} : memref<1280xi32, #tpu.memory_space<vmem>>, vector<16xi32>,
    %get3A_1394 = arith.constant 176 : index
    %get3A_1395 = tpu.vector_load %arg16[%get3A_1394] {strides = array<i32>} : memref<1280xi32, #tpu.memory_space<vmem>>, vector<16xi32>,
    %get3A_1396 = vector.shape_cast %get3A_1395 : vector<16xi32> to vector<16xi32>
    %mul3A_1397 = arith.constant 5000 : i32
    %mul3A_1398 = vector.broadcast %mul3A_1397 : i32 to vector<16xi32>
    %mul3A_1399 = arith.muli %get3A_1396, %mul3A_1398 : vector<16xi32>
    %get3A_1400 = arith.constant 176 : index
    %get3A_1401 = tpu.vector_load %arg17[%get3A_1400] {strides = array<i32>} : memref<1280xi32, #tpu.memory_space<vmem>>, vector<16xi32>,
    %get3A_1402 = vector.shape_cast %get3A_1401 : vector<16xi32> to vector<16xi32>
    %add3A_1403 = arith.addi %mul3A_1399, %get3A_1402 : vector<16xi32>
    %add3A_1404 = vector.broadcast %mul3A_76 : i32 to vector<16xi32>
    %add3A_1405 = arith.addi %add3A_1403, %add3A_1404 : vector<16xi32>
    %add3A_1406 = arith.constant 25012288 : i32
    %add3A_1407 = arith.addi %mul3A_76, %add3A_1406 : i32
    %mul3A_1408 = arith.constant 1280 : i32
    %mul3A_1409 = arith.muli %arg1, %mul3A_1408 : i32
    %add3A_1410 = arith.addi %add3A_1407, %mul3A_1409 : i32
    %add3A_1411 = arith.constant 176 : i32
    %add3A_1412 = arith.addi %add3A_1410, %add3A_1411 : i32
    %add3A_1413 = vector.broadcast %add3A_1412 : i32 to vector<16xi32>
    %add3A_1414 = arith.addi %add3A_1413, %iota3A : vector<16xi32>
    %get3A_1415 = arith.constant 176 : index
    %get3A_1416 = tpu.vector_load %arg18[%get3A_1415] {strides = array<i32>} : memref<1280xf32, #tpu.memory_space<vmem>>, vector<16xf32>,
    %get3A_1417 = vector.shape_cast %get3A_1416 : vector<16xf32> to vector<16xf32>
    %gt3A_1418 = arith.constant 1.000000e-01 : f32
    %gt3A_1419 = vector.broadcast %gt3A_1418 : f32 to vector<16xf32>
    %gt3A_1420 = arith.cmpf ogt, %get3A_1417, %gt3A_1419 : vector<16xf32>
    %select_n3A_1421 = arith.select %gt3A_1420, %add3A_1405, %add3A_1414 : vector<16xi1>, vector<16xi32>
    %swap3A_1422 = arith.constant 176 : index
    %swap3A_1423 = tpu.vector_load %arg20[%swap3A_1422] {strides = array<i32>} : memref<1280xi32, #tpu.memory_space<vmem>>, vector<16xi32>,
    %swap3A_1424 = vector.shape_cast %swap3A_1423 : vector<16xi32> to vector<16xi32>
    %swap3A_1425 = vector.shape_cast %select_n3A_1421 : vector<16xi32> to vector<16xi32>
    tpu.vector_store %arg20[%swap3A_1422], %swap3A_1425 {strides = array<i32>} : memref<1280xi32, #tpu.memory_space<vmem>>, vector<16xi32>,
    %get3A_1426 = arith.constant 192 : index
    %get3A_1427 = tpu.vector_load %arg16[%get3A_1426] {strides = array<i32>} : memref<1280xi32, #tpu.memory_space<vmem>>, vector<16xi32>,
    %get3A_1428 = vector.shape_cast %get3A_1427 : vector<16xi32> to vector<16xi32>
    %mul3A_1429 = arith.constant 5000 : i32
    %mul3A_1430 = vector.broadcast %mul3A_1429 : i32 to vector<16xi32>
    %mul3A_1431 = arith.muli %get3A_1428, %mul3A_1430 : vector<16xi32>
    %get3A_1432 = arith.constant 192 : index
    %get3A_1433 = tpu.vector_load %arg17[%get3A_1432] {strides = array<i32>} : memref<1280xi32, #tpu.memory_space<vmem>>, vector<16xi32>,
    %get3A_1434 = vector.shape_cast %get3A_1433 : vector<16xi32> to vector<16xi32>
    %add3A_1435 = arith.addi %mul3A_1431, %get3A_1434 : vector<16xi32>
    %add3A_1436 = vector.broadcast %mul3A_76 : i32 to vector<16xi32>
    %add3A_1437 = arith.addi %add3A_1435, %add3A_1436 : vector<16xi32>
    %add3A_1438 = arith.constant 25012288 : i32
    %add3A_1439 = arith.addi %mul3A_76, %add3A_1438 : i32
    %mul3A_1440 = arith.constant 1280 : i32
    %mul3A_1441 = arith.muli %arg1, %mul3A_1440 : i32
    %add3A_1442 = arith.addi %add3A_1439, %mul3A_1441 : i32
    %add3A_1443 = arith.constant 192 : i32
    %add3A_1444 = arith.addi %add3A_1442, %add3A_1443 : i32
    %add3A_1445 = vector.broadcast %add3A_1444 : i32 to vector<16xi32>
    %add3A_1446 = arith.addi %add3A_1445, %iota3A : vector<16xi32>
    %get3A_1447 = arith.constant 192 : index
    %get3A_1448 = tpu.vector_load %arg18[%get3A_1447] {strides = array<i32>} : memref<1280xf32, #tpu.memory_space<vmem>>, vector<16xf32>,
    %get3A_1449 = vector.shape_cast %get3A_1448 : vector<16xf32> to vector<16xf32>
    %gt3A_1450 = arith.constant 1.000000e-01 : f32
    %gt3A_1451 = vector.broadcast %gt3A_1450 : f32 to vector<16xf32>
    %gt3A_1452 = arith.cmpf ogt, %get3A_1449, %gt3A_1451 : vector<16xf32>
    %select_n3A_1453 = arith.select %gt3A_1452, %add3A_1437, %add3A_1446 : vector<16xi1>, vector<16xi32>
    %swap3A_1454 = arith.constant 192 : index
    %swap3A_1455 = tpu.vector_load %arg20[%swap3A_1454] {strides = array<i32>} : memref<1280xi32, #tpu.memory_space<vmem>>, vector<16xi32>,
    %swap3A_1456 = vector.shape_cast %swap3A_1455 : vector<16xi32> to vector<16xi32>
    %swap3A_1457 = vector.shape_cast %select_n3A_1453 : vector<16xi32> to vector<16xi32>
    tpu.vector_store %arg20[%swap3A_1454], %swap3A_1457 {strides = array<i32>} : memref<1280xi32, #tpu.memory_space<vmem>>, vector<16xi32>,
    %get3A_1458 = arith.constant 208 : index
    %get3A_1459 = tpu.vector_load %arg16[%get3A_1458] {strides = array<i32>} : memref<1280xi32, #tpu.memory_space<vmem>>, vector<16xi32>,
    %get3A_1460 = vector.shape_cast %get3A_1459 : vector<16xi32> to vector<16xi32>
    %mul3A_1461 = arith.constant 5000 : i32
    %mul3A_1462 = vector.broadcast %mul3A_1461 : i32 to vector<16xi32>
    %mul3A_1463 = arith.muli %get3A_1460, %mul3A_1462 : vector<16xi32>
    %get3A_1464 = arith.constant 208 : index
    %get3A_1465 = tpu.vector_load %arg17[%get3A_1464] {strides = array<i32>} : memref<1280xi32, #tpu.memory_space<vmem>>, vector<16xi32>,
    %get3A_1466 = vector.shape_cast %get3A_1465 : vector<16xi32> to vector<16xi32>
    %add3A_1467 = arith.addi %mul3A_1463, %get3A_1466 : vector<16xi32>
    %add3A_1468 = vector.broadcast %mul3A_76 : i32 to vector<16xi32>
    %add3A_1469 = arith.addi %add3A_1467, %add3A_1468 : vector<16xi32>
    %add3A_1470 = arith.constant 25012288 : i32
    %add3A_1471 = arith.addi %mul3A_76, %add3A_1470 : i32
    %mul3A_1472 = arith.constant 1280 : i32
    %mul3A_1473 = arith.muli %arg1, %mul3A_1472 : i32
    %add3A_1474 = arith.addi %add3A_1471, %mul3A_1473 : i32
    %add3A_1475 = arith.constant 208 : i32
    %add3A_1476 = arith.addi %add3A_1474, %add3A_1475 : i32
    %add3A_1477 = vector.broadcast %add3A_1476 : i32 to vector<16xi32>
    %add3A_1478 = arith.addi %add3A_1477, %iota3A : vector<16xi32>
    %get3A_1479 = arith.constant 208 : index
    %get3A_1480 = tpu.vector_load %arg18[%get3A_1479] {strides = array<i32>} : memref<1280xf32, #tpu.memory_space<vmem>>, vector<16xf32>,
    %get3A_1481 = vector.shape_cast %get3A_1480 : vector<16xf32> to vector<16xf32>
    %gt3A_1482 = arith.constant 1.000000e-01 : f32
    %gt3A_1483 = vector.broadcast %gt3A_1482 : f32 to vector<16xf32>
    %gt3A_1484 = arith.cmpf ogt, %get3A_1481, %gt3A_1483 : vector<16xf32>
    %select_n3A_1485 = arith.select %gt3A_1484, %add3A_1469, %add3A_1478 : vector<16xi1>, vector<16xi32>
    %swap3A_1486 = arith.constant 208 : index
    %swap3A_1487 = tpu.vector_load %arg20[%swap3A_1486] {strides = array<i32>} : memref<1280xi32, #tpu.memory_space<vmem>>, vector<16xi32>,
    %swap3A_1488 = vector.shape_cast %swap3A_1487 : vector<16xi32> to vector<16xi32>
    %swap3A_1489 = vector.shape_cast %select_n3A_1485 : vector<16xi32> to vector<16xi32>
    tpu.vector_store %arg20[%swap3A_1486], %swap3A_1489 {strides = array<i32>} : memref<1280xi32, #tpu.memory_space<vmem>>, vector<16xi32>,
    %get3A_1490 = arith.constant 224 : index
    %get3A_1491 = tpu.vector_load %arg16[%get3A_1490] {strides = array<i32>} : memref<1280xi32, #tpu.memory_space<vmem>>, vector<16xi32>,
    %get3A_1492 = vector.shape_cast %get3A_1491 : vector<16xi32> to vector<16xi32>
    %mul3A_1493 = arith.constant 5000 : i32
    %mul3A_1494 = vector.broadcast %mul3A_1493 : i32 to vector<16xi32>
    %mul3A_1495 = arith.muli %get3A_1492, %mul3A_1494 : vector<16xi32>
    %get3A_1496 = arith.constant 224 : index
    %get3A_1497 = tpu.vector_load %arg17[%get3A_1496] {strides = array<i32>} : memref<1280xi32, #tpu.memory_space<vmem>>, vector<16xi32>,
    %get3A_1498 = vector.shape_cast %get3A_1497 : vector<16xi32> to vector<16xi32>
    %add3A_1499 = arith.addi %mul3A_1495, %get3A_1498 : vector<16xi32>
    %add3A_1500 = vector.broadcast %mul3A_76 : i32 to vector<16xi32>
    %add3A_1501 = arith.addi %add3A_1499, %add3A_1500 : vector<16xi32>
    %add3A_1502 = arith.constant 25012288 : i32
    %add3A_1503 = arith.addi %mul3A_76, %add3A_1502 : i32
    %mul3A_1504 = arith.constant 1280 : i32
    %mul3A_1505 = arith.muli %arg1, %mul3A_1504 : i32
    %add3A_1506 = arith.addi %add3A_1503, %mul3A_1505 : i32
    %add3A_1507 = arith.constant 224 : i32
    %add3A_1508 = arith.addi %add3A_1506, %add3A_1507 : i32
    %add3A_1509 = vector.broadcast %add3A_1508 : i32 to vector<16xi32>
    %add3A_1510 = arith.addi %add3A_1509, %iota3A : vector<16xi32>
    %get3A_1511 = arith.constant 224 : index
    %get3A_1512 = tpu.vector_load %arg18[%get3A_1511] {strides = array<i32>} : memref<1280xf32, #tpu.memory_space<vmem>>, vector<16xf32>,
    %get3A_1513 = vector.shape_cast %get3A_1512 : vector<16xf32> to vector<16xf32>
    %gt3A_1514 = arith.constant 1.000000e-01 : f32
    %gt3A_1515 = vector.broadcast %gt3A_1514 : f32 to vector<16xf32>
    %gt3A_1516 = arith.cmpf ogt, %get3A_1513, %gt3A_1515 : vector<16xf32>
    %select_n3A_1517 = arith.select %gt3A_1516, %add3A_1501, %add3A_1510 : vector<16xi1>, vector<16xi32>
    %swap3A_1518 = arith.constant 224 : index
    %swap3A_1519 = tpu.vector_load %arg20[%swap3A_1518] {strides = array<i32>} : memref<1280xi32, #tpu.memory_space<vmem>>, vector<16xi32>,
    %swap3A_1520 = vector.shape_cast %swap3A_1519 : vector<16xi32> to vector<16xi32>
    %swap3A_1521 = vector.shape_cast %select_n3A_1517 : vector<16xi32> to vector<16xi32>
    tpu.vector_store %arg20[%swap3A_1518], %swap3A_1521 {strides = array<i32>} : memref<1280xi32, #tpu.memory_space<vmem>>, vector<16xi32>,
    %get3A_1522 = arith.constant 240 : index
    %get3A_1523 = tpu.vector_load %arg16[%get3A_1522] {strides = array<i32>} : memref<1280xi32, #tpu.memory_space<vmem>>, vector<16xi32>,
    %get3A_1524 = vector.shape_cast %get3A_1523 : vector<16xi32> to vector<16xi32>
    %mul3A_1525 = arith.constant 5000 : i32
    %mul3A_1526 = vector.broadcast %mul3A_1525 : i32 to vector<16xi32>
    %mul3A_1527 = arith.muli %get3A_1524, %mul3A_1526 : vector<16xi32>
    %get3A_1528 = arith.constant 240 : index
    %get3A_1529 = tpu.vector_load %arg17[%get3A_1528] {strides = array<i32>} : memref<1280xi32, #tpu.memory_space<vmem>>, vector<16xi32>,
    %get3A_1530 = vector.shape_cast %get3A_1529 : vector<16xi32> to vector<16xi32>
    %add3A_1531 = arith.addi %mul3A_1527, %get3A_1530 : vector<16xi32>
    %add3A_1532 = vector.broadcast %mul3A_76 : i32 to vector<16xi32>
    %add3A_1533 = arith.addi %add3A_1531, %add3A_1532 : vector<16xi32>
    %add3A_1534 = arith.constant 25012288 : i32
    %add3A_1535 = arith.addi %mul3A_76, %add3A_1534 : i32
    %mul3A_1536 = arith.constant 1280 : i32
    %mul3A_1537 = arith.muli %arg1, %mul3A_1536 : i32
    %add3A_1538 = arith.addi %add3A_1535, %mul3A_1537 : i32
    %add3A_1539 = arith.constant 240 : i32
    %add3A_1540 = arith.addi %add3A_1538, %add3A_1539 : i32
    %add3A_1541 = vector.broadcast %add3A_1540 : i32 to vector<16xi32>
    %add3A_1542 = arith.addi %add3A_1541, %iota3A : vector<16xi32>
    %get3A_1543 = arith.constant 240 : index
    %get3A_1544 = tpu.vector_load %arg18[%get3A_1543] {strides = array<i32>} : memref<1280xf32, #tpu.memory_space<vmem>>, vector<16xf32>,
    %get3A_1545 = vector.shape_cast %get3A_1544 : vector<16xf32> to vector<16xf32>
    %gt3A_1546 = arith.constant 1.000000e-01 : f32
    %gt3A_1547 = vector.broadcast %gt3A_1546 : f32 to vector<16xf32>
    %gt3A_1548 = arith.cmpf ogt, %get3A_1545, %gt3A_1547 : vector<16xf32>
    %select_n3A_1549 = arith.select %gt3A_1548, %add3A_1533, %add3A_1542 : vector<16xi1>, vector<16xi32>
    %swap3A_1550 = arith.constant 240 : index
    %swap3A_1551 = tpu.vector_load %arg20[%swap3A_1550] {strides = array<i32>} : memref<1280xi32, #tpu.memory_space<vmem>>, vector<16xi32>,
    %swap3A_1552 = vector.shape_cast %swap3A_1551 : vector<16xi32> to vector<16xi32>
    %swap3A_1553 = vector.shape_cast %select_n3A_1549 : vector<16xi32> to vector<16xi32>
    tpu.vector_store %arg20[%swap3A_1550], %swap3A_1553 {strides = array<i32>} : memref<1280xi32, #tpu.memory_space<vmem>>, vector<16xi32>,
    %get3A_1554 = arith.constant 256 : index
    %get3A_1555 = tpu.vector_load %arg16[%get3A_1554] {strides = array<i32>} : memref<1280xi32, #tpu.memory_space<vmem>>, vector<16xi32>,
    %get3A_1556 = vector.shape_cast %get3A_1555 : vector<16xi32> to vector<16xi32>
    %mul3A_1557 = arith.constant 5000 : i32
    %mul3A_1558 = vector.broadcast %mul3A_1557 : i32 to vector<16xi32>
    %mul3A_1559 = arith.muli %get3A_1556, %mul3A_1558 : vector<16xi32>
    %get3A_1560 = arith.constant 256 : index
    %get3A_1561 = tpu.vector_load %arg17[%get3A_1560] {strides = array<i32>} : memref<1280xi32, #tpu.memory_space<vmem>>, vector<16xi32>,
    %get3A_1562 = vector.shape_cast %get3A_1561 : vector<16xi32> to vector<16xi32>
    %add3A_1563 = arith.addi %mul3A_1559, %get3A_1562 : vector<16xi32>
    %add3A_1564 = vector.broadcast %mul3A_76 : i32 to vector<16xi32>
    %add3A_1565 = arith.addi %add3A_1563, %add3A_1564 : vector<16xi32>
    %add3A_1566 = arith.constant 25012288 : i32
    %add3A_1567 = arith.addi %mul3A_76, %add3A_1566 : i32
    %mul3A_1568 = arith.constant 1280 : i32
    %mul3A_1569 = arith.muli %arg1, %mul3A_1568 : i32
    %add3A_1570 = arith.addi %add3A_1567, %mul3A_1569 : i32
    %add3A_1571 = arith.constant 256 : i32
    %add3A_1572 = arith.addi %add3A_1570, %add3A_1571 : i32
    %add3A_1573 = vector.broadcast %add3A_1572 : i32 to vector<16xi32>
    %add3A_1574 = arith.addi %add3A_1573, %iota3A : vector<16xi32>
    %get3A_1575 = arith.constant 256 : index
    %get3A_1576 = tpu.vector_load %arg18[%get3A_1575] {strides = array<i32>} : memref<1280xf32, #tpu.memory_space<vmem>>, vector<16xf32>,
    %get3A_1577 = vector.shape_cast %get3A_1576 : vector<16xf32> to vector<16xf32>
    %gt3A_1578 = arith.constant 1.000000e-01 : f32
    %gt3A_1579 = vector.broadcast %gt3A_1578 : f32 to vector<16xf32>
    %gt3A_1580 = arith.cmpf ogt, %get3A_1577, %gt3A_1579 : vector<16xf32>
    %select_n3A_1581 = arith.select %gt3A_1580, %add3A_1565, %add3A_1574 : vector<16xi1>, vector<16xi32>
    %swap3A_1582 = arith.constant 256 : index
    %swap3A_1583 = tpu.vector_load %arg20[%swap3A_1582] {strides = array<i32>} : memref<1280xi32, #tpu.memory_space<vmem>>, vector<16xi32>,
    %swap3A_1584 = vector.shape_cast %swap3A_1583 : vector<16xi32> to vector<16xi32>
    %swap3A_1585 = vector.shape_cast %select_n3A_1581 : vector<16xi32> to vector<16xi32>
    tpu.vector_store %arg20[%swap3A_1582], %swap3A_1585 {strides = array<i32>} : memref<1280xi32, #tpu.memory_space<vmem>>, vector<16xi32>,
    %get3A_1586 = arith.constant 272 : index
    %get3A_1587 = tpu.vector_load %arg16[%get3A_1586] {strides = array<i32>} : memref<1280xi32, #tpu.memory_space<vmem>>, vector<16xi32>,
    %get3A_1588 = vector.shape_cast %get3A_1587 : vector<16xi32> to vector<16xi32>
    %mul3A_1589 = arith.constant 5000 : i32
    %mul3A_1590 = vector.broadcast %mul3A_1589 : i32 to vector<16xi32>
    %mul3A_1591 = arith.muli %get3A_1588, %mul3A_1590 : vector<16xi32>
    %get3A_1592 = arith.constant 272 : index
    %get3A_1593 = tpu.vector_load %arg17[%get3A_1592] {strides = array<i32>} : memref<1280xi32, #tpu.memory_space<vmem>>, vector<16xi32>,
    %get3A_1594 = vector.shape_cast %get3A_1593 : vector<16xi32> to vector<16xi32>
    %add3A_1595 = arith.addi %mul3A_1591, %get3A_1594 : vector<16xi32>
    %add3A_1596 = vector.broadcast %mul3A_76 : i32 to vector<16xi32>
    %add3A_1597 = arith.addi %add3A_1595, %add3A_1596 : vector<16xi32>
    %add3A_1598 = arith.constant 25012288 : i32
    %add3A_1599 = arith.addi %mul3A_76, %add3A_1598 : i32
    %mul3A_1600 = arith.constant 1280 : i32
    %mul3A_1601 = arith.muli %arg1, %mul3A_1600 : i32
    %add3A_1602 = arith.addi %add3A_1599, %mul3A_1601 : i32
    %add3A_1603 = arith.constant 272 : i32
    %add3A_1604 = arith.addi %add3A_1602, %add3A_1603 : i32
    %add3A_1605 = vector.broadcast %add3A_1604 : i32 to vector<16xi32>
    %add3A_1606 = arith.addi %add3A_1605, %iota3A : vector<16xi32>
    %get3A_1607 = arith.constant 272 : index
    %get3A_1608 = tpu.vector_load %arg18[%get3A_1607] {strides = array<i32>} : memref<1280xf32, #tpu.memory_space<vmem>>, vector<16xf32>,
    %get3A_1609 = vector.shape_cast %get3A_1608 : vector<16xf32> to vector<16xf32>
    %gt3A_1610 = arith.constant 1.000000e-01 : f32
    %gt3A_1611 = vector.broadcast %gt3A_1610 : f32 to vector<16xf32>
    %gt3A_1612 = arith.cmpf ogt, %get3A_1609, %gt3A_1611 : vector<16xf32>
    %select_n3A_1613 = arith.select %gt3A_1612, %add3A_1597, %add3A_1606 : vector<16xi1>, vector<16xi32>
    %swap3A_1614 = arith.constant 272 : index
    %swap3A_1615 = tpu.vector_load %arg20[%swap3A_1614] {strides = array<i32>} : memref<1280xi32, #tpu.memory_space<vmem>>, vector<16xi32>,
    %swap3A_1616 = vector.shape_cast %swap3A_1615 : vector<16xi32> to vector<16xi32>
    %swap3A_1617 = vector.shape_cast %select_n3A_1613 : vector<16xi32> to vector<16xi32>
    tpu.vector_store %arg20[%swap3A_1614], %swap3A_1617 {strides = array<i32>} : memref<1280xi32, #tpu.memory_space<vmem>>, vector<16xi32>,
    %get3A_1618 = arith.constant 288 : index
    %get3A_1619 = tpu.vector_load %arg16[%get3A_1618] {strides = array<i32>} : memref<1280xi32, #tpu.memory_space<vmem>>, vector<16xi32>,
    %get3A_1620 = vector.shape_cast %get3A_1619 : vector<16xi32> to vector<16xi32>
    %mul3A_1621 = arith.constant 5000 : i32
    %mul3A_1622 = vector.broadcast %mul3A_1621 : i32 to vector<16xi32>
    %mul3A_1623 = arith.muli %get3A_1620, %mul3A_1622 : vector<16xi32>
    %get3A_1624 = arith.constant 288 : index
    %get3A_1625 = tpu.vector_load %arg17[%get3A_1624] {strides = array<i32>} : memref<1280xi32, #tpu.memory_space<vmem>>, vector<16xi32>,
    %get3A_1626 = vector.shape_cast %get3A_1625 : vector<16xi32> to vector<16xi32>
    %add3A_1627 = arith.addi %mul3A_1623, %get3A_1626 : vector<16xi32>
    %add3A_1628 = vector.broadcast %mul3A_76 : i32 to vector<16xi32>
    %add3A_1629 = arith.addi %add3A_1627, %add3A_1628 : vector<16xi32>
    %add3A_1630 = arith.constant 25012288 : i32
    %add3A_1631 = arith.addi %mul3A_76, %add3A_1630 : i32
    %mul3A_1632 = arith.constant 1280 : i32
    %mul3A_1633 = arith.muli %arg1, %mul3A_1632 : i32
    %add3A_1634 = arith.addi %add3A_1631, %mul3A_1633 : i32
    %add3A_1635 = arith.constant 288 : i32
    %add3A_1636 = arith.addi %add3A_1634, %add3A_1635 : i32
    %add3A_1637 = vector.broadcast %add3A_1636 : i32 to vector<16xi32>
    %add3A_1638 = arith.addi %add3A_1637, %iota3A : vector<16xi32>
    %get3A_1639 = arith.constant 288 : index
    %get3A_1640 = tpu.vector_load %arg18[%get3A_1639] {strides = array<i32>} : memref<1280xf32, #tpu.memory_space<vmem>>, vector<16xf32>,
    %get3A_1641 = vector.shape_cast %get3A_1640 : vector<16xf32> to vector<16xf32>
    %gt3A_1642 = arith.constant 1.000000e-01 : f32
    %gt3A_1643 = vector.broadcast %gt3A_1642 : f32 to vector<16xf32>
    %gt3A_1644 = arith.cmpf ogt, %get3A_1641, %gt3A_1643 : vector<16xf32>
    %select_n3A_1645 = arith.select %gt3A_1644, %add3A_1629, %add3A_1638 : vector<16xi1>, vector<16xi32>
    %swap3A_1646 = arith.constant 288 : index
    %swap3A_1647 = tpu.vector_load %arg20[%swap3A_1646] {strides = array<i32>} : memref<1280xi32, #tpu.memory_space<vmem>>, vector<16xi32>,
    %swap3A_1648 = vector.shape_cast %swap3A_1647 : vector<16xi32> to vector<16xi32>
    %swap3A_1649 = vector.shape_cast %select_n3A_1645 : vector<16xi32> to vector<16xi32>
    tpu.vector_store %arg20[%swap3A_1646], %swap3A_1649 {strides = array<i32>} : memref<1280xi32, #tpu.memory_space<vmem>>, vector<16xi32>,
    %get3A_1650 = arith.constant 304 : index
    %get3A_1651 = tpu.vector_load %arg16[%get3A_1650] {strides = array<i32>} : memref<1280xi32, #tpu.memory_space<vmem>>, vector<16xi32>,
    %get3A_1652 = vector.shape_cast %get3A_1651 : vector<16xi32> to vector<16xi32>
    %mul3A_1653 = arith.constant 5000 : i32
    %mul3A_1654 = vector.broadcast %mul3A_1653 : i32 to vector<16xi32>
    %mul3A_1655 = arith.muli %get3A_1652, %mul3A_1654 : vector<16xi32>
    %get3A_1656 = arith.constant 304 : index
    %get3A_1657 = tpu.vector_load %arg17[%get3A_1656] {strides = array<i32>} : memref<1280xi32, #tpu.memory_space<vmem>>, vector<16xi32>,
    %get3A_1658 = vector.shape_cast %get3A_1657 : vector<16xi32> to vector<16xi32>
    %add3A_1659 = arith.addi %mul3A_1655, %get3A_1658 : vector<16xi32>
    %add3A_1660 = vector.broadcast %mul3A_76 : i32 to vector<16xi32>
    %add3A_1661 = arith.addi %add3A_1659, %add3A_1660 : vector<16xi32>
    %add3A_1662 = arith.constant 25012288 : i32
    %add3A_1663 = arith.addi %mul3A_76, %add3A_1662 : i32
    %mul3A_1664 = arith.constant 1280 : i32
    %mul3A_1665 = arith.muli %arg1, %mul3A_1664 : i32
    %add3A_1666 = arith.addi %add3A_1663, %mul3A_1665 : i32
    %add3A_1667 = arith.constant 304 : i32
    %add3A_1668 = arith.addi %add3A_1666, %add3A_1667 : i32
    %add3A_1669 = vector.broadcast %add3A_1668 : i32 to vector<16xi32>
    %add3A_1670 = arith.addi %add3A_1669, %iota3A : vector<16xi32>
    %get3A_1671 = arith.constant 304 : index
    %get3A_1672 = tpu.vector_load %arg18[%get3A_1671] {strides = array<i32>} : memref<1280xf32, #tpu.memory_space<vmem>>, vector<16xf32>,
    %get3A_1673 = vector.shape_cast %get3A_1672 : vector<16xf32> to vector<16xf32>
    %gt3A_1674 = arith.constant 1.000000e-01 : f32
    %gt3A_1675 = vector.broadcast %gt3A_1674 : f32 to vector<16xf32>
    %gt3A_1676 = arith.cmpf ogt, %get3A_1673, %gt3A_1675 : vector<16xf32>
    %select_n3A_1677 = arith.select %gt3A_1676, %add3A_1661, %add3A_1670 : vector<16xi1>, vector<16xi32>
    %swap3A_1678 = arith.constant 304 : index
    %swap3A_1679 = tpu.vector_load %arg20[%swap3A_1678] {strides = array<i32>} : memref<1280xi32, #tpu.memory_space<vmem>>, vector<16xi32>,
    %swap3A_1680 = vector.shape_cast %swap3A_1679 : vector<16xi32> to vector<16xi32>
    %swap3A_1681 = vector.shape_cast %select_n3A_1677 : vector<16xi32> to vector<16xi32>
    tpu.vector_store %arg20[%swap3A_1678], %swap3A_1681 {strides = array<i32>} : memref<1280xi32, #tpu.memory_space<vmem>>, vector<16xi32>,
    %get3A_1682 = arith.constant 320 : index
    %get3A_1683 = tpu.vector_load %arg16[%get3A_1682] {strides = array<i32>} : memref<1280xi32, #tpu.memory_space<vmem>>, vector<16xi32>,
    %get3A_1684 = vector.shape_cast %get3A_1683 : vector<16xi32> to vector<16xi32>
    %mul3A_1685 = arith.constant 5000 : i32
    %mul3A_1686 = vector.broadcast %mul3A_1685 : i32 to vector<16xi32>
    %mul3A_1687 = arith.muli %get3A_1684, %mul3A_1686 : vector<16xi32>
    %get3A_1688 = arith.constant 320 : index
    %get3A_1689 = tpu.vector_load %arg17[%get3A_1688] {strides = array<i32>} : memref<1280xi32, #tpu.memory_space<vmem>>, vector<16xi32>,
    %get3A_1690 = vector.shape_cast %get3A_1689 : vector<16xi32> to vector<16xi32>
    %add3A_1691 = arith.addi %mul3A_1687, %get3A_1690 : vector<16xi32>
    %add3A_1692 = vector.broadcast %mul3A_76 : i32 to vector<16xi32>
    %add3A_1693 = arith.addi %add3A_1691, %add3A_1692 : vector<16xi32>
    %add3A_1694 = arith.constant 25012288 : i32
    %add3A_1695 = arith.addi %mul3A_76, %add3A_1694 : i32
    %mul3A_1696 = arith.constant 1280 : i32
    %mul3A_1697 = arith.muli %arg1, %mul3A_1696 : i32
    %add3A_1698 = arith.addi %add3A_1695, %mul3A_1697 : i32
    %add3A_1699 = arith.constant 320 : i32
    %add3A_1700 = arith.addi %add3A_1698, %add3A_1699 : i32
    %add3A_1701 = vector.broadcast %add3A_1700 : i32 to vector<16xi32>
    %add3A_1702 = arith.addi %add3A_1701, %iota3A : vector<16xi32>
    %get3A_1703 = arith.constant 320 : index
    %get3A_1704 = tpu.vector_load %arg18[%get3A_1703] {strides = array<i32>} : memref<1280xf32, #tpu.memory_space<vmem>>, vector<16xf32>,
    %get3A_1705 = vector.shape_cast %get3A_1704 : vector<16xf32> to vector<16xf32>
    %gt3A_1706 = arith.constant 1.000000e-01 : f32
    %gt3A_1707 = vector.broadcast %gt3A_1706 : f32 to vector<16xf32>
    %gt3A_1708 = arith.cmpf ogt, %get3A_1705, %gt3A_1707 : vector<16xf32>
    %select_n3A_1709 = arith.select %gt3A_1708, %add3A_1693, %add3A_1702 : vector<16xi1>, vector<16xi32>
    %swap3A_1710 = arith.constant 320 : index
    %swap3A_1711 = tpu.vector_load %arg20[%swap3A_1710] {strides = array<i32>} : memref<1280xi32, #tpu.memory_space<vmem>>, vector<16xi32>,
    %swap3A_1712 = vector.shape_cast %swap3A_1711 : vector<16xi32> to vector<16xi32>
    %swap3A_1713 = vector.shape_cast %select_n3A_1709 : vector<16xi32> to vector<16xi32>
    tpu.vector_store %arg20[%swap3A_1710], %swap3A_1713 {strides = array<i32>} : memref<1280xi32, #tpu.memory_space<vmem>>, vector<16xi32>,
    %get3A_1714 = arith.constant 336 : index
    %get3A_1715 = tpu.vector_load %arg16[%get3A_1714] {strides = array<i32>} : memref<1280xi32, #tpu.memory_space<vmem>>, vector<16xi32>,
    %get3A_1716 = vector.shape_cast %get3A_1715 : vector<16xi32> to vector<16xi32>
    %mul3A_1717 = arith.constant 5000 : i32
    %mul3A_1718 = vector.broadcast %mul3A_1717 : i32 to vector<16xi32>
    %mul3A_1719 = arith.muli %get3A_1716, %mul3A_1718 : vector<16xi32>
    %get3A_1720 = arith.constant 336 : index
    %get3A_1721 = tpu.vector_load %arg17[%get3A_1720] {strides = array<i32>} : memref<1280xi32, #tpu.memory_space<vmem>>, vector<16xi32>,
    %get3A_1722 = vector.shape_cast %get3A_1721 : vector<16xi32> to vector<16xi32>
    %add3A_1723 = arith.addi %mul3A_1719, %get3A_1722 : vector<16xi32>
    %add3A_1724 = vector.broadcast %mul3A_76 : i32 to vector<16xi32>
    %add3A_1725 = arith.addi %add3A_1723, %add3A_1724 : vector<16xi32>
    %add3A_1726 = arith.constant 25012288 : i32
    %add3A_1727 = arith.addi %mul3A_76, %add3A_1726 : i32
    %mul3A_1728 = arith.constant 1280 : i32
    %mul3A_1729 = arith.muli %arg1, %mul3A_1728 : i32
    %add3A_1730 = arith.addi %add3A_1727, %mul3A_1729 : i32
    %add3A_1731 = arith.constant 336 : i32
    %add3A_1732 = arith.addi %add3A_1730, %add3A_1731 : i32
    %add3A_1733 = vector.broadcast %add3A_1732 : i32 to vector<16xi32>
    %add3A_1734 = arith.addi %add3A_1733, %iota3A : vector<16xi32>
    %get3A_1735 = arith.constant 336 : index
    %get3A_1736 = tpu.vector_load %arg18[%get3A_1735] {strides = array<i32>} : memref<1280xf32, #tpu.memory_space<vmem>>, vector<16xf32>,
    %get3A_1737 = vector.shape_cast %get3A_1736 : vector<16xf32> to vector<16xf32>
    %gt3A_1738 = arith.constant 1.000000e-01 : f32
    %gt3A_1739 = vector.broadcast %gt3A_1738 : f32 to vector<16xf32>
    %gt3A_1740 = arith.cmpf ogt, %get3A_1737, %gt3A_1739 : vector<16xf32>
    %select_n3A_1741 = arith.select %gt3A_1740, %add3A_1725, %add3A_1734 : vector<16xi1>, vector<16xi32>
    %swap3A_1742 = arith.constant 336 : index
    %swap3A_1743 = tpu.vector_load %arg20[%swap3A_1742] {strides = array<i32>} : memref<1280xi32, #tpu.memory_space<vmem>>, vector<16xi32>,
    %swap3A_1744 = vector.shape_cast %swap3A_1743 : vector<16xi32> to vector<16xi32>
    %swap3A_1745 = vector.shape_cast %select_n3A_1741 : vector<16xi32> to vector<16xi32>
    tpu.vector_store %arg20[%swap3A_1742], %swap3A_1745 {strides = array<i32>} : memref<1280xi32, #tpu.memory_space<vmem>>, vector<16xi32>,
    %get3A_1746 = arith.constant 352 : index
    %get3A_1747 = tpu.vector_load %arg16[%get3A_1746] {strides = array<i32>} : memref<1280xi32, #tpu.memory_space<vmem>>, vector<16xi32>,
    %get3A_1748 = vector.shape_cast %get3A_1747 : vector<16xi32> to vector<16xi32>
    %mul3A_1749 = arith.constant 5000 : i32
    %mul3A_1750 = vector.broadcast %mul3A_1749 : i32 to vector<16xi32>
    %mul3A_1751 = arith.muli %get3A_1748, %mul3A_1750 : vector<16xi32>
    %get3A_1752 = arith.constant 352 : index
    %get3A_1753 = tpu.vector_load %arg17[%get3A_1752] {strides = array<i32>} : memref<1280xi32, #tpu.memory_space<vmem>>, vector<16xi32>,
    %get3A_1754 = vector.shape_cast %get3A_1753 : vector<16xi32> to vector<16xi32>
    %add3A_1755 = arith.addi %mul3A_1751, %get3A_1754 : vector<16xi32>
    %add3A_1756 = vector.broadcast %mul3A_76 : i32 to vector<16xi32>
    %add3A_1757 = arith.addi %add3A_1755, %add3A_1756 : vector<16xi32>
    %add3A_1758 = arith.constant 25012288 : i32
    %add3A_1759 = arith.addi %mul3A_76, %add3A_1758 : i32
    %mul3A_1760 = arith.constant 1280 : i32
    %mul3A_1761 = arith.muli %arg1, %mul3A_1760 : i32
    %add3A_1762 = arith.addi %add3A_1759, %mul3A_1761 : i32
    %add3A_1763 = arith.constant 352 : i32
    %add3A_1764 = arith.addi %add3A_1762, %add3A_1763 : i32
    %add3A_1765 = vector.broadcast %add3A_1764 : i32 to vector<16xi32>
    %add3A_1766 = arith.addi %add3A_1765, %iota3A : vector<16xi32>
    %get3A_1767 = arith.constant 352 : index
    %get3A_1768 = tpu.vector_load %arg18[%get3A_1767] {strides = array<i32>} : memref<1280xf32, #tpu.memory_space<vmem>>, vector<16xf32>,
    %get3A_1769 = vector.shape_cast %get3A_1768 : vector<16xf32> to vector<16xf32>
    %gt3A_1770 = arith.constant 1.000000e-01 : f32
    %gt3A_1771 = vector.broadcast %gt3A_1770 : f32 to vector<16xf32>
    %gt3A_1772 = arith.cmpf ogt, %get3A_1769, %gt3A_1771 : vector<16xf32>
    %select_n3A_1773 = arith.select %gt3A_1772, %add3A_1757, %add3A_1766 : vector<16xi1>, vector<16xi32>
    %swap3A_1774 = arith.constant 352 : index
    %swap3A_1775 = tpu.vector_load %arg20[%swap3A_1774] {strides = array<i32>} : memref<1280xi32, #tpu.memory_space<vmem>>, vector<16xi32>,
    %swap3A_1776 = vector.shape_cast %swap3A_1775 : vector<16xi32> to vector<16xi32>
    %swap3A_1777 = vector.shape_cast %select_n3A_1773 : vector<16xi32> to vector<16xi32>
    tpu.vector_store %arg20[%swap3A_1774], %swap3A_1777 {strides = array<i32>} : memref<1280xi32, #tpu.memory_space<vmem>>, vector<16xi32>,
    %get3A_1778 = arith.constant 368 : index
    %get3A_1779 = tpu.vector_load %arg16[%get3A_1778] {strides = array<i32>} : memref<1280xi32, #tpu.memory_space<vmem>>, vector<16xi32>,
    %get3A_1780 = vector.shape_cast %get3A_1779 : vector<16xi32> to vector<16xi32>
    %mul3A_1781 = arith.constant 5000 : i32
    %mul3A_1782 = vector.broadcast %mul3A_1781 : i32 to vector<16xi32>
    %mul3A_1783 = arith.muli %get3A_1780, %mul3A_1782 : vector<16xi32>
    %get3A_1784 = arith.constant 368 : index
    %get3A_1785 = tpu.vector_load %arg17[%get3A_1784] {strides = array<i32>} : memref<1280xi32, #tpu.memory_space<vmem>>, vector<16xi32>,
    %get3A_1786 = vector.shape_cast %get3A_1785 : vector<16xi32> to vector<16xi32>
    %add3A_1787 = arith.addi %mul3A_1783, %get3A_1786 : vector<16xi32>
    %add3A_1788 = vector.broadcast %mul3A_76 : i32 to vector<16xi32>
    %add3A_1789 = arith.addi %add3A_1787, %add3A_1788 : vector<16xi32>
    %add3A_1790 = arith.constant 25012288 : i32
    %add3A_1791 = arith.addi %mul3A_76, %add3A_1790 : i32
    %mul3A_1792 = arith.constant 1280 : i32
    %mul3A_1793 = arith.muli %arg1, %mul3A_1792 : i32
    %add3A_1794 = arith.addi %add3A_1791, %mul3A_1793 : i32
    %add3A_1795 = arith.constant 368 : i32
    %add3A_1796 = arith.addi %add3A_1794, %add3A_1795 : i32
    %add3A_1797 = vector.broadcast %add3A_1796 : i32 to vector<16xi32>
    %add3A_1798 = arith.addi %add3A_1797, %iota3A : vector<16xi32>
    %get3A_1799 = arith.constant 368 : index
    %get3A_1800 = tpu.vector_load %arg18[%get3A_1799] {strides = array<i32>} : memref<1280xf32, #tpu.memory_space<vmem>>, vector<16xf32>,
    %get3A_1801 = vector.shape_cast %get3A_1800 : vector<16xf32> to vector<16xf32>
    %gt3A_1802 = arith.constant 1.000000e-01 : f32
    %gt3A_1803 = vector.broadcast %gt3A_1802 : f32 to vector<16xf32>
    %gt3A_1804 = arith.cmpf ogt, %get3A_1801, %gt3A_1803 : vector<16xf32>
    %select_n3A_1805 = arith.select %gt3A_1804, %add3A_1789, %add3A_1798 : vector<16xi1>, vector<16xi32>
    %swap3A_1806 = arith.constant 368 : index
    %swap3A_1807 = tpu.vector_load %arg20[%swap3A_1806] {strides = array<i32>} : memref<1280xi32, #tpu.memory_space<vmem>>, vector<16xi32>,
    %swap3A_1808 = vector.shape_cast %swap3A_1807 : vector<16xi32> to vector<16xi32>
    %swap3A_1809 = vector.shape_cast %select_n3A_1805 : vector<16xi32> to vector<16xi32>
    tpu.vector_store %arg20[%swap3A_1806], %swap3A_1809 {strides = array<i32>} : memref<1280xi32, #tpu.memory_space<vmem>>, vector<16xi32>,
    %get3A_1810 = arith.constant 384 : index
    %get3A_1811 = tpu.vector_load %arg16[%get3A_1810] {strides = array<i32>} : memref<1280xi32, #tpu.memory_space<vmem>>, vector<16xi32>,
    %get3A_1812 = vector.shape_cast %get3A_1811 : vector<16xi32> to vector<16xi32>
    %mul3A_1813 = arith.constant 5000 : i32
    %mul3A_1814 = vector.broadcast %mul3A_1813 : i32 to vector<16xi32>
    %mul3A_1815 = arith.muli %get3A_1812, %mul3A_1814 : vector<16xi32>
    %get3A_1816 = arith.constant 384 : index
    %get3A_1817 = tpu.vector_load %arg17[%get3A_1816] {strides = array<i32>} : memref<1280xi32, #tpu.memory_space<vmem>>, vector<16xi32>,
    %get3A_1818 = vector.shape_cast %get3A_1817 : vector<16xi32> to vector<16xi32>
    %add3A_1819 = arith.addi %mul3A_1815, %get3A_1818 : vector<16xi32>
    %add3A_1820 = vector.broadcast %mul3A_76 : i32 to vector<16xi32>
    %add3A_1821 = arith.addi %add3A_1819, %add3A_1820 : vector<16xi32>
    %add3A_1822 = arith.constant 25012288 : i32
    %add3A_1823 = arith.addi %mul3A_76, %add3A_1822 : i32
    %mul3A_1824 = arith.constant 1280 : i32
    %mul3A_1825 = arith.muli %arg1, %mul3A_1824 : i32
    %add3A_1826 = arith.addi %add3A_1823, %mul3A_1825 : i32
    %add3A_1827 = arith.constant 384 : i32
    %add3A_1828 = arith.addi %add3A_1826, %add3A_1827 : i32
    %add3A_1829 = vector.broadcast %add3A_1828 : i32 to vector<16xi32>
    %add3A_1830 = arith.addi %add3A_1829, %iota3A : vector<16xi32>
    %get3A_1831 = arith.constant 384 : index
    %get3A_1832 = tpu.vector_load %arg18[%get3A_1831] {strides = array<i32>} : memref<1280xf32, #tpu.memory_space<vmem>>, vector<16xf32>,
    %get3A_1833 = vector.shape_cast %get3A_1832 : vector<16xf32> to vector<16xf32>
    %gt3A_1834 = arith.constant 1.000000e-01 : f32
    %gt3A_1835 = vector.broadcast %gt3A_1834 : f32 to vector<16xf32>
    %gt3A_1836 = arith.cmpf ogt, %get3A_1833, %gt3A_1835 : vector<16xf32>
    %select_n3A_1837 = arith.select %gt3A_1836, %add3A_1821, %add3A_1830 : vector<16xi1>, vector<16xi32>
    %swap3A_1838 = arith.constant 384 : index
    %swap3A_1839 = tpu.vector_load %arg20[%swap3A_1838] {strides = array<i32>} : memref<1280xi32, #tpu.memory_space<vmem>>, vector<16xi32>,
    %swap3A_1840 = vector.shape_cast %swap3A_1839 : vector<16xi32> to vector<16xi32>
    %swap3A_1841 = vector.shape_cast %select_n3A_1837 : vector<16xi32> to vector<16xi32>
    tpu.vector_store %arg20[%swap3A_1838], %swap3A_1841 {strides = array<i32>} : memref<1280xi32, #tpu.memory_space<vmem>>, vector<16xi32>,
    %get3A_1842 = arith.constant 400 : index
    %get3A_1843 = tpu.vector_load %arg16[%get3A_1842] {strides = array<i32>} : memref<1280xi32, #tpu.memory_space<vmem>>, vector<16xi32>,
    %get3A_1844 = vector.shape_cast %get3A_1843 : vector<16xi32> to vector<16xi32>
    %mul3A_1845 = arith.constant 5000 : i32
    %mul3A_1846 = vector.broadcast %mul3A_1845 : i32 to vector<16xi32>
    %mul3A_1847 = arith.muli %get3A_1844, %mul3A_1846 : vector<16xi32>
    %get3A_1848 = arith.constant 400 : index
    %get3A_1849 = tpu.vector_load %arg17[%get3A_1848] {strides = array<i32>} : memref<1280xi32, #tpu.memory_space<vmem>>, vector<16xi32>,
    %get3A_1850 = vector.shape_cast %get3A_1849 : vector<16xi32> to vector<16xi32>
    %add3A_1851 = arith.addi %mul3A_1847, %get3A_1850 : vector<16xi32>
    %add3A_1852 = vector.broadcast %mul3A_76 : i32 to vector<16xi32>
    %add3A_1853 = arith.addi %add3A_1851, %add3A_1852 : vector<16xi32>
    %add3A_1854 = arith.constant 25012288 : i32
    %add3A_1855 = arith.addi %mul3A_76, %add3A_1854 : i32
    %mul3A_1856 = arith.constant 1280 : i32
    %mul3A_1857 = arith.muli %arg1, %mul3A_1856 : i32
    %add3A_1858 = arith.addi %add3A_1855, %mul3A_1857 : i32
    %add3A_1859 = arith.constant 400 : i32
    %add3A_1860 = arith.addi %add3A_1858, %add3A_1859 : i32
    %add3A_1861 = vector.broadcast %add3A_1860 : i32 to vector<16xi32>
    %add3A_1862 = arith.addi %add3A_1861, %iota3A : vector<16xi32>
    %get3A_1863 = arith.constant 400 : index
    %get3A_1864 = tpu.vector_load %arg18[%get3A_1863] {strides = array<i32>} : memref<1280xf32, #tpu.memory_space<vmem>>, vector<16xf32>,
    %get3A_1865 = vector.shape_cast %get3A_1864 : vector<16xf32> to vector<16xf32>
    %gt3A_1866 = arith.constant 1.000000e-01 : f32
    %gt3A_1867 = vector.broadcast %gt3A_1866 : f32 to vector<16xf32>
    %gt3A_1868 = arith.cmpf ogt, %get3A_1865, %gt3A_1867 : vector<16xf32>
    %select_n3A_1869 = arith.select %gt3A_1868, %add3A_1853, %add3A_1862 : vector<16xi1>, vector<16xi32>
    %swap3A_1870 = arith.constant 400 : index
    %swap3A_1871 = tpu.vector_load %arg20[%swap3A_1870] {strides = array<i32>} : memref<1280xi32, #tpu.memory_space<vmem>>, vector<16xi32>,
    %swap3A_1872 = vector.shape_cast %swap3A_1871 : vector<16xi32> to vector<16xi32>
    %swap3A_1873 = vector.shape_cast %select_n3A_1869 : vector<16xi32> to vector<16xi32>
    tpu.vector_store %arg20[%swap3A_1870], %swap3A_1873 {strides = array<i32>} : memref<1280xi32, #tpu.memory_space<vmem>>, vector<16xi32>,
    %get3A_1874 = arith.constant 416 : index
    %get3A_1875 = tpu.vector_load %arg16[%get3A_1874] {strides = array<i32>} : memref<1280xi32, #tpu.memory_space<vmem>>, vector<16xi32>,
    %get3A_1876 = vector.shape_cast %get3A_1875 : vector<16xi32> to vector<16xi32>
    %mul3A_1877 = arith.constant 5000 : i32
    %mul3A_1878 = vector.broadcast %mul3A_1877 : i32 to vector<16xi32>
    %mul3A_1879 = arith.muli %get3A_1876, %mul3A_1878 : vector<16xi32>
    %get3A_1880 = arith.constant 416 : index
    %get3A_1881 = tpu.vector_load %arg17[%get3A_1880] {strides = array<i32>} : memref<1280xi32, #tpu.memory_space<vmem>>, vector<16xi32>,
    %get3A_1882 = vector.shape_cast %get3A_1881 : vector<16xi32> to vector<16xi32>
    %add3A_1883 = arith.addi %mul3A_1879, %get3A_1882 : vector<16xi32>
    %add3A_1884 = vector.broadcast %mul3A_76 : i32 to vector<16xi32>
    %add3A_1885 = arith.addi %add3A_1883, %add3A_1884 : vector<16xi32>
    %add3A_1886 = arith.constant 25012288 : i32
    %add3A_1887 = arith.addi %mul3A_76, %add3A_1886 : i32
    %mul3A_1888 = arith.constant 1280 : i32
    %mul3A_1889 = arith.muli %arg1, %mul3A_1888 : i32
    %add3A_1890 = arith.addi %add3A_1887, %mul3A_1889 : i32
    %add3A_1891 = arith.constant 416 : i32
    %add3A_1892 = arith.addi %add3A_1890, %add3A_1891 : i32
    %add3A_1893 = vector.broadcast %add3A_1892 : i32 to vector<16xi32>
    %add3A_1894 = arith.addi %add3A_1893, %iota3A : vector<16xi32>
    %get3A_1895 = arith.constant 416 : index
    %get3A_1896 = tpu.vector_load %arg18[%get3A_1895] {strides = array<i32>} : memref<1280xf32, #tpu.memory_space<vmem>>, vector<16xf32>,
    %get3A_1897 = vector.shape_cast %get3A_1896 : vector<16xf32> to vector<16xf32>
    %gt3A_1898 = arith.constant 1.000000e-01 : f32
    %gt3A_1899 = vector.broadcast %gt3A_1898 : f32 to vector<16xf32>
    %gt3A_1900 = arith.cmpf ogt, %get3A_1897, %gt3A_1899 : vector<16xf32>
    %select_n3A_1901 = arith.select %gt3A_1900, %add3A_1885, %add3A_1894 : vector<16xi1>, vector<16xi32>
    %swap3A_1902 = arith.constant 416 : index
    %swap3A_1903 = tpu.vector_load %arg20[%swap3A_1902] {strides = array<i32>} : memref<1280xi32, #tpu.memory_space<vmem>>, vector<16xi32>,
    %swap3A_1904 = vector.shape_cast %swap3A_1903 : vector<16xi32> to vector<16xi32>
    %swap3A_1905 = vector.shape_cast %select_n3A_1901 : vector<16xi32> to vector<16xi32>
    tpu.vector_store %arg20[%swap3A_1902], %swap3A_1905 {strides = array<i32>} : memref<1280xi32, #tpu.memory_space<vmem>>, vector<16xi32>,
    %get3A_1906 = arith.constant 432 : index
    %get3A_1907 = tpu.vector_load %arg16[%get3A_1906] {strides = array<i32>} : memref<1280xi32, #tpu.memory_space<vmem>>, vector<16xi32>,
    %get3A_1908 = vector.shape_cast %get3A_1907 : vector<16xi32> to vector<16xi32>
    %mul3A_1909 = arith.constant 5000 : i32
    %mul3A_1910 = vector.broadcast %mul3A_1909 : i32 to vector<16xi32>
    %mul3A_1911 = arith.muli %get3A_1908, %mul3A_1910 : vector<16xi32>
    %get3A_1912 = arith.constant 432 : index
    %get3A_1913 = tpu.vector_load %arg17[%get3A_1912] {strides = array<i32>} : memref<1280xi32, #tpu.memory_space<vmem>>, vector<16xi32>,
    %get3A_1914 = vector.shape_cast %get3A_1913 : vector<16xi32> to vector<16xi32>
    %add3A_1915 = arith.addi %mul3A_1911, %get3A_1914 : vector<16xi32>
    %add3A_1916 = vector.broadcast %mul3A_76 : i32 to vector<16xi32>
    %add3A_1917 = arith.addi %add3A_1915, %add3A_1916 : vector<16xi32>
    %add3A_1918 = arith.constant 25012288 : i32
    %add3A_1919 = arith.addi %mul3A_76, %add3A_1918 : i32
    %mul3A_1920 = arith.constant 1280 : i32
    %mul3A_1921 = arith.muli %arg1, %mul3A_1920 : i32
    %add3A_1922 = arith.addi %add3A_1919, %mul3A_1921 : i32
    %add3A_1923 = arith.constant 432 : i32
    %add3A_1924 = arith.addi %add3A_1922, %add3A_1923 : i32
    %add3A_1925 = vector.broadcast %add3A_1924 : i32 to vector<16xi32>
    %add3A_1926 = arith.addi %add3A_1925, %iota3A : vector<16xi32>
    %get3A_1927 = arith.constant 432 : index
    %get3A_1928 = tpu.vector_load %arg18[%get3A_1927] {strides = array<i32>} : memref<1280xf32, #tpu.memory_space<vmem>>, vector<16xf32>,
    %get3A_1929 = vector.shape_cast %get3A_1928 : vector<16xf32> to vector<16xf32>
    %gt3A_1930 = arith.constant 1.000000e-01 : f32
    %gt3A_1931 = vector.broadcast %gt3A_1930 : f32 to vector<16xf32>
    %gt3A_1932 = arith.cmpf ogt, %get3A_1929, %gt3A_1931 : vector<16xf32>
    %select_n3A_1933 = arith.select %gt3A_1932, %add3A_1917, %add3A_1926 : vector<16xi1>, vector<16xi32>
    %swap3A_1934 = arith.constant 432 : index
    %swap3A_1935 = tpu.vector_load %arg20[%swap3A_1934] {strides = array<i32>} : memref<1280xi32, #tpu.memory_space<vmem>>, vector<16xi32>,
    %swap3A_1936 = vector.shape_cast %swap3A_1935 : vector<16xi32> to vector<16xi32>
    %swap3A_1937 = vector.shape_cast %select_n3A_1933 : vector<16xi32> to vector<16xi32>
    tpu.vector_store %arg20[%swap3A_1934], %swap3A_1937 {strides = array<i32>} : memref<1280xi32, #tpu.memory_space<vmem>>, vector<16xi32>,
    %get3A_1938 = arith.constant 448 : index
    %get3A_1939 = tpu.vector_load %arg16[%get3A_1938] {strides = array<i32>} : memref<1280xi32, #tpu.memory_space<vmem>>, vector<16xi32>,
    %get3A_1940 = vector.shape_cast %get3A_1939 : vector<16xi32> to vector<16xi32>
    %mul3A_1941 = arith.constant 5000 : i32
    %mul3A_1942 = vector.broadcast %mul3A_1941 : i32 to vector<16xi32>
    %mul3A_1943 = arith.muli %get3A_1940, %mul3A_1942 : vector<16xi32>
    %get3A_1944 = arith.constant 448 : index
    %get3A_1945 = tpu.vector_load %arg17[%get3A_1944] {strides = array<i32>} : memref<1280xi32, #tpu.memory_space<vmem>>, vector<16xi32>,
    %get3A_1946 = vector.shape_cast %get3A_1945 : vector<16xi32> to vector<16xi32>
    %add3A_1947 = arith.addi %mul3A_1943, %get3A_1946 : vector<16xi32>
    %add3A_1948 = vector.broadcast %mul3A_76 : i32 to vector<16xi32>
    %add3A_1949 = arith.addi %add3A_1947, %add3A_1948 : vector<16xi32>
    %add3A_1950 = arith.constant 25012288 : i32
    %add3A_1951 = arith.addi %mul3A_76, %add3A_1950 : i32
    %mul3A_1952 = arith.constant 1280 : i32
    %mul3A_1953 = arith.muli %arg1, %mul3A_1952 : i32
    %add3A_1954 = arith.addi %add3A_1951, %mul3A_1953 : i32
    %add3A_1955 = arith.constant 448 : i32
    %add3A_1956 = arith.addi %add3A_1954, %add3A_1955 : i32
    %add3A_1957 = vector.broadcast %add3A_1956 : i32 to vector<16xi32>
    %add3A_1958 = arith.addi %add3A_1957, %iota3A : vector<16xi32>
    %get3A_1959 = arith.constant 448 : index
    %get3A_1960 = tpu.vector_load %arg18[%get3A_1959] {strides = array<i32>} : memref<1280xf32, #tpu.memory_space<vmem>>, vector<16xf32>,
    %get3A_1961 = vector.shape_cast %get3A_1960 : vector<16xf32> to vector<16xf32>
    %gt3A_1962 = arith.constant 1.000000e-01 : f32
    %gt3A_1963 = vector.broadcast %gt3A_1962 : f32 to vector<16xf32>
    %gt3A_1964 = arith.cmpf ogt, %get3A_1961, %gt3A_1963 : vector<16xf32>
    %select_n3A_1965 = arith.select %gt3A_1964, %add3A_1949, %add3A_1958 : vector<16xi1>, vector<16xi32>
    %swap3A_1966 = arith.constant 448 : index
    %swap3A_1967 = tpu.vector_load %arg20[%swap3A_1966] {strides = array<i32>} : memref<1280xi32, #tpu.memory_space<vmem>>, vector<16xi32>,
    %swap3A_1968 = vector.shape_cast %swap3A_1967 : vector<16xi32> to vector<16xi32>
    %swap3A_1969 = vector.shape_cast %select_n3A_1965 : vector<16xi32> to vector<16xi32>
    tpu.vector_store %arg20[%swap3A_1966], %swap3A_1969 {strides = array<i32>} : memref<1280xi32, #tpu.memory_space<vmem>>, vector<16xi32>,
    %get3A_1970 = arith.constant 464 : index
    %get3A_1971 = tpu.vector_load %arg16[%get3A_1970] {strides = array<i32>} : memref<1280xi32, #tpu.memory_space<vmem>>, vector<16xi32>,
    %get3A_1972 = vector.shape_cast %get3A_1971 : vector<16xi32> to vector<16xi32>
    %mul3A_1973 = arith.constant 5000 : i32
    %mul3A_1974 = vector.broadcast %mul3A_1973 : i32 to vector<16xi32>
    %mul3A_1975 = arith.muli %get3A_1972, %mul3A_1974 : vector<16xi32>
    %get3A_1976 = arith.constant 464 : index
    %get3A_1977 = tpu.vector_load %arg17[%get3A_1976] {strides = array<i32>} : memref<1280xi32, #tpu.memory_space<vmem>>, vector<16xi32>,
    %get3A_1978 = vector.shape_cast %get3A_1977 : vector<16xi32> to vector<16xi32>
    %add3A_1979 = arith.addi %mul3A_1975, %get3A_1978 : vector<16xi32>
    %add3A_1980 = vector.broadcast %mul3A_76 : i32 to vector<16xi32>
    %add3A_1981 = arith.addi %add3A_1979, %add3A_1980 : vector<16xi32>
    %add3A_1982 = arith.constant 25012288 : i32
    %add3A_1983 = arith.addi %mul3A_76, %add3A_1982 : i32
    %mul3A_1984 = arith.constant 1280 : i32
    %mul3A_1985 = arith.muli %arg1, %mul3A_1984 : i32
    %add3A_1986 = arith.addi %add3A_1983, %mul3A_1985 : i32
    %add3A_1987 = arith.constant 464 : i32
    %add3A_1988 = arith.addi %add3A_1986, %add3A_1987 : i32
    %add3A_1989 = vector.broadcast %add3A_1988 : i32 to vector<16xi32>
    %add3A_1990 = arith.addi %add3A_1989, %iota3A : vector<16xi32>
    %get3A_1991 = arith.constant 464 : index
    %get3A_1992 = tpu.vector_load %arg18[%get3A_1991] {strides = array<i32>} : memref<1280xf32, #tpu.memory_space<vmem>>, vector<16xf32>,
    %get3A_1993 = vector.shape_cast %get3A_1992 : vector<16xf32> to vector<16xf32>
    %gt3A_1994 = arith.constant 1.000000e-01 : f32
    %gt3A_1995 = vector.broadcast %gt3A_1994 : f32 to vector<16xf32>
    %gt3A_1996 = arith.cmpf ogt, %get3A_1993, %gt3A_1995 : vector<16xf32>
    %select_n3A_1997 = arith.select %gt3A_1996, %add3A_1981, %add3A_1990 : vector<16xi1>, vector<16xi32>
    %swap3A_1998 = arith.constant 464 : index
    %swap3A_1999 = tpu.vector_load %arg20[%swap3A_1998] {strides = array<i32>} : memref<1280xi32, #tpu.memory_space<vmem>>, vector<16xi32>,
    %swap3A_2000 = vector.shape_cast %swap3A_1999 : vector<16xi32> to vector<16xi32>
    %swap3A_2001 = vector.shape_cast %select_n3A_1997 : vector<16xi32> to vector<16xi32>
    tpu.vector_store %arg20[%swap3A_1998], %swap3A_2001 {strides = array<i32>} : memref<1280xi32, #tpu.memory_space<vmem>>, vector<16xi32>,
    %get3A_2002 = arith.constant 480 : index
    %get3A_2003 = tpu.vector_load %arg16[%get3A_2002] {strides = array<i32>} : memref<1280xi32, #tpu.memory_space<vmem>>, vector<16xi32>,
    %get3A_2004 = vector.shape_cast %get3A_2003 : vector<16xi32> to vector<16xi32>
    %mul3A_2005 = arith.constant 5000 : i32
    %mul3A_2006 = vector.broadcast %mul3A_2005 : i32 to vector<16xi32>
    %mul3A_2007 = arith.muli %get3A_2004, %mul3A_2006 : vector<16xi32>
    %get3A_2008 = arith.constant 480 : index
    %get3A_2009 = tpu.vector_load %arg17[%get3A_2008] {strides = array<i32>} : memref<1280xi32, #tpu.memory_space<vmem>>, vector<16xi32>,
    %get3A_2010 = vector.shape_cast %get3A_2009 : vector<16xi32> to vector<16xi32>
    %add3A_2011 = arith.addi %mul3A_2007, %get3A_2010 : vector<16xi32>
    %add3A_2012 = vector.broadcast %mul3A_76 : i32 to vector<16xi32>
    %add3A_2013 = arith.addi %add3A_2011, %add3A_2012 : vector<16xi32>
    %add3A_2014 = arith.constant 25012288 : i32
    %add3A_2015 = arith.addi %mul3A_76, %add3A_2014 : i32
    %mul3A_2016 = arith.constant 1280 : i32
    %mul3A_2017 = arith.muli %arg1, %mul3A_2016 : i32
    %add3A_2018 = arith.addi %add3A_2015, %mul3A_2017 : i32
    %add3A_2019 = arith.constant 480 : i32
    %add3A_2020 = arith.addi %add3A_2018, %add3A_2019 : i32
    %add3A_2021 = vector.broadcast %add3A_2020 : i32 to vector<16xi32>
    %add3A_2022 = arith.addi %add3A_2021, %iota3A : vector<16xi32>
    %get3A_2023 = arith.constant 480 : index
    %get3A_2024 = tpu.vector_load %arg18[%get3A_2023] {strides = array<i32>} : memref<1280xf32, #tpu.memory_space<vmem>>, vector<16xf32>,
    %get3A_2025 = vector.shape_cast %get3A_2024 : vector<16xf32> to vector<16xf32>
    %gt3A_2026 = arith.constant 1.000000e-01 : f32
    %gt3A_2027 = vector.broadcast %gt3A_2026 : f32 to vector<16xf32>
    %gt3A_2028 = arith.cmpf ogt, %get3A_2025, %gt3A_2027 : vector<16xf32>
    %select_n3A_2029 = arith.select %gt3A_2028, %add3A_2013, %add3A_2022 : vector<16xi1>, vector<16xi32>
    %swap3A_2030 = arith.constant 480 : index
    %swap3A_2031 = tpu.vector_load %arg20[%swap3A_2030] {strides = array<i32>} : memref<1280xi32, #tpu.memory_space<vmem>>, vector<16xi32>,
    %swap3A_2032 = vector.shape_cast %swap3A_2031 : vector<16xi32> to vector<16xi32>
    %swap3A_2033 = vector.shape_cast %select_n3A_2029 : vector<16xi32> to vector<16xi32>
    tpu.vector_store %arg20[%swap3A_2030], %swap3A_2033 {strides = array<i32>} : memref<1280xi32, #tpu.memory_space<vmem>>, vector<16xi32>,
    %get3A_2034 = arith.constant 496 : index
    %get3A_2035 = tpu.vector_load %arg16[%get3A_2034] {strides = array<i32>} : memref<1280xi32, #tpu.memory_space<vmem>>, vector<16xi32>,
    %get3A_2036 = vector.shape_cast %get3A_2035 : vector<16xi32> to vector<16xi32>
    %mul3A_2037 = arith.constant 5000 : i32
    %mul3A_2038 = vector.broadcast %mul3A_2037 : i32 to vector<16xi32>
    %mul3A_2039 = arith.muli %get3A_2036, %mul3A_2038 : vector<16xi32>
    %get3A_2040 = arith.constant 496 : index
    %get3A_2041 = tpu.vector_load %arg17[%get3A_2040] {strides = array<i32>} : memref<1280xi32, #tpu.memory_space<vmem>>, vector<16xi32>,
    %get3A_2042 = vector.shape_cast %get3A_2041 : vector<16xi32> to vector<16xi32>
    %add3A_2043 = arith.addi %mul3A_2039, %get3A_2042 : vector<16xi32>
    %add3A_2044 = vector.broadcast %mul3A_76 : i32 to vector<16xi32>
    %add3A_2045 = arith.addi %add3A_2043, %add3A_2044 : vector<16xi32>
    %add3A_2046 = arith.constant 25012288 : i32
    %add3A_2047 = arith.addi %mul3A_76, %add3A_2046 : i32
    %mul3A_2048 = arith.constant 1280 : i32
    %mul3A_2049 = arith.muli %arg1, %mul3A_2048 : i32
    %add3A_2050 = arith.addi %add3A_2047, %mul3A_2049 : i32
    %add3A_2051 = arith.constant 496 : i32
    %add3A_2052 = arith.addi %add3A_2050, %add3A_2051 : i32
    %add3A_2053 = vector.broadcast %add3A_2052 : i32 to vector<16xi32>
    %add3A_2054 = arith.addi %add3A_2053, %iota3A : vector<16xi32>
    %get3A_2055 = arith.constant 496 : index
    %get3A_2056 = tpu.vector_load %arg18[%get3A_2055] {strides = array<i32>} : memref<1280xf32, #tpu.memory_space<vmem>>, vector<16xf32>,
    %get3A_2057 = vector.shape_cast %get3A_2056 : vector<16xf32> to vector<16xf32>
    %gt3A_2058 = arith.constant 1.000000e-01 : f32
    %gt3A_2059 = vector.broadcast %gt3A_2058 : f32 to vector<16xf32>
    %gt3A_2060 = arith.cmpf ogt, %get3A_2057, %gt3A_2059 : vector<16xf32>
    %select_n3A_2061 = arith.select %gt3A_2060, %add3A_2045, %add3A_2054 : vector<16xi1>, vector<16xi32>
    %swap3A_2062 = arith.constant 496 : index
    %swap3A_2063 = tpu.vector_load %arg20[%swap3A_2062] {strides = array<i32>} : memref<1280xi32, #tpu.memory_space<vmem>>, vector<16xi32>,
    %swap3A_2064 = vector.shape_cast %swap3A_2063 : vector<16xi32> to vector<16xi32>
    %swap3A_2065 = vector.shape_cast %select_n3A_2061 : vector<16xi32> to vector<16xi32>
    tpu.vector_store %arg20[%swap3A_2062], %swap3A_2065 {strides = array<i32>} : memref<1280xi32, #tpu.memory_space<vmem>>, vector<16xi32>,
    %get3A_2066 = arith.constant 512 : index
    %get3A_2067 = tpu.vector_load %arg16[%get3A_2066] {strides = array<i32>} : memref<1280xi32, #tpu.memory_space<vmem>>, vector<16xi32>,
    %get3A_2068 = vector.shape_cast %get3A_2067 : vector<16xi32> to vector<16xi32>
    %mul3A_2069 = arith.constant 5000 : i32
    %mul3A_2070 = vector.broadcast %mul3A_2069 : i32 to vector<16xi32>
    %mul3A_2071 = arith.muli %get3A_2068, %mul3A_2070 : vector<16xi32>
    %get3A_2072 = arith.constant 512 : index
    %get3A_2073 = tpu.vector_load %arg17[%get3A_2072] {strides = array<i32>} : memref<1280xi32, #tpu.memory_space<vmem>>, vector<16xi32>,
    %get3A_2074 = vector.shape_cast %get3A_2073 : vector<16xi32> to vector<16xi32>
    %add3A_2075 = arith.addi %mul3A_2071, %get3A_2074 : vector<16xi32>
    %add3A_2076 = vector.broadcast %mul3A_76 : i32 to vector<16xi32>
    %add3A_2077 = arith.addi %add3A_2075, %add3A_2076 : vector<16xi32>
    %add3A_2078 = arith.constant 25012288 : i32
    %add3A_2079 = arith.addi %mul3A_76, %add3A_2078 : i32
    %mul3A_2080 = arith.constant 1280 : i32
    %mul3A_2081 = arith.muli %arg1, %mul3A_2080 : i32
    %add3A_2082 = arith.addi %add3A_2079, %mul3A_2081 : i32
    %add3A_2083 = arith.constant 512 : i32
    %add3A_2084 = arith.addi %add3A_2082, %add3A_2083 : i32
    %add3A_2085 = vector.broadcast %add3A_2084 : i32 to vector<16xi32>
    %add3A_2086 = arith.addi %add3A_2085, %iota3A : vector<16xi32>
    %get3A_2087 = arith.constant 512 : index
    %get3A_2088 = tpu.vector_load %arg18[%get3A_2087] {strides = array<i32>} : memref<1280xf32, #tpu.memory_space<vmem>>, vector<16xf32>,
    %get3A_2089 = vector.shape_cast %get3A_2088 : vector<16xf32> to vector<16xf32>
    %gt3A_2090 = arith.constant 1.000000e-01 : f32
    %gt3A_2091 = vector.broadcast %gt3A_2090 : f32 to vector<16xf32>
    %gt3A_2092 = arith.cmpf ogt, %get3A_2089, %gt3A_2091 : vector<16xf32>
    %select_n3A_2093 = arith.select %gt3A_2092, %add3A_2077, %add3A_2086 : vector<16xi1>, vector<16xi32>
    %swap3A_2094 = arith.constant 512 : index
    %swap3A_2095 = tpu.vector_load %arg20[%swap3A_2094] {strides = array<i32>} : memref<1280xi32, #tpu.memory_space<vmem>>, vector<16xi32>,
    %swap3A_2096 = vector.shape_cast %swap3A_2095 : vector<16xi32> to vector<16xi32>
    %swap3A_2097 = vector.shape_cast %select_n3A_2093 : vector<16xi32> to vector<16xi32>
    tpu.vector_store %arg20[%swap3A_2094], %swap3A_2097 {strides = array<i32>} : memref<1280xi32, #tpu.memory_space<vmem>>, vector<16xi32>,
    %get3A_2098 = arith.constant 528 : index
    %get3A_2099 = tpu.vector_load %arg16[%get3A_2098] {strides = array<i32>} : memref<1280xi32, #tpu.memory_space<vmem>>, vector<16xi32>,
    %get3A_2100 = vector.shape_cast %get3A_2099 : vector<16xi32> to vector<16xi32>
    %mul3A_2101 = arith.constant 5000 : i32
    %mul3A_2102 = vector.broadcast %mul3A_2101 : i32 to vector<16xi32>
    %mul3A_2103 = arith.muli %get3A_2100, %mul3A_2102 : vector<16xi32>
    %get3A_2104 = arith.constant 528 : index
    %get3A_2105 = tpu.vector_load %arg17[%get3A_2104] {strides = array<i32>} : memref<1280xi32, #tpu.memory_space<vmem>>, vector<16xi32>,
    %get3A_2106 = vector.shape_cast %get3A_2105 : vector<16xi32> to vector<16xi32>
    %add3A_2107 = arith.addi %mul3A_2103, %get3A_2106 : vector<16xi32>
    %add3A_2108 = vector.broadcast %mul3A_76 : i32 to vector<16xi32>
    %add3A_2109 = arith.addi %add3A_2107, %add3A_2108 : vector<16xi32>
    %add3A_2110 = arith.constant 25012288 : i32
    %add3A_2111 = arith.addi %mul3A_76, %add3A_2110 : i32
    %mul3A_2112 = arith.constant 1280 : i32
    %mul3A_2113 = arith.muli %arg1, %mul3A_2112 : i32
    %add3A_2114 = arith.addi %add3A_2111, %mul3A_2113 : i32
    %add3A_2115 = arith.constant 528 : i32
    %add3A_2116 = arith.addi %add3A_2114, %add3A_2115 : i32
    %add3A_2117 = vector.broadcast %add3A_2116 : i32 to vector<16xi32>
    %add3A_2118 = arith.addi %add3A_2117, %iota3A : vector<16xi32>
    %get3A_2119 = arith.constant 528 : index
    %get3A_2120 = tpu.vector_load %arg18[%get3A_2119] {strides = array<i32>} : memref<1280xf32, #tpu.memory_space<vmem>>, vector<16xf32>,
    %get3A_2121 = vector.shape_cast %get3A_2120 : vector<16xf32> to vector<16xf32>
    %gt3A_2122 = arith.constant 1.000000e-01 : f32
    %gt3A_2123 = vector.broadcast %gt3A_2122 : f32 to vector<16xf32>
    %gt3A_2124 = arith.cmpf ogt, %get3A_2121, %gt3A_2123 : vector<16xf32>
    %select_n3A_2125 = arith.select %gt3A_2124, %add3A_2109, %add3A_2118 : vector<16xi1>, vector<16xi32>
    %swap3A_2126 = arith.constant 528 : index
    %swap3A_2127 = tpu.vector_load %arg20[%swap3A_2126] {strides = array<i32>} : memref<1280xi32, #tpu.memory_space<vmem>>, vector<16xi32>,
    %swap3A_2128 = vector.shape_cast %swap3A_2127 : vector<16xi32> to vector<16xi32>
    %swap3A_2129 = vector.shape_cast %select_n3A_2125 : vector<16xi32> to vector<16xi32>
    tpu.vector_store %arg20[%swap3A_2126], %swap3A_2129 {strides = array<i32>} : memref<1280xi32, #tpu.memory_space<vmem>>, vector<16xi32>,
    %get3A_2130 = arith.constant 544 : index
    %get3A_2131 = tpu.vector_load %arg16[%get3A_2130] {strides = array<i32>} : memref<1280xi32, #tpu.memory_space<vmem>>, vector<16xi32>,
    %get3A_2132 = vector.shape_cast %get3A_2131 : vector<16xi32> to vector<16xi32>
    %mul3A_2133 = arith.constant 5000 : i32
    %mul3A_2134 = vector.broadcast %mul3A_2133 : i32 to vector<16xi32>
    %mul3A_2135 = arith.muli %get3A_2132, %mul3A_2134 : vector<16xi32>
    %get3A_2136 = arith.constant 544 : index
    %get3A_2137 = tpu.vector_load %arg17[%get3A_2136] {strides = array<i32>} : memref<1280xi32, #tpu.memory_space<vmem>>, vector<16xi32>,
    %get3A_2138 = vector.shape_cast %get3A_2137 : vector<16xi32> to vector<16xi32>
    %add3A_2139 = arith.addi %mul3A_2135, %get3A_2138 : vector<16xi32>
    %add3A_2140 = vector.broadcast %mul3A_76 : i32 to vector<16xi32>
    %add3A_2141 = arith.addi %add3A_2139, %add3A_2140 : vector<16xi32>
    %add3A_2142 = arith.constant 25012288 : i32
    %add3A_2143 = arith.addi %mul3A_76, %add3A_2142 : i32
    %mul3A_2144 = arith.constant 1280 : i32
    %mul3A_2145 = arith.muli %arg1, %mul3A_2144 : i32
    %add3A_2146 = arith.addi %add3A_2143, %mul3A_2145 : i32
    %add3A_2147 = arith.constant 544 : i32
    %add3A_2148 = arith.addi %add3A_2146, %add3A_2147 : i32
    %add3A_2149 = vector.broadcast %add3A_2148 : i32 to vector<16xi32>
    %add3A_2150 = arith.addi %add3A_2149, %iota3A : vector<16xi32>
    %get3A_2151 = arith.constant 544 : index
    %get3A_2152 = tpu.vector_load %arg18[%get3A_2151] {strides = array<i32>} : memref<1280xf32, #tpu.memory_space<vmem>>, vector<16xf32>,
    %get3A_2153 = vector.shape_cast %get3A_2152 : vector<16xf32> to vector<16xf32>
    %gt3A_2154 = arith.constant 1.000000e-01 : f32
    %gt3A_2155 = vector.broadcast %gt3A_2154 : f32 to vector<16xf32>
    %gt3A_2156 = arith.cmpf ogt, %get3A_2153, %gt3A_2155 : vector<16xf32>
    %select_n3A_2157 = arith.select %gt3A_2156, %add3A_2141, %add3A_2150 : vector<16xi1>, vector<16xi32>
    %swap3A_2158 = arith.constant 544 : index
    %swap3A_2159 = tpu.vector_load %arg20[%swap3A_2158] {strides = array<i32>} : memref<1280xi32, #tpu.memory_space<vmem>>, vector<16xi32>,
    %swap3A_2160 = vector.shape_cast %swap3A_2159 : vector<16xi32> to vector<16xi32>
    %swap3A_2161 = vector.shape_cast %select_n3A_2157 : vector<16xi32> to vector<16xi32>
    tpu.vector_store %arg20[%swap3A_2158], %swap3A_2161 {strides = array<i32>} : memref<1280xi32, #tpu.memory_space<vmem>>, vector<16xi32>,
    %get3A_2162 = arith.constant 560 : index
    %get3A_2163 = tpu.vector_load %arg16[%get3A_2162] {strides = array<i32>} : memref<1280xi32, #tpu.memory_space<vmem>>, vector<16xi32>,
    %get3A_2164 = vector.shape_cast %get3A_2163 : vector<16xi32> to vector<16xi32>
    %mul3A_2165 = arith.constant 5000 : i32
    %mul3A_2166 = vector.broadcast %mul3A_2165 : i32 to vector<16xi32>
    %mul3A_2167 = arith.muli %get3A_2164, %mul3A_2166 : vector<16xi32>
    %get3A_2168 = arith.constant 560 : index
    %get3A_2169 = tpu.vector_load %arg17[%get3A_2168] {strides = array<i32>} : memref<1280xi32, #tpu.memory_space<vmem>>, vector<16xi32>,
    %get3A_2170 = vector.shape_cast %get3A_2169 : vector<16xi32> to vector<16xi32>
    %add3A_2171 = arith.addi %mul3A_2167, %get3A_2170 : vector<16xi32>
    %add3A_2172 = vector.broadcast %mul3A_76 : i32 to vector<16xi32>
    %add3A_2173 = arith.addi %add3A_2171, %add3A_2172 : vector<16xi32>
    %add3A_2174 = arith.constant 25012288 : i32
    %add3A_2175 = arith.addi %mul3A_76, %add3A_2174 : i32
    %mul3A_2176 = arith.constant 1280 : i32
    %mul3A_2177 = arith.muli %arg1, %mul3A_2176 : i32
    %add3A_2178 = arith.addi %add3A_2175, %mul3A_2177 : i32
    %add3A_2179 = arith.constant 560 : i32
    %add3A_2180 = arith.addi %add3A_2178, %add3A_2179 : i32
    %add3A_2181 = vector.broadcast %add3A_2180 : i32 to vector<16xi32>
    %add3A_2182 = arith.addi %add3A_2181, %iota3A : vector<16xi32>
    %get3A_2183 = arith.constant 560 : index
    %get3A_2184 = tpu.vector_load %arg18[%get3A_2183] {strides = array<i32>} : memref<1280xf32, #tpu.memory_space<vmem>>, vector<16xf32>,
    %get3A_2185 = vector.shape_cast %get3A_2184 : vector<16xf32> to vector<16xf32>
    %gt3A_2186 = arith.constant 1.000000e-01 : f32
    %gt3A_2187 = vector.broadcast %gt3A_2186 : f32 to vector<16xf32>
    %gt3A_2188 = arith.cmpf ogt, %get3A_2185, %gt3A_2187 : vector<16xf32>
    %select_n3A_2189 = arith.select %gt3A_2188, %add3A_2173, %add3A_2182 : vector<16xi1>, vector<16xi32>
    %swap3A_2190 = arith.constant 560 : index
    %swap3A_2191 = tpu.vector_load %arg20[%swap3A_2190] {strides = array<i32>} : memref<1280xi32, #tpu.memory_space<vmem>>, vector<16xi32>,
    %swap3A_2192 = vector.shape_cast %swap3A_2191 : vector<16xi32> to vector<16xi32>
    %swap3A_2193 = vector.shape_cast %select_n3A_2189 : vector<16xi32> to vector<16xi32>
    tpu.vector_store %arg20[%swap3A_2190], %swap3A_2193 {strides = array<i32>} : memref<1280xi32, #tpu.memory_space<vmem>>, vector<16xi32>,
    %get3A_2194 = arith.constant 576 : index
    %get3A_2195 = tpu.vector_load %arg16[%get3A_2194] {strides = array<i32>} : memref<1280xi32, #tpu.memory_space<vmem>>, vector<16xi32>,
    %get3A_2196 = vector.shape_cast %get3A_2195 : vector<16xi32> to vector<16xi32>
    %mul3A_2197 = arith.constant 5000 : i32
    %mul3A_2198 = vector.broadcast %mul3A_2197 : i32 to vector<16xi32>
    %mul3A_2199 = arith.muli %get3A_2196, %mul3A_2198 : vector<16xi32>
    %get3A_2200 = arith.constant 576 : index
    %get3A_2201 = tpu.vector_load %arg17[%get3A_2200] {strides = array<i32>} : memref<1280xi32, #tpu.memory_space<vmem>>, vector<16xi32>,
    %get3A_2202 = vector.shape_cast %get3A_2201 : vector<16xi32> to vector<16xi32>
    %add3A_2203 = arith.addi %mul3A_2199, %get3A_2202 : vector<16xi32>
    %add3A_2204 = vector.broadcast %mul3A_76 : i32 to vector<16xi32>
    %add3A_2205 = arith.addi %add3A_2203, %add3A_2204 : vector<16xi32>
    %add3A_2206 = arith.constant 25012288 : i32
    %add3A_2207 = arith.addi %mul3A_76, %add3A_2206 : i32
    %mul3A_2208 = arith.constant 1280 : i32
    %mul3A_2209 = arith.muli %arg1, %mul3A_2208 : i32
    %add3A_2210 = arith.addi %add3A_2207, %mul3A_2209 : i32
    %add3A_2211 = arith.constant 576 : i32
    %add3A_2212 = arith.addi %add3A_2210, %add3A_2211 : i32
    %add3A_2213 = vector.broadcast %add3A_2212 : i32 to vector<16xi32>
    %add3A_2214 = arith.addi %add3A_2213, %iota3A : vector<16xi32>
    %get3A_2215 = arith.constant 576 : index
    %get3A_2216 = tpu.vector_load %arg18[%get3A_2215] {strides = array<i32>} : memref<1280xf32, #tpu.memory_space<vmem>>, vector<16xf32>,
    %get3A_2217 = vector.shape_cast %get3A_2216 : vector<16xf32> to vector<16xf32>
    %gt3A_2218 = arith.constant 1.000000e-01 : f32
    %gt3A_2219 = vector.broadcast %gt3A_2218 : f32 to vector<16xf32>
    %gt3A_2220 = arith.cmpf ogt, %get3A_2217, %gt3A_2219 : vector<16xf32>
    %select_n3A_2221 = arith.select %gt3A_2220, %add3A_2205, %add3A_2214 : vector<16xi1>, vector<16xi32>
    %swap3A_2222 = arith.constant 576 : index
    %swap3A_2223 = tpu.vector_load %arg20[%swap3A_2222] {strides = array<i32>} : memref<1280xi32, #tpu.memory_space<vmem>>, vector<16xi32>,
    %swap3A_2224 = vector.shape_cast %swap3A_2223 : vector<16xi32> to vector<16xi32>
    %swap3A_2225 = vector.shape_cast %select_n3A_2221 : vector<16xi32> to vector<16xi32>
    tpu.vector_store %arg20[%swap3A_2222], %swap3A_2225 {strides = array<i32>} : memref<1280xi32, #tpu.memory_space<vmem>>, vector<16xi32>,
    %get3A_2226 = arith.constant 592 : index
    %get3A_2227 = tpu.vector_load %arg16[%get3A_2226] {strides = array<i32>} : memref<1280xi32, #tpu.memory_space<vmem>>, vector<16xi32>,
    %get3A_2228 = vector.shape_cast %get3A_2227 : vector<16xi32> to vector<16xi32>
    %mul3A_2229 = arith.constant 5000 : i32
    %mul3A_2230 = vector.broadcast %mul3A_2229 : i32 to vector<16xi32>
    %mul3A_2231 = arith.muli %get3A_2228, %mul3A_2230 : vector<16xi32>
    %get3A_2232 = arith.constant 592 : index
    %get3A_2233 = tpu.vector_load %arg17[%get3A_2232] {strides = array<i32>} : memref<1280xi32, #tpu.memory_space<vmem>>, vector<16xi32>,
    %get3A_2234 = vector.shape_cast %get3A_2233 : vector<16xi32> to vector<16xi32>
    %add3A_2235 = arith.addi %mul3A_2231, %get3A_2234 : vector<16xi32>
    %add3A_2236 = vector.broadcast %mul3A_76 : i32 to vector<16xi32>
    %add3A_2237 = arith.addi %add3A_2235, %add3A_2236 : vector<16xi32>
    %add3A_2238 = arith.constant 25012288 : i32
    %add3A_2239 = arith.addi %mul3A_76, %add3A_2238 : i32
    %mul3A_2240 = arith.constant 1280 : i32
    %mul3A_2241 = arith.muli %arg1, %mul3A_2240 : i32
    %add3A_2242 = arith.addi %add3A_2239, %mul3A_2241 : i32
    %add3A_2243 = arith.constant 592 : i32
    %add3A_2244 = arith.addi %add3A_2242, %add3A_2243 : i32
    %add3A_2245 = vector.broadcast %add3A_2244 : i32 to vector<16xi32>
    %add3A_2246 = arith.addi %add3A_2245, %iota3A : vector<16xi32>
    %get3A_2247 = arith.constant 592 : index
    %get3A_2248 = tpu.vector_load %arg18[%get3A_2247] {strides = array<i32>} : memref<1280xf32, #tpu.memory_space<vmem>>, vector<16xf32>,
    %get3A_2249 = vector.shape_cast %get3A_2248 : vector<16xf32> to vector<16xf32>
    %gt3A_2250 = arith.constant 1.000000e-01 : f32
    %gt3A_2251 = vector.broadcast %gt3A_2250 : f32 to vector<16xf32>
    %gt3A_2252 = arith.cmpf ogt, %get3A_2249, %gt3A_2251 : vector<16xf32>
    %select_n3A_2253 = arith.select %gt3A_2252, %add3A_2237, %add3A_2246 : vector<16xi1>, vector<16xi32>
    %swap3A_2254 = arith.constant 592 : index
    %swap3A_2255 = tpu.vector_load %arg20[%swap3A_2254] {strides = array<i32>} : memref<1280xi32, #tpu.memory_space<vmem>>, vector<16xi32>,
    %swap3A_2256 = vector.shape_cast %swap3A_2255 : vector<16xi32> to vector<16xi32>
    %swap3A_2257 = vector.shape_cast %select_n3A_2253 : vector<16xi32> to vector<16xi32>
    tpu.vector_store %arg20[%swap3A_2254], %swap3A_2257 {strides = array<i32>} : memref<1280xi32, #tpu.memory_space<vmem>>, vector<16xi32>,
    %get3A_2258 = arith.constant 608 : index
    %get3A_2259 = tpu.vector_load %arg16[%get3A_2258] {strides = array<i32>} : memref<1280xi32, #tpu.memory_space<vmem>>, vector<16xi32>,
    %get3A_2260 = vector.shape_cast %get3A_2259 : vector<16xi32> to vector<16xi32>
    %mul3A_2261 = arith.constant 5000 : i32
    %mul3A_2262 = vector.broadcast %mul3A_2261 : i32 to vector<16xi32>
    %mul3A_2263 = arith.muli %get3A_2260, %mul3A_2262 : vector<16xi32>
    %get3A_2264 = arith.constant 608 : index
    %get3A_2265 = tpu.vector_load %arg17[%get3A_2264] {strides = array<i32>} : memref<1280xi32, #tpu.memory_space<vmem>>, vector<16xi32>,
    %get3A_2266 = vector.shape_cast %get3A_2265 : vector<16xi32> to vector<16xi32>
    %add3A_2267 = arith.addi %mul3A_2263, %get3A_2266 : vector<16xi32>
    %add3A_2268 = vector.broadcast %mul3A_76 : i32 to vector<16xi32>
    %add3A_2269 = arith.addi %add3A_2267, %add3A_2268 : vector<16xi32>
    %add3A_2270 = arith.constant 25012288 : i32
    %add3A_2271 = arith.addi %mul3A_76, %add3A_2270 : i32
    %mul3A_2272 = arith.constant 1280 : i32
    %mul3A_2273 = arith.muli %arg1, %mul3A_2272 : i32
    %add3A_2274 = arith.addi %add3A_2271, %mul3A_2273 : i32
    %add3A_2275 = arith.constant 608 : i32
    %add3A_2276 = arith.addi %add3A_2274, %add3A_2275 : i32
    %add3A_2277 = vector.broadcast %add3A_2276 : i32 to vector<16xi32>
    %add3A_2278 = arith.addi %add3A_2277, %iota3A : vector<16xi32>
    %get3A_2279 = arith.constant 608 : index
    %get3A_2280 = tpu.vector_load %arg18[%get3A_2279] {strides = array<i32>} : memref<1280xf32, #tpu.memory_space<vmem>>, vector<16xf32>,
    %get3A_2281 = vector.shape_cast %get3A_2280 : vector<16xf32> to vector<16xf32>
    %gt3A_2282 = arith.constant 1.000000e-01 : f32
    %gt3A_2283 = vector.broadcast %gt3A_2282 : f32 to vector<16xf32>
    %gt3A_2284 = arith.cmpf ogt, %get3A_2281, %gt3A_2283 : vector<16xf32>
    %select_n3A_2285 = arith.select %gt3A_2284, %add3A_2269, %add3A_2278 : vector<16xi1>, vector<16xi32>
    %swap3A_2286 = arith.constant 608 : index
    %swap3A_2287 = tpu.vector_load %arg20[%swap3A_2286] {strides = array<i32>} : memref<1280xi32, #tpu.memory_space<vmem>>, vector<16xi32>,
    %swap3A_2288 = vector.shape_cast %swap3A_2287 : vector<16xi32> to vector<16xi32>
    %swap3A_2289 = vector.shape_cast %select_n3A_2285 : vector<16xi32> to vector<16xi32>
    tpu.vector_store %arg20[%swap3A_2286], %swap3A_2289 {strides = array<i32>} : memref<1280xi32, #tpu.memory_space<vmem>>, vector<16xi32>,
    %get3A_2290 = arith.constant 624 : index
    %get3A_2291 = tpu.vector_load %arg16[%get3A_2290] {strides = array<i32>} : memref<1280xi32, #tpu.memory_space<vmem>>, vector<16xi32>,
    %get3A_2292 = vector.shape_cast %get3A_2291 : vector<16xi32> to vector<16xi32>
    %mul3A_2293 = arith.constant 5000 : i32
    %mul3A_2294 = vector.broadcast %mul3A_2293 : i32 to vector<16xi32>
    %mul3A_2295 = arith.muli %get3A_2292, %mul3A_2294 : vector<16xi32>
    %get3A_2296 = arith.constant 624 : index
    %get3A_2297 = tpu.vector_load %arg17[%get3A_2296] {strides = array<i32>} : memref<1280xi32, #tpu.memory_space<vmem>>, vector<16xi32>,
    %get3A_2298 = vector.shape_cast %get3A_2297 : vector<16xi32> to vector<16xi32>
    %add3A_2299 = arith.addi %mul3A_2295, %get3A_2298 : vector<16xi32>
    %add3A_2300 = vector.broadcast %mul3A_76 : i32 to vector<16xi32>
    %add3A_2301 = arith.addi %add3A_2299, %add3A_2300 : vector<16xi32>
    %add3A_2302 = arith.constant 25012288 : i32
    %add3A_2303 = arith.addi %mul3A_76, %add3A_2302 : i32
    %mul3A_2304 = arith.constant 1280 : i32
    %mul3A_2305 = arith.muli %arg1, %mul3A_2304 : i32
    %add3A_2306 = arith.addi %add3A_2303, %mul3A_2305 : i32
    %add3A_2307 = arith.constant 624 : i32
    %add3A_2308 = arith.addi %add3A_2306, %add3A_2307 : i32
    %add3A_2309 = vector.broadcast %add3A_2308 : i32 to vector<16xi32>
    %add3A_2310 = arith.addi %add3A_2309, %iota3A : vector<16xi32>
    %get3A_2311 = arith.constant 624 : index
    %get3A_2312 = tpu.vector_load %arg18[%get3A_2311] {strides = array<i32>} : memref<1280xf32, #tpu.memory_space<vmem>>, vector<16xf32>,
    %get3A_2313 = vector.shape_cast %get3A_2312 : vector<16xf32> to vector<16xf32>
    %gt3A_2314 = arith.constant 1.000000e-01 : f32
    %gt3A_2315 = vector.broadcast %gt3A_2314 : f32 to vector<16xf32>
    %gt3A_2316 = arith.cmpf ogt, %get3A_2313, %gt3A_2315 : vector<16xf32>
    %select_n3A_2317 = arith.select %gt3A_2316, %add3A_2301, %add3A_2310 : vector<16xi1>, vector<16xi32>
    %swap3A_2318 = arith.constant 624 : index
    %swap3A_2319 = tpu.vector_load %arg20[%swap3A_2318] {strides = array<i32>} : memref<1280xi32, #tpu.memory_space<vmem>>, vector<16xi32>,
    %swap3A_2320 = vector.shape_cast %swap3A_2319 : vector<16xi32> to vector<16xi32>
    %swap3A_2321 = vector.shape_cast %select_n3A_2317 : vector<16xi32> to vector<16xi32>
    tpu.vector_store %arg20[%swap3A_2318], %swap3A_2321 {strides = array<i32>} : memref<1280xi32, #tpu.memory_space<vmem>>, vector<16xi32>,
    %get3A_2322 = arith.constant 640 : index
    %get3A_2323 = tpu.vector_load %arg16[%get3A_2322] {strides = array<i32>} : memref<1280xi32, #tpu.memory_space<vmem>>, vector<16xi32>,
    %get3A_2324 = vector.shape_cast %get3A_2323 : vector<16xi32> to vector<16xi32>
    %mul3A_2325 = arith.constant 5000 : i32
    %mul3A_2326 = vector.broadcast %mul3A_2325 : i32 to vector<16xi32>
    %mul3A_2327 = arith.muli %get3A_2324, %mul3A_2326 : vector<16xi32>
    %get3A_2328 = arith.constant 640 : index
    %get3A_2329 = tpu.vector_load %arg17[%get3A_2328] {strides = array<i32>} : memref<1280xi32, #tpu.memory_space<vmem>>, vector<16xi32>,
    %get3A_2330 = vector.shape_cast %get3A_2329 : vector<16xi32> to vector<16xi32>
    %add3A_2331 = arith.addi %mul3A_2327, %get3A_2330 : vector<16xi32>
    %add3A_2332 = vector.broadcast %mul3A_76 : i32 to vector<16xi32>
    %add3A_2333 = arith.addi %add3A_2331, %add3A_2332 : vector<16xi32>
    %add3A_2334 = arith.constant 25012288 : i32
    %add3A_2335 = arith.addi %mul3A_76, %add3A_2334 : i32
    %mul3A_2336 = arith.constant 1280 : i32
    %mul3A_2337 = arith.muli %arg1, %mul3A_2336 : i32
    %add3A_2338 = arith.addi %add3A_2335, %mul3A_2337 : i32
    %add3A_2339 = arith.constant 640 : i32
    %add3A_2340 = arith.addi %add3A_2338, %add3A_2339 : i32
    %add3A_2341 = vector.broadcast %add3A_2340 : i32 to vector<16xi32>
    %add3A_2342 = arith.addi %add3A_2341, %iota3A : vector<16xi32>
    %get3A_2343 = arith.constant 640 : index
    %get3A_2344 = tpu.vector_load %arg18[%get3A_2343] {strides = array<i32>} : memref<1280xf32, #tpu.memory_space<vmem>>, vector<16xf32>,
    %get3A_2345 = vector.shape_cast %get3A_2344 : vector<16xf32> to vector<16xf32>
    %gt3A_2346 = arith.constant 1.000000e-01 : f32
    %gt3A_2347 = vector.broadcast %gt3A_2346 : f32 to vector<16xf32>
    %gt3A_2348 = arith.cmpf ogt, %get3A_2345, %gt3A_2347 : vector<16xf32>
    %select_n3A_2349 = arith.select %gt3A_2348, %add3A_2333, %add3A_2342 : vector<16xi1>, vector<16xi32>
    %swap3A_2350 = arith.constant 640 : index
    %swap3A_2351 = tpu.vector_load %arg20[%swap3A_2350] {strides = array<i32>} : memref<1280xi32, #tpu.memory_space<vmem>>, vector<16xi32>,
    %swap3A_2352 = vector.shape_cast %swap3A_2351 : vector<16xi32> to vector<16xi32>
    %swap3A_2353 = vector.shape_cast %select_n3A_2349 : vector<16xi32> to vector<16xi32>
    tpu.vector_store %arg20[%swap3A_2350], %swap3A_2353 {strides = array<i32>} : memref<1280xi32, #tpu.memory_space<vmem>>, vector<16xi32>,
    %get3A_2354 = arith.constant 656 : index
    %get3A_2355 = tpu.vector_load %arg16[%get3A_2354] {strides = array<i32>} : memref<1280xi32, #tpu.memory_space<vmem>>, vector<16xi32>,
    %get3A_2356 = vector.shape_cast %get3A_2355 : vector<16xi32> to vector<16xi32>
    %mul3A_2357 = arith.constant 5000 : i32
    %mul3A_2358 = vector.broadcast %mul3A_2357 : i32 to vector<16xi32>
    %mul3A_2359 = arith.muli %get3A_2356, %mul3A_2358 : vector<16xi32>
    %get3A_2360 = arith.constant 656 : index
    %get3A_2361 = tpu.vector_load %arg17[%get3A_2360] {strides = array<i32>} : memref<1280xi32, #tpu.memory_space<vmem>>, vector<16xi32>,
    %get3A_2362 = vector.shape_cast %get3A_2361 : vector<16xi32> to vector<16xi32>
    %add3A_2363 = arith.addi %mul3A_2359, %get3A_2362 : vector<16xi32>
    %add3A_2364 = vector.broadcast %mul3A_76 : i32 to vector<16xi32>
    %add3A_2365 = arith.addi %add3A_2363, %add3A_2364 : vector<16xi32>
    %add3A_2366 = arith.constant 25012288 : i32
    %add3A_2367 = arith.addi %mul3A_76, %add3A_2366 : i32
    %mul3A_2368 = arith.constant 1280 : i32
    %mul3A_2369 = arith.muli %arg1, %mul3A_2368 : i32
    %add3A_2370 = arith.addi %add3A_2367, %mul3A_2369 : i32
    %add3A_2371 = arith.constant 656 : i32
    %add3A_2372 = arith.addi %add3A_2370, %add3A_2371 : i32
    %add3A_2373 = vector.broadcast %add3A_2372 : i32 to vector<16xi32>
    %add3A_2374 = arith.addi %add3A_2373, %iota3A : vector<16xi32>
    %get3A_2375 = arith.constant 656 : index
    %get3A_2376 = tpu.vector_load %arg18[%get3A_2375] {strides = array<i32>} : memref<1280xf32, #tpu.memory_space<vmem>>, vector<16xf32>,
    %get3A_2377 = vector.shape_cast %get3A_2376 : vector<16xf32> to vector<16xf32>
    %gt3A_2378 = arith.constant 1.000000e-01 : f32
    %gt3A_2379 = vector.broadcast %gt3A_2378 : f32 to vector<16xf32>
    %gt3A_2380 = arith.cmpf ogt, %get3A_2377, %gt3A_2379 : vector<16xf32>
    %select_n3A_2381 = arith.select %gt3A_2380, %add3A_2365, %add3A_2374 : vector<16xi1>, vector<16xi32>
    %swap3A_2382 = arith.constant 656 : index
    %swap3A_2383 = tpu.vector_load %arg20[%swap3A_2382] {strides = array<i32>} : memref<1280xi32, #tpu.memory_space<vmem>>, vector<16xi32>,
    %swap3A_2384 = vector.shape_cast %swap3A_2383 : vector<16xi32> to vector<16xi32>
    %swap3A_2385 = vector.shape_cast %select_n3A_2381 : vector<16xi32> to vector<16xi32>
    tpu.vector_store %arg20[%swap3A_2382], %swap3A_2385 {strides = array<i32>} : memref<1280xi32, #tpu.memory_space<vmem>>, vector<16xi32>,
    %get3A_2386 = arith.constant 672 : index
    %get3A_2387 = tpu.vector_load %arg16[%get3A_2386] {strides = array<i32>} : memref<1280xi32, #tpu.memory_space<vmem>>, vector<16xi32>,
    %get3A_2388 = vector.shape_cast %get3A_2387 : vector<16xi32> to vector<16xi32>
    %mul3A_2389 = arith.constant 5000 : i32
    %mul3A_2390 = vector.broadcast %mul3A_2389 : i32 to vector<16xi32>
    %mul3A_2391 = arith.muli %get3A_2388, %mul3A_2390 : vector<16xi32>
    %get3A_2392 = arith.constant 672 : index
    %get3A_2393 = tpu.vector_load %arg17[%get3A_2392] {strides = array<i32>} : memref<1280xi32, #tpu.memory_space<vmem>>, vector<16xi32>,
    %get3A_2394 = vector.shape_cast %get3A_2393 : vector<16xi32> to vector<16xi32>
    %add3A_2395 = arith.addi %mul3A_2391, %get3A_2394 : vector<16xi32>
    %add3A_2396 = vector.broadcast %mul3A_76 : i32 to vector<16xi32>
    %add3A_2397 = arith.addi %add3A_2395, %add3A_2396 : vector<16xi32>
    %add3A_2398 = arith.constant 25012288 : i32
    %add3A_2399 = arith.addi %mul3A_76, %add3A_2398 : i32
    %mul3A_2400 = arith.constant 1280 : i32
    %mul3A_2401 = arith.muli %arg1, %mul3A_2400 : i32
    %add3A_2402 = arith.addi %add3A_2399, %mul3A_2401 : i32
    %add3A_2403 = arith.constant 672 : i32
    %add3A_2404 = arith.addi %add3A_2402, %add3A_2403 : i32
    %add3A_2405 = vector.broadcast %add3A_2404 : i32 to vector<16xi32>
    %add3A_2406 = arith.addi %add3A_2405, %iota3A : vector<16xi32>
    %get3A_2407 = arith.constant 672 : index
    %get3A_2408 = tpu.vector_load %arg18[%get3A_2407] {strides = array<i32>} : memref<1280xf32, #tpu.memory_space<vmem>>, vector<16xf32>,
    %get3A_2409 = vector.shape_cast %get3A_2408 : vector<16xf32> to vector<16xf32>
    %gt3A_2410 = arith.constant 1.000000e-01 : f32
    %gt3A_2411 = vector.broadcast %gt3A_2410 : f32 to vector<16xf32>
    %gt3A_2412 = arith.cmpf ogt, %get3A_2409, %gt3A_2411 : vector<16xf32>
    %select_n3A_2413 = arith.select %gt3A_2412, %add3A_2397, %add3A_2406 : vector<16xi1>, vector<16xi32>
    %swap3A_2414 = arith.constant 672 : index
    %swap3A_2415 = tpu.vector_load %arg20[%swap3A_2414] {strides = array<i32>} : memref<1280xi32, #tpu.memory_space<vmem>>, vector<16xi32>,
    %swap3A_2416 = vector.shape_cast %swap3A_2415 : vector<16xi32> to vector<16xi32>
    %swap3A_2417 = vector.shape_cast %select_n3A_2413 : vector<16xi32> to vector<16xi32>
    tpu.vector_store %arg20[%swap3A_2414], %swap3A_2417 {strides = array<i32>} : memref<1280xi32, #tpu.memory_space<vmem>>, vector<16xi32>,
    %get3A_2418 = arith.constant 688 : index
    %get3A_2419 = tpu.vector_load %arg16[%get3A_2418] {strides = array<i32>} : memref<1280xi32, #tpu.memory_space<vmem>>, vector<16xi32>,
    %get3A_2420 = vector.shape_cast %get3A_2419 : vector<16xi32> to vector<16xi32>
    %mul3A_2421 = arith.constant 5000 : i32
    %mul3A_2422 = vector.broadcast %mul3A_2421 : i32 to vector<16xi32>
    %mul3A_2423 = arith.muli %get3A_2420, %mul3A_2422 : vector<16xi32>
    %get3A_2424 = arith.constant 688 : index
    %get3A_2425 = tpu.vector_load %arg17[%get3A_2424] {strides = array<i32>} : memref<1280xi32, #tpu.memory_space<vmem>>, vector<16xi32>,
    %get3A_2426 = vector.shape_cast %get3A_2425 : vector<16xi32> to vector<16xi32>
    %add3A_2427 = arith.addi %mul3A_2423, %get3A_2426 : vector<16xi32>
    %add3A_2428 = vector.broadcast %mul3A_76 : i32 to vector<16xi32>
    %add3A_2429 = arith.addi %add3A_2427, %add3A_2428 : vector<16xi32>
    %add3A_2430 = arith.constant 25012288 : i32
    %add3A_2431 = arith.addi %mul3A_76, %add3A_2430 : i32
    %mul3A_2432 = arith.constant 1280 : i32
    %mul3A_2433 = arith.muli %arg1, %mul3A_2432 : i32
    %add3A_2434 = arith.addi %add3A_2431, %mul3A_2433 : i32
    %add3A_2435 = arith.constant 688 : i32
    %add3A_2436 = arith.addi %add3A_2434, %add3A_2435 : i32
    %add3A_2437 = vector.broadcast %add3A_2436 : i32 to vector<16xi32>
    %add3A_2438 = arith.addi %add3A_2437, %iota3A : vector<16xi32>
    %get3A_2439 = arith.constant 688 : index
    %get3A_2440 = tpu.vector_load %arg18[%get3A_2439] {strides = array<i32>} : memref<1280xf32, #tpu.memory_space<vmem>>, vector<16xf32>,
    %get3A_2441 = vector.shape_cast %get3A_2440 : vector<16xf32> to vector<16xf32>
    %gt3A_2442 = arith.constant 1.000000e-01 : f32
    %gt3A_2443 = vector.broadcast %gt3A_2442 : f32 to vector<16xf32>
    %gt3A_2444 = arith.cmpf ogt, %get3A_2441, %gt3A_2443 : vector<16xf32>
    %select_n3A_2445 = arith.select %gt3A_2444, %add3A_2429, %add3A_2438 : vector<16xi1>, vector<16xi32>
    %swap3A_2446 = arith.constant 688 : index
    %swap3A_2447 = tpu.vector_load %arg20[%swap3A_2446] {strides = array<i32>} : memref<1280xi32, #tpu.memory_space<vmem>>, vector<16xi32>,
    %swap3A_2448 = vector.shape_cast %swap3A_2447 : vector<16xi32> to vector<16xi32>
    %swap3A_2449 = vector.shape_cast %select_n3A_2445 : vector<16xi32> to vector<16xi32>
    tpu.vector_store %arg20[%swap3A_2446], %swap3A_2449 {strides = array<i32>} : memref<1280xi32, #tpu.memory_space<vmem>>, vector<16xi32>,
    %get3A_2450 = arith.constant 704 : index
    %get3A_2451 = tpu.vector_load %arg16[%get3A_2450] {strides = array<i32>} : memref<1280xi32, #tpu.memory_space<vmem>>, vector<16xi32>,
    %get3A_2452 = vector.shape_cast %get3A_2451 : vector<16xi32> to vector<16xi32>
    %mul3A_2453 = arith.constant 5000 : i32
    %mul3A_2454 = vector.broadcast %mul3A_2453 : i32 to vector<16xi32>
    %mul3A_2455 = arith.muli %get3A_2452, %mul3A_2454 : vector<16xi32>
    %get3A_2456 = arith.constant 704 : index
    %get3A_2457 = tpu.vector_load %arg17[%get3A_2456] {strides = array<i32>} : memref<1280xi32, #tpu.memory_space<vmem>>, vector<16xi32>,
    %get3A_2458 = vector.shape_cast %get3A_2457 : vector<16xi32> to vector<16xi32>
    %add3A_2459 = arith.addi %mul3A_2455, %get3A_2458 : vector<16xi32>
    %add3A_2460 = vector.broadcast %mul3A_76 : i32 to vector<16xi32>
    %add3A_2461 = arith.addi %add3A_2459, %add3A_2460 : vector<16xi32>
    %add3A_2462 = arith.constant 25012288 : i32
    %add3A_2463 = arith.addi %mul3A_76, %add3A_2462 : i32
    %mul3A_2464 = arith.constant 1280 : i32
    %mul3A_2465 = arith.muli %arg1, %mul3A_2464 : i32
    %add3A_2466 = arith.addi %add3A_2463, %mul3A_2465 : i32
    %add3A_2467 = arith.constant 704 : i32
    %add3A_2468 = arith.addi %add3A_2466, %add3A_2467 : i32
    %add3A_2469 = vector.broadcast %add3A_2468 : i32 to vector<16xi32>
    %add3A_2470 = arith.addi %add3A_2469, %iota3A : vector<16xi32>
    %get3A_2471 = arith.constant 704 : index
    %get3A_2472 = tpu.vector_load %arg18[%get3A_2471] {strides = array<i32>} : memref<1280xf32, #tpu.memory_space<vmem>>, vector<16xf32>,
    %get3A_2473 = vector.shape_cast %get3A_2472 : vector<16xf32> to vector<16xf32>
    %gt3A_2474 = arith.constant 1.000000e-01 : f32
    %gt3A_2475 = vector.broadcast %gt3A_2474 : f32 to vector<16xf32>
    %gt3A_2476 = arith.cmpf ogt, %get3A_2473, %gt3A_2475 : vector<16xf32>
    %select_n3A_2477 = arith.select %gt3A_2476, %add3A_2461, %add3A_2470 : vector<16xi1>, vector<16xi32>
    %swap3A_2478 = arith.constant 704 : index
    %swap3A_2479 = tpu.vector_load %arg20[%swap3A_2478] {strides = array<i32>} : memref<1280xi32, #tpu.memory_space<vmem>>, vector<16xi32>,
    %swap3A_2480 = vector.shape_cast %swap3A_2479 : vector<16xi32> to vector<16xi32>
    %swap3A_2481 = vector.shape_cast %select_n3A_2477 : vector<16xi32> to vector<16xi32>
    tpu.vector_store %arg20[%swap3A_2478], %swap3A_2481 {strides = array<i32>} : memref<1280xi32, #tpu.memory_space<vmem>>, vector<16xi32>,
    %get3A_2482 = arith.constant 720 : index
    %get3A_2483 = tpu.vector_load %arg16[%get3A_2482] {strides = array<i32>} : memref<1280xi32, #tpu.memory_space<vmem>>, vector<16xi32>,
    %get3A_2484 = vector.shape_cast %get3A_2483 : vector<16xi32> to vector<16xi32>
    %mul3A_2485 = arith.constant 5000 : i32
    %mul3A_2486 = vector.broadcast %mul3A_2485 : i32 to vector<16xi32>
    %mul3A_2487 = arith.muli %get3A_2484, %mul3A_2486 : vector<16xi32>
    %get3A_2488 = arith.constant 720 : index
    %get3A_2489 = tpu.vector_load %arg17[%get3A_2488] {strides = array<i32>} : memref<1280xi32, #tpu.memory_space<vmem>>, vector<16xi32>,
    %get3A_2490 = vector.shape_cast %get3A_2489 : vector<16xi32> to vector<16xi32>
    %add3A_2491 = arith.addi %mul3A_2487, %get3A_2490 : vector<16xi32>
    %add3A_2492 = vector.broadcast %mul3A_76 : i32 to vector<16xi32>
    %add3A_2493 = arith.addi %add3A_2491, %add3A_2492 : vector<16xi32>
    %add3A_2494 = arith.constant 25012288 : i32
    %add3A_2495 = arith.addi %mul3A_76, %add3A_2494 : i32
    %mul3A_2496 = arith.constant 1280 : i32
    %mul3A_2497 = arith.muli %arg1, %mul3A_2496 : i32
    %add3A_2498 = arith.addi %add3A_2495, %mul3A_2497 : i32
    %add3A_2499 = arith.constant 720 : i32
    %add3A_2500 = arith.addi %add3A_2498, %add3A_2499 : i32
    %add3A_2501 = vector.broadcast %add3A_2500 : i32 to vector<16xi32>
    %add3A_2502 = arith.addi %add3A_2501, %iota3A : vector<16xi32>
    %get3A_2503 = arith.constant 720 : index
    %get3A_2504 = tpu.vector_load %arg18[%get3A_2503] {strides = array<i32>} : memref<1280xf32, #tpu.memory_space<vmem>>, vector<16xf32>,
    %get3A_2505 = vector.shape_cast %get3A_2504 : vector<16xf32> to vector<16xf32>
    %gt3A_2506 = arith.constant 1.000000e-01 : f32
    %gt3A_2507 = vector.broadcast %gt3A_2506 : f32 to vector<16xf32>
    %gt3A_2508 = arith.cmpf ogt, %get3A_2505, %gt3A_2507 : vector<16xf32>
    %select_n3A_2509 = arith.select %gt3A_2508, %add3A_2493, %add3A_2502 : vector<16xi1>, vector<16xi32>
    %swap3A_2510 = arith.constant 720 : index
    %swap3A_2511 = tpu.vector_load %arg20[%swap3A_2510] {strides = array<i32>} : memref<1280xi32, #tpu.memory_space<vmem>>, vector<16xi32>,
    %swap3A_2512 = vector.shape_cast %swap3A_2511 : vector<16xi32> to vector<16xi32>
    %swap3A_2513 = vector.shape_cast %select_n3A_2509 : vector<16xi32> to vector<16xi32>
    tpu.vector_store %arg20[%swap3A_2510], %swap3A_2513 {strides = array<i32>} : memref<1280xi32, #tpu.memory_space<vmem>>, vector<16xi32>,
    %get3A_2514 = arith.constant 736 : index
    %get3A_2515 = tpu.vector_load %arg16[%get3A_2514] {strides = array<i32>} : memref<1280xi32, #tpu.memory_space<vmem>>, vector<16xi32>,
    %get3A_2516 = vector.shape_cast %get3A_2515 : vector<16xi32> to vector<16xi32>
    %mul3A_2517 = arith.constant 5000 : i32
    %mul3A_2518 = vector.broadcast %mul3A_2517 : i32 to vector<16xi32>
    %mul3A_2519 = arith.muli %get3A_2516, %mul3A_2518 : vector<16xi32>
    %get3A_2520 = arith.constant 736 : index
    %get3A_2521 = tpu.vector_load %arg17[%get3A_2520] {strides = array<i32>} : memref<1280xi32, #tpu.memory_space<vmem>>, vector<16xi32>,
    %get3A_2522 = vector.shape_cast %get3A_2521 : vector<16xi32> to vector<16xi32>
    %add3A_2523 = arith.addi %mul3A_2519, %get3A_2522 : vector<16xi32>
    %add3A_2524 = vector.broadcast %mul3A_76 : i32 to vector<16xi32>
    %add3A_2525 = arith.addi %add3A_2523, %add3A_2524 : vector<16xi32>
    %add3A_2526 = arith.constant 25012288 : i32
    %add3A_2527 = arith.addi %mul3A_76, %add3A_2526 : i32
    %mul3A_2528 = arith.constant 1280 : i32
    %mul3A_2529 = arith.muli %arg1, %mul3A_2528 : i32
    %add3A_2530 = arith.addi %add3A_2527, %mul3A_2529 : i32
    %add3A_2531 = arith.constant 736 : i32
    %add3A_2532 = arith.addi %add3A_2530, %add3A_2531 : i32
    %add3A_2533 = vector.broadcast %add3A_2532 : i32 to vector<16xi32>
    %add3A_2534 = arith.addi %add3A_2533, %iota3A : vector<16xi32>
    %get3A_2535 = arith.constant 736 : index
    %get3A_2536 = tpu.vector_load %arg18[%get3A_2535] {strides = array<i32>} : memref<1280xf32, #tpu.memory_space<vmem>>, vector<16xf32>,
    %get3A_2537 = vector.shape_cast %get3A_2536 : vector<16xf32> to vector<16xf32>
    %gt3A_2538 = arith.constant 1.000000e-01 : f32
    %gt3A_2539 = vector.broadcast %gt3A_2538 : f32 to vector<16xf32>
    %gt3A_2540 = arith.cmpf ogt, %get3A_2537, %gt3A_2539 : vector<16xf32>
    %select_n3A_2541 = arith.select %gt3A_2540, %add3A_2525, %add3A_2534 : vector<16xi1>, vector<16xi32>
    %swap3A_2542 = arith.constant 736 : index
    %swap3A_2543 = tpu.vector_load %arg20[%swap3A_2542] {strides = array<i32>} : memref<1280xi32, #tpu.memory_space<vmem>>, vector<16xi32>,
    %swap3A_2544 = vector.shape_cast %swap3A_2543 : vector<16xi32> to vector<16xi32>
    %swap3A_2545 = vector.shape_cast %select_n3A_2541 : vector<16xi32> to vector<16xi32>
    tpu.vector_store %arg20[%swap3A_2542], %swap3A_2545 {strides = array<i32>} : memref<1280xi32, #tpu.memory_space<vmem>>, vector<16xi32>,
    %get3A_2546 = arith.constant 752 : index
    %get3A_2547 = tpu.vector_load %arg16[%get3A_2546] {strides = array<i32>} : memref<1280xi32, #tpu.memory_space<vmem>>, vector<16xi32>,
    %get3A_2548 = vector.shape_cast %get3A_2547 : vector<16xi32> to vector<16xi32>
    %mul3A_2549 = arith.constant 5000 : i32
    %mul3A_2550 = vector.broadcast %mul3A_2549 : i32 to vector<16xi32>
    %mul3A_2551 = arith.muli %get3A_2548, %mul3A_2550 : vector<16xi32>
    %get3A_2552 = arith.constant 752 : index
    %get3A_2553 = tpu.vector_load %arg17[%get3A_2552] {strides = array<i32>} : memref<1280xi32, #tpu.memory_space<vmem>>, vector<16xi32>,
    %get3A_2554 = vector.shape_cast %get3A_2553 : vector<16xi32> to vector<16xi32>
    %add3A_2555 = arith.addi %mul3A_2551, %get3A_2554 : vector<16xi32>
    %add3A_2556 = vector.broadcast %mul3A_76 : i32 to vector<16xi32>
    %add3A_2557 = arith.addi %add3A_2555, %add3A_2556 : vector<16xi32>
    %add3A_2558 = arith.constant 25012288 : i32
    %add3A_2559 = arith.addi %mul3A_76, %add3A_2558 : i32
    %mul3A_2560 = arith.constant 1280 : i32
    %mul3A_2561 = arith.muli %arg1, %mul3A_2560 : i32
    %add3A_2562 = arith.addi %add3A_2559, %mul3A_2561 : i32
    %add3A_2563 = arith.constant 752 : i32
    %add3A_2564 = arith.addi %add3A_2562, %add3A_2563 : i32
    %add3A_2565 = vector.broadcast %add3A_2564 : i32 to vector<16xi32>
    %add3A_2566 = arith.addi %add3A_2565, %iota3A : vector<16xi32>
    %get3A_2567 = arith.constant 752 : index
    %get3A_2568 = tpu.vector_load %arg18[%get3A_2567] {strides = array<i32>} : memref<1280xf32, #tpu.memory_space<vmem>>, vector<16xf32>,
    %get3A_2569 = vector.shape_cast %get3A_2568 : vector<16xf32> to vector<16xf32>
    %gt3A_2570 = arith.constant 1.000000e-01 : f32
    %gt3A_2571 = vector.broadcast %gt3A_2570 : f32 to vector<16xf32>
    %gt3A_2572 = arith.cmpf ogt, %get3A_2569, %gt3A_2571 : vector<16xf32>
    %select_n3A_2573 = arith.select %gt3A_2572, %add3A_2557, %add3A_2566 : vector<16xi1>, vector<16xi32>
    %swap3A_2574 = arith.constant 752 : index
    %swap3A_2575 = tpu.vector_load %arg20[%swap3A_2574] {strides = array<i32>} : memref<1280xi32, #tpu.memory_space<vmem>>, vector<16xi32>,
    %swap3A_2576 = vector.shape_cast %swap3A_2575 : vector<16xi32> to vector<16xi32>
    %swap3A_2577 = vector.shape_cast %select_n3A_2573 : vector<16xi32> to vector<16xi32>
    tpu.vector_store %arg20[%swap3A_2574], %swap3A_2577 {strides = array<i32>} : memref<1280xi32, #tpu.memory_space<vmem>>, vector<16xi32>,
    %get3A_2578 = arith.constant 768 : index
    %get3A_2579 = tpu.vector_load %arg16[%get3A_2578] {strides = array<i32>} : memref<1280xi32, #tpu.memory_space<vmem>>, vector<16xi32>,
    %get3A_2580 = vector.shape_cast %get3A_2579 : vector<16xi32> to vector<16xi32>
    %mul3A_2581 = arith.constant 5000 : i32
    %mul3A_2582 = vector.broadcast %mul3A_2581 : i32 to vector<16xi32>
    %mul3A_2583 = arith.muli %get3A_2580, %mul3A_2582 : vector<16xi32>
    %get3A_2584 = arith.constant 768 : index
    %get3A_2585 = tpu.vector_load %arg17[%get3A_2584] {strides = array<i32>} : memref<1280xi32, #tpu.memory_space<vmem>>, vector<16xi32>,
    %get3A_2586 = vector.shape_cast %get3A_2585 : vector<16xi32> to vector<16xi32>
    %add3A_2587 = arith.addi %mul3A_2583, %get3A_2586 : vector<16xi32>
    %add3A_2588 = vector.broadcast %mul3A_76 : i32 to vector<16xi32>
    %add3A_2589 = arith.addi %add3A_2587, %add3A_2588 : vector<16xi32>
    %add3A_2590 = arith.constant 25012288 : i32
    %add3A_2591 = arith.addi %mul3A_76, %add3A_2590 : i32
    %mul3A_2592 = arith.constant 1280 : i32
    %mul3A_2593 = arith.muli %arg1, %mul3A_2592 : i32
    %add3A_2594 = arith.addi %add3A_2591, %mul3A_2593 : i32
    %add3A_2595 = arith.constant 768 : i32
    %add3A_2596 = arith.addi %add3A_2594, %add3A_2595 : i32
    %add3A_2597 = vector.broadcast %add3A_2596 : i32 to vector<16xi32>
    %add3A_2598 = arith.addi %add3A_2597, %iota3A : vector<16xi32>
    %get3A_2599 = arith.constant 768 : index
    %get3A_2600 = tpu.vector_load %arg18[%get3A_2599] {strides = array<i32>} : memref<1280xf32, #tpu.memory_space<vmem>>, vector<16xf32>,
    %get3A_2601 = vector.shape_cast %get3A_2600 : vector<16xf32> to vector<16xf32>
    %gt3A_2602 = arith.constant 1.000000e-01 : f32
    %gt3A_2603 = vector.broadcast %gt3A_2602 : f32 to vector<16xf32>
    %gt3A_2604 = arith.cmpf ogt, %get3A_2601, %gt3A_2603 : vector<16xf32>
    %select_n3A_2605 = arith.select %gt3A_2604, %add3A_2589, %add3A_2598 : vector<16xi1>, vector<16xi32>
    %swap3A_2606 = arith.constant 768 : index
    %swap3A_2607 = tpu.vector_load %arg20[%swap3A_2606] {strides = array<i32>} : memref<1280xi32, #tpu.memory_space<vmem>>, vector<16xi32>,
    %swap3A_2608 = vector.shape_cast %swap3A_2607 : vector<16xi32> to vector<16xi32>
    %swap3A_2609 = vector.shape_cast %select_n3A_2605 : vector<16xi32> to vector<16xi32>
    tpu.vector_store %arg20[%swap3A_2606], %swap3A_2609 {strides = array<i32>} : memref<1280xi32, #tpu.memory_space<vmem>>, vector<16xi32>,
    %get3A_2610 = arith.constant 784 : index
    %get3A_2611 = tpu.vector_load %arg16[%get3A_2610] {strides = array<i32>} : memref<1280xi32, #tpu.memory_space<vmem>>, vector<16xi32>,
    %get3A_2612 = vector.shape_cast %get3A_2611 : vector<16xi32> to vector<16xi32>
    %mul3A_2613 = arith.constant 5000 : i32
    %mul3A_2614 = vector.broadcast %mul3A_2613 : i32 to vector<16xi32>
    %mul3A_2615 = arith.muli %get3A_2612, %mul3A_2614 : vector<16xi32>
    %get3A_2616 = arith.constant 784 : index
    %get3A_2617 = tpu.vector_load %arg17[%get3A_2616] {strides = array<i32>} : memref<1280xi32, #tpu.memory_space<vmem>>, vector<16xi32>,
    %get3A_2618 = vector.shape_cast %get3A_2617 : vector<16xi32> to vector<16xi32>
    %add3A_2619 = arith.addi %mul3A_2615, %get3A_2618 : vector<16xi32>
    %add3A_2620 = vector.broadcast %mul3A_76 : i32 to vector<16xi32>
    %add3A_2621 = arith.addi %add3A_2619, %add3A_2620 : vector<16xi32>
    %add3A_2622 = arith.constant 25012288 : i32
    %add3A_2623 = arith.addi %mul3A_76, %add3A_2622 : i32
    %mul3A_2624 = arith.constant 1280 : i32
    %mul3A_2625 = arith.muli %arg1, %mul3A_2624 : i32
    %add3A_2626 = arith.addi %add3A_2623, %mul3A_2625 : i32
    %add3A_2627 = arith.constant 784 : i32
    %add3A_2628 = arith.addi %add3A_2626, %add3A_2627 : i32
    %add3A_2629 = vector.broadcast %add3A_2628 : i32 to vector<16xi32>
    %add3A_2630 = arith.addi %add3A_2629, %iota3A : vector<16xi32>
    %get3A_2631 = arith.constant 784 : index
    %get3A_2632 = tpu.vector_load %arg18[%get3A_2631] {strides = array<i32>} : memref<1280xf32, #tpu.memory_space<vmem>>, vector<16xf32>,
    %get3A_2633 = vector.shape_cast %get3A_2632 : vector<16xf32> to vector<16xf32>
    %gt3A_2634 = arith.constant 1.000000e-01 : f32
    %gt3A_2635 = vector.broadcast %gt3A_2634 : f32 to vector<16xf32>
    %gt3A_2636 = arith.cmpf ogt, %get3A_2633, %gt3A_2635 : vector<16xf32>
    %select_n3A_2637 = arith.select %gt3A_2636, %add3A_2621, %add3A_2630 : vector<16xi1>, vector<16xi32>
    %swap3A_2638 = arith.constant 784 : index
    %swap3A_2639 = tpu.vector_load %arg20[%swap3A_2638] {strides = array<i32>} : memref<1280xi32, #tpu.memory_space<vmem>>, vector<16xi32>,
    %swap3A_2640 = vector.shape_cast %swap3A_2639 : vector<16xi32> to vector<16xi32>
    %swap3A_2641 = vector.shape_cast %select_n3A_2637 : vector<16xi32> to vector<16xi32>
    tpu.vector_store %arg20[%swap3A_2638], %swap3A_2641 {strides = array<i32>} : memref<1280xi32, #tpu.memory_space<vmem>>, vector<16xi32>,
    %get3A_2642 = arith.constant 800 : index
    %get3A_2643 = tpu.vector_load %arg16[%get3A_2642] {strides = array<i32>} : memref<1280xi32, #tpu.memory_space<vmem>>, vector<16xi32>,
    %get3A_2644 = vector.shape_cast %get3A_2643 : vector<16xi32> to vector<16xi32>
    %mul3A_2645 = arith.constant 5000 : i32
    %mul3A_2646 = vector.broadcast %mul3A_2645 : i32 to vector<16xi32>
    %mul3A_2647 = arith.muli %get3A_2644, %mul3A_2646 : vector<16xi32>
    %get3A_2648 = arith.constant 800 : index
    %get3A_2649 = tpu.vector_load %arg17[%get3A_2648] {strides = array<i32>} : memref<1280xi32, #tpu.memory_space<vmem>>, vector<16xi32>,
    %get3A_2650 = vector.shape_cast %get3A_2649 : vector<16xi32> to vector<16xi32>
    %add3A_2651 = arith.addi %mul3A_2647, %get3A_2650 : vector<16xi32>
    %add3A_2652 = vector.broadcast %mul3A_76 : i32 to vector<16xi32>
    %add3A_2653 = arith.addi %add3A_2651, %add3A_2652 : vector<16xi32>
    %add3A_2654 = arith.constant 25012288 : i32
    %add3A_2655 = arith.addi %mul3A_76, %add3A_2654 : i32
    %mul3A_2656 = arith.constant 1280 : i32
    %mul3A_2657 = arith.muli %arg1, %mul3A_2656 : i32
    %add3A_2658 = arith.addi %add3A_2655, %mul3A_2657 : i32
    %add3A_2659 = arith.constant 800 : i32
    %add3A_2660 = arith.addi %add3A_2658, %add3A_2659 : i32
    %add3A_2661 = vector.broadcast %add3A_2660 : i32 to vector<16xi32>
    %add3A_2662 = arith.addi %add3A_2661, %iota3A : vector<16xi32>
    %get3A_2663 = arith.constant 800 : index
    %get3A_2664 = tpu.vector_load %arg18[%get3A_2663] {strides = array<i32>} : memref<1280xf32, #tpu.memory_space<vmem>>, vector<16xf32>,
    %get3A_2665 = vector.shape_cast %get3A_2664 : vector<16xf32> to vector<16xf32>
    %gt3A_2666 = arith.constant 1.000000e-01 : f32
    %gt3A_2667 = vector.broadcast %gt3A_2666 : f32 to vector<16xf32>
    %gt3A_2668 = arith.cmpf ogt, %get3A_2665, %gt3A_2667 : vector<16xf32>
    %select_n3A_2669 = arith.select %gt3A_2668, %add3A_2653, %add3A_2662 : vector<16xi1>, vector<16xi32>
    %swap3A_2670 = arith.constant 800 : index
    %swap3A_2671 = tpu.vector_load %arg20[%swap3A_2670] {strides = array<i32>} : memref<1280xi32, #tpu.memory_space<vmem>>, vector<16xi32>,
    %swap3A_2672 = vector.shape_cast %swap3A_2671 : vector<16xi32> to vector<16xi32>
    %swap3A_2673 = vector.shape_cast %select_n3A_2669 : vector<16xi32> to vector<16xi32>
    tpu.vector_store %arg20[%swap3A_2670], %swap3A_2673 {strides = array<i32>} : memref<1280xi32, #tpu.memory_space<vmem>>, vector<16xi32>,
    %get3A_2674 = arith.constant 816 : index
    %get3A_2675 = tpu.vector_load %arg16[%get3A_2674] {strides = array<i32>} : memref<1280xi32, #tpu.memory_space<vmem>>, vector<16xi32>,
    %get3A_2676 = vector.shape_cast %get3A_2675 : vector<16xi32> to vector<16xi32>
    %mul3A_2677 = arith.constant 5000 : i32
    %mul3A_2678 = vector.broadcast %mul3A_2677 : i32 to vector<16xi32>
    %mul3A_2679 = arith.muli %get3A_2676, %mul3A_2678 : vector<16xi32>
    %get3A_2680 = arith.constant 816 : index
    %get3A_2681 = tpu.vector_load %arg17[%get3A_2680] {strides = array<i32>} : memref<1280xi32, #tpu.memory_space<vmem>>, vector<16xi32>,
    %get3A_2682 = vector.shape_cast %get3A_2681 : vector<16xi32> to vector<16xi32>
    %add3A_2683 = arith.addi %mul3A_2679, %get3A_2682 : vector<16xi32>
    %add3A_2684 = vector.broadcast %mul3A_76 : i32 to vector<16xi32>
    %add3A_2685 = arith.addi %add3A_2683, %add3A_2684 : vector<16xi32>
    %add3A_2686 = arith.constant 25012288 : i32
    %add3A_2687 = arith.addi %mul3A_76, %add3A_2686 : i32
    %mul3A_2688 = arith.constant 1280 : i32
    %mul3A_2689 = arith.muli %arg1, %mul3A_2688 : i32
    %add3A_2690 = arith.addi %add3A_2687, %mul3A_2689 : i32
    %add3A_2691 = arith.constant 816 : i32
    %add3A_2692 = arith.addi %add3A_2690, %add3A_2691 : i32
    %add3A_2693 = vector.broadcast %add3A_2692 : i32 to vector<16xi32>
    %add3A_2694 = arith.addi %add3A_2693, %iota3A : vector<16xi32>
    %get3A_2695 = arith.constant 816 : index
    %get3A_2696 = tpu.vector_load %arg18[%get3A_2695] {strides = array<i32>} : memref<1280xf32, #tpu.memory_space<vmem>>, vector<16xf32>,
    %get3A_2697 = vector.shape_cast %get3A_2696 : vector<16xf32> to vector<16xf32>
    %gt3A_2698 = arith.constant 1.000000e-01 : f32
    %gt3A_2699 = vector.broadcast %gt3A_2698 : f32 to vector<16xf32>
    %gt3A_2700 = arith.cmpf ogt, %get3A_2697, %gt3A_2699 : vector<16xf32>
    %select_n3A_2701 = arith.select %gt3A_2700, %add3A_2685, %add3A_2694 : vector<16xi1>, vector<16xi32>
    %swap3A_2702 = arith.constant 816 : index
    %swap3A_2703 = tpu.vector_load %arg20[%swap3A_2702] {strides = array<i32>} : memref<1280xi32, #tpu.memory_space<vmem>>, vector<16xi32>,
    %swap3A_2704 = vector.shape_cast %swap3A_2703 : vector<16xi32> to vector<16xi32>
    %swap3A_2705 = vector.shape_cast %select_n3A_2701 : vector<16xi32> to vector<16xi32>
    tpu.vector_store %arg20[%swap3A_2702], %swap3A_2705 {strides = array<i32>} : memref<1280xi32, #tpu.memory_space<vmem>>, vector<16xi32>,
    %get3A_2706 = arith.constant 832 : index
    %get3A_2707 = tpu.vector_load %arg16[%get3A_2706] {strides = array<i32>} : memref<1280xi32, #tpu.memory_space<vmem>>, vector<16xi32>,
    %get3A_2708 = vector.shape_cast %get3A_2707 : vector<16xi32> to vector<16xi32>
    %mul3A_2709 = arith.constant 5000 : i32
    %mul3A_2710 = vector.broadcast %mul3A_2709 : i32 to vector<16xi32>
    %mul3A_2711 = arith.muli %get3A_2708, %mul3A_2710 : vector<16xi32>
    %get3A_2712 = arith.constant 832 : index
    %get3A_2713 = tpu.vector_load %arg17[%get3A_2712] {strides = array<i32>} : memref<1280xi32, #tpu.memory_space<vmem>>, vector<16xi32>,
    %get3A_2714 = vector.shape_cast %get3A_2713 : vector<16xi32> to vector<16xi32>
    %add3A_2715 = arith.addi %mul3A_2711, %get3A_2714 : vector<16xi32>
    %add3A_2716 = vector.broadcast %mul3A_76 : i32 to vector<16xi32>
    %add3A_2717 = arith.addi %add3A_2715, %add3A_2716 : vector<16xi32>
    %add3A_2718 = arith.constant 25012288 : i32
    %add3A_2719 = arith.addi %mul3A_76, %add3A_2718 : i32
    %mul3A_2720 = arith.constant 1280 : i32
    %mul3A_2721 = arith.muli %arg1, %mul3A_2720 : i32
    %add3A_2722 = arith.addi %add3A_2719, %mul3A_2721 : i32
    %add3A_2723 = arith.constant 832 : i32
    %add3A_2724 = arith.addi %add3A_2722, %add3A_2723 : i32
    %add3A_2725 = vector.broadcast %add3A_2724 : i32 to vector<16xi32>
    %add3A_2726 = arith.addi %add3A_2725, %iota3A : vector<16xi32>
    %get3A_2727 = arith.constant 832 : index
    %get3A_2728 = tpu.vector_load %arg18[%get3A_2727] {strides = array<i32>} : memref<1280xf32, #tpu.memory_space<vmem>>, vector<16xf32>,
    %get3A_2729 = vector.shape_cast %get3A_2728 : vector<16xf32> to vector<16xf32>
    %gt3A_2730 = arith.constant 1.000000e-01 : f32
    %gt3A_2731 = vector.broadcast %gt3A_2730 : f32 to vector<16xf32>
    %gt3A_2732 = arith.cmpf ogt, %get3A_2729, %gt3A_2731 : vector<16xf32>
    %select_n3A_2733 = arith.select %gt3A_2732, %add3A_2717, %add3A_2726 : vector<16xi1>, vector<16xi32>
    %swap3A_2734 = arith.constant 832 : index
    %swap3A_2735 = tpu.vector_load %arg20[%swap3A_2734] {strides = array<i32>} : memref<1280xi32, #tpu.memory_space<vmem>>, vector<16xi32>,
    %swap3A_2736 = vector.shape_cast %swap3A_2735 : vector<16xi32> to vector<16xi32>
    %swap3A_2737 = vector.shape_cast %select_n3A_2733 : vector<16xi32> to vector<16xi32>
    tpu.vector_store %arg20[%swap3A_2734], %swap3A_2737 {strides = array<i32>} : memref<1280xi32, #tpu.memory_space<vmem>>, vector<16xi32>,
    %get3A_2738 = arith.constant 848 : index
    %get3A_2739 = tpu.vector_load %arg16[%get3A_2738] {strides = array<i32>} : memref<1280xi32, #tpu.memory_space<vmem>>, vector<16xi32>,
    %get3A_2740 = vector.shape_cast %get3A_2739 : vector<16xi32> to vector<16xi32>
    %mul3A_2741 = arith.constant 5000 : i32
    %mul3A_2742 = vector.broadcast %mul3A_2741 : i32 to vector<16xi32>
    %mul3A_2743 = arith.muli %get3A_2740, %mul3A_2742 : vector<16xi32>
    %get3A_2744 = arith.constant 848 : index
    %get3A_2745 = tpu.vector_load %arg17[%get3A_2744] {strides = array<i32>} : memref<1280xi32, #tpu.memory_space<vmem>>, vector<16xi32>,
    %get3A_2746 = vector.shape_cast %get3A_2745 : vector<16xi32> to vector<16xi32>
    %add3A_2747 = arith.addi %mul3A_2743, %get3A_2746 : vector<16xi32>
    %add3A_2748 = vector.broadcast %mul3A_76 : i32 to vector<16xi32>
    %add3A_2749 = arith.addi %add3A_2747, %add3A_2748 : vector<16xi32>
    %add3A_2750 = arith.constant 25012288 : i32
    %add3A_2751 = arith.addi %mul3A_76, %add3A_2750 : i32
    %mul3A_2752 = arith.constant 1280 : i32
    %mul3A_2753 = arith.muli %arg1, %mul3A_2752 : i32
    %add3A_2754 = arith.addi %add3A_2751, %mul3A_2753 : i32
    %add3A_2755 = arith.constant 848 : i32
    %add3A_2756 = arith.addi %add3A_2754, %add3A_2755 : i32
    %add3A_2757 = vector.broadcast %add3A_2756 : i32 to vector<16xi32>
    %add3A_2758 = arith.addi %add3A_2757, %iota3A : vector<16xi32>
    %get3A_2759 = arith.constant 848 : index
    %get3A_2760 = tpu.vector_load %arg18[%get3A_2759] {strides = array<i32>} : memref<1280xf32, #tpu.memory_space<vmem>>, vector<16xf32>,
    %get3A_2761 = vector.shape_cast %get3A_2760 : vector<16xf32> to vector<16xf32>
    %gt3A_2762 = arith.constant 1.000000e-01 : f32
    %gt3A_2763 = vector.broadcast %gt3A_2762 : f32 to vector<16xf32>
    %gt3A_2764 = arith.cmpf ogt, %get3A_2761, %gt3A_2763 : vector<16xf32>
    %select_n3A_2765 = arith.select %gt3A_2764, %add3A_2749, %add3A_2758 : vector<16xi1>, vector<16xi32>
    %swap3A_2766 = arith.constant 848 : index
    %swap3A_2767 = tpu.vector_load %arg20[%swap3A_2766] {strides = array<i32>} : memref<1280xi32, #tpu.memory_space<vmem>>, vector<16xi32>,
    %swap3A_2768 = vector.shape_cast %swap3A_2767 : vector<16xi32> to vector<16xi32>
    %swap3A_2769 = vector.shape_cast %select_n3A_2765 : vector<16xi32> to vector<16xi32>
    tpu.vector_store %arg20[%swap3A_2766], %swap3A_2769 {strides = array<i32>} : memref<1280xi32, #tpu.memory_space<vmem>>, vector<16xi32>,
    %get3A_2770 = arith.constant 864 : index
    %get3A_2771 = tpu.vector_load %arg16[%get3A_2770] {strides = array<i32>} : memref<1280xi32, #tpu.memory_space<vmem>>, vector<16xi32>,
    %get3A_2772 = vector.shape_cast %get3A_2771 : vector<16xi32> to vector<16xi32>
    %mul3A_2773 = arith.constant 5000 : i32
    %mul3A_2774 = vector.broadcast %mul3A_2773 : i32 to vector<16xi32>
    %mul3A_2775 = arith.muli %get3A_2772, %mul3A_2774 : vector<16xi32>
    %get3A_2776 = arith.constant 864 : index
    %get3A_2777 = tpu.vector_load %arg17[%get3A_2776] {strides = array<i32>} : memref<1280xi32, #tpu.memory_space<vmem>>, vector<16xi32>,
    %get3A_2778 = vector.shape_cast %get3A_2777 : vector<16xi32> to vector<16xi32>
    %add3A_2779 = arith.addi %mul3A_2775, %get3A_2778 : vector<16xi32>
    %add3A_2780 = vector.broadcast %mul3A_76 : i32 to vector<16xi32>
    %add3A_2781 = arith.addi %add3A_2779, %add3A_2780 : vector<16xi32>
    %add3A_2782 = arith.constant 25012288 : i32
    %add3A_2783 = arith.addi %mul3A_76, %add3A_2782 : i32
    %mul3A_2784 = arith.constant 1280 : i32
    %mul3A_2785 = arith.muli %arg1, %mul3A_2784 : i32
    %add3A_2786 = arith.addi %add3A_2783, %mul3A_2785 : i32
    %add3A_2787 = arith.constant 864 : i32
    %add3A_2788 = arith.addi %add3A_2786, %add3A_2787 : i32
    %add3A_2789 = vector.broadcast %add3A_2788 : i32 to vector<16xi32>
    %add3A_2790 = arith.addi %add3A_2789, %iota3A : vector<16xi32>
    %get3A_2791 = arith.constant 864 : index
    %get3A_2792 = tpu.vector_load %arg18[%get3A_2791] {strides = array<i32>} : memref<1280xf32, #tpu.memory_space<vmem>>, vector<16xf32>,
    %get3A_2793 = vector.shape_cast %get3A_2792 : vector<16xf32> to vector<16xf32>
    %gt3A_2794 = arith.constant 1.000000e-01 : f32
    %gt3A_2795 = vector.broadcast %gt3A_2794 : f32 to vector<16xf32>
    %gt3A_2796 = arith.cmpf ogt, %get3A_2793, %gt3A_2795 : vector<16xf32>
    %select_n3A_2797 = arith.select %gt3A_2796, %add3A_2781, %add3A_2790 : vector<16xi1>, vector<16xi32>
    %swap3A_2798 = arith.constant 864 : index
    %swap3A_2799 = tpu.vector_load %arg20[%swap3A_2798] {strides = array<i32>} : memref<1280xi32, #tpu.memory_space<vmem>>, vector<16xi32>,
    %swap3A_2800 = vector.shape_cast %swap3A_2799 : vector<16xi32> to vector<16xi32>
    %swap3A_2801 = vector.shape_cast %select_n3A_2797 : vector<16xi32> to vector<16xi32>
    tpu.vector_store %arg20[%swap3A_2798], %swap3A_2801 {strides = array<i32>} : memref<1280xi32, #tpu.memory_space<vmem>>, vector<16xi32>,
    %get3A_2802 = arith.constant 880 : index
    %get3A_2803 = tpu.vector_load %arg16[%get3A_2802] {strides = array<i32>} : memref<1280xi32, #tpu.memory_space<vmem>>, vector<16xi32>,
    %get3A_2804 = vector.shape_cast %get3A_2803 : vector<16xi32> to vector<16xi32>
    %mul3A_2805 = arith.constant 5000 : i32
    %mul3A_2806 = vector.broadcast %mul3A_2805 : i32 to vector<16xi32>
    %mul3A_2807 = arith.muli %get3A_2804, %mul3A_2806 : vector<16xi32>
    %get3A_2808 = arith.constant 880 : index
    %get3A_2809 = tpu.vector_load %arg17[%get3A_2808] {strides = array<i32>} : memref<1280xi32, #tpu.memory_space<vmem>>, vector<16xi32>,
    %get3A_2810 = vector.shape_cast %get3A_2809 : vector<16xi32> to vector<16xi32>
    %add3A_2811 = arith.addi %mul3A_2807, %get3A_2810 : vector<16xi32>
    %add3A_2812 = vector.broadcast %mul3A_76 : i32 to vector<16xi32>
    %add3A_2813 = arith.addi %add3A_2811, %add3A_2812 : vector<16xi32>
    %add3A_2814 = arith.constant 25012288 : i32
    %add3A_2815 = arith.addi %mul3A_76, %add3A_2814 : i32
    %mul3A_2816 = arith.constant 1280 : i32
    %mul3A_2817 = arith.muli %arg1, %mul3A_2816 : i32
    %add3A_2818 = arith.addi %add3A_2815, %mul3A_2817 : i32
    %add3A_2819 = arith.constant 880 : i32
    %add3A_2820 = arith.addi %add3A_2818, %add3A_2819 : i32
    %add3A_2821 = vector.broadcast %add3A_2820 : i32 to vector<16xi32>
    %add3A_2822 = arith.addi %add3A_2821, %iota3A : vector<16xi32>
    %get3A_2823 = arith.constant 880 : index
    %get3A_2824 = tpu.vector_load %arg18[%get3A_2823] {strides = array<i32>} : memref<1280xf32, #tpu.memory_space<vmem>>, vector<16xf32>,
    %get3A_2825 = vector.shape_cast %get3A_2824 : vector<16xf32> to vector<16xf32>
    %gt3A_2826 = arith.constant 1.000000e-01 : f32
    %gt3A_2827 = vector.broadcast %gt3A_2826 : f32 to vector<16xf32>
    %gt3A_2828 = arith.cmpf ogt, %get3A_2825, %gt3A_2827 : vector<16xf32>
    %select_n3A_2829 = arith.select %gt3A_2828, %add3A_2813, %add3A_2822 : vector<16xi1>, vector<16xi32>
    %swap3A_2830 = arith.constant 880 : index
    %swap3A_2831 = tpu.vector_load %arg20[%swap3A_2830] {strides = array<i32>} : memref<1280xi32, #tpu.memory_space<vmem>>, vector<16xi32>,
    %swap3A_2832 = vector.shape_cast %swap3A_2831 : vector<16xi32> to vector<16xi32>
    %swap3A_2833 = vector.shape_cast %select_n3A_2829 : vector<16xi32> to vector<16xi32>
    tpu.vector_store %arg20[%swap3A_2830], %swap3A_2833 {strides = array<i32>} : memref<1280xi32, #tpu.memory_space<vmem>>, vector<16xi32>,
    %get3A_2834 = arith.constant 896 : index
    %get3A_2835 = tpu.vector_load %arg16[%get3A_2834] {strides = array<i32>} : memref<1280xi32, #tpu.memory_space<vmem>>, vector<16xi32>,
    %get3A_2836 = vector.shape_cast %get3A_2835 : vector<16xi32> to vector<16xi32>
    %mul3A_2837 = arith.constant 5000 : i32
    %mul3A_2838 = vector.broadcast %mul3A_2837 : i32 to vector<16xi32>
    %mul3A_2839 = arith.muli %get3A_2836, %mul3A_2838 : vector<16xi32>
    %get3A_2840 = arith.constant 896 : index
    %get3A_2841 = tpu.vector_load %arg17[%get3A_2840] {strides = array<i32>} : memref<1280xi32, #tpu.memory_space<vmem>>, vector<16xi32>,
    %get3A_2842 = vector.shape_cast %get3A_2841 : vector<16xi32> to vector<16xi32>
    %add3A_2843 = arith.addi %mul3A_2839, %get3A_2842 : vector<16xi32>
    %add3A_2844 = vector.broadcast %mul3A_76 : i32 to vector<16xi32>
    %add3A_2845 = arith.addi %add3A_2843, %add3A_2844 : vector<16xi32>
    %add3A_2846 = arith.constant 25012288 : i32
    %add3A_2847 = arith.addi %mul3A_76, %add3A_2846 : i32
    %mul3A_2848 = arith.constant 1280 : i32
    %mul3A_2849 = arith.muli %arg1, %mul3A_2848 : i32
    %add3A_2850 = arith.addi %add3A_2847, %mul3A_2849 : i32
    %add3A_2851 = arith.constant 896 : i32
    %add3A_2852 = arith.addi %add3A_2850, %add3A_2851 : i32
    %add3A_2853 = vector.broadcast %add3A_2852 : i32 to vector<16xi32>
    %add3A_2854 = arith.addi %add3A_2853, %iota3A : vector<16xi32>
    %get3A_2855 = arith.constant 896 : index
    %get3A_2856 = tpu.vector_load %arg18[%get3A_2855] {strides = array<i32>} : memref<1280xf32, #tpu.memory_space<vmem>>, vector<16xf32>,
    %get3A_2857 = vector.shape_cast %get3A_2856 : vector<16xf32> to vector<16xf32>
    %gt3A_2858 = arith.constant 1.000000e-01 : f32
    %gt3A_2859 = vector.broadcast %gt3A_2858 : f32 to vector<16xf32>
    %gt3A_2860 = arith.cmpf ogt, %get3A_2857, %gt3A_2859 : vector<16xf32>
    %select_n3A_2861 = arith.select %gt3A_2860, %add3A_2845, %add3A_2854 : vector<16xi1>, vector<16xi32>
    %swap3A_2862 = arith.constant 896 : index
    %swap3A_2863 = tpu.vector_load %arg20[%swap3A_2862] {strides = array<i32>} : memref<1280xi32, #tpu.memory_space<vmem>>, vector<16xi32>,
    %swap3A_2864 = vector.shape_cast %swap3A_2863 : vector<16xi32> to vector<16xi32>
    %swap3A_2865 = vector.shape_cast %select_n3A_2861 : vector<16xi32> to vector<16xi32>
    tpu.vector_store %arg20[%swap3A_2862], %swap3A_2865 {strides = array<i32>} : memref<1280xi32, #tpu.memory_space<vmem>>, vector<16xi32>,
    %get3A_2866 = arith.constant 912 : index
    %get3A_2867 = tpu.vector_load %arg16[%get3A_2866] {strides = array<i32>} : memref<1280xi32, #tpu.memory_space<vmem>>, vector<16xi32>,
    %get3A_2868 = vector.shape_cast %get3A_2867 : vector<16xi32> to vector<16xi32>
    %mul3A_2869 = arith.constant 5000 : i32
    %mul3A_2870 = vector.broadcast %mul3A_2869 : i32 to vector<16xi32>
    %mul3A_2871 = arith.muli %get3A_2868, %mul3A_2870 : vector<16xi32>
    %get3A_2872 = arith.constant 912 : index
    %get3A_2873 = tpu.vector_load %arg17[%get3A_2872] {strides = array<i32>} : memref<1280xi32, #tpu.memory_space<vmem>>, vector<16xi32>,
    %get3A_2874 = vector.shape_cast %get3A_2873 : vector<16xi32> to vector<16xi32>
    %add3A_2875 = arith.addi %mul3A_2871, %get3A_2874 : vector<16xi32>
    %add3A_2876 = vector.broadcast %mul3A_76 : i32 to vector<16xi32>
    %add3A_2877 = arith.addi %add3A_2875, %add3A_2876 : vector<16xi32>
    %add3A_2878 = arith.constant 25012288 : i32
    %add3A_2879 = arith.addi %mul3A_76, %add3A_2878 : i32
    %mul3A_2880 = arith.constant 1280 : i32
    %mul3A_2881 = arith.muli %arg1, %mul3A_2880 : i32
    %add3A_2882 = arith.addi %add3A_2879, %mul3A_2881 : i32
    %add3A_2883 = arith.constant 912 : i32
    %add3A_2884 = arith.addi %add3A_2882, %add3A_2883 : i32
    %add3A_2885 = vector.broadcast %add3A_2884 : i32 to vector<16xi32>
    %add3A_2886 = arith.addi %add3A_2885, %iota3A : vector<16xi32>
    %get3A_2887 = arith.constant 912 : index
    %get3A_2888 = tpu.vector_load %arg18[%get3A_2887] {strides = array<i32>} : memref<1280xf32, #tpu.memory_space<vmem>>, vector<16xf32>,
    %get3A_2889 = vector.shape_cast %get3A_2888 : vector<16xf32> to vector<16xf32>
    %gt3A_2890 = arith.constant 1.000000e-01 : f32
    %gt3A_2891 = vector.broadcast %gt3A_2890 : f32 to vector<16xf32>
    %gt3A_2892 = arith.cmpf ogt, %get3A_2889, %gt3A_2891 : vector<16xf32>
    %select_n3A_2893 = arith.select %gt3A_2892, %add3A_2877, %add3A_2886 : vector<16xi1>, vector<16xi32>
    %swap3A_2894 = arith.constant 912 : index
    %swap3A_2895 = tpu.vector_load %arg20[%swap3A_2894] {strides = array<i32>} : memref<1280xi32, #tpu.memory_space<vmem>>, vector<16xi32>,
    %swap3A_2896 = vector.shape_cast %swap3A_2895 : vector<16xi32> to vector<16xi32>
    %swap3A_2897 = vector.shape_cast %select_n3A_2893 : vector<16xi32> to vector<16xi32>
    tpu.vector_store %arg20[%swap3A_2894], %swap3A_2897 {strides = array<i32>} : memref<1280xi32, #tpu.memory_space<vmem>>, vector<16xi32>,
    %get3A_2898 = arith.constant 928 : index
    %get3A_2899 = tpu.vector_load %arg16[%get3A_2898] {strides = array<i32>} : memref<1280xi32, #tpu.memory_space<vmem>>, vector<16xi32>,
    %get3A_2900 = vector.shape_cast %get3A_2899 : vector<16xi32> to vector<16xi32>
    %mul3A_2901 = arith.constant 5000 : i32
    %mul3A_2902 = vector.broadcast %mul3A_2901 : i32 to vector<16xi32>
    %mul3A_2903 = arith.muli %get3A_2900, %mul3A_2902 : vector<16xi32>
    %get3A_2904 = arith.constant 928 : index
    %get3A_2905 = tpu.vector_load %arg17[%get3A_2904] {strides = array<i32>} : memref<1280xi32, #tpu.memory_space<vmem>>, vector<16xi32>,
    %get3A_2906 = vector.shape_cast %get3A_2905 : vector<16xi32> to vector<16xi32>
    %add3A_2907 = arith.addi %mul3A_2903, %get3A_2906 : vector<16xi32>
    %add3A_2908 = vector.broadcast %mul3A_76 : i32 to vector<16xi32>
    %add3A_2909 = arith.addi %add3A_2907, %add3A_2908 : vector<16xi32>
    %add3A_2910 = arith.constant 25012288 : i32
    %add3A_2911 = arith.addi %mul3A_76, %add3A_2910 : i32
    %mul3A_2912 = arith.constant 1280 : i32
    %mul3A_2913 = arith.muli %arg1, %mul3A_2912 : i32
    %add3A_2914 = arith.addi %add3A_2911, %mul3A_2913 : i32
    %add3A_2915 = arith.constant 928 : i32
    %add3A_2916 = arith.addi %add3A_2914, %add3A_2915 : i32
    %add3A_2917 = vector.broadcast %add3A_2916 : i32 to vector<16xi32>
    %add3A_2918 = arith.addi %add3A_2917, %iota3A : vector<16xi32>
    %get3A_2919 = arith.constant 928 : index
    %get3A_2920 = tpu.vector_load %arg18[%get3A_2919] {strides = array<i32>} : memref<1280xf32, #tpu.memory_space<vmem>>, vector<16xf32>,
    %get3A_2921 = vector.shape_cast %get3A_2920 : vector<16xf32> to vector<16xf32>
    %gt3A_2922 = arith.constant 1.000000e-01 : f32
    %gt3A_2923 = vector.broadcast %gt3A_2922 : f32 to vector<16xf32>
    %gt3A_2924 = arith.cmpf ogt, %get3A_2921, %gt3A_2923 : vector<16xf32>
    %select_n3A_2925 = arith.select %gt3A_2924, %add3A_2909, %add3A_2918 : vector<16xi1>, vector<16xi32>
    %swap3A_2926 = arith.constant 928 : index
    %swap3A_2927 = tpu.vector_load %arg20[%swap3A_2926] {strides = array<i32>} : memref<1280xi32, #tpu.memory_space<vmem>>, vector<16xi32>,
    %swap3A_2928 = vector.shape_cast %swap3A_2927 : vector<16xi32> to vector<16xi32>
    %swap3A_2929 = vector.shape_cast %select_n3A_2925 : vector<16xi32> to vector<16xi32>
    tpu.vector_store %arg20[%swap3A_2926], %swap3A_2929 {strides = array<i32>} : memref<1280xi32, #tpu.memory_space<vmem>>, vector<16xi32>,
    %get3A_2930 = arith.constant 944 : index
    %get3A_2931 = tpu.vector_load %arg16[%get3A_2930] {strides = array<i32>} : memref<1280xi32, #tpu.memory_space<vmem>>, vector<16xi32>,
    %get3A_2932 = vector.shape_cast %get3A_2931 : vector<16xi32> to vector<16xi32>
    %mul3A_2933 = arith.constant 5000 : i32
    %mul3A_2934 = vector.broadcast %mul3A_2933 : i32 to vector<16xi32>
    %mul3A_2935 = arith.muli %get3A_2932, %mul3A_2934 : vector<16xi32>
    %get3A_2936 = arith.constant 944 : index
    %get3A_2937 = tpu.vector_load %arg17[%get3A_2936] {strides = array<i32>} : memref<1280xi32, #tpu.memory_space<vmem>>, vector<16xi32>,
    %get3A_2938 = vector.shape_cast %get3A_2937 : vector<16xi32> to vector<16xi32>
    %add3A_2939 = arith.addi %mul3A_2935, %get3A_2938 : vector<16xi32>
    %add3A_2940 = vector.broadcast %mul3A_76 : i32 to vector<16xi32>
    %add3A_2941 = arith.addi %add3A_2939, %add3A_2940 : vector<16xi32>
    %add3A_2942 = arith.constant 25012288 : i32
    %add3A_2943 = arith.addi %mul3A_76, %add3A_2942 : i32
    %mul3A_2944 = arith.constant 1280 : i32
    %mul3A_2945 = arith.muli %arg1, %mul3A_2944 : i32
    %add3A_2946 = arith.addi %add3A_2943, %mul3A_2945 : i32
    %add3A_2947 = arith.constant 944 : i32
    %add3A_2948 = arith.addi %add3A_2946, %add3A_2947 : i32
    %add3A_2949 = vector.broadcast %add3A_2948 : i32 to vector<16xi32>
    %add3A_2950 = arith.addi %add3A_2949, %iota3A : vector<16xi32>
    %get3A_2951 = arith.constant 944 : index
    %get3A_2952 = tpu.vector_load %arg18[%get3A_2951] {strides = array<i32>} : memref<1280xf32, #tpu.memory_space<vmem>>, vector<16xf32>,
    %get3A_2953 = vector.shape_cast %get3A_2952 : vector<16xf32> to vector<16xf32>
    %gt3A_2954 = arith.constant 1.000000e-01 : f32
    %gt3A_2955 = vector.broadcast %gt3A_2954 : f32 to vector<16xf32>
    %gt3A_2956 = arith.cmpf ogt, %get3A_2953, %gt3A_2955 : vector<16xf32>
    %select_n3A_2957 = arith.select %gt3A_2956, %add3A_2941, %add3A_2950 : vector<16xi1>, vector<16xi32>
    %swap3A_2958 = arith.constant 944 : index
    %swap3A_2959 = tpu.vector_load %arg20[%swap3A_2958] {strides = array<i32>} : memref<1280xi32, #tpu.memory_space<vmem>>, vector<16xi32>,
    %swap3A_2960 = vector.shape_cast %swap3A_2959 : vector<16xi32> to vector<16xi32>
    %swap3A_2961 = vector.shape_cast %select_n3A_2957 : vector<16xi32> to vector<16xi32>
    tpu.vector_store %arg20[%swap3A_2958], %swap3A_2961 {strides = array<i32>} : memref<1280xi32, #tpu.memory_space<vmem>>, vector<16xi32>,
    %get3A_2962 = arith.constant 960 : index
    %get3A_2963 = tpu.vector_load %arg16[%get3A_2962] {strides = array<i32>} : memref<1280xi32, #tpu.memory_space<vmem>>, vector<16xi32>,
    %get3A_2964 = vector.shape_cast %get3A_2963 : vector<16xi32> to vector<16xi32>
    %mul3A_2965 = arith.constant 5000 : i32
    %mul3A_2966 = vector.broadcast %mul3A_2965 : i32 to vector<16xi32>
    %mul3A_2967 = arith.muli %get3A_2964, %mul3A_2966 : vector<16xi32>
    %get3A_2968 = arith.constant 960 : index
    %get3A_2969 = tpu.vector_load %arg17[%get3A_2968] {strides = array<i32>} : memref<1280xi32, #tpu.memory_space<vmem>>, vector<16xi32>,
    %get3A_2970 = vector.shape_cast %get3A_2969 : vector<16xi32> to vector<16xi32>
    %add3A_2971 = arith.addi %mul3A_2967, %get3A_2970 : vector<16xi32>
    %add3A_2972 = vector.broadcast %mul3A_76 : i32 to vector<16xi32>
    %add3A_2973 = arith.addi %add3A_2971, %add3A_2972 : vector<16xi32>
    %add3A_2974 = arith.constant 25012288 : i32
    %add3A_2975 = arith.addi %mul3A_76, %add3A_2974 : i32
    %mul3A_2976 = arith.constant 1280 : i32
    %mul3A_2977 = arith.muli %arg1, %mul3A_2976 : i32
    %add3A_2978 = arith.addi %add3A_2975, %mul3A_2977 : i32
    %add3A_2979 = arith.constant 960 : i32
    %add3A_2980 = arith.addi %add3A_2978, %add3A_2979 : i32
    %add3A_2981 = vector.broadcast %add3A_2980 : i32 to vector<16xi32>
    %add3A_2982 = arith.addi %add3A_2981, %iota3A : vector<16xi32>
    %get3A_2983 = arith.constant 960 : index
    %get3A_2984 = tpu.vector_load %arg18[%get3A_2983] {strides = array<i32>} : memref<1280xf32, #tpu.memory_space<vmem>>, vector<16xf32>,
    %get3A_2985 = vector.shape_cast %get3A_2984 : vector<16xf32> to vector<16xf32>
    %gt3A_2986 = arith.constant 1.000000e-01 : f32
    %gt3A_2987 = vector.broadcast %gt3A_2986 : f32 to vector<16xf32>
    %gt3A_2988 = arith.cmpf ogt, %get3A_2985, %gt3A_2987 : vector<16xf32>
    %select_n3A_2989 = arith.select %gt3A_2988, %add3A_2973, %add3A_2982 : vector<16xi1>, vector<16xi32>
    %swap3A_2990 = arith.constant 960 : index
    %swap3A_2991 = tpu.vector_load %arg20[%swap3A_2990] {strides = array<i32>} : memref<1280xi32, #tpu.memory_space<vmem>>, vector<16xi32>,
    %swap3A_2992 = vector.shape_cast %swap3A_2991 : vector<16xi32> to vector<16xi32>
    %swap3A_2993 = vector.shape_cast %select_n3A_2989 : vector<16xi32> to vector<16xi32>
    tpu.vector_store %arg20[%swap3A_2990], %swap3A_2993 {strides = array<i32>} : memref<1280xi32, #tpu.memory_space<vmem>>, vector<16xi32>,
    %get3A_2994 = arith.constant 976 : index
    %get3A_2995 = tpu.vector_load %arg16[%get3A_2994] {strides = array<i32>} : memref<1280xi32, #tpu.memory_space<vmem>>, vector<16xi32>,
    %get3A_2996 = vector.shape_cast %get3A_2995 : vector<16xi32> to vector<16xi32>
    %mul3A_2997 = arith.constant 5000 : i32
    %mul3A_2998 = vector.broadcast %mul3A_2997 : i32 to vector<16xi32>
    %mul3A_2999 = arith.muli %get3A_2996, %mul3A_2998 : vector<16xi32>
    %get3A_3000 = arith.constant 976 : index
    %get3A_3001 = tpu.vector_load %arg17[%get3A_3000] {strides = array<i32>} : memref<1280xi32, #tpu.memory_space<vmem>>, vector<16xi32>,
    %get3A_3002 = vector.shape_cast %get3A_3001 : vector<16xi32> to vector<16xi32>
    %add3A_3003 = arith.addi %mul3A_2999, %get3A_3002 : vector<16xi32>
    %add3A_3004 = vector.broadcast %mul3A_76 : i32 to vector<16xi32>
    %add3A_3005 = arith.addi %add3A_3003, %add3A_3004 : vector<16xi32>
    %add3A_3006 = arith.constant 25012288 : i32
    %add3A_3007 = arith.addi %mul3A_76, %add3A_3006 : i32
    %mul3A_3008 = arith.constant 1280 : i32
    %mul3A_3009 = arith.muli %arg1, %mul3A_3008 : i32
    %add3A_3010 = arith.addi %add3A_3007, %mul3A_3009 : i32
    %add3A_3011 = arith.constant 976 : i32
    %add3A_3012 = arith.addi %add3A_3010, %add3A_3011 : i32
    %add3A_3013 = vector.broadcast %add3A_3012 : i32 to vector<16xi32>
    %add3A_3014 = arith.addi %add3A_3013, %iota3A : vector<16xi32>
    %get3A_3015 = arith.constant 976 : index
    %get3A_3016 = tpu.vector_load %arg18[%get3A_3015] {strides = array<i32>} : memref<1280xf32, #tpu.memory_space<vmem>>, vector<16xf32>,
    %get3A_3017 = vector.shape_cast %get3A_3016 : vector<16xf32> to vector<16xf32>
    %gt3A_3018 = arith.constant 1.000000e-01 : f32
    %gt3A_3019 = vector.broadcast %gt3A_3018 : f32 to vector<16xf32>
    %gt3A_3020 = arith.cmpf ogt, %get3A_3017, %gt3A_3019 : vector<16xf32>
    %select_n3A_3021 = arith.select %gt3A_3020, %add3A_3005, %add3A_3014 : vector<16xi1>, vector<16xi32>
    %swap3A_3022 = arith.constant 976 : index
    %swap3A_3023 = tpu.vector_load %arg20[%swap3A_3022] {strides = array<i32>} : memref<1280xi32, #tpu.memory_space<vmem>>, vector<16xi32>,
    %swap3A_3024 = vector.shape_cast %swap3A_3023 : vector<16xi32> to vector<16xi32>
    %swap3A_3025 = vector.shape_cast %select_n3A_3021 : vector<16xi32> to vector<16xi32>
    tpu.vector_store %arg20[%swap3A_3022], %swap3A_3025 {strides = array<i32>} : memref<1280xi32, #tpu.memory_space<vmem>>, vector<16xi32>,
    %get3A_3026 = arith.constant 992 : index
    %get3A_3027 = tpu.vector_load %arg16[%get3A_3026] {strides = array<i32>} : memref<1280xi32, #tpu.memory_space<vmem>>, vector<16xi32>,
    %get3A_3028 = vector.shape_cast %get3A_3027 : vector<16xi32> to vector<16xi32>
    %mul3A_3029 = arith.constant 5000 : i32
    %mul3A_3030 = vector.broadcast %mul3A_3029 : i32 to vector<16xi32>
    %mul3A_3031 = arith.muli %get3A_3028, %mul3A_3030 : vector<16xi32>
    %get3A_3032 = arith.constant 992 : index
    %get3A_3033 = tpu.vector_load %arg17[%get3A_3032] {strides = array<i32>} : memref<1280xi32, #tpu.memory_space<vmem>>, vector<16xi32>,
    %get3A_3034 = vector.shape_cast %get3A_3033 : vector<16xi32> to vector<16xi32>
    %add3A_3035 = arith.addi %mul3A_3031, %get3A_3034 : vector<16xi32>
    %add3A_3036 = vector.broadcast %mul3A_76 : i32 to vector<16xi32>
    %add3A_3037 = arith.addi %add3A_3035, %add3A_3036 : vector<16xi32>
    %add3A_3038 = arith.constant 25012288 : i32
    %add3A_3039 = arith.addi %mul3A_76, %add3A_3038 : i32
    %mul3A_3040 = arith.constant 1280 : i32
    %mul3A_3041 = arith.muli %arg1, %mul3A_3040 : i32
    %add3A_3042 = arith.addi %add3A_3039, %mul3A_3041 : i32
    %add3A_3043 = arith.constant 992 : i32
    %add3A_3044 = arith.addi %add3A_3042, %add3A_3043 : i32
    %add3A_3045 = vector.broadcast %add3A_3044 : i32 to vector<16xi32>
    %add3A_3046 = arith.addi %add3A_3045, %iota3A : vector<16xi32>
    %get3A_3047 = arith.constant 992 : index
    %get3A_3048 = tpu.vector_load %arg18[%get3A_3047] {strides = array<i32>} : memref<1280xf32, #tpu.memory_space<vmem>>, vector<16xf32>,
    %get3A_3049 = vector.shape_cast %get3A_3048 : vector<16xf32> to vector<16xf32>
    %gt3A_3050 = arith.constant 1.000000e-01 : f32
    %gt3A_3051 = vector.broadcast %gt3A_3050 : f32 to vector<16xf32>
    %gt3A_3052 = arith.cmpf ogt, %get3A_3049, %gt3A_3051 : vector<16xf32>
    %select_n3A_3053 = arith.select %gt3A_3052, %add3A_3037, %add3A_3046 : vector<16xi1>, vector<16xi32>
    %swap3A_3054 = arith.constant 992 : index
    %swap3A_3055 = tpu.vector_load %arg20[%swap3A_3054] {strides = array<i32>} : memref<1280xi32, #tpu.memory_space<vmem>>, vector<16xi32>,
    %swap3A_3056 = vector.shape_cast %swap3A_3055 : vector<16xi32> to vector<16xi32>
    %swap3A_3057 = vector.shape_cast %select_n3A_3053 : vector<16xi32> to vector<16xi32>
    tpu.vector_store %arg20[%swap3A_3054], %swap3A_3057 {strides = array<i32>} : memref<1280xi32, #tpu.memory_space<vmem>>, vector<16xi32>,
    %get3A_3058 = arith.constant 1008 : index
    %get3A_3059 = tpu.vector_load %arg16[%get3A_3058] {strides = array<i32>} : memref<1280xi32, #tpu.memory_space<vmem>>, vector<16xi32>,
    %get3A_3060 = vector.shape_cast %get3A_3059 : vector<16xi32> to vector<16xi32>
    %mul3A_3061 = arith.constant 5000 : i32
    %mul3A_3062 = vector.broadcast %mul3A_3061 : i32 to vector<16xi32>
    %mul3A_3063 = arith.muli %get3A_3060, %mul3A_3062 : vector<16xi32>
    %get3A_3064 = arith.constant 1008 : index
    %get3A_3065 = tpu.vector_load %arg17[%get3A_3064] {strides = array<i32>} : memref<1280xi32, #tpu.memory_space<vmem>>, vector<16xi32>,
    %get3A_3066 = vector.shape_cast %get3A_3065 : vector<16xi32> to vector<16xi32>
    %add3A_3067 = arith.addi %mul3A_3063, %get3A_3066 : vector<16xi32>
    %add3A_3068 = vector.broadcast %mul3A_76 : i32 to vector<16xi32>
    %add3A_3069 = arith.addi %add3A_3067, %add3A_3068 : vector<16xi32>
    %add3A_3070 = arith.constant 25012288 : i32
    %add3A_3071 = arith.addi %mul3A_76, %add3A_3070 : i32
    %mul3A_3072 = arith.constant 1280 : i32
    %mul3A_3073 = arith.muli %arg1, %mul3A_3072 : i32
    %add3A_3074 = arith.addi %add3A_3071, %mul3A_3073 : i32
    %add3A_3075 = arith.constant 1008 : i32
    %add3A_3076 = arith.addi %add3A_3074, %add3A_3075 : i32
    %add3A_3077 = vector.broadcast %add3A_3076 : i32 to vector<16xi32>
    %add3A_3078 = arith.addi %add3A_3077, %iota3A : vector<16xi32>
    %get3A_3079 = arith.constant 1008 : index
    %get3A_3080 = tpu.vector_load %arg18[%get3A_3079] {strides = array<i32>} : memref<1280xf32, #tpu.memory_space<vmem>>, vector<16xf32>,
    %get3A_3081 = vector.shape_cast %get3A_3080 : vector<16xf32> to vector<16xf32>
    %gt3A_3082 = arith.constant 1.000000e-01 : f32
    %gt3A_3083 = vector.broadcast %gt3A_3082 : f32 to vector<16xf32>
    %gt3A_3084 = arith.cmpf ogt, %get3A_3081, %gt3A_3083 : vector<16xf32>
    %select_n3A_3085 = arith.select %gt3A_3084, %add3A_3069, %add3A_3078 : vector<16xi1>, vector<16xi32>
    %swap3A_3086 = arith.constant 1008 : index
    %swap3A_3087 = tpu.vector_load %arg20[%swap3A_3086] {strides = array<i32>} : memref<1280xi32, #tpu.memory_space<vmem>>, vector<16xi32>,
    %swap3A_3088 = vector.shape_cast %swap3A_3087 : vector<16xi32> to vector<16xi32>
    %swap3A_3089 = vector.shape_cast %select_n3A_3085 : vector<16xi32> to vector<16xi32>
    tpu.vector_store %arg20[%swap3A_3086], %swap3A_3089 {strides = array<i32>} : memref<1280xi32, #tpu.memory_space<vmem>>, vector<16xi32>,
    %get3A_3090 = arith.constant 1024 : index
    %get3A_3091 = tpu.vector_load %arg16[%get3A_3090] {strides = array<i32>} : memref<1280xi32, #tpu.memory_space<vmem>>, vector<16xi32>,
    %get3A_3092 = vector.shape_cast %get3A_3091 : vector<16xi32> to vector<16xi32>
    %mul3A_3093 = arith.constant 5000 : i32
    %mul3A_3094 = vector.broadcast %mul3A_3093 : i32 to vector<16xi32>
    %mul3A_3095 = arith.muli %get3A_3092, %mul3A_3094 : vector<16xi32>
    %get3A_3096 = arith.constant 1024 : index
    %get3A_3097 = tpu.vector_load %arg17[%get3A_3096] {strides = array<i32>} : memref<1280xi32, #tpu.memory_space<vmem>>, vector<16xi32>,
    %get3A_3098 = vector.shape_cast %get3A_3097 : vector<16xi32> to vector<16xi32>
    %add3A_3099 = arith.addi %mul3A_3095, %get3A_3098 : vector<16xi32>
    %add3A_3100 = vector.broadcast %mul3A_76 : i32 to vector<16xi32>
    %add3A_3101 = arith.addi %add3A_3099, %add3A_3100 : vector<16xi32>
    %add3A_3102 = arith.constant 25012288 : i32
    %add3A_3103 = arith.addi %mul3A_76, %add3A_3102 : i32
    %mul3A_3104 = arith.constant 1280 : i32
    %mul3A_3105 = arith.muli %arg1, %mul3A_3104 : i32
    %add3A_3106 = arith.addi %add3A_3103, %mul3A_3105 : i32
    %add3A_3107 = arith.constant 1024 : i32
    %add3A_3108 = arith.addi %add3A_3106, %add3A_3107 : i32
    %add3A_3109 = vector.broadcast %add3A_3108 : i32 to vector<16xi32>
    %add3A_3110 = arith.addi %add3A_3109, %iota3A : vector<16xi32>
    %get3A_3111 = arith.constant 1024 : index
    %get3A_3112 = tpu.vector_load %arg18[%get3A_3111] {strides = array<i32>} : memref<1280xf32, #tpu.memory_space<vmem>>, vector<16xf32>,
    %get3A_3113 = vector.shape_cast %get3A_3112 : vector<16xf32> to vector<16xf32>
    %gt3A_3114 = arith.constant 1.000000e-01 : f32
    %gt3A_3115 = vector.broadcast %gt3A_3114 : f32 to vector<16xf32>
    %gt3A_3116 = arith.cmpf ogt, %get3A_3113, %gt3A_3115 : vector<16xf32>
    %select_n3A_3117 = arith.select %gt3A_3116, %add3A_3101, %add3A_3110 : vector<16xi1>, vector<16xi32>
    %swap3A_3118 = arith.constant 1024 : index
    %swap3A_3119 = tpu.vector_load %arg20[%swap3A_3118] {strides = array<i32>} : memref<1280xi32, #tpu.memory_space<vmem>>, vector<16xi32>,
    %swap3A_3120 = vector.shape_cast %swap3A_3119 : vector<16xi32> to vector<16xi32>
    %swap3A_3121 = vector.shape_cast %select_n3A_3117 : vector<16xi32> to vector<16xi32>
    tpu.vector_store %arg20[%swap3A_3118], %swap3A_3121 {strides = array<i32>} : memref<1280xi32, #tpu.memory_space<vmem>>, vector<16xi32>,
    %get3A_3122 = arith.constant 1040 : index
    %get3A_3123 = tpu.vector_load %arg16[%get3A_3122] {strides = array<i32>} : memref<1280xi32, #tpu.memory_space<vmem>>, vector<16xi32>,
    %get3A_3124 = vector.shape_cast %get3A_3123 : vector<16xi32> to vector<16xi32>
    %mul3A_3125 = arith.constant 5000 : i32
    %mul3A_3126 = vector.broadcast %mul3A_3125 : i32 to vector<16xi32>
    %mul3A_3127 = arith.muli %get3A_3124, %mul3A_3126 : vector<16xi32>
    %get3A_3128 = arith.constant 1040 : index
    %get3A_3129 = tpu.vector_load %arg17[%get3A_3128] {strides = array<i32>} : memref<1280xi32, #tpu.memory_space<vmem>>, vector<16xi32>,
    %get3A_3130 = vector.shape_cast %get3A_3129 : vector<16xi32> to vector<16xi32>
    %add3A_3131 = arith.addi %mul3A_3127, %get3A_3130 : vector<16xi32>
    %add3A_3132 = vector.broadcast %mul3A_76 : i32 to vector<16xi32>
    %add3A_3133 = arith.addi %add3A_3131, %add3A_3132 : vector<16xi32>
    %add3A_3134 = arith.constant 25012288 : i32
    %add3A_3135 = arith.addi %mul3A_76, %add3A_3134 : i32
    %mul3A_3136 = arith.constant 1280 : i32
    %mul3A_3137 = arith.muli %arg1, %mul3A_3136 : i32
    %add3A_3138 = arith.addi %add3A_3135, %mul3A_3137 : i32
    %add3A_3139 = arith.constant 1040 : i32
    %add3A_3140 = arith.addi %add3A_3138, %add3A_3139 : i32
    %add3A_3141 = vector.broadcast %add3A_3140 : i32 to vector<16xi32>
    %add3A_3142 = arith.addi %add3A_3141, %iota3A : vector<16xi32>
    %get3A_3143 = arith.constant 1040 : index
    %get3A_3144 = tpu.vector_load %arg18[%get3A_3143] {strides = array<i32>} : memref<1280xf32, #tpu.memory_space<vmem>>, vector<16xf32>,
    %get3A_3145 = vector.shape_cast %get3A_3144 : vector<16xf32> to vector<16xf32>
    %gt3A_3146 = arith.constant 1.000000e-01 : f32
    %gt3A_3147 = vector.broadcast %gt3A_3146 : f32 to vector<16xf32>
    %gt3A_3148 = arith.cmpf ogt, %get3A_3145, %gt3A_3147 : vector<16xf32>
    %select_n3A_3149 = arith.select %gt3A_3148, %add3A_3133, %add3A_3142 : vector<16xi1>, vector<16xi32>
    %swap3A_3150 = arith.constant 1040 : index
    %swap3A_3151 = tpu.vector_load %arg20[%swap3A_3150] {strides = array<i32>} : memref<1280xi32, #tpu.memory_space<vmem>>, vector<16xi32>,
    %swap3A_3152 = vector.shape_cast %swap3A_3151 : vector<16xi32> to vector<16xi32>
    %swap3A_3153 = vector.shape_cast %select_n3A_3149 : vector<16xi32> to vector<16xi32>
    tpu.vector_store %arg20[%swap3A_3150], %swap3A_3153 {strides = array<i32>} : memref<1280xi32, #tpu.memory_space<vmem>>, vector<16xi32>,
    %get3A_3154 = arith.constant 1056 : index
    %get3A_3155 = tpu.vector_load %arg16[%get3A_3154] {strides = array<i32>} : memref<1280xi32, #tpu.memory_space<vmem>>, vector<16xi32>,
    %get3A_3156 = vector.shape_cast %get3A_3155 : vector<16xi32> to vector<16xi32>
    %mul3A_3157 = arith.constant 5000 : i32
    %mul3A_3158 = vector.broadcast %mul3A_3157 : i32 to vector<16xi32>
    %mul3A_3159 = arith.muli %get3A_3156, %mul3A_3158 : vector<16xi32>
    %get3A_3160 = arith.constant 1056 : index
    %get3A_3161 = tpu.vector_load %arg17[%get3A_3160] {strides = array<i32>} : memref<1280xi32, #tpu.memory_space<vmem>>, vector<16xi32>,
    %get3A_3162 = vector.shape_cast %get3A_3161 : vector<16xi32> to vector<16xi32>
    %add3A_3163 = arith.addi %mul3A_3159, %get3A_3162 : vector<16xi32>
    %add3A_3164 = vector.broadcast %mul3A_76 : i32 to vector<16xi32>
    %add3A_3165 = arith.addi %add3A_3163, %add3A_3164 : vector<16xi32>
    %add3A_3166 = arith.constant 25012288 : i32
    %add3A_3167 = arith.addi %mul3A_76, %add3A_3166 : i32
    %mul3A_3168 = arith.constant 1280 : i32
    %mul3A_3169 = arith.muli %arg1, %mul3A_3168 : i32
    %add3A_3170 = arith.addi %add3A_3167, %mul3A_3169 : i32
    %add3A_3171 = arith.constant 1056 : i32
    %add3A_3172 = arith.addi %add3A_3170, %add3A_3171 : i32
    %add3A_3173 = vector.broadcast %add3A_3172 : i32 to vector<16xi32>
    %add3A_3174 = arith.addi %add3A_3173, %iota3A : vector<16xi32>
    %get3A_3175 = arith.constant 1056 : index
    %get3A_3176 = tpu.vector_load %arg18[%get3A_3175] {strides = array<i32>} : memref<1280xf32, #tpu.memory_space<vmem>>, vector<16xf32>,
    %get3A_3177 = vector.shape_cast %get3A_3176 : vector<16xf32> to vector<16xf32>
    %gt3A_3178 = arith.constant 1.000000e-01 : f32
    %gt3A_3179 = vector.broadcast %gt3A_3178 : f32 to vector<16xf32>
    %gt3A_3180 = arith.cmpf ogt, %get3A_3177, %gt3A_3179 : vector<16xf32>
    %select_n3A_3181 = arith.select %gt3A_3180, %add3A_3165, %add3A_3174 : vector<16xi1>, vector<16xi32>
    %swap3A_3182 = arith.constant 1056 : index
    %swap3A_3183 = tpu.vector_load %arg20[%swap3A_3182] {strides = array<i32>} : memref<1280xi32, #tpu.memory_space<vmem>>, vector<16xi32>,
    %swap3A_3184 = vector.shape_cast %swap3A_3183 : vector<16xi32> to vector<16xi32>
    %swap3A_3185 = vector.shape_cast %select_n3A_3181 : vector<16xi32> to vector<16xi32>
    tpu.vector_store %arg20[%swap3A_3182], %swap3A_3185 {strides = array<i32>} : memref<1280xi32, #tpu.memory_space<vmem>>, vector<16xi32>,
    %get3A_3186 = arith.constant 1072 : index
    %get3A_3187 = tpu.vector_load %arg16[%get3A_3186] {strides = array<i32>} : memref<1280xi32, #tpu.memory_space<vmem>>, vector<16xi32>,
    %get3A_3188 = vector.shape_cast %get3A_3187 : vector<16xi32> to vector<16xi32>
    %mul3A_3189 = arith.constant 5000 : i32
    %mul3A_3190 = vector.broadcast %mul3A_3189 : i32 to vector<16xi32>
    %mul3A_3191 = arith.muli %get3A_3188, %mul3A_3190 : vector<16xi32>
    %get3A_3192 = arith.constant 1072 : index
    %get3A_3193 = tpu.vector_load %arg17[%get3A_3192] {strides = array<i32>} : memref<1280xi32, #tpu.memory_space<vmem>>, vector<16xi32>,
    %get3A_3194 = vector.shape_cast %get3A_3193 : vector<16xi32> to vector<16xi32>
    %add3A_3195 = arith.addi %mul3A_3191, %get3A_3194 : vector<16xi32>
    %add3A_3196 = vector.broadcast %mul3A_76 : i32 to vector<16xi32>
    %add3A_3197 = arith.addi %add3A_3195, %add3A_3196 : vector<16xi32>
    %add3A_3198 = arith.constant 25012288 : i32
    %add3A_3199 = arith.addi %mul3A_76, %add3A_3198 : i32
    %mul3A_3200 = arith.constant 1280 : i32
    %mul3A_3201 = arith.muli %arg1, %mul3A_3200 : i32
    %add3A_3202 = arith.addi %add3A_3199, %mul3A_3201 : i32
    %add3A_3203 = arith.constant 1072 : i32
    %add3A_3204 = arith.addi %add3A_3202, %add3A_3203 : i32
    %add3A_3205 = vector.broadcast %add3A_3204 : i32 to vector<16xi32>
    %add3A_3206 = arith.addi %add3A_3205, %iota3A : vector<16xi32>
    %get3A_3207 = arith.constant 1072 : index
    %get3A_3208 = tpu.vector_load %arg18[%get3A_3207] {strides = array<i32>} : memref<1280xf32, #tpu.memory_space<vmem>>, vector<16xf32>,
    %get3A_3209 = vector.shape_cast %get3A_3208 : vector<16xf32> to vector<16xf32>
    %gt3A_3210 = arith.constant 1.000000e-01 : f32
    %gt3A_3211 = vector.broadcast %gt3A_3210 : f32 to vector<16xf32>
    %gt3A_3212 = arith.cmpf ogt, %get3A_3209, %gt3A_3211 : vector<16xf32>
    %select_n3A_3213 = arith.select %gt3A_3212, %add3A_3197, %add3A_3206 : vector<16xi1>, vector<16xi32>
    %swap3A_3214 = arith.constant 1072 : index
    %swap3A_3215 = tpu.vector_load %arg20[%swap3A_3214] {strides = array<i32>} : memref<1280xi32, #tpu.memory_space<vmem>>, vector<16xi32>,
    %swap3A_3216 = vector.shape_cast %swap3A_3215 : vector<16xi32> to vector<16xi32>
    %swap3A_3217 = vector.shape_cast %select_n3A_3213 : vector<16xi32> to vector<16xi32>
    tpu.vector_store %arg20[%swap3A_3214], %swap3A_3217 {strides = array<i32>} : memref<1280xi32, #tpu.memory_space<vmem>>, vector<16xi32>,
    %get3A_3218 = arith.constant 1088 : index
    %get3A_3219 = tpu.vector_load %arg16[%get3A_3218] {strides = array<i32>} : memref<1280xi32, #tpu.memory_space<vmem>>, vector<16xi32>,
    %get3A_3220 = vector.shape_cast %get3A_3219 : vector<16xi32> to vector<16xi32>
    %mul3A_3221 = arith.constant 5000 : i32
    %mul3A_3222 = vector.broadcast %mul3A_3221 : i32 to vector<16xi32>
    %mul3A_3223 = arith.muli %get3A_3220, %mul3A_3222 : vector<16xi32>
    %get3A_3224 = arith.constant 1088 : index
    %get3A_3225 = tpu.vector_load %arg17[%get3A_3224] {strides = array<i32>} : memref<1280xi32, #tpu.memory_space<vmem>>, vector<16xi32>,
    %get3A_3226 = vector.shape_cast %get3A_3225 : vector<16xi32> to vector<16xi32>
    %add3A_3227 = arith.addi %mul3A_3223, %get3A_3226 : vector<16xi32>
    %add3A_3228 = vector.broadcast %mul3A_76 : i32 to vector<16xi32>
    %add3A_3229 = arith.addi %add3A_3227, %add3A_3228 : vector<16xi32>
    %add3A_3230 = arith.constant 25012288 : i32
    %add3A_3231 = arith.addi %mul3A_76, %add3A_3230 : i32
    %mul3A_3232 = arith.constant 1280 : i32
    %mul3A_3233 = arith.muli %arg1, %mul3A_3232 : i32
    %add3A_3234 = arith.addi %add3A_3231, %mul3A_3233 : i32
    %add3A_3235 = arith.constant 1088 : i32
    %add3A_3236 = arith.addi %add3A_3234, %add3A_3235 : i32
    %add3A_3237 = vector.broadcast %add3A_3236 : i32 to vector<16xi32>
    %add3A_3238 = arith.addi %add3A_3237, %iota3A : vector<16xi32>
    %get3A_3239 = arith.constant 1088 : index
    %get3A_3240 = tpu.vector_load %arg18[%get3A_3239] {strides = array<i32>} : memref<1280xf32, #tpu.memory_space<vmem>>, vector<16xf32>,
    %get3A_3241 = vector.shape_cast %get3A_3240 : vector<16xf32> to vector<16xf32>
    %gt3A_3242 = arith.constant 1.000000e-01 : f32
    %gt3A_3243 = vector.broadcast %gt3A_3242 : f32 to vector<16xf32>
    %gt3A_3244 = arith.cmpf ogt, %get3A_3241, %gt3A_3243 : vector<16xf32>
    %select_n3A_3245 = arith.select %gt3A_3244, %add3A_3229, %add3A_3238 : vector<16xi1>, vector<16xi32>
    %swap3A_3246 = arith.constant 1088 : index
    %swap3A_3247 = tpu.vector_load %arg20[%swap3A_3246] {strides = array<i32>} : memref<1280xi32, #tpu.memory_space<vmem>>, vector<16xi32>,
    %swap3A_3248 = vector.shape_cast %swap3A_3247 : vector<16xi32> to vector<16xi32>
    %swap3A_3249 = vector.shape_cast %select_n3A_3245 : vector<16xi32> to vector<16xi32>
    tpu.vector_store %arg20[%swap3A_3246], %swap3A_3249 {strides = array<i32>} : memref<1280xi32, #tpu.memory_space<vmem>>, vector<16xi32>,
    %get3A_3250 = arith.constant 1104 : index
    %get3A_3251 = tpu.vector_load %arg16[%get3A_3250] {strides = array<i32>} : memref<1280xi32, #tpu.memory_space<vmem>>, vector<16xi32>,
    %get3A_3252 = vector.shape_cast %get3A_3251 : vector<16xi32> to vector<16xi32>
    %mul3A_3253 = arith.constant 5000 : i32
    %mul3A_3254 = vector.broadcast %mul3A_3253 : i32 to vector<16xi32>
    %mul3A_3255 = arith.muli %get3A_3252, %mul3A_3254 : vector<16xi32>
    %get3A_3256 = arith.constant 1104 : index
    %get3A_3257 = tpu.vector_load %arg17[%get3A_3256] {strides = array<i32>} : memref<1280xi32, #tpu.memory_space<vmem>>, vector<16xi32>,
    %get3A_3258 = vector.shape_cast %get3A_3257 : vector<16xi32> to vector<16xi32>
    %add3A_3259 = arith.addi %mul3A_3255, %get3A_3258 : vector<16xi32>
    %add3A_3260 = vector.broadcast %mul3A_76 : i32 to vector<16xi32>
    %add3A_3261 = arith.addi %add3A_3259, %add3A_3260 : vector<16xi32>
    %add3A_3262 = arith.constant 25012288 : i32
    %add3A_3263 = arith.addi %mul3A_76, %add3A_3262 : i32
    %mul3A_3264 = arith.constant 1280 : i32
    %mul3A_3265 = arith.muli %arg1, %mul3A_3264 : i32
    %add3A_3266 = arith.addi %add3A_3263, %mul3A_3265 : i32
    %add3A_3267 = arith.constant 1104 : i32
    %add3A_3268 = arith.addi %add3A_3266, %add3A_3267 : i32
    %add3A_3269 = vector.broadcast %add3A_3268 : i32 to vector<16xi32>
    %add3A_3270 = arith.addi %add3A_3269, %iota3A : vector<16xi32>
    %get3A_3271 = arith.constant 1104 : index
    %get3A_3272 = tpu.vector_load %arg18[%get3A_3271] {strides = array<i32>} : memref<1280xf32, #tpu.memory_space<vmem>>, vector<16xf32>,
    %get3A_3273 = vector.shape_cast %get3A_3272 : vector<16xf32> to vector<16xf32>
    %gt3A_3274 = arith.constant 1.000000e-01 : f32
    %gt3A_3275 = vector.broadcast %gt3A_3274 : f32 to vector<16xf32>
    %gt3A_3276 = arith.cmpf ogt, %get3A_3273, %gt3A_3275 : vector<16xf32>
    %select_n3A_3277 = arith.select %gt3A_3276, %add3A_3261, %add3A_3270 : vector<16xi1>, vector<16xi32>
    %swap3A_3278 = arith.constant 1104 : index
    %swap3A_3279 = tpu.vector_load %arg20[%swap3A_3278] {strides = array<i32>} : memref<1280xi32, #tpu.memory_space<vmem>>, vector<16xi32>,
    %swap3A_3280 = vector.shape_cast %swap3A_3279 : vector<16xi32> to vector<16xi32>
    %swap3A_3281 = vector.shape_cast %select_n3A_3277 : vector<16xi32> to vector<16xi32>
    tpu.vector_store %arg20[%swap3A_3278], %swap3A_3281 {strides = array<i32>} : memref<1280xi32, #tpu.memory_space<vmem>>, vector<16xi32>,
    %get3A_3282 = arith.constant 1120 : index
    %get3A_3283 = tpu.vector_load %arg16[%get3A_3282] {strides = array<i32>} : memref<1280xi32, #tpu.memory_space<vmem>>, vector<16xi32>,
    %get3A_3284 = vector.shape_cast %get3A_3283 : vector<16xi32> to vector<16xi32>
    %mul3A_3285 = arith.constant 5000 : i32
    %mul3A_3286 = vector.broadcast %mul3A_3285 : i32 to vector<16xi32>
    %mul3A_3287 = arith.muli %get3A_3284, %mul3A_3286 : vector<16xi32>
    %get3A_3288 = arith.constant 1120 : index
    %get3A_3289 = tpu.vector_load %arg17[%get3A_3288] {strides = array<i32>} : memref<1280xi32, #tpu.memory_space<vmem>>, vector<16xi32>,
    %get3A_3290 = vector.shape_cast %get3A_3289 : vector<16xi32> to vector<16xi32>
    %add3A_3291 = arith.addi %mul3A_3287, %get3A_3290 : vector<16xi32>
    %add3A_3292 = vector.broadcast %mul3A_76 : i32 to vector<16xi32>
    %add3A_3293 = arith.addi %add3A_3291, %add3A_3292 : vector<16xi32>
    %add3A_3294 = arith.constant 25012288 : i32
    %add3A_3295 = arith.addi %mul3A_76, %add3A_3294 : i32
    %mul3A_3296 = arith.constant 1280 : i32
    %mul3A_3297 = arith.muli %arg1, %mul3A_3296 : i32
    %add3A_3298 = arith.addi %add3A_3295, %mul3A_3297 : i32
    %add3A_3299 = arith.constant 1120 : i32
    %add3A_3300 = arith.addi %add3A_3298, %add3A_3299 : i32
    %add3A_3301 = vector.broadcast %add3A_3300 : i32 to vector<16xi32>
    %add3A_3302 = arith.addi %add3A_3301, %iota3A : vector<16xi32>
    %get3A_3303 = arith.constant 1120 : index
    %get3A_3304 = tpu.vector_load %arg18[%get3A_3303] {strides = array<i32>} : memref<1280xf32, #tpu.memory_space<vmem>>, vector<16xf32>,
    %get3A_3305 = vector.shape_cast %get3A_3304 : vector<16xf32> to vector<16xf32>
    %gt3A_3306 = arith.constant 1.000000e-01 : f32
    %gt3A_3307 = vector.broadcast %gt3A_3306 : f32 to vector<16xf32>
    %gt3A_3308 = arith.cmpf ogt, %get3A_3305, %gt3A_3307 : vector<16xf32>
    %select_n3A_3309 = arith.select %gt3A_3308, %add3A_3293, %add3A_3302 : vector<16xi1>, vector<16xi32>
    %swap3A_3310 = arith.constant 1120 : index
    %swap3A_3311 = tpu.vector_load %arg20[%swap3A_3310] {strides = array<i32>} : memref<1280xi32, #tpu.memory_space<vmem>>, vector<16xi32>,
    %swap3A_3312 = vector.shape_cast %swap3A_3311 : vector<16xi32> to vector<16xi32>
    %swap3A_3313 = vector.shape_cast %select_n3A_3309 : vector<16xi32> to vector<16xi32>
    tpu.vector_store %arg20[%swap3A_3310], %swap3A_3313 {strides = array<i32>} : memref<1280xi32, #tpu.memory_space<vmem>>, vector<16xi32>,
    %get3A_3314 = arith.constant 1136 : index
    %get3A_3315 = tpu.vector_load %arg16[%get3A_3314] {strides = array<i32>} : memref<1280xi32, #tpu.memory_space<vmem>>, vector<16xi32>,
    %get3A_3316 = vector.shape_cast %get3A_3315 : vector<16xi32> to vector<16xi32>
    %mul3A_3317 = arith.constant 5000 : i32
    %mul3A_3318 = vector.broadcast %mul3A_3317 : i32 to vector<16xi32>
    %mul3A_3319 = arith.muli %get3A_3316, %mul3A_3318 : vector<16xi32>
    %get3A_3320 = arith.constant 1136 : index
    %get3A_3321 = tpu.vector_load %arg17[%get3A_3320] {strides = array<i32>} : memref<1280xi32, #tpu.memory_space<vmem>>, vector<16xi32>,
    %get3A_3322 = vector.shape_cast %get3A_3321 : vector<16xi32> to vector<16xi32>
    %add3A_3323 = arith.addi %mul3A_3319, %get3A_3322 : vector<16xi32>
    %add3A_3324 = vector.broadcast %mul3A_76 : i32 to vector<16xi32>
    %add3A_3325 = arith.addi %add3A_3323, %add3A_3324 : vector<16xi32>
    %add3A_3326 = arith.constant 25012288 : i32
    %add3A_3327 = arith.addi %mul3A_76, %add3A_3326 : i32
    %mul3A_3328 = arith.constant 1280 : i32
    %mul3A_3329 = arith.muli %arg1, %mul3A_3328 : i32
    %add3A_3330 = arith.addi %add3A_3327, %mul3A_3329 : i32
    %add3A_3331 = arith.constant 1136 : i32
    %add3A_3332 = arith.addi %add3A_3330, %add3A_3331 : i32
    %add3A_3333 = vector.broadcast %add3A_3332 : i32 to vector<16xi32>
    %add3A_3334 = arith.addi %add3A_3333, %iota3A : vector<16xi32>
    %get3A_3335 = arith.constant 1136 : index
    %get3A_3336 = tpu.vector_load %arg18[%get3A_3335] {strides = array<i32>} : memref<1280xf32, #tpu.memory_space<vmem>>, vector<16xf32>,
    %get3A_3337 = vector.shape_cast %get3A_3336 : vector<16xf32> to vector<16xf32>
    %gt3A_3338 = arith.constant 1.000000e-01 : f32
    %gt3A_3339 = vector.broadcast %gt3A_3338 : f32 to vector<16xf32>
    %gt3A_3340 = arith.cmpf ogt, %get3A_3337, %gt3A_3339 : vector<16xf32>
    %select_n3A_3341 = arith.select %gt3A_3340, %add3A_3325, %add3A_3334 : vector<16xi1>, vector<16xi32>
    %swap3A_3342 = arith.constant 1136 : index
    %swap3A_3343 = tpu.vector_load %arg20[%swap3A_3342] {strides = array<i32>} : memref<1280xi32, #tpu.memory_space<vmem>>, vector<16xi32>,
    %swap3A_3344 = vector.shape_cast %swap3A_3343 : vector<16xi32> to vector<16xi32>
    %swap3A_3345 = vector.shape_cast %select_n3A_3341 : vector<16xi32> to vector<16xi32>
    tpu.vector_store %arg20[%swap3A_3342], %swap3A_3345 {strides = array<i32>} : memref<1280xi32, #tpu.memory_space<vmem>>, vector<16xi32>,
    %get3A_3346 = arith.constant 1152 : index
    %get3A_3347 = tpu.vector_load %arg16[%get3A_3346] {strides = array<i32>} : memref<1280xi32, #tpu.memory_space<vmem>>, vector<16xi32>,
    %get3A_3348 = vector.shape_cast %get3A_3347 : vector<16xi32> to vector<16xi32>
    %mul3A_3349 = arith.constant 5000 : i32
    %mul3A_3350 = vector.broadcast %mul3A_3349 : i32 to vector<16xi32>
    %mul3A_3351 = arith.muli %get3A_3348, %mul3A_3350 : vector<16xi32>
    %get3A_3352 = arith.constant 1152 : index
    %get3A_3353 = tpu.vector_load %arg17[%get3A_3352] {strides = array<i32>} : memref<1280xi32, #tpu.memory_space<vmem>>, vector<16xi32>,
    %get3A_3354 = vector.shape_cast %get3A_3353 : vector<16xi32> to vector<16xi32>
    %add3A_3355 = arith.addi %mul3A_3351, %get3A_3354 : vector<16xi32>
    %add3A_3356 = vector.broadcast %mul3A_76 : i32 to vector<16xi32>
    %add3A_3357 = arith.addi %add3A_3355, %add3A_3356 : vector<16xi32>
    %add3A_3358 = arith.constant 25012288 : i32
    %add3A_3359 = arith.addi %mul3A_76, %add3A_3358 : i32
    %mul3A_3360 = arith.constant 1280 : i32
    %mul3A_3361 = arith.muli %arg1, %mul3A_3360 : i32
    %add3A_3362 = arith.addi %add3A_3359, %mul3A_3361 : i32
    %add3A_3363 = arith.constant 1152 : i32
    %add3A_3364 = arith.addi %add3A_3362, %add3A_3363 : i32
    %add3A_3365 = vector.broadcast %add3A_3364 : i32 to vector<16xi32>
    %add3A_3366 = arith.addi %add3A_3365, %iota3A : vector<16xi32>
    %get3A_3367 = arith.constant 1152 : index
    %get3A_3368 = tpu.vector_load %arg18[%get3A_3367] {strides = array<i32>} : memref<1280xf32, #tpu.memory_space<vmem>>, vector<16xf32>,
    %get3A_3369 = vector.shape_cast %get3A_3368 : vector<16xf32> to vector<16xf32>
    %gt3A_3370 = arith.constant 1.000000e-01 : f32
    %gt3A_3371 = vector.broadcast %gt3A_3370 : f32 to vector<16xf32>
    %gt3A_3372 = arith.cmpf ogt, %get3A_3369, %gt3A_3371 : vector<16xf32>
    %select_n3A_3373 = arith.select %gt3A_3372, %add3A_3357, %add3A_3366 : vector<16xi1>, vector<16xi32>
    %swap3A_3374 = arith.constant 1152 : index
    %swap3A_3375 = tpu.vector_load %arg20[%swap3A_3374] {strides = array<i32>} : memref<1280xi32, #tpu.memory_space<vmem>>, vector<16xi32>,
    %swap3A_3376 = vector.shape_cast %swap3A_3375 : vector<16xi32> to vector<16xi32>
    %swap3A_3377 = vector.shape_cast %select_n3A_3373 : vector<16xi32> to vector<16xi32>
    tpu.vector_store %arg20[%swap3A_3374], %swap3A_3377 {strides = array<i32>} : memref<1280xi32, #tpu.memory_space<vmem>>, vector<16xi32>,
    %get3A_3378 = arith.constant 1168 : index
    %get3A_3379 = tpu.vector_load %arg16[%get3A_3378] {strides = array<i32>} : memref<1280xi32, #tpu.memory_space<vmem>>, vector<16xi32>,
    %get3A_3380 = vector.shape_cast %get3A_3379 : vector<16xi32> to vector<16xi32>
    %mul3A_3381 = arith.constant 5000 : i32
    %mul3A_3382 = vector.broadcast %mul3A_3381 : i32 to vector<16xi32>
    %mul3A_3383 = arith.muli %get3A_3380, %mul3A_3382 : vector<16xi32>
    %get3A_3384 = arith.constant 1168 : index
    %get3A_3385 = tpu.vector_load %arg17[%get3A_3384] {strides = array<i32>} : memref<1280xi32, #tpu.memory_space<vmem>>, vector<16xi32>,
    %get3A_3386 = vector.shape_cast %get3A_3385 : vector<16xi32> to vector<16xi32>
    %add3A_3387 = arith.addi %mul3A_3383, %get3A_3386 : vector<16xi32>
    %add3A_3388 = vector.broadcast %mul3A_76 : i32 to vector<16xi32>
    %add3A_3389 = arith.addi %add3A_3387, %add3A_3388 : vector<16xi32>
    %add3A_3390 = arith.constant 25012288 : i32
    %add3A_3391 = arith.addi %mul3A_76, %add3A_3390 : i32
    %mul3A_3392 = arith.constant 1280 : i32
    %mul3A_3393 = arith.muli %arg1, %mul3A_3392 : i32
    %add3A_3394 = arith.addi %add3A_3391, %mul3A_3393 : i32
    %add3A_3395 = arith.constant 1168 : i32
    %add3A_3396 = arith.addi %add3A_3394, %add3A_3395 : i32
    %add3A_3397 = vector.broadcast %add3A_3396 : i32 to vector<16xi32>
    %add3A_3398 = arith.addi %add3A_3397, %iota3A : vector<16xi32>
    %get3A_3399 = arith.constant 1168 : index
    %get3A_3400 = tpu.vector_load %arg18[%get3A_3399] {strides = array<i32>} : memref<1280xf32, #tpu.memory_space<vmem>>, vector<16xf32>,
    %get3A_3401 = vector.shape_cast %get3A_3400 : vector<16xf32> to vector<16xf32>
    %gt3A_3402 = arith.constant 1.000000e-01 : f32
    %gt3A_3403 = vector.broadcast %gt3A_3402 : f32 to vector<16xf32>
    %gt3A_3404 = arith.cmpf ogt, %get3A_3401, %gt3A_3403 : vector<16xf32>
    %select_n3A_3405 = arith.select %gt3A_3404, %add3A_3389, %add3A_3398 : vector<16xi1>, vector<16xi32>
    %swap3A_3406 = arith.constant 1168 : index
    %swap3A_3407 = tpu.vector_load %arg20[%swap3A_3406] {strides = array<i32>} : memref<1280xi32, #tpu.memory_space<vmem>>, vector<16xi32>,
    %swap3A_3408 = vector.shape_cast %swap3A_3407 : vector<16xi32> to vector<16xi32>
    %swap3A_3409 = vector.shape_cast %select_n3A_3405 : vector<16xi32> to vector<16xi32>
    tpu.vector_store %arg20[%swap3A_3406], %swap3A_3409 {strides = array<i32>} : memref<1280xi32, #tpu.memory_space<vmem>>, vector<16xi32>,
    %get3A_3410 = arith.constant 1184 : index
    %get3A_3411 = tpu.vector_load %arg16[%get3A_3410] {strides = array<i32>} : memref<1280xi32, #tpu.memory_space<vmem>>, vector<16xi32>,
    %get3A_3412 = vector.shape_cast %get3A_3411 : vector<16xi32> to vector<16xi32>
    %mul3A_3413 = arith.constant 5000 : i32
    %mul3A_3414 = vector.broadcast %mul3A_3413 : i32 to vector<16xi32>
    %mul3A_3415 = arith.muli %get3A_3412, %mul3A_3414 : vector<16xi32>
    %get3A_3416 = arith.constant 1184 : index
    %get3A_3417 = tpu.vector_load %arg17[%get3A_3416] {strides = array<i32>} : memref<1280xi32, #tpu.memory_space<vmem>>, vector<16xi32>,
    %get3A_3418 = vector.shape_cast %get3A_3417 : vector<16xi32> to vector<16xi32>
    %add3A_3419 = arith.addi %mul3A_3415, %get3A_3418 : vector<16xi32>
    %add3A_3420 = vector.broadcast %mul3A_76 : i32 to vector<16xi32>
    %add3A_3421 = arith.addi %add3A_3419, %add3A_3420 : vector<16xi32>
    %add3A_3422 = arith.constant 25012288 : i32
    %add3A_3423 = arith.addi %mul3A_76, %add3A_3422 : i32
    %mul3A_3424 = arith.constant 1280 : i32
    %mul3A_3425 = arith.muli %arg1, %mul3A_3424 : i32
    %add3A_3426 = arith.addi %add3A_3423, %mul3A_3425 : i32
    %add3A_3427 = arith.constant 1184 : i32
    %add3A_3428 = arith.addi %add3A_3426, %add3A_3427 : i32
    %add3A_3429 = vector.broadcast %add3A_3428 : i32 to vector<16xi32>
    %add3A_3430 = arith.addi %add3A_3429, %iota3A : vector<16xi32>
    %get3A_3431 = arith.constant 1184 : index
    %get3A_3432 = tpu.vector_load %arg18[%get3A_3431] {strides = array<i32>} : memref<1280xf32, #tpu.memory_space<vmem>>, vector<16xf32>,
    %get3A_3433 = vector.shape_cast %get3A_3432 : vector<16xf32> to vector<16xf32>
    %gt3A_3434 = arith.constant 1.000000e-01 : f32
    %gt3A_3435 = vector.broadcast %gt3A_3434 : f32 to vector<16xf32>
    %gt3A_3436 = arith.cmpf ogt, %get3A_3433, %gt3A_3435 : vector<16xf32>
    %select_n3A_3437 = arith.select %gt3A_3436, %add3A_3421, %add3A_3430 : vector<16xi1>, vector<16xi32>
    %swap3A_3438 = arith.constant 1184 : index
    %swap3A_3439 = tpu.vector_load %arg20[%swap3A_3438] {strides = array<i32>} : memref<1280xi32, #tpu.memory_space<vmem>>, vector<16xi32>,
    %swap3A_3440 = vector.shape_cast %swap3A_3439 : vector<16xi32> to vector<16xi32>
    %swap3A_3441 = vector.shape_cast %select_n3A_3437 : vector<16xi32> to vector<16xi32>
    tpu.vector_store %arg20[%swap3A_3438], %swap3A_3441 {strides = array<i32>} : memref<1280xi32, #tpu.memory_space<vmem>>, vector<16xi32>,
    %get3A_3442 = arith.constant 1200 : index
    %get3A_3443 = tpu.vector_load %arg16[%get3A_3442] {strides = array<i32>} : memref<1280xi32, #tpu.memory_space<vmem>>, vector<16xi32>,
    %get3A_3444 = vector.shape_cast %get3A_3443 : vector<16xi32> to vector<16xi32>
    %mul3A_3445 = arith.constant 5000 : i32
    %mul3A_3446 = vector.broadcast %mul3A_3445 : i32 to vector<16xi32>
    %mul3A_3447 = arith.muli %get3A_3444, %mul3A_3446 : vector<16xi32>
    %get3A_3448 = arith.constant 1200 : index
    %get3A_3449 = tpu.vector_load %arg17[%get3A_3448] {strides = array<i32>} : memref<1280xi32, #tpu.memory_space<vmem>>, vector<16xi32>,
    %get3A_3450 = vector.shape_cast %get3A_3449 : vector<16xi32> to vector<16xi32>
    %add3A_3451 = arith.addi %mul3A_3447, %get3A_3450 : vector<16xi32>
    %add3A_3452 = vector.broadcast %mul3A_76 : i32 to vector<16xi32>
    %add3A_3453 = arith.addi %add3A_3451, %add3A_3452 : vector<16xi32>
    %add3A_3454 = arith.constant 25012288 : i32
    %add3A_3455 = arith.addi %mul3A_76, %add3A_3454 : i32
    %mul3A_3456 = arith.constant 1280 : i32
    %mul3A_3457 = arith.muli %arg1, %mul3A_3456 : i32
    %add3A_3458 = arith.addi %add3A_3455, %mul3A_3457 : i32
    %add3A_3459 = arith.constant 1200 : i32
    %add3A_3460 = arith.addi %add3A_3458, %add3A_3459 : i32
    %add3A_3461 = vector.broadcast %add3A_3460 : i32 to vector<16xi32>
    %add3A_3462 = arith.addi %add3A_3461, %iota3A : vector<16xi32>
    %get3A_3463 = arith.constant 1200 : index
    %get3A_3464 = tpu.vector_load %arg18[%get3A_3463] {strides = array<i32>} : memref<1280xf32, #tpu.memory_space<vmem>>, vector<16xf32>,
    %get3A_3465 = vector.shape_cast %get3A_3464 : vector<16xf32> to vector<16xf32>
    %gt3A_3466 = arith.constant 1.000000e-01 : f32
    %gt3A_3467 = vector.broadcast %gt3A_3466 : f32 to vector<16xf32>
    %gt3A_3468 = arith.cmpf ogt, %get3A_3465, %gt3A_3467 : vector<16xf32>
    %select_n3A_3469 = arith.select %gt3A_3468, %add3A_3453, %add3A_3462 : vector<16xi1>, vector<16xi32>
    %swap3A_3470 = arith.constant 1200 : index
    %swap3A_3471 = tpu.vector_load %arg20[%swap3A_3470] {strides = array<i32>} : memref<1280xi32, #tpu.memory_space<vmem>>, vector<16xi32>,
    %swap3A_3472 = vector.shape_cast %swap3A_3471 : vector<16xi32> to vector<16xi32>
    %swap3A_3473 = vector.shape_cast %select_n3A_3469 : vector<16xi32> to vector<16xi32>
    tpu.vector_store %arg20[%swap3A_3470], %swap3A_3473 {strides = array<i32>} : memref<1280xi32, #tpu.memory_space<vmem>>, vector<16xi32>,
    %get3A_3474 = arith.constant 1216 : index
    %get3A_3475 = tpu.vector_load %arg16[%get3A_3474] {strides = array<i32>} : memref<1280xi32, #tpu.memory_space<vmem>>, vector<16xi32>,
    %get3A_3476 = vector.shape_cast %get3A_3475 : vector<16xi32> to vector<16xi32>
    %mul3A_3477 = arith.constant 5000 : i32
    %mul3A_3478 = vector.broadcast %mul3A_3477 : i32 to vector<16xi32>
    %mul3A_3479 = arith.muli %get3A_3476, %mul3A_3478 : vector<16xi32>
    %get3A_3480 = arith.constant 1216 : index
    %get3A_3481 = tpu.vector_load %arg17[%get3A_3480] {strides = array<i32>} : memref<1280xi32, #tpu.memory_space<vmem>>, vector<16xi32>,
    %get3A_3482 = vector.shape_cast %get3A_3481 : vector<16xi32> to vector<16xi32>
    %add3A_3483 = arith.addi %mul3A_3479, %get3A_3482 : vector<16xi32>
    %add3A_3484 = vector.broadcast %mul3A_76 : i32 to vector<16xi32>
    %add3A_3485 = arith.addi %add3A_3483, %add3A_3484 : vector<16xi32>
    %add3A_3486 = arith.constant 25012288 : i32
    %add3A_3487 = arith.addi %mul3A_76, %add3A_3486 : i32
    %mul3A_3488 = arith.constant 1280 : i32
    %mul3A_3489 = arith.muli %arg1, %mul3A_3488 : i32
    %add3A_3490 = arith.addi %add3A_3487, %mul3A_3489 : i32
    %add3A_3491 = arith.constant 1216 : i32
    %add3A_3492 = arith.addi %add3A_3490, %add3A_3491 : i32
    %add3A_3493 = vector.broadcast %add3A_3492 : i32 to vector<16xi32>
    %add3A_3494 = arith.addi %add3A_3493, %iota3A : vector<16xi32>
    %get3A_3495 = arith.constant 1216 : index
    %get3A_3496 = tpu.vector_load %arg18[%get3A_3495] {strides = array<i32>} : memref<1280xf32, #tpu.memory_space<vmem>>, vector<16xf32>,
    %get3A_3497 = vector.shape_cast %get3A_3496 : vector<16xf32> to vector<16xf32>
    %gt3A_3498 = arith.constant 1.000000e-01 : f32
    %gt3A_3499 = vector.broadcast %gt3A_3498 : f32 to vector<16xf32>
    %gt3A_3500 = arith.cmpf ogt, %get3A_3497, %gt3A_3499 : vector<16xf32>
    %select_n3A_3501 = arith.select %gt3A_3500, %add3A_3485, %add3A_3494 : vector<16xi1>, vector<16xi32>
    %swap3A_3502 = arith.constant 1216 : index
    %swap3A_3503 = tpu.vector_load %arg20[%swap3A_3502] {strides = array<i32>} : memref<1280xi32, #tpu.memory_space<vmem>>, vector<16xi32>,
    %swap3A_3504 = vector.shape_cast %swap3A_3503 : vector<16xi32> to vector<16xi32>
    %swap3A_3505 = vector.shape_cast %select_n3A_3501 : vector<16xi32> to vector<16xi32>
    tpu.vector_store %arg20[%swap3A_3502], %swap3A_3505 {strides = array<i32>} : memref<1280xi32, #tpu.memory_space<vmem>>, vector<16xi32>,
    %get3A_3506 = arith.constant 1232 : index
    %get3A_3507 = tpu.vector_load %arg16[%get3A_3506] {strides = array<i32>} : memref<1280xi32, #tpu.memory_space<vmem>>, vector<16xi32>,
    %get3A_3508 = vector.shape_cast %get3A_3507 : vector<16xi32> to vector<16xi32>
    %mul3A_3509 = arith.constant 5000 : i32
    %mul3A_3510 = vector.broadcast %mul3A_3509 : i32 to vector<16xi32>
    %mul3A_3511 = arith.muli %get3A_3508, %mul3A_3510 : vector<16xi32>
    %get3A_3512 = arith.constant 1232 : index
    %get3A_3513 = tpu.vector_load %arg17[%get3A_3512] {strides = array<i32>} : memref<1280xi32, #tpu.memory_space<vmem>>, vector<16xi32>,
    %get3A_3514 = vector.shape_cast %get3A_3513 : vector<16xi32> to vector<16xi32>
    %add3A_3515 = arith.addi %mul3A_3511, %get3A_3514 : vector<16xi32>
    %add3A_3516 = vector.broadcast %mul3A_76 : i32 to vector<16xi32>
    %add3A_3517 = arith.addi %add3A_3515, %add3A_3516 : vector<16xi32>
    %add3A_3518 = arith.constant 25012288 : i32
    %add3A_3519 = arith.addi %mul3A_76, %add3A_3518 : i32
    %mul3A_3520 = arith.constant 1280 : i32
    %mul3A_3521 = arith.muli %arg1, %mul3A_3520 : i32
    %add3A_3522 = arith.addi %add3A_3519, %mul3A_3521 : i32
    %add3A_3523 = arith.constant 1232 : i32
    %add3A_3524 = arith.addi %add3A_3522, %add3A_3523 : i32
    %add3A_3525 = vector.broadcast %add3A_3524 : i32 to vector<16xi32>
    %add3A_3526 = arith.addi %add3A_3525, %iota3A : vector<16xi32>
    %get3A_3527 = arith.constant 1232 : index
    %get3A_3528 = tpu.vector_load %arg18[%get3A_3527] {strides = array<i32>} : memref<1280xf32, #tpu.memory_space<vmem>>, vector<16xf32>,
    %get3A_3529 = vector.shape_cast %get3A_3528 : vector<16xf32> to vector<16xf32>
    %gt3A_3530 = arith.constant 1.000000e-01 : f32
    %gt3A_3531 = vector.broadcast %gt3A_3530 : f32 to vector<16xf32>
    %gt3A_3532 = arith.cmpf ogt, %get3A_3529, %gt3A_3531 : vector<16xf32>
    %select_n3A_3533 = arith.select %gt3A_3532, %add3A_3517, %add3A_3526 : vector<16xi1>, vector<16xi32>
    %swap3A_3534 = arith.constant 1232 : index
    %swap3A_3535 = tpu.vector_load %arg20[%swap3A_3534] {strides = array<i32>} : memref<1280xi32, #tpu.memory_space<vmem>>, vector<16xi32>,
    %swap3A_3536 = vector.shape_cast %swap3A_3535 : vector<16xi32> to vector<16xi32>
    %swap3A_3537 = vector.shape_cast %select_n3A_3533 : vector<16xi32> to vector<16xi32>
    tpu.vector_store %arg20[%swap3A_3534], %swap3A_3537 {strides = array<i32>} : memref<1280xi32, #tpu.memory_space<vmem>>, vector<16xi32>,
    %get3A_3538 = arith.constant 1248 : index
    %get3A_3539 = tpu.vector_load %arg16[%get3A_3538] {strides = array<i32>} : memref<1280xi32, #tpu.memory_space<vmem>>, vector<16xi32>,
    %get3A_3540 = vector.shape_cast %get3A_3539 : vector<16xi32> to vector<16xi32>
    %mul3A_3541 = arith.constant 5000 : i32
    %mul3A_3542 = vector.broadcast %mul3A_3541 : i32 to vector<16xi32>
    %mul3A_3543 = arith.muli %get3A_3540, %mul3A_3542 : vector<16xi32>
    %get3A_3544 = arith.constant 1248 : index
    %get3A_3545 = tpu.vector_load %arg17[%get3A_3544] {strides = array<i32>} : memref<1280xi32, #tpu.memory_space<vmem>>, vector<16xi32>,
    %get3A_3546 = vector.shape_cast %get3A_3545 : vector<16xi32> to vector<16xi32>
    %add3A_3547 = arith.addi %mul3A_3543, %get3A_3546 : vector<16xi32>
    %add3A_3548 = vector.broadcast %mul3A_76 : i32 to vector<16xi32>
    %add3A_3549 = arith.addi %add3A_3547, %add3A_3548 : vector<16xi32>
    %add3A_3550 = arith.constant 25012288 : i32
    %add3A_3551 = arith.addi %mul3A_76, %add3A_3550 : i32
    %mul3A_3552 = arith.constant 1280 : i32
    %mul3A_3553 = arith.muli %arg1, %mul3A_3552 : i32
    %add3A_3554 = arith.addi %add3A_3551, %mul3A_3553 : i32
    %add3A_3555 = arith.constant 1248 : i32
    %add3A_3556 = arith.addi %add3A_3554, %add3A_3555 : i32
    %add3A_3557 = vector.broadcast %add3A_3556 : i32 to vector<16xi32>
    %add3A_3558 = arith.addi %add3A_3557, %iota3A : vector<16xi32>
    %get3A_3559 = arith.constant 1248 : index
    %get3A_3560 = tpu.vector_load %arg18[%get3A_3559] {strides = array<i32>} : memref<1280xf32, #tpu.memory_space<vmem>>, vector<16xf32>,
    %get3A_3561 = vector.shape_cast %get3A_3560 : vector<16xf32> to vector<16xf32>
    %gt3A_3562 = arith.constant 1.000000e-01 : f32
    %gt3A_3563 = vector.broadcast %gt3A_3562 : f32 to vector<16xf32>
    %gt3A_3564 = arith.cmpf ogt, %get3A_3561, %gt3A_3563 : vector<16xf32>
    %select_n3A_3565 = arith.select %gt3A_3564, %add3A_3549, %add3A_3558 : vector<16xi1>, vector<16xi32>
    %swap3A_3566 = arith.constant 1248 : index
    %swap3A_3567 = tpu.vector_load %arg20[%swap3A_3566] {strides = array<i32>} : memref<1280xi32, #tpu.memory_space<vmem>>, vector<16xi32>,
    %swap3A_3568 = vector.shape_cast %swap3A_3567 : vector<16xi32> to vector<16xi32>
    %swap3A_3569 = vector.shape_cast %select_n3A_3565 : vector<16xi32> to vector<16xi32>
    tpu.vector_store %arg20[%swap3A_3566], %swap3A_3569 {strides = array<i32>} : memref<1280xi32, #tpu.memory_space<vmem>>, vector<16xi32>,
    %get3A_3570 = arith.constant 1264 : index
    %get3A_3571 = tpu.vector_load %arg16[%get3A_3570] {strides = array<i32>} : memref<1280xi32, #tpu.memory_space<vmem>>, vector<16xi32>,
    %get3A_3572 = vector.shape_cast %get3A_3571 : vector<16xi32> to vector<16xi32>
    %mul3A_3573 = arith.constant 5000 : i32
    %mul3A_3574 = vector.broadcast %mul3A_3573 : i32 to vector<16xi32>
    %mul3A_3575 = arith.muli %get3A_3572, %mul3A_3574 : vector<16xi32>
    %get3A_3576 = arith.constant 1264 : index
    %get3A_3577 = tpu.vector_load %arg17[%get3A_3576] {strides = array<i32>} : memref<1280xi32, #tpu.memory_space<vmem>>, vector<16xi32>,
    %get3A_3578 = vector.shape_cast %get3A_3577 : vector<16xi32> to vector<16xi32>
    %add3A_3579 = arith.addi %mul3A_3575, %get3A_3578 : vector<16xi32>
    %add3A_3580 = vector.broadcast %mul3A_76 : i32 to vector<16xi32>
    %add3A_3581 = arith.addi %add3A_3579, %add3A_3580 : vector<16xi32>
    %add3A_3582 = arith.constant 25012288 : i32
    %add3A_3583 = arith.addi %mul3A_76, %add3A_3582 : i32
    %mul3A_3584 = arith.constant 1280 : i32
    %mul3A_3585 = arith.muli %arg1, %mul3A_3584 : i32
    %add3A_3586 = arith.addi %add3A_3583, %mul3A_3585 : i32
    %add3A_3587 = arith.constant 1264 : i32
    %add3A_3588 = arith.addi %add3A_3586, %add3A_3587 : i32
    %add3A_3589 = vector.broadcast %add3A_3588 : i32 to vector<16xi32>
    %add3A_3590 = arith.addi %add3A_3589, %iota3A : vector<16xi32>
    %get3A_3591 = arith.constant 1264 : index
    %get3A_3592 = tpu.vector_load %arg18[%get3A_3591] {strides = array<i32>} : memref<1280xf32, #tpu.memory_space<vmem>>, vector<16xf32>,
    %get3A_3593 = vector.shape_cast %get3A_3592 : vector<16xf32> to vector<16xf32>
    %gt3A_3594 = arith.constant 1.000000e-01 : f32
    %gt3A_3595 = vector.broadcast %gt3A_3594 : f32 to vector<16xf32>
    %gt3A_3596 = arith.cmpf ogt, %get3A_3593, %gt3A_3595 : vector<16xf32>
    %select_n3A_3597 = arith.select %gt3A_3596, %add3A_3581, %add3A_3590 : vector<16xi1>, vector<16xi32>
    %swap3A_3598 = arith.constant 1264 : index
    %swap3A_3599 = tpu.vector_load %arg20[%swap3A_3598] {strides = array<i32>} : memref<1280xi32, #tpu.memory_space<vmem>>, vector<16xi32>,
    %swap3A_3600 = vector.shape_cast %swap3A_3599 : vector<16xi32> to vector<16xi32>
    %swap3A_3601 = vector.shape_cast %select_n3A_3597 : vector<16xi32> to vector<16xi32>
    tpu.vector_store %arg20[%swap3A_3598], %swap3A_3601 {strides = array<i32>} : memref<1280xi32, #tpu.memory_space<vmem>>, vector<16xi32>,
    %dma_start3A_3602 = arith.constant 0 : i32
    %dma_start3A_3603 = tpu.memref_slice %arg13[%dma_start3A_3602] : memref<50065536xf32, #tpu.memory_space<hbm>> -> memref<50065536xf32, #tpu.memory_space<hbm>>
    tpu.enqueue_indirect_dma source(%arg21 : memref<384xf32, #tpu.memory_space<vmem>>) target(%dma_start3A_3603 : memref<50065536xf32, #tpu.memory_space<hbm>>) offsets(%arg19 : memref<384xi32, #tpu.memory_space<vmem>>) semaphore(%arg38 : memref<!tpu.dma_semaphore, #tpu.memory_space<semaphore_mem>>)
    tpu.wait_dma2 semaphore(%arg37 : memref<!tpu.dma_semaphore, #tpu.memory_space<semaphore_mem>>) src(%arg10 : memref<16xf32, #tpu.memory_space<hbm>>) dst(%arg33 : memref<16xf32, #tpu.memory_space<vmem>>)
    tpu.wait_dma2 semaphore(%arg37 : memref<!tpu.dma_semaphore, #tpu.memory_space<semaphore_mem>>) src(%arg11 : memref<16xf32, #tpu.memory_space<hbm>>) dst(%arg34 : memref<16xf32, #tpu.memory_space<vmem>>)
    %dma_wait3A_3604 = tpu.memref_slice %arg7[%add3A_24] : memref<150528xf32, #tpu.memory_space<hbm>> -> memref<1568xf32, #tpu.memory_space<hbm>>
    %dma_wait3A_3605 = tpu.memref_slice %arg7[%add3A_24] : memref<150528xf32, #tpu.memory_space<hbm>> -> memref<1568xf32, #tpu.memory_space<hbm>>
    tpu.wait_dma2 semaphore(%arg37 : memref<!tpu.dma_semaphore, #tpu.memory_space<semaphore_mem>>) src(%dma_wait3A_3605 : memref<1568xf32, #tpu.memory_space<hbm>>) dst(%arg24 : memref<1568xf32, #tpu.memory_space<vmem>>)
    %dma_wait3A_3606 = tpu.memref_slice %arg8[%add3A_30] : memref<150528xf32, #tpu.memory_space<hbm>> -> memref<1568xf32, #tpu.memory_space<hbm>>
    %dma_wait3A_3607 = tpu.memref_slice %arg8[%add3A_30] : memref<150528xf32, #tpu.memory_space<hbm>> -> memref<1568xf32, #tpu.memory_space<hbm>>
    tpu.wait_dma2 semaphore(%arg37 : memref<!tpu.dma_semaphore, #tpu.memory_space<semaphore_mem>>) src(%dma_wait3A_3607 : memref<1568xf32, #tpu.memory_space<hbm>>) dst(%arg27 : memref<1568xf32, #tpu.memory_space<vmem>>)
    %dma_wait3A_3608 = tpu.memref_slice %arg9[%add3A_36] : memref<301056xf32, #tpu.memory_space<hbm>> -> memref<3136xf32, #tpu.memory_space<hbm>>
    %dma_wait3A_3609 = tpu.memref_slice %arg9[%add3A_36] : memref<301056xf32, #tpu.memory_space<hbm>> -> memref<3136xf32, #tpu.memory_space<hbm>>
    tpu.wait_dma2 semaphore(%arg37 : memref<!tpu.dma_semaphore, #tpu.memory_space<semaphore_mem>>) src(%dma_wait3A_3609 : memref<3136xf32, #tpu.memory_space<hbm>>) dst(%arg30 : memref<3136xf32, #tpu.memory_space<vmem>>)
    %dma_wait3A_3610 = tpu.memref_slice %arg7[%add3A_42] : memref<150528xf32, #tpu.memory_space<hbm>> -> memref<1568xf32, #tpu.memory_space<hbm>>
    %dma_wait3A_3611 = tpu.memref_slice %arg7[%add3A_42] : memref<150528xf32, #tpu.memory_space<hbm>> -> memref<1568xf32, #tpu.memory_space<hbm>>
    tpu.wait_dma2 semaphore(%arg37 : memref<!tpu.dma_semaphore, #tpu.memory_space<semaphore_mem>>) src(%dma_wait3A_3611 : memref<1568xf32, #tpu.memory_space<hbm>>) dst(%arg25 : memref<1568xf32, #tpu.memory_space<vmem>>)
    %dma_wait3A_3612 = tpu.memref_slice %arg8[%add3A_48] : memref<150528xf32, #tpu.memory_space<hbm>> -> memref<1568xf32, #tpu.memory_space<hbm>>
    %dma_wait3A_3613 = tpu.memref_slice %arg8[%add3A_48] : memref<150528xf32, #tpu.memory_space<hbm>> -> memref<1568xf32, #tpu.memory_space<hbm>>
    tpu.wait_dma2 semaphore(%arg37 : memref<!tpu.dma_semaphore, #tpu.memory_space<semaphore_mem>>) src(%dma_wait3A_3613 : memref<1568xf32, #tpu.memory_space<hbm>>) dst(%arg28 : memref<1568xf32, #tpu.memory_space<vmem>>)
    %dma_wait3A_3614 = tpu.memref_slice %arg9[%add3A_54] : memref<301056xf32, #tpu.memory_space<hbm>> -> memref<3136xf32, #tpu.memory_space<hbm>>
    %dma_wait3A_3615 = tpu.memref_slice %arg9[%add3A_54] : memref<301056xf32, #tpu.memory_space<hbm>> -> memref<3136xf32, #tpu.memory_space<hbm>>
    tpu.wait_dma2 semaphore(%arg37 : memref<!tpu.dma_semaphore, #tpu.memory_space<semaphore_mem>>) src(%dma_wait3A_3615 : memref<3136xf32, #tpu.memory_space<hbm>>) dst(%arg31 : memref<3136xf32, #tpu.memory_space<vmem>>)
    %dma_wait3A_3616 = tpu.memref_slice %arg7[%add3A_60] : memref<150528xf32, #tpu.memory_space<hbm>> -> memref<1568xf32, #tpu.memory_space<hbm>>
    %dma_wait3A_3617 = tpu.memref_slice %arg7[%add3A_60] : memref<150528xf32, #tpu.memory_space<hbm>> -> memref<1568xf32, #tpu.memory_space<hbm>>
    tpu.wait_dma2 semaphore(%arg37 : memref<!tpu.dma_semaphore, #tpu.memory_space<semaphore_mem>>) src(%dma_wait3A_3617 : memref<1568xf32, #tpu.memory_space<hbm>>) dst(%arg26 : memref<1568xf32, #tpu.memory_space<vmem>>)
    %dma_wait3A_3618 = tpu.memref_slice %arg8[%add3A_66] : memref<150528xf32, #tpu.memory_space<hbm>> -> memref<1568xf32, #tpu.memory_space<hbm>>
    %dma_wait3A_3619 = tpu.memref_slice %arg8[%add3A_66] : memref<150528xf32, #tpu.memory_space<hbm>> -> memref<1568xf32, #tpu.memory_space<hbm>>
    tpu.wait_dma2 semaphore(%arg37 : memref<!tpu.dma_semaphore, #tpu.memory_space<semaphore_mem>>) src(%dma_wait3A_3619 : memref<1568xf32, #tpu.memory_space<hbm>>) dst(%arg29 : memref<1568xf32, #tpu.memory_space<vmem>>)
    %dma_wait3A_3620 = tpu.memref_slice %arg9[%add3A_72] : memref<301056xf32, #tpu.memory_space<hbm>> -> memref<3136xf32, #tpu.memory_space<hbm>>
    %dma_wait3A_3621 = tpu.memref_slice %arg9[%add3A_72] : memref<301056xf32, #tpu.memory_space<hbm>> -> memref<3136xf32, #tpu.memory_space<hbm>>
    tpu.wait_dma2 semaphore(%arg37 : memref<!tpu.dma_semaphore, #tpu.memory_space<semaphore_mem>>) src(%dma_wait3A_3621 : memref<3136xf32, #tpu.memory_space<hbm>>) dst(%arg32 : memref<3136xf32, #tpu.memory_space<vmem>>)
    %get3A_3622 = arith.constant 0 : index
    %get3A_3623 = tpu.vector_load %arg33[%get3A_3622] {strides = array<i32>} : memref<16xf32, #tpu.memory_space<vmem>>, vector<16xf32>,
    %get3A_3624 = vector.shape_cast %get3A_3623 : vector<16xf32> to vector<16xf32>
    %get3A_3625 = arith.constant 0 : index
    %get3A_3626 = tpu.vector_load %arg34[%get3A_3625] {strides = array<i32>} : memref<16xf32, #tpu.memory_space<vmem>>, vector<16xf32>,
    %get3A_3627 = vector.shape_cast %get3A_3626 : vector<16xf32> to vector<16xf32>
    %slice3A = vector.extract_strided_slice %get3A_3624 {offsets = [0], sizes = [1], strides = [1]} : vector<16xf32> to vector<1xf32>
    %squeeze3A = vector.extract %slice3A[0] : f32 from vector<1xf32>
    %broadcast_in_dim3A_3628 = vector.broadcast %squeeze3A : f32 to vector<16xf32>
    %slice3A_3629 = vector.extract_strided_slice %get3A_3624 {offsets = [1], sizes = [1], strides = [1]} : vector<16xf32> to vector<1xf32>
    %squeeze3A_3630 = vector.extract %slice3A_3629[0] : f32 from vector<1xf32>
    %broadcast_in_dim3A_3631 = vector.broadcast %squeeze3A_3630 : f32 to vector<16xf32>
    %slice3A_3632 = vector.extract_strided_slice %get3A_3624 {offsets = [2], sizes = [1], strides = [1]} : vector<16xf32> to vector<1xf32>
    %squeeze3A_3633 = vector.extract %slice3A_3632[0] : f32 from vector<1xf32>
    %broadcast_in_dim3A_3634 = vector.broadcast %squeeze3A_3633 : f32 to vector<16xf32>
    %slice3A_3635 = vector.extract_strided_slice %get3A_3624 {offsets = [3], sizes = [1], strides = [1]} : vector<16xf32> to vector<1xf32>
    %squeeze3A_3636 = vector.extract %slice3A_3635[0] : f32 from vector<1xf32>
    %broadcast_in_dim3A_3637 = vector.broadcast %squeeze3A_3636 : f32 to vector<16xf32>
    %slice3A_3638 = vector.extract_strided_slice %get3A_3624 {offsets = [4], sizes = [1], strides = [1]} : vector<16xf32> to vector<1xf32>
    %squeeze3A_3639 = vector.extract %slice3A_3638[0] : f32 from vector<1xf32>
    %broadcast_in_dim3A_3640 = vector.broadcast %squeeze3A_3639 : f32 to vector<16xf32>
    %slice3A_3641 = vector.extract_strided_slice %get3A_3624 {offsets = [5], sizes = [1], strides = [1]} : vector<16xf32> to vector<1xf32>
    %squeeze3A_3642 = vector.extract %slice3A_3641[0] : f32 from vector<1xf32>
    %broadcast_in_dim3A_3643 = vector.broadcast %squeeze3A_3642 : f32 to vector<16xf32>
    %slice3A_3644 = vector.extract_strided_slice %get3A_3624 {offsets = [6], sizes = [1], strides = [1]} : vector<16xf32> to vector<1xf32>
    %squeeze3A_3645 = vector.extract %slice3A_3644[0] : f32 from vector<1xf32>
    %broadcast_in_dim3A_3646 = vector.broadcast %squeeze3A_3645 : f32 to vector<16xf32>
    %slice3A_3647 = vector.extract_strided_slice %get3A_3624 {offsets = [7], sizes = [1], strides = [1]} : vector<16xf32> to vector<1xf32>
    %squeeze3A_3648 = vector.extract %slice3A_3647[0] : f32 from vector<1xf32>
    %broadcast_in_dim3A_3649 = vector.broadcast %squeeze3A_3648 : f32 to vector<16xf32>
    %slice3A_3650 = vector.extract_strided_slice %get3A_3624 {offsets = [8], sizes = [1], strides = [1]} : vector<16xf32> to vector<1xf32>
    %squeeze3A_3651 = vector.extract %slice3A_3650[0] : f32 from vector<1xf32>
    %broadcast_in_dim3A_3652 = vector.broadcast %squeeze3A_3651 : f32 to vector<16xf32>
    %slice3A_3653 = vector.extract_strided_slice %get3A_3624 {offsets = [9], sizes = [1], strides = [1]} : vector<16xf32> to vector<1xf32>
    %squeeze3A_3654 = vector.extract %slice3A_3653[0] : f32 from vector<1xf32>
    %broadcast_in_dim3A_3655 = vector.broadcast %squeeze3A_3654 : f32 to vector<16xf32>
    %slice3A_3656 = vector.extract_strided_slice %get3A_3624 {offsets = [10], sizes = [1], strides = [1]} : vector<16xf32> to vector<1xf32>
    %squeeze3A_3657 = vector.extract %slice3A_3656[0] : f32 from vector<1xf32>
    %broadcast_in_dim3A_3658 = vector.broadcast %squeeze3A_3657 : f32 to vector<16xf32>
    %slice3A_3659 = vector.extract_strided_slice %get3A_3624 {offsets = [11], sizes = [1], strides = [1]} : vector<16xf32> to vector<1xf32>
    %squeeze3A_3660 = vector.extract %slice3A_3659[0] : f32 from vector<1xf32>
    %broadcast_in_dim3A_3661 = vector.broadcast %squeeze3A_3660 : f32 to vector<16xf32>
    %slice3A_3662 = vector.extract_strided_slice %get3A_3627 {offsets = [0], sizes = [1], strides = [1]} : vector<16xf32> to vector<1xf32>
    %squeeze3A_3663 = vector.extract %slice3A_3662[0] : f32 from vector<1xf32>
    %broadcast_in_dim3A_3664 = vector.broadcast %squeeze3A_3663 : f32 to vector<16xf32>
    %slice3A_3665 = vector.extract_strided_slice %get3A_3627 {offsets = [1], sizes = [1], strides = [1]} : vector<16xf32> to vector<1xf32>
    %squeeze3A_3666 = vector.extract %slice3A_3665[0] : f32 from vector<1xf32>
    %broadcast_in_dim3A_3667 = vector.broadcast %squeeze3A_3666 : f32 to vector<16xf32>
    %slice3A_3668 = vector.extract_strided_slice %get3A_3627 {offsets = [2], sizes = [1], strides = [1]} : vector<16xf32> to vector<1xf32>
    %squeeze3A_3669 = vector.extract %slice3A_3668[0] : f32 from vector<1xf32>
    %broadcast_in_dim3A_3670 = vector.broadcast %squeeze3A_3669 : f32 to vector<16xf32>
    %slice3A_3671 = vector.extract_strided_slice %get3A_3627 {offsets = [3], sizes = [1], strides = [1]} : vector<16xf32> to vector<1xf32>
    %squeeze3A_3672 = vector.extract %slice3A_3671[0] : f32 from vector<1xf32>
    %broadcast_in_dim3A_3673 = vector.broadcast %squeeze3A_3672 : f32 to vector<16xf32>
    %slice3A_3674 = vector.extract_strided_slice %get3A_3627 {offsets = [4], sizes = [1], strides = [1]} : vector<16xf32> to vector<1xf32>
    %squeeze3A_3675 = vector.extract %slice3A_3674[0] : f32 from vector<1xf32>
    %broadcast_in_dim3A_3676 = vector.broadcast %squeeze3A_3675 : f32 to vector<16xf32>
    %slice3A_3677 = vector.extract_strided_slice %get3A_3627 {offsets = [5], sizes = [1], strides = [1]} : vector<16xf32> to vector<1xf32>
    %squeeze3A_3678 = vector.extract %slice3A_3677[0] : f32 from vector<1xf32>
    %broadcast_in_dim3A_3679 = vector.broadcast %squeeze3A_3678 : f32 to vector<16xf32>
    %slice3A_3680 = vector.extract_strided_slice %get3A_3627 {offsets = [6], sizes = [1], strides = [1]} : vector<16xf32> to vector<1xf32>
    %squeeze3A_3681 = vector.extract %slice3A_3680[0] : f32 from vector<1xf32>
    %broadcast_in_dim3A_3682 = vector.broadcast %squeeze3A_3681 : f32 to vector<16xf32>
    %slice3A_3683 = vector.extract_strided_slice %get3A_3627 {offsets = [7], sizes = [1], strides = [1]} : vector<16xf32> to vector<1xf32>
    %squeeze3A_3684 = vector.extract %slice3A_3683[0] : f32 from vector<1xf32>
    %broadcast_in_dim3A_3685 = vector.broadcast %squeeze3A_3684 : f32 to vector<16xf32>
    %slice3A_3686 = vector.extract_strided_slice %get3A_3627 {offsets = [8], sizes = [1], strides = [1]} : vector<16xf32> to vector<1xf32>
    %squeeze3A_3687 = vector.extract %slice3A_3686[0] : f32 from vector<1xf32>
    %broadcast_in_dim3A_3688 = vector.broadcast %squeeze3A_3687 : f32 to vector<16xf32>
    %slice3A_3689 = vector.extract_strided_slice %get3A_3627 {offsets = [9], sizes = [1], strides = [1]} : vector<16xf32> to vector<1xf32>
    %squeeze3A_3690 = vector.extract %slice3A_3689[0] : f32 from vector<1xf32>
    %broadcast_in_dim3A_3691 = vector.broadcast %squeeze3A_3690 : f32 to vector<16xf32>
    %slice3A_3692 = vector.extract_strided_slice %get3A_3627 {offsets = [10], sizes = [1], strides = [1]} : vector<16xf32> to vector<1xf32>
    %squeeze3A_3693 = vector.extract %slice3A_3692[0] : f32 from vector<1xf32>
    %broadcast_in_dim3A_3694 = vector.broadcast %squeeze3A_3693 : f32 to vector<16xf32>
    %slice3A_3695 = vector.extract_strided_slice %get3A_3627 {offsets = [11], sizes = [1], strides = [1]} : vector<16xf32> to vector<1xf32>
    %squeeze3A_3696 = vector.extract %slice3A_3695[0] : f32 from vector<1xf32>
    %broadcast_in_dim3A_3697 = vector.broadcast %squeeze3A_3696 : f32 to vector<16xf32>
    %mul3A_3698 = arith.constant 1568 : i32
    %mul3A_3699 = arith.muli %add3A, %mul3A_3698 : i32
    %parallel_loop3A = arith.constant 0 : i32
    %parallel_loop3A_3700 = arith.constant 98 : i32
    %parallel_loop3A_3701 = arith.constant 1 : i32
    %parallel_loop3A_3702 = scf.for %parallel_loop3A_4114 = %parallel_loop3A to %parallel_loop3A_3700 step %parallel_loop3A_3701 iter_args(%parallel_loop3A_4115 = %broadcast_in_dim3A_1) -> (vector<16xf32>)  : i32 {
      %parallel_loop3A_4116 = arith.constant 16 : i32
      %parallel_loop3A_4117 = arith.muli %parallel_loop3A_4114, %parallel_loop3A_4116 : i32
      %parallel_loop3A_4118 = arith.index_cast %parallel_loop3A_4117 : i32 to index
      %parallel_loop3A_4119 = tpu.vector_load %arg27[%parallel_loop3A_4118] {strides = array<i32>} : memref<1568xf32, #tpu.memory_space<vmem>>, vector<16xf32>,
      %parallel_loop3A_4120 = vector.shape_cast %parallel_loop3A_4119 : vector<16xf32> to vector<16xf32>
      %parallel_loop3A_4121 = arith.index_cast %parallel_loop3A_4117 : i32 to index
      %parallel_loop3A_4122 = tpu.vector_load %arg28[%parallel_loop3A_4121] {strides = array<i32>} : memref<1568xf32, #tpu.memory_space<vmem>>, vector<16xf32>,
      %parallel_loop3A_4123 = vector.shape_cast %parallel_loop3A_4122 : vector<16xf32> to vector<16xf32>
      %parallel_loop3A_4124 = arith.index_cast %parallel_loop3A_4117 : i32 to index
      %parallel_loop3A_4125 = tpu.vector_load %arg29[%parallel_loop3A_4124] {strides = array<i32>} : memref<1568xf32, #tpu.memory_space<vmem>>, vector<16xf32>,
      %parallel_loop3A_4126 = vector.shape_cast %parallel_loop3A_4125 : vector<16xf32> to vector<16xf32>
      %parallel_loop3A_4127 = arith.index_cast %parallel_loop3A_4117 : i32 to index
      %parallel_loop3A_4128 = tpu.vector_load %arg24[%parallel_loop3A_4127] {strides = array<i32>} : memref<1568xf32, #tpu.memory_space<vmem>>, vector<16xf32>,
      %parallel_loop3A_4129 = vector.shape_cast %parallel_loop3A_4128 : vector<16xf32> to vector<16xf32>
      %parallel_loop3A_4130 = arith.mulf %broadcast_in_dim3A_3628, %parallel_loop3A_4120 : vector<16xf32>
      %parallel_loop3A_4131 = arith.mulf %broadcast_in_dim3A_3631, %parallel_loop3A_4123 : vector<16xf32>
      %parallel_loop3A_4132 = arith.addf %parallel_loop3A_4130, %parallel_loop3A_4131 : vector<16xf32>
      %parallel_loop3A_4133 = arith.mulf %broadcast_in_dim3A_3634, %parallel_loop3A_4126 : vector<16xf32>
      %parallel_loop3A_4134 = arith.addf %parallel_loop3A_4132, %parallel_loop3A_4133 : vector<16xf32>
      %parallel_loop3A_4135 = arith.addf %parallel_loop3A_4134, %broadcast_in_dim3A_3637 : vector<16xf32>
      %parallel_loop3A_4136 = arith.subf %parallel_loop3A_4129, %parallel_loop3A_4135 : vector<16xf32>
      %parallel_loop3A_4137 = arith.index_cast %parallel_loop3A_4117 : i32 to index
      %parallel_loop3A_4138 = tpu.vector_load %arg25[%parallel_loop3A_4137] {strides = array<i32>} : memref<1568xf32, #tpu.memory_space<vmem>>, vector<16xf32>,
      %parallel_loop3A_4139 = vector.shape_cast %parallel_loop3A_4138 : vector<16xf32> to vector<16xf32>
      %parallel_loop3A_4140 = arith.mulf %broadcast_in_dim3A_3640, %parallel_loop3A_4120 : vector<16xf32>
      %parallel_loop3A_4141 = arith.mulf %broadcast_in_dim3A_3643, %parallel_loop3A_4123 : vector<16xf32>
      %parallel_loop3A_4142 = arith.addf %parallel_loop3A_4140, %parallel_loop3A_4141 : vector<16xf32>
      %parallel_loop3A_4143 = arith.mulf %broadcast_in_dim3A_3646, %parallel_loop3A_4126 : vector<16xf32>
      %parallel_loop3A_4144 = arith.addf %parallel_loop3A_4142, %parallel_loop3A_4143 : vector<16xf32>
      %parallel_loop3A_4145 = arith.addf %parallel_loop3A_4144, %broadcast_in_dim3A_3649 : vector<16xf32>
      %parallel_loop3A_4146 = arith.subf %parallel_loop3A_4139, %parallel_loop3A_4145 : vector<16xf32>
      %parallel_loop3A_4147 = arith.index_cast %parallel_loop3A_4117 : i32 to index
      %parallel_loop3A_4148 = tpu.vector_load %arg26[%parallel_loop3A_4147] {strides = array<i32>} : memref<1568xf32, #tpu.memory_space<vmem>>, vector<16xf32>,
      %parallel_loop3A_4149 = vector.shape_cast %parallel_loop3A_4148 : vector<16xf32> to vector<16xf32>
      %parallel_loop3A_4150 = arith.mulf %broadcast_in_dim3A_3652, %parallel_loop3A_4120 : vector<16xf32>
      %parallel_loop3A_4151 = arith.mulf %broadcast_in_dim3A_3655, %parallel_loop3A_4123 : vector<16xf32>
      %parallel_loop3A_4152 = arith.addf %parallel_loop3A_4150, %parallel_loop3A_4151 : vector<16xf32>
      %parallel_loop3A_4153 = arith.mulf %broadcast_in_dim3A_3658, %parallel_loop3A_4126 : vector<16xf32>
      %parallel_loop3A_4154 = arith.addf %parallel_loop3A_4152, %parallel_loop3A_4153 : vector<16xf32>
      %parallel_loop3A_4155 = arith.addf %parallel_loop3A_4154, %broadcast_in_dim3A_3661 : vector<16xf32>
      %parallel_loop3A_4156 = arith.subf %parallel_loop3A_4149, %parallel_loop3A_4155 : vector<16xf32>
      %parallel_loop3A_4157 = arith.mulf %parallel_loop3A_4136, %parallel_loop3A_4136 : vector<16xf32>
      %parallel_loop3A_4158 = arith.mulf %parallel_loop3A_4146, %parallel_loop3A_4146 : vector<16xf32>
      %parallel_loop3A_4159 = arith.addf %parallel_loop3A_4157, %parallel_loop3A_4158 : vector<16xf32>
      %parallel_loop3A_4160 = arith.mulf %parallel_loop3A_4156, %parallel_loop3A_4156 : vector<16xf32>
      %parallel_loop3A_4161 = arith.addf %parallel_loop3A_4159, %parallel_loop3A_4160 : vector<16xf32>
      %parallel_loop3A_4162 = arith.addi %mul3A_3699, %parallel_loop3A_4117 : i32
      %parallel_loop3A_4163 = vector.broadcast %parallel_loop3A_4162 : i32 to vector<16xi32>
      %parallel_loop3A_4164 = arith.addi %parallel_loop3A_4163, %iota3A : vector<16xi32>
      %parallel_loop3A_4165 = arith.constant 50000 : i32
      %parallel_loop3A_4166 = vector.broadcast %parallel_loop3A_4165 : i32 to vector<16xi32>
      %parallel_loop3A_4167 = arith.cmpi slt, %parallel_loop3A_4164, %parallel_loop3A_4166 : vector<16xi32>
      %parallel_loop3A_4168 = arith.constant 0.00999999977 : f32
      %parallel_loop3A_4169 = vector.broadcast %parallel_loop3A_4168 : f32 to vector<16xf32>
      %parallel_loop3A_4170 = arith.cmpf olt, %parallel_loop3A_4161, %parallel_loop3A_4169 : vector<16xf32>
      %parallel_loop3A_4171 = arith.andi %parallel_loop3A_4167, %parallel_loop3A_4170 : vector<16xi1>
      %parallel_loop3A_4172 = arith.constant 1.000000e+00 : f32
      %parallel_loop3A_4173 = arith.constant 0.000000e+00 : f32
      %parallel_loop3A_4174 = vector.broadcast %parallel_loop3A_4172 : f32 to vector<16xf32>
      %parallel_loop3A_4175 = vector.broadcast %parallel_loop3A_4173 : f32 to vector<16xf32>
      %parallel_loop3A_4176 = arith.select %parallel_loop3A_4171, %parallel_loop3A_4174, %parallel_loop3A_4175 : vector<16xi1>, vector<16xf32>
      %parallel_loop3A_4177 = arith.addf %parallel_loop3A_4115, %parallel_loop3A_4176 : vector<16xf32>
      scf.yield %parallel_loop3A_4177 : vector<16xf32>
    } {sc.loop_unroll_factor = 4 : i64, sc.parallel_access}
    %dma_wait3A_3703 = arith.constant 0 : i32
    %dma_wait3A_3704 = tpu.memref_slice %arg13[%dma_wait3A_3703] : memref<50065536xf32, #tpu.memory_space<hbm>> -> memref<50065536xf32, #tpu.memory_space<hbm>>
    tpu.wait_indirect_dma semaphore(%arg38 : memref<!tpu.dma_semaphore, #tpu.memory_space<semaphore_mem>>) src(%arg21 : memref<384xf32, #tpu.memory_space<vmem>>) dst(%dma_wait3A_3704 : memref<50065536xf32, #tpu.memory_space<hbm>>)
    %barrier3A = arith.constant 0 : index
    tpu.barrier barrier_id(%barrier3A)
    %dma_start3A_3705 = arith.constant 0 : i32
    %dma_start3A_3706 = tpu.memref_slice %arg13[%dma_start3A_3705] : memref<50065536xf32, #tpu.memory_space<hbm>> -> memref<50065536xf32, #tpu.memory_space<hbm>>
    tpu.enqueue_indirect_dma source(%arg22 : memref<1280xf32, #tpu.memory_space<vmem>>) target(%dma_start3A_3706 : memref<50065536xf32, #tpu.memory_space<hbm>>) offsets(%arg20 : memref<1280xi32, #tpu.memory_space<vmem>>) semaphore(%arg38 : memref<!tpu.dma_semaphore, #tpu.memory_space<semaphore_mem>>)
    %mul3A_3707 = arith.constant 3136 : i32
    %mul3A_3708 = arith.muli %add3A, %mul3A_3707 : i32
    %parallel_loop3A_3709 = arith.constant 0 : i32
    %parallel_loop3A_3710 = arith.constant 196 : i32
    %parallel_loop3A_3711 = arith.constant 1 : i32
    %parallel_loop3A_3712 = scf.for %parallel_loop3A_4114 = %parallel_loop3A_3709 to %parallel_loop3A_3710 step %parallel_loop3A_3711 iter_args(%parallel_loop3A_4115 = %broadcast_in_dim3A_1) -> (vector<16xf32>)  : i32 {
      %parallel_loop3A_4116 = arith.constant 16 : i32
      %parallel_loop3A_4117 = arith.muli %parallel_loop3A_4114, %parallel_loop3A_4116 : i32
      %parallel_loop3A_4118 = arith.index_cast %parallel_loop3A_4117 : i32 to index
      %parallel_loop3A_4119 = tpu.vector_load %arg30[%parallel_loop3A_4118] {strides = array<i32>} : memref<3136xf32, #tpu.memory_space<vmem>>, vector<16xf32>,
      %parallel_loop3A_4120 = vector.shape_cast %parallel_loop3A_4119 : vector<16xf32> to vector<16xf32>
      %parallel_loop3A_4121 = arith.index_cast %parallel_loop3A_4117 : i32 to index
      %parallel_loop3A_4122 = tpu.vector_load %arg31[%parallel_loop3A_4121] {strides = array<i32>} : memref<3136xf32, #tpu.memory_space<vmem>>, vector<16xf32>,
      %parallel_loop3A_4123 = vector.shape_cast %parallel_loop3A_4122 : vector<16xf32> to vector<16xf32>
      %parallel_loop3A_4124 = arith.index_cast %parallel_loop3A_4117 : i32 to index
      %parallel_loop3A_4125 = tpu.vector_load %arg32[%parallel_loop3A_4124] {strides = array<i32>} : memref<3136xf32, #tpu.memory_space<vmem>>, vector<16xf32>,
      %parallel_loop3A_4126 = vector.shape_cast %parallel_loop3A_4125 : vector<16xf32> to vector<16xf32>
      %parallel_loop3A_4127 = arith.mulf %broadcast_in_dim3A_3664, %parallel_loop3A_4120 : vector<16xf32>
      %parallel_loop3A_4128 = arith.mulf %broadcast_in_dim3A_3667, %parallel_loop3A_4123 : vector<16xf32>
      %parallel_loop3A_4129 = arith.addf %parallel_loop3A_4127, %parallel_loop3A_4128 : vector<16xf32>
      %parallel_loop3A_4130 = arith.mulf %broadcast_in_dim3A_3670, %parallel_loop3A_4126 : vector<16xf32>
      %parallel_loop3A_4131 = arith.addf %parallel_loop3A_4129, %parallel_loop3A_4130 : vector<16xf32>
      %parallel_loop3A_4132 = arith.addf %parallel_loop3A_4131, %broadcast_in_dim3A_3673 : vector<16xf32>
      %parallel_loop3A_4133 = arith.subf %parallel_loop3A_4132, %broadcast_in_dim3A_3637 : vector<16xf32>
      %parallel_loop3A_4134 = arith.mulf %broadcast_in_dim3A_3676, %parallel_loop3A_4120 : vector<16xf32>
      %parallel_loop3A_4135 = arith.mulf %broadcast_in_dim3A_3679, %parallel_loop3A_4123 : vector<16xf32>
      %parallel_loop3A_4136 = arith.addf %parallel_loop3A_4134, %parallel_loop3A_4135 : vector<16xf32>
      %parallel_loop3A_4137 = arith.mulf %broadcast_in_dim3A_3682, %parallel_loop3A_4126 : vector<16xf32>
      %parallel_loop3A_4138 = arith.addf %parallel_loop3A_4136, %parallel_loop3A_4137 : vector<16xf32>
      %parallel_loop3A_4139 = arith.addf %parallel_loop3A_4138, %broadcast_in_dim3A_3685 : vector<16xf32>
      %parallel_loop3A_4140 = arith.subf %parallel_loop3A_4139, %broadcast_in_dim3A_3649 : vector<16xf32>
      %parallel_loop3A_4141 = arith.mulf %broadcast_in_dim3A_3688, %parallel_loop3A_4120 : vector<16xf32>
      %parallel_loop3A_4142 = arith.mulf %broadcast_in_dim3A_3691, %parallel_loop3A_4123 : vector<16xf32>
      %parallel_loop3A_4143 = arith.addf %parallel_loop3A_4141, %parallel_loop3A_4142 : vector<16xf32>
      %parallel_loop3A_4144 = arith.mulf %broadcast_in_dim3A_3694, %parallel_loop3A_4126 : vector<16xf32>
      %parallel_loop3A_4145 = arith.addf %parallel_loop3A_4143, %parallel_loop3A_4144 : vector<16xf32>
      %parallel_loop3A_4146 = arith.addf %parallel_loop3A_4145, %broadcast_in_dim3A_3697 : vector<16xf32>
      %parallel_loop3A_4147 = arith.subf %parallel_loop3A_4146, %broadcast_in_dim3A_3661 : vector<16xf32>
      %parallel_loop3A_4148 = arith.mulf %broadcast_in_dim3A_3628, %parallel_loop3A_4133 : vector<16xf32>
      %parallel_loop3A_4149 = arith.mulf %broadcast_in_dim3A_3640, %parallel_loop3A_4140 : vector<16xf32>
      %parallel_loop3A_4150 = arith.addf %parallel_loop3A_4148, %parallel_loop3A_4149 : vector<16xf32>
      %parallel_loop3A_4151 = arith.mulf %broadcast_in_dim3A_3652, %parallel_loop3A_4147 : vector<16xf32>
      %parallel_loop3A_4152 = arith.addf %parallel_loop3A_4150, %parallel_loop3A_4151 : vector<16xf32>
      %parallel_loop3A_4153 = arith.subf %parallel_loop3A_4152, %parallel_loop3A_4120 : vector<16xf32>
      %parallel_loop3A_4154 = arith.mulf %broadcast_in_dim3A_3631, %parallel_loop3A_4133 : vector<16xf32>
      %parallel_loop3A_4155 = arith.mulf %broadcast_in_dim3A_3643, %parallel_loop3A_4140 : vector<16xf32>
      %parallel_loop3A_4156 = arith.addf %parallel_loop3A_4154, %parallel_loop3A_4155 : vector<16xf32>
      %parallel_loop3A_4157 = arith.mulf %broadcast_in_dim3A_3655, %parallel_loop3A_4147 : vector<16xf32>
      %parallel_loop3A_4158 = arith.addf %parallel_loop3A_4156, %parallel_loop3A_4157 : vector<16xf32>
      %parallel_loop3A_4159 = arith.subf %parallel_loop3A_4158, %parallel_loop3A_4123 : vector<16xf32>
      %parallel_loop3A_4160 = arith.mulf %broadcast_in_dim3A_3634, %parallel_loop3A_4133 : vector<16xf32>
      %parallel_loop3A_4161 = arith.mulf %broadcast_in_dim3A_3646, %parallel_loop3A_4140 : vector<16xf32>
      %parallel_loop3A_4162 = arith.addf %parallel_loop3A_4160, %parallel_loop3A_4161 : vector<16xf32>
      %parallel_loop3A_4163 = arith.mulf %broadcast_in_dim3A_3658, %parallel_loop3A_4147 : vector<16xf32>
      %parallel_loop3A_4164 = arith.addf %parallel_loop3A_4162, %parallel_loop3A_4163 : vector<16xf32>
      %parallel_loop3A_4165 = arith.subf %parallel_loop3A_4164, %parallel_loop3A_4126 : vector<16xf32>
      %parallel_loop3A_4166 = arith.addi %mul3A_3708, %parallel_loop3A_4117 : i32
      %parallel_loop3A_4167 = vector.broadcast %parallel_loop3A_4166 : i32 to vector<16xi32>
      %parallel_loop3A_4168 = arith.addi %parallel_loop3A_4167, %iota3A : vector<16xi32>
      %parallel_loop3A_4169 = arith.constant 100000 : i32
      %parallel_loop3A_4170 = vector.broadcast %parallel_loop3A_4169 : i32 to vector<16xi32>
      %parallel_loop3A_4171 = arith.cmpi slt, %parallel_loop3A_4168, %parallel_loop3A_4170 : vector<16xi32>
      %parallel_loop3A_4172 = math.absf %parallel_loop3A_4153 : vector<16xf32>
      %parallel_loop3A_4173 = math.absf %parallel_loop3A_4159 : vector<16xf32>
      %parallel_loop3A_4174 = arith.maximumf %parallel_loop3A_4172, %parallel_loop3A_4173 : vector<16xf32>
      %parallel_loop3A_4175 = math.absf %parallel_loop3A_4165 : vector<16xf32>
      %parallel_loop3A_4176 = arith.maximumf %parallel_loop3A_4174, %parallel_loop3A_4175 : vector<16xf32>
      %parallel_loop3A_4177 = arith.constant 1.000000e-30 : f32
      %parallel_loop3A_4178 = vector.broadcast %parallel_loop3A_4177 : f32 to vector<16xf32>
      %parallel_loop3A_4179 = arith.maximumf %parallel_loop3A_4176, %parallel_loop3A_4178 : vector<16xf32>
      %parallel_loop3A_4180 = arith.constant 1.000000e+00 : f32
      %parallel_loop3A_4181 = vector.broadcast %parallel_loop3A_4180 : f32 to vector<16xf32>
      %parallel_loop3A_4182 = arith.divf %parallel_loop3A_4181, %parallel_loop3A_4179 : vector<16xf32>
      %parallel_loop3A_4183 = arith.mulf %parallel_loop3A_4153, %parallel_loop3A_4182 : vector<16xf32>
      %parallel_loop3A_4184 = arith.mulf %parallel_loop3A_4159, %parallel_loop3A_4182 : vector<16xf32>
      %parallel_loop3A_4185 = arith.mulf %parallel_loop3A_4165, %parallel_loop3A_4182 : vector<16xf32>
      %parallel_loop3A_4186 = arith.mulf %parallel_loop3A_4183, %parallel_loop3A_4183 : vector<16xf32>
      %parallel_loop3A_4187 = arith.mulf %parallel_loop3A_4184, %parallel_loop3A_4184 : vector<16xf32>
      %parallel_loop3A_4188 = arith.addf %parallel_loop3A_4186, %parallel_loop3A_4187 : vector<16xf32>
      %parallel_loop3A_4189 = arith.mulf %parallel_loop3A_4185, %parallel_loop3A_4185 : vector<16xf32>
      %parallel_loop3A_4190 = arith.addf %parallel_loop3A_4188, %parallel_loop3A_4189 : vector<16xf32>
      %parallel_loop3A_4191 = arith.constant 4.000000e-01 : f32
      %parallel_loop3A_4192 = vector.broadcast %parallel_loop3A_4191 : f32 to vector<16xf32>
      %parallel_loop3A_4193 = arith.mulf %parallel_loop3A_4192, %parallel_loop3A_4190 : vector<16xf32>
      %parallel_loop3A_4194 = arith.constant 6.000000e-01 : f32
      %parallel_loop3A_4195 = vector.broadcast %parallel_loop3A_4194 : f32 to vector<16xf32>
      %parallel_loop3A_4196 = arith.addf %parallel_loop3A_4193, %parallel_loop3A_4195 : vector<16xf32>
      %parallel_loop3A_4197 = arith.constant 1.000000e+00 : f32
      %parallel_loop3A_4198 = vector.broadcast %parallel_loop3A_4197 : f32 to vector<16xf32>
      %parallel_loop3A_4199 = arith.divf %parallel_loop3A_4198, %parallel_loop3A_4196 : vector<16xf32>
      %parallel_loop3A_4200 = arith.constant 5.000000e-01 : f32
      %parallel_loop3A_4201 = vector.broadcast %parallel_loop3A_4200 : f32 to vector<16xf32>
      %parallel_loop3A_4202 = arith.mulf %parallel_loop3A_4201, %parallel_loop3A_4190 : vector<16xf32>
      %parallel_loop3A_4203 = arith.mulf %parallel_loop3A_4202, %parallel_loop3A_4199 : vector<16xf32>
      %parallel_loop3A_4204 = arith.mulf %parallel_loop3A_4203, %parallel_loop3A_4199 : vector<16xf32>
      %parallel_loop3A_4205 = arith.constant 1.500000e+00 : f32
      %parallel_loop3A_4206 = vector.broadcast %parallel_loop3A_4205 : f32 to vector<16xf32>
      %parallel_loop3A_4207 = arith.subf %parallel_loop3A_4206, %parallel_loop3A_4204 : vector<16xf32>
      %parallel_loop3A_4208 = arith.mulf %parallel_loop3A_4199, %parallel_loop3A_4207 : vector<16xf32>
      %parallel_loop3A_4209 = arith.constant 5.000000e-01 : f32
      %parallel_loop3A_4210 = vector.broadcast %parallel_loop3A_4209 : f32 to vector<16xf32>
      %parallel_loop3A_4211 = arith.mulf %parallel_loop3A_4210, %parallel_loop3A_4190 : vector<16xf32>
      %parallel_loop3A_4212 = arith.mulf %parallel_loop3A_4211, %parallel_loop3A_4208 : vector<16xf32>
      %parallel_loop3A_4213 = arith.mulf %parallel_loop3A_4212, %parallel_loop3A_4208 : vector<16xf32>
      %parallel_loop3A_4214 = arith.constant 1.500000e+00 : f32
      %parallel_loop3A_4215 = vector.broadcast %parallel_loop3A_4214 : f32 to vector<16xf32>
      %parallel_loop3A_4216 = arith.subf %parallel_loop3A_4215, %parallel_loop3A_4213 : vector<16xf32>
      %parallel_loop3A_4217 = arith.mulf %parallel_loop3A_4208, %parallel_loop3A_4216 : vector<16xf32>
      %parallel_loop3A_4218 = arith.constant 5.000000e-01 : f32
      %parallel_loop3A_4219 = vector.broadcast %parallel_loop3A_4218 : f32 to vector<16xf32>
      %parallel_loop3A_4220 = arith.mulf %parallel_loop3A_4219, %parallel_loop3A_4190 : vector<16xf32>
      %parallel_loop3A_4221 = arith.mulf %parallel_loop3A_4220, %parallel_loop3A_4217 : vector<16xf32>
      %parallel_loop3A_4222 = arith.mulf %parallel_loop3A_4221, %parallel_loop3A_4217 : vector<16xf32>
      %parallel_loop3A_4223 = arith.constant 1.500000e+00 : f32
      %parallel_loop3A_4224 = vector.broadcast %parallel_loop3A_4223 : f32 to vector<16xf32>
      %parallel_loop3A_4225 = arith.subf %parallel_loop3A_4224, %parallel_loop3A_4222 : vector<16xf32>
      %parallel_loop3A_4226 = arith.mulf %parallel_loop3A_4217, %parallel_loop3A_4225 : vector<16xf32>
      %parallel_loop3A_4227 = arith.mulf %parallel_loop3A_4176, %parallel_loop3A_4190 : vector<16xf32>
      %parallel_loop3A_4228 = arith.mulf %parallel_loop3A_4227, %parallel_loop3A_4226 : vector<16xf32>
      %parallel_loop3A_4229 = arith.constant 0.000000e+00 : f32
      %parallel_loop3A_4230 = vector.broadcast %parallel_loop3A_4229 : f32 to vector<16xf32>
      %parallel_loop3A_4231 = arith.select %parallel_loop3A_4171, %parallel_loop3A_4228, %parallel_loop3A_4230 : vector<16xi1>, vector<16xf32>
      %parallel_loop3A_4232 = arith.addf %parallel_loop3A_4115, %parallel_loop3A_4231 : vector<16xf32>
      scf.yield %parallel_loop3A_4232 : vector<16xf32>
    } {sc.loop_unroll_factor = 4 : i64, sc.parallel_access}
    %dma_wait3A_3713 = arith.constant 0 : i32
    %dma_wait3A_3714 = tpu.memref_slice %arg13[%dma_wait3A_3713] : memref<50065536xf32, #tpu.memory_space<hbm>> -> memref<50065536xf32, #tpu.memory_space<hbm>>
    tpu.wait_indirect_dma semaphore(%arg38 : memref<!tpu.dma_semaphore, #tpu.memory_space<semaphore_mem>>) src(%arg22 : memref<1280xf32, #tpu.memory_space<vmem>>) dst(%dma_wait3A_3714 : memref<50065536xf32, #tpu.memory_space<hbm>>)
    %barrier3A_3715 = arith.constant 0 : index
    tpu.barrier barrier_id(%barrier3A_3715)
    %dma_start3A_3716 = arith.constant 0 : i32
    %dma_start3A_3717 = tpu.memref_slice %arg13[%dma_start3A_3716] : memref<50065536xf32, #tpu.memory_space<hbm>> -> memref<50065536xf32, #tpu.memory_space<hbm>>
    tpu.enqueue_indirect_dma source(%dma_start3A_3717 : memref<50065536xf32, #tpu.memory_space<hbm>>) target(%arg23 : memref<384xf32, #tpu.memory_space<vmem>>) offsets(%arg19 : memref<384xi32, #tpu.memory_space<vmem>>) semaphore(%arg38 : memref<!tpu.dma_semaphore, #tpu.memory_space<semaphore_mem>>)
    %dma_wait3A_3718 = arith.constant 0 : i32
    %dma_wait3A_3719 = tpu.memref_slice %arg13[%dma_wait3A_3718] : memref<50065536xf32, #tpu.memory_space<hbm>> -> memref<50065536xf32, #tpu.memory_space<hbm>>
    tpu.wait_indirect_dma semaphore(%arg38 : memref<!tpu.dma_semaphore, #tpu.memory_space<semaphore_mem>>) src(%dma_wait3A_3719 : memref<50065536xf32, #tpu.memory_space<hbm>>) dst(%arg23 : memref<384xf32, #tpu.memory_space<vmem>>)
    %get3A_3720 = arith.constant 0 : index
    %get3A_3721 = tpu.vector_load %arg23[%get3A_3720] {strides = array<i32>} : memref<384xf32, #tpu.memory_space<vmem>>, vector<16xf32>,
    %get3A_3722 = vector.shape_cast %get3A_3721 : vector<16xf32> to vector<16xf32>
    %mul3A_3723 = arith.constant 384 : i32
    %mul3A_3724 = arith.muli %add3A, %mul3A_3723 : i32
    %add3A_3725 = arith.constant 0 : i32
    %add3A_3726 = arith.addi %mul3A_3724, %add3A_3725 : i32
    %add3A_3727 = vector.broadcast %add3A_3726 : i32 to vector<16xi32>
    %add3A_3728 = arith.addi %add3A_3727, %iota3A : vector<16xi32>
    %lt3A = arith.constant 10000 : i32
    %lt3A_3729 = vector.broadcast %lt3A : i32 to vector<16xi32>
    %lt3A_3730 = arith.cmpi slt, %add3A_3728, %lt3A_3729 : vector<16xi32>
    %jit3A = arith.constant 0.000000e+00 : f32
    %broadcast_in_dim3A_3731 = vector.broadcast %jit3A : f32 to vector<16xf32>
    %select_n3A_3732 = arith.select %lt3A_3730, %get3A_3722, %broadcast_in_dim3A_3731 : vector<16xi1>, vector<16xf32>
    %add3A_3733 = arith.addf %broadcast_in_dim3A_1, %select_n3A_3732 : vector<16xf32>
    %get3A_3734 = arith.constant 16 : index
    %get3A_3735 = tpu.vector_load %arg23[%get3A_3734] {strides = array<i32>} : memref<384xf32, #tpu.memory_space<vmem>>, vector<16xf32>,
    %get3A_3736 = vector.shape_cast %get3A_3735 : vector<16xf32> to vector<16xf32>
    %mul3A_3737 = arith.constant 384 : i32
    %mul3A_3738 = arith.muli %add3A, %mul3A_3737 : i32
    %add3A_3739 = arith.constant 16 : i32
    %add3A_3740 = arith.addi %mul3A_3738, %add3A_3739 : i32
    %add3A_3741 = vector.broadcast %add3A_3740 : i32 to vector<16xi32>
    %add3A_3742 = arith.addi %add3A_3741, %iota3A : vector<16xi32>
    %lt3A_3743 = arith.constant 10000 : i32
    %lt3A_3744 = vector.broadcast %lt3A_3743 : i32 to vector<16xi32>
    %lt3A_3745 = arith.cmpi slt, %add3A_3742, %lt3A_3744 : vector<16xi32>
    %jit3A_3746 = arith.constant 0.000000e+00 : f32
    %broadcast_in_dim3A_3747 = vector.broadcast %jit3A_3746 : f32 to vector<16xf32>
    %select_n3A_3748 = arith.select %lt3A_3745, %get3A_3736, %broadcast_in_dim3A_3747 : vector<16xi1>, vector<16xf32>
    %add3A_3749 = arith.addf %add3A_3733, %select_n3A_3748 : vector<16xf32>
    %get3A_3750 = arith.constant 32 : index
    %get3A_3751 = tpu.vector_load %arg23[%get3A_3750] {strides = array<i32>} : memref<384xf32, #tpu.memory_space<vmem>>, vector<16xf32>,
    %get3A_3752 = vector.shape_cast %get3A_3751 : vector<16xf32> to vector<16xf32>
    %mul3A_3753 = arith.constant 384 : i32
    %mul3A_3754 = arith.muli %add3A, %mul3A_3753 : i32
    %add3A_3755 = arith.constant 32 : i32
    %add3A_3756 = arith.addi %mul3A_3754, %add3A_3755 : i32
    %add3A_3757 = vector.broadcast %add3A_3756 : i32 to vector<16xi32>
    %add3A_3758 = arith.addi %add3A_3757, %iota3A : vector<16xi32>
    %lt3A_3759 = arith.constant 10000 : i32
    %lt3A_3760 = vector.broadcast %lt3A_3759 : i32 to vector<16xi32>
    %lt3A_3761 = arith.cmpi slt, %add3A_3758, %lt3A_3760 : vector<16xi32>
    %jit3A_3762 = arith.constant 0.000000e+00 : f32
    %broadcast_in_dim3A_3763 = vector.broadcast %jit3A_3762 : f32 to vector<16xf32>
    %select_n3A_3764 = arith.select %lt3A_3761, %get3A_3752, %broadcast_in_dim3A_3763 : vector<16xi1>, vector<16xf32>
    %add3A_3765 = arith.addf %add3A_3749, %select_n3A_3764 : vector<16xf32>
    %get3A_3766 = arith.constant 48 : index
    %get3A_3767 = tpu.vector_load %arg23[%get3A_3766] {strides = array<i32>} : memref<384xf32, #tpu.memory_space<vmem>>, vector<16xf32>,
    %get3A_3768 = vector.shape_cast %get3A_3767 : vector<16xf32> to vector<16xf32>
    %mul3A_3769 = arith.constant 384 : i32
    %mul3A_3770 = arith.muli %add3A, %mul3A_3769 : i32
    %add3A_3771 = arith.constant 48 : i32
    %add3A_3772 = arith.addi %mul3A_3770, %add3A_3771 : i32
    %add3A_3773 = vector.broadcast %add3A_3772 : i32 to vector<16xi32>
    %add3A_3774 = arith.addi %add3A_3773, %iota3A : vector<16xi32>
    %lt3A_3775 = arith.constant 10000 : i32
    %lt3A_3776 = vector.broadcast %lt3A_3775 : i32 to vector<16xi32>
    %lt3A_3777 = arith.cmpi slt, %add3A_3774, %lt3A_3776 : vector<16xi32>
    %jit3A_3778 = arith.constant 0.000000e+00 : f32
    %broadcast_in_dim3A_3779 = vector.broadcast %jit3A_3778 : f32 to vector<16xf32>
    %select_n3A_3780 = arith.select %lt3A_3777, %get3A_3768, %broadcast_in_dim3A_3779 : vector<16xi1>, vector<16xf32>
    %add3A_3781 = arith.addf %add3A_3765, %select_n3A_3780 : vector<16xf32>
    %get3A_3782 = arith.constant 64 : index
    %get3A_3783 = tpu.vector_load %arg23[%get3A_3782] {strides = array<i32>} : memref<384xf32, #tpu.memory_space<vmem>>, vector<16xf32>,
    %get3A_3784 = vector.shape_cast %get3A_3783 : vector<16xf32> to vector<16xf32>
    %mul3A_3785 = arith.constant 384 : i32
    %mul3A_3786 = arith.muli %add3A, %mul3A_3785 : i32
    %add3A_3787 = arith.constant 64 : i32
    %add3A_3788 = arith.addi %mul3A_3786, %add3A_3787 : i32
    %add3A_3789 = vector.broadcast %add3A_3788 : i32 to vector<16xi32>
    %add3A_3790 = arith.addi %add3A_3789, %iota3A : vector<16xi32>
    %lt3A_3791 = arith.constant 10000 : i32
    %lt3A_3792 = vector.broadcast %lt3A_3791 : i32 to vector<16xi32>
    %lt3A_3793 = arith.cmpi slt, %add3A_3790, %lt3A_3792 : vector<16xi32>
    %jit3A_3794 = arith.constant 0.000000e+00 : f32
    %broadcast_in_dim3A_3795 = vector.broadcast %jit3A_3794 : f32 to vector<16xf32>
    %select_n3A_3796 = arith.select %lt3A_3793, %get3A_3784, %broadcast_in_dim3A_3795 : vector<16xi1>, vector<16xf32>
    %add3A_3797 = arith.addf %add3A_3781, %select_n3A_3796 : vector<16xf32>
    %get3A_3798 = arith.constant 80 : index
    %get3A_3799 = tpu.vector_load %arg23[%get3A_3798] {strides = array<i32>} : memref<384xf32, #tpu.memory_space<vmem>>, vector<16xf32>,
    %get3A_3800 = vector.shape_cast %get3A_3799 : vector<16xf32> to vector<16xf32>
    %mul3A_3801 = arith.constant 384 : i32
    %mul3A_3802 = arith.muli %add3A, %mul3A_3801 : i32
    %add3A_3803 = arith.constant 80 : i32
    %add3A_3804 = arith.addi %mul3A_3802, %add3A_3803 : i32
    %add3A_3805 = vector.broadcast %add3A_3804 : i32 to vector<16xi32>
    %add3A_3806 = arith.addi %add3A_3805, %iota3A : vector<16xi32>
    %lt3A_3807 = arith.constant 10000 : i32
    %lt3A_3808 = vector.broadcast %lt3A_3807 : i32 to vector<16xi32>
    %lt3A_3809 = arith.cmpi slt, %add3A_3806, %lt3A_3808 : vector<16xi32>
    %jit3A_3810 = arith.constant 0.000000e+00 : f32
    %broadcast_in_dim3A_3811 = vector.broadcast %jit3A_3810 : f32 to vector<16xf32>
    %select_n3A_3812 = arith.select %lt3A_3809, %get3A_3800, %broadcast_in_dim3A_3811 : vector<16xi1>, vector<16xf32>
    %add3A_3813 = arith.addf %add3A_3797, %select_n3A_3812 : vector<16xf32>
    %get3A_3814 = arith.constant 96 : index
    %get3A_3815 = tpu.vector_load %arg23[%get3A_3814] {strides = array<i32>} : memref<384xf32, #tpu.memory_space<vmem>>, vector<16xf32>,
    %get3A_3816 = vector.shape_cast %get3A_3815 : vector<16xf32> to vector<16xf32>
    %mul3A_3817 = arith.constant 384 : i32
    %mul3A_3818 = arith.muli %add3A, %mul3A_3817 : i32
    %add3A_3819 = arith.constant 96 : i32
    %add3A_3820 = arith.addi %mul3A_3818, %add3A_3819 : i32
    %add3A_3821 = vector.broadcast %add3A_3820 : i32 to vector<16xi32>
    %add3A_3822 = arith.addi %add3A_3821, %iota3A : vector<16xi32>
    %lt3A_3823 = arith.constant 10000 : i32
    %lt3A_3824 = vector.broadcast %lt3A_3823 : i32 to vector<16xi32>
    %lt3A_3825 = arith.cmpi slt, %add3A_3822, %lt3A_3824 : vector<16xi32>
    %jit3A_3826 = arith.constant 0.000000e+00 : f32
    %broadcast_in_dim3A_3827 = vector.broadcast %jit3A_3826 : f32 to vector<16xf32>
    %select_n3A_3828 = arith.select %lt3A_3825, %get3A_3816, %broadcast_in_dim3A_3827 : vector<16xi1>, vector<16xf32>
    %add3A_3829 = arith.addf %add3A_3813, %select_n3A_3828 : vector<16xf32>
    %get3A_3830 = arith.constant 112 : index
    %get3A_3831 = tpu.vector_load %arg23[%get3A_3830] {strides = array<i32>} : memref<384xf32, #tpu.memory_space<vmem>>, vector<16xf32>,
    %get3A_3832 = vector.shape_cast %get3A_3831 : vector<16xf32> to vector<16xf32>
    %mul3A_3833 = arith.constant 384 : i32
    %mul3A_3834 = arith.muli %add3A, %mul3A_3833 : i32
    %add3A_3835 = arith.constant 112 : i32
    %add3A_3836 = arith.addi %mul3A_3834, %add3A_3835 : i32
    %add3A_3837 = vector.broadcast %add3A_3836 : i32 to vector<16xi32>
    %add3A_3838 = arith.addi %add3A_3837, %iota3A : vector<16xi32>
    %lt3A_3839 = arith.constant 10000 : i32
    %lt3A_3840 = vector.broadcast %lt3A_3839 : i32 to vector<16xi32>
    %lt3A_3841 = arith.cmpi slt, %add3A_3838, %lt3A_3840 : vector<16xi32>
    %jit3A_3842 = arith.constant 0.000000e+00 : f32
    %broadcast_in_dim3A_3843 = vector.broadcast %jit3A_3842 : f32 to vector<16xf32>
    %select_n3A_3844 = arith.select %lt3A_3841, %get3A_3832, %broadcast_in_dim3A_3843 : vector<16xi1>, vector<16xf32>
    %add3A_3845 = arith.addf %add3A_3829, %select_n3A_3844 : vector<16xf32>
    %get3A_3846 = arith.constant 128 : index
    %get3A_3847 = tpu.vector_load %arg23[%get3A_3846] {strides = array<i32>} : memref<384xf32, #tpu.memory_space<vmem>>, vector<16xf32>,
    %get3A_3848 = vector.shape_cast %get3A_3847 : vector<16xf32> to vector<16xf32>
    %mul3A_3849 = arith.constant 384 : i32
    %mul3A_3850 = arith.muli %add3A, %mul3A_3849 : i32
    %add3A_3851 = arith.constant 128 : i32
    %add3A_3852 = arith.addi %mul3A_3850, %add3A_3851 : i32
    %add3A_3853 = vector.broadcast %add3A_3852 : i32 to vector<16xi32>
    %add3A_3854 = arith.addi %add3A_3853, %iota3A : vector<16xi32>
    %lt3A_3855 = arith.constant 10000 : i32
    %lt3A_3856 = vector.broadcast %lt3A_3855 : i32 to vector<16xi32>
    %lt3A_3857 = arith.cmpi slt, %add3A_3854, %lt3A_3856 : vector<16xi32>
    %jit3A_3858 = arith.constant 0.000000e+00 : f32
    %broadcast_in_dim3A_3859 = vector.broadcast %jit3A_3858 : f32 to vector<16xf32>
    %select_n3A_3860 = arith.select %lt3A_3857, %get3A_3848, %broadcast_in_dim3A_3859 : vector<16xi1>, vector<16xf32>
    %add3A_3861 = arith.addf %add3A_3845, %select_n3A_3860 : vector<16xf32>
    %get3A_3862 = arith.constant 144 : index
    %get3A_3863 = tpu.vector_load %arg23[%get3A_3862] {strides = array<i32>} : memref<384xf32, #tpu.memory_space<vmem>>, vector<16xf32>,
    %get3A_3864 = vector.shape_cast %get3A_3863 : vector<16xf32> to vector<16xf32>
    %mul3A_3865 = arith.constant 384 : i32
    %mul3A_3866 = arith.muli %add3A, %mul3A_3865 : i32
    %add3A_3867 = arith.constant 144 : i32
    %add3A_3868 = arith.addi %mul3A_3866, %add3A_3867 : i32
    %add3A_3869 = vector.broadcast %add3A_3868 : i32 to vector<16xi32>
    %add3A_3870 = arith.addi %add3A_3869, %iota3A : vector<16xi32>
    %lt3A_3871 = arith.constant 10000 : i32
    %lt3A_3872 = vector.broadcast %lt3A_3871 : i32 to vector<16xi32>
    %lt3A_3873 = arith.cmpi slt, %add3A_3870, %lt3A_3872 : vector<16xi32>
    %jit3A_3874 = arith.constant 0.000000e+00 : f32
    %broadcast_in_dim3A_3875 = vector.broadcast %jit3A_3874 : f32 to vector<16xf32>
    %select_n3A_3876 = arith.select %lt3A_3873, %get3A_3864, %broadcast_in_dim3A_3875 : vector<16xi1>, vector<16xf32>
    %add3A_3877 = arith.addf %add3A_3861, %select_n3A_3876 : vector<16xf32>
    %get3A_3878 = arith.constant 160 : index
    %get3A_3879 = tpu.vector_load %arg23[%get3A_3878] {strides = array<i32>} : memref<384xf32, #tpu.memory_space<vmem>>, vector<16xf32>,
    %get3A_3880 = vector.shape_cast %get3A_3879 : vector<16xf32> to vector<16xf32>
    %mul3A_3881 = arith.constant 384 : i32
    %mul3A_3882 = arith.muli %add3A, %mul3A_3881 : i32
    %add3A_3883 = arith.constant 160 : i32
    %add3A_3884 = arith.addi %mul3A_3882, %add3A_3883 : i32
    %add3A_3885 = vector.broadcast %add3A_3884 : i32 to vector<16xi32>
    %add3A_3886 = arith.addi %add3A_3885, %iota3A : vector<16xi32>
    %lt3A_3887 = arith.constant 10000 : i32
    %lt3A_3888 = vector.broadcast %lt3A_3887 : i32 to vector<16xi32>
    %lt3A_3889 = arith.cmpi slt, %add3A_3886, %lt3A_3888 : vector<16xi32>
    %jit3A_3890 = arith.constant 0.000000e+00 : f32
    %broadcast_in_dim3A_3891 = vector.broadcast %jit3A_3890 : f32 to vector<16xf32>
    %select_n3A_3892 = arith.select %lt3A_3889, %get3A_3880, %broadcast_in_dim3A_3891 : vector<16xi1>, vector<16xf32>
    %add3A_3893 = arith.addf %add3A_3877, %select_n3A_3892 : vector<16xf32>
    %get3A_3894 = arith.constant 176 : index
    %get3A_3895 = tpu.vector_load %arg23[%get3A_3894] {strides = array<i32>} : memref<384xf32, #tpu.memory_space<vmem>>, vector<16xf32>,
    %get3A_3896 = vector.shape_cast %get3A_3895 : vector<16xf32> to vector<16xf32>
    %mul3A_3897 = arith.constant 384 : i32
    %mul3A_3898 = arith.muli %add3A, %mul3A_3897 : i32
    %add3A_3899 = arith.constant 176 : i32
    %add3A_3900 = arith.addi %mul3A_3898, %add3A_3899 : i32
    %add3A_3901 = vector.broadcast %add3A_3900 : i32 to vector<16xi32>
    %add3A_3902 = arith.addi %add3A_3901, %iota3A : vector<16xi32>
    %lt3A_3903 = arith.constant 10000 : i32
    %lt3A_3904 = vector.broadcast %lt3A_3903 : i32 to vector<16xi32>
    %lt3A_3905 = arith.cmpi slt, %add3A_3902, %lt3A_3904 : vector<16xi32>
    %jit3A_3906 = arith.constant 0.000000e+00 : f32
    %broadcast_in_dim3A_3907 = vector.broadcast %jit3A_3906 : f32 to vector<16xf32>
    %select_n3A_3908 = arith.select %lt3A_3905, %get3A_3896, %broadcast_in_dim3A_3907 : vector<16xi1>, vector<16xf32>
    %add3A_3909 = arith.addf %add3A_3893, %select_n3A_3908 : vector<16xf32>
    %get3A_3910 = arith.constant 192 : index
    %get3A_3911 = tpu.vector_load %arg23[%get3A_3910] {strides = array<i32>} : memref<384xf32, #tpu.memory_space<vmem>>, vector<16xf32>,
    %get3A_3912 = vector.shape_cast %get3A_3911 : vector<16xf32> to vector<16xf32>
    %mul3A_3913 = arith.constant 384 : i32
    %mul3A_3914 = arith.muli %add3A, %mul3A_3913 : i32
    %add3A_3915 = arith.constant 192 : i32
    %add3A_3916 = arith.addi %mul3A_3914, %add3A_3915 : i32
    %add3A_3917 = vector.broadcast %add3A_3916 : i32 to vector<16xi32>
    %add3A_3918 = arith.addi %add3A_3917, %iota3A : vector<16xi32>
    %lt3A_3919 = arith.constant 10000 : i32
    %lt3A_3920 = vector.broadcast %lt3A_3919 : i32 to vector<16xi32>
    %lt3A_3921 = arith.cmpi slt, %add3A_3918, %lt3A_3920 : vector<16xi32>
    %jit3A_3922 = arith.constant 0.000000e+00 : f32
    %broadcast_in_dim3A_3923 = vector.broadcast %jit3A_3922 : f32 to vector<16xf32>
    %select_n3A_3924 = arith.select %lt3A_3921, %get3A_3912, %broadcast_in_dim3A_3923 : vector<16xi1>, vector<16xf32>
    %add3A_3925 = arith.addf %add3A_3909, %select_n3A_3924 : vector<16xf32>
    %get3A_3926 = arith.constant 208 : index
    %get3A_3927 = tpu.vector_load %arg23[%get3A_3926] {strides = array<i32>} : memref<384xf32, #tpu.memory_space<vmem>>, vector<16xf32>,
    %get3A_3928 = vector.shape_cast %get3A_3927 : vector<16xf32> to vector<16xf32>
    %mul3A_3929 = arith.constant 384 : i32
    %mul3A_3930 = arith.muli %add3A, %mul3A_3929 : i32
    %add3A_3931 = arith.constant 208 : i32
    %add3A_3932 = arith.addi %mul3A_3930, %add3A_3931 : i32
    %add3A_3933 = vector.broadcast %add3A_3932 : i32 to vector<16xi32>
    %add3A_3934 = arith.addi %add3A_3933, %iota3A : vector<16xi32>
    %lt3A_3935 = arith.constant 10000 : i32
    %lt3A_3936 = vector.broadcast %lt3A_3935 : i32 to vector<16xi32>
    %lt3A_3937 = arith.cmpi slt, %add3A_3934, %lt3A_3936 : vector<16xi32>
    %jit3A_3938 = arith.constant 0.000000e+00 : f32
    %broadcast_in_dim3A_3939 = vector.broadcast %jit3A_3938 : f32 to vector<16xf32>
    %select_n3A_3940 = arith.select %lt3A_3937, %get3A_3928, %broadcast_in_dim3A_3939 : vector<16xi1>, vector<16xf32>
    %add3A_3941 = arith.addf %add3A_3925, %select_n3A_3940 : vector<16xf32>
    %get3A_3942 = arith.constant 224 : index
    %get3A_3943 = tpu.vector_load %arg23[%get3A_3942] {strides = array<i32>} : memref<384xf32, #tpu.memory_space<vmem>>, vector<16xf32>,
    %get3A_3944 = vector.shape_cast %get3A_3943 : vector<16xf32> to vector<16xf32>
    %mul3A_3945 = arith.constant 384 : i32
    %mul3A_3946 = arith.muli %add3A, %mul3A_3945 : i32
    %add3A_3947 = arith.constant 224 : i32
    %add3A_3948 = arith.addi %mul3A_3946, %add3A_3947 : i32
    %add3A_3949 = vector.broadcast %add3A_3948 : i32 to vector<16xi32>
    %add3A_3950 = arith.addi %add3A_3949, %iota3A : vector<16xi32>
    %lt3A_3951 = arith.constant 10000 : i32
    %lt3A_3952 = vector.broadcast %lt3A_3951 : i32 to vector<16xi32>
    %lt3A_3953 = arith.cmpi slt, %add3A_3950, %lt3A_3952 : vector<16xi32>
    %jit3A_3954 = arith.constant 0.000000e+00 : f32
    %broadcast_in_dim3A_3955 = vector.broadcast %jit3A_3954 : f32 to vector<16xf32>
    %select_n3A_3956 = arith.select %lt3A_3953, %get3A_3944, %broadcast_in_dim3A_3955 : vector<16xi1>, vector<16xf32>
    %add3A_3957 = arith.addf %add3A_3941, %select_n3A_3956 : vector<16xf32>
    %get3A_3958 = arith.constant 240 : index
    %get3A_3959 = tpu.vector_load %arg23[%get3A_3958] {strides = array<i32>} : memref<384xf32, #tpu.memory_space<vmem>>, vector<16xf32>,
    %get3A_3960 = vector.shape_cast %get3A_3959 : vector<16xf32> to vector<16xf32>
    %mul3A_3961 = arith.constant 384 : i32
    %mul3A_3962 = arith.muli %add3A, %mul3A_3961 : i32
    %add3A_3963 = arith.constant 240 : i32
    %add3A_3964 = arith.addi %mul3A_3962, %add3A_3963 : i32
    %add3A_3965 = vector.broadcast %add3A_3964 : i32 to vector<16xi32>
    %add3A_3966 = arith.addi %add3A_3965, %iota3A : vector<16xi32>
    %lt3A_3967 = arith.constant 10000 : i32
    %lt3A_3968 = vector.broadcast %lt3A_3967 : i32 to vector<16xi32>
    %lt3A_3969 = arith.cmpi slt, %add3A_3966, %lt3A_3968 : vector<16xi32>
    %jit3A_3970 = arith.constant 0.000000e+00 : f32
    %broadcast_in_dim3A_3971 = vector.broadcast %jit3A_3970 : f32 to vector<16xf32>
    %select_n3A_3972 = arith.select %lt3A_3969, %get3A_3960, %broadcast_in_dim3A_3971 : vector<16xi1>, vector<16xf32>
    %add3A_3973 = arith.addf %add3A_3957, %select_n3A_3972 : vector<16xf32>
    %get3A_3974 = arith.constant 256 : index
    %get3A_3975 = tpu.vector_load %arg23[%get3A_3974] {strides = array<i32>} : memref<384xf32, #tpu.memory_space<vmem>>, vector<16xf32>,
    %get3A_3976 = vector.shape_cast %get3A_3975 : vector<16xf32> to vector<16xf32>
    %mul3A_3977 = arith.constant 384 : i32
    %mul3A_3978 = arith.muli %add3A, %mul3A_3977 : i32
    %add3A_3979 = arith.constant 256 : i32
    %add3A_3980 = arith.addi %mul3A_3978, %add3A_3979 : i32
    %add3A_3981 = vector.broadcast %add3A_3980 : i32 to vector<16xi32>
    %add3A_3982 = arith.addi %add3A_3981, %iota3A : vector<16xi32>
    %lt3A_3983 = arith.constant 10000 : i32
    %lt3A_3984 = vector.broadcast %lt3A_3983 : i32 to vector<16xi32>
    %lt3A_3985 = arith.cmpi slt, %add3A_3982, %lt3A_3984 : vector<16xi32>
    %jit3A_3986 = arith.constant 0.000000e+00 : f32
    %broadcast_in_dim3A_3987 = vector.broadcast %jit3A_3986 : f32 to vector<16xf32>
    %select_n3A_3988 = arith.select %lt3A_3985, %get3A_3976, %broadcast_in_dim3A_3987 : vector<16xi1>, vector<16xf32>
    %add3A_3989 = arith.addf %add3A_3973, %select_n3A_3988 : vector<16xf32>
    %get3A_3990 = arith.constant 272 : index
    %get3A_3991 = tpu.vector_load %arg23[%get3A_3990] {strides = array<i32>} : memref<384xf32, #tpu.memory_space<vmem>>, vector<16xf32>,
    %get3A_3992 = vector.shape_cast %get3A_3991 : vector<16xf32> to vector<16xf32>
    %mul3A_3993 = arith.constant 384 : i32
    %mul3A_3994 = arith.muli %add3A, %mul3A_3993 : i32
    %add3A_3995 = arith.constant 272 : i32
    %add3A_3996 = arith.addi %mul3A_3994, %add3A_3995 : i32
    %add3A_3997 = vector.broadcast %add3A_3996 : i32 to vector<16xi32>
    %add3A_3998 = arith.addi %add3A_3997, %iota3A : vector<16xi32>
    %lt3A_3999 = arith.constant 10000 : i32
    %lt3A_4000 = vector.broadcast %lt3A_3999 : i32 to vector<16xi32>
    %lt3A_4001 = arith.cmpi slt, %add3A_3998, %lt3A_4000 : vector<16xi32>
    %jit3A_4002 = arith.constant 0.000000e+00 : f32
    %broadcast_in_dim3A_4003 = vector.broadcast %jit3A_4002 : f32 to vector<16xf32>
    %select_n3A_4004 = arith.select %lt3A_4001, %get3A_3992, %broadcast_in_dim3A_4003 : vector<16xi1>, vector<16xf32>
    %add3A_4005 = arith.addf %add3A_3989, %select_n3A_4004 : vector<16xf32>
    %get3A_4006 = arith.constant 288 : index
    %get3A_4007 = tpu.vector_load %arg23[%get3A_4006] {strides = array<i32>} : memref<384xf32, #tpu.memory_space<vmem>>, vector<16xf32>,
    %get3A_4008 = vector.shape_cast %get3A_4007 : vector<16xf32> to vector<16xf32>
    %mul3A_4009 = arith.constant 384 : i32
    %mul3A_4010 = arith.muli %add3A, %mul3A_4009 : i32
    %add3A_4011 = arith.constant 288 : i32
    %add3A_4012 = arith.addi %mul3A_4010, %add3A_4011 : i32
    %add3A_4013 = vector.broadcast %add3A_4012 : i32 to vector<16xi32>
    %add3A_4014 = arith.addi %add3A_4013, %iota3A : vector<16xi32>
    %lt3A_4015 = arith.constant 10000 : i32
    %lt3A_4016 = vector.broadcast %lt3A_4015 : i32 to vector<16xi32>
    %lt3A_4017 = arith.cmpi slt, %add3A_4014, %lt3A_4016 : vector<16xi32>
    %jit3A_4018 = arith.constant 0.000000e+00 : f32
    %broadcast_in_dim3A_4019 = vector.broadcast %jit3A_4018 : f32 to vector<16xf32>
    %select_n3A_4020 = arith.select %lt3A_4017, %get3A_4008, %broadcast_in_dim3A_4019 : vector<16xi1>, vector<16xf32>
    %add3A_4021 = arith.addf %add3A_4005, %select_n3A_4020 : vector<16xf32>
    %get3A_4022 = arith.constant 304 : index
    %get3A_4023 = tpu.vector_load %arg23[%get3A_4022] {strides = array<i32>} : memref<384xf32, #tpu.memory_space<vmem>>, vector<16xf32>,
    %get3A_4024 = vector.shape_cast %get3A_4023 : vector<16xf32> to vector<16xf32>
    %mul3A_4025 = arith.constant 384 : i32
    %mul3A_4026 = arith.muli %add3A, %mul3A_4025 : i32
    %add3A_4027 = arith.constant 304 : i32
    %add3A_4028 = arith.addi %mul3A_4026, %add3A_4027 : i32
    %add3A_4029 = vector.broadcast %add3A_4028 : i32 to vector<16xi32>
    %add3A_4030 = arith.addi %add3A_4029, %iota3A : vector<16xi32>
    %lt3A_4031 = arith.constant 10000 : i32
    %lt3A_4032 = vector.broadcast %lt3A_4031 : i32 to vector<16xi32>
    %lt3A_4033 = arith.cmpi slt, %add3A_4030, %lt3A_4032 : vector<16xi32>
    %jit3A_4034 = arith.constant 0.000000e+00 : f32
    %broadcast_in_dim3A_4035 = vector.broadcast %jit3A_4034 : f32 to vector<16xf32>
    %select_n3A_4036 = arith.select %lt3A_4033, %get3A_4024, %broadcast_in_dim3A_4035 : vector<16xi1>, vector<16xf32>
    %add3A_4037 = arith.addf %add3A_4021, %select_n3A_4036 : vector<16xf32>
    %get3A_4038 = arith.constant 320 : index
    %get3A_4039 = tpu.vector_load %arg23[%get3A_4038] {strides = array<i32>} : memref<384xf32, #tpu.memory_space<vmem>>, vector<16xf32>,
    %get3A_4040 = vector.shape_cast %get3A_4039 : vector<16xf32> to vector<16xf32>
    %mul3A_4041 = arith.constant 384 : i32
    %mul3A_4042 = arith.muli %add3A, %mul3A_4041 : i32
    %add3A_4043 = arith.constant 320 : i32
    %add3A_4044 = arith.addi %mul3A_4042, %add3A_4043 : i32
    %add3A_4045 = vector.broadcast %add3A_4044 : i32 to vector<16xi32>
    %add3A_4046 = arith.addi %add3A_4045, %iota3A : vector<16xi32>
    %lt3A_4047 = arith.constant 10000 : i32
    %lt3A_4048 = vector.broadcast %lt3A_4047 : i32 to vector<16xi32>
    %lt3A_4049 = arith.cmpi slt, %add3A_4046, %lt3A_4048 : vector<16xi32>
    %jit3A_4050 = arith.constant 0.000000e+00 : f32
    %broadcast_in_dim3A_4051 = vector.broadcast %jit3A_4050 : f32 to vector<16xf32>
    %select_n3A_4052 = arith.select %lt3A_4049, %get3A_4040, %broadcast_in_dim3A_4051 : vector<16xi1>, vector<16xf32>
    %add3A_4053 = arith.addf %add3A_4037, %select_n3A_4052 : vector<16xf32>
    %get3A_4054 = arith.constant 336 : index
    %get3A_4055 = tpu.vector_load %arg23[%get3A_4054] {strides = array<i32>} : memref<384xf32, #tpu.memory_space<vmem>>, vector<16xf32>,
    %get3A_4056 = vector.shape_cast %get3A_4055 : vector<16xf32> to vector<16xf32>
    %mul3A_4057 = arith.constant 384 : i32
    %mul3A_4058 = arith.muli %add3A, %mul3A_4057 : i32
    %add3A_4059 = arith.constant 336 : i32
    %add3A_4060 = arith.addi %mul3A_4058, %add3A_4059 : i32
    %add3A_4061 = vector.broadcast %add3A_4060 : i32 to vector<16xi32>
    %add3A_4062 = arith.addi %add3A_4061, %iota3A : vector<16xi32>
    %lt3A_4063 = arith.constant 10000 : i32
    %lt3A_4064 = vector.broadcast %lt3A_4063 : i32 to vector<16xi32>
    %lt3A_4065 = arith.cmpi slt, %add3A_4062, %lt3A_4064 : vector<16xi32>
    %jit3A_4066 = arith.constant 0.000000e+00 : f32
    %broadcast_in_dim3A_4067 = vector.broadcast %jit3A_4066 : f32 to vector<16xf32>
    %select_n3A_4068 = arith.select %lt3A_4065, %get3A_4056, %broadcast_in_dim3A_4067 : vector<16xi1>, vector<16xf32>
    %add3A_4069 = arith.addf %add3A_4053, %select_n3A_4068 : vector<16xf32>
    %get3A_4070 = arith.constant 352 : index
    %get3A_4071 = tpu.vector_load %arg23[%get3A_4070] {strides = array<i32>} : memref<384xf32, #tpu.memory_space<vmem>>, vector<16xf32>,
    %get3A_4072 = vector.shape_cast %get3A_4071 : vector<16xf32> to vector<16xf32>
    %mul3A_4073 = arith.constant 384 : i32
    %mul3A_4074 = arith.muli %add3A, %mul3A_4073 : i32
    %add3A_4075 = arith.constant 352 : i32
    %add3A_4076 = arith.addi %mul3A_4074, %add3A_4075 : i32
    %add3A_4077 = vector.broadcast %add3A_4076 : i32 to vector<16xi32>
    %add3A_4078 = arith.addi %add3A_4077, %iota3A : vector<16xi32>
    %lt3A_4079 = arith.constant 10000 : i32
    %lt3A_4080 = vector.broadcast %lt3A_4079 : i32 to vector<16xi32>
    %lt3A_4081 = arith.cmpi slt, %add3A_4078, %lt3A_4080 : vector<16xi32>
    %jit3A_4082 = arith.constant 0.000000e+00 : f32
    %broadcast_in_dim3A_4083 = vector.broadcast %jit3A_4082 : f32 to vector<16xf32>
    %select_n3A_4084 = arith.select %lt3A_4081, %get3A_4072, %broadcast_in_dim3A_4083 : vector<16xi1>, vector<16xf32>
    %add3A_4085 = arith.addf %add3A_4069, %select_n3A_4084 : vector<16xf32>
    %get3A_4086 = arith.constant 368 : index
    %get3A_4087 = tpu.vector_load %arg23[%get3A_4086] {strides = array<i32>} : memref<384xf32, #tpu.memory_space<vmem>>, vector<16xf32>,
    %get3A_4088 = vector.shape_cast %get3A_4087 : vector<16xf32> to vector<16xf32>
    %mul3A_4089 = arith.constant 384 : i32
    %mul3A_4090 = arith.muli %add3A, %mul3A_4089 : i32
    %add3A_4091 = arith.constant 368 : i32
    %add3A_4092 = arith.addi %mul3A_4090, %add3A_4091 : i32
    %add3A_4093 = vector.broadcast %add3A_4092 : i32 to vector<16xi32>
    %add3A_4094 = arith.addi %add3A_4093, %iota3A : vector<16xi32>
    %lt3A_4095 = arith.constant 10000 : i32
    %lt3A_4096 = vector.broadcast %lt3A_4095 : i32 to vector<16xi32>
    %lt3A_4097 = arith.cmpi slt, %add3A_4094, %lt3A_4096 : vector<16xi32>
    %jit3A_4098 = arith.constant 0.000000e+00 : f32
    %broadcast_in_dim3A_4099 = vector.broadcast %jit3A_4098 : f32 to vector<16xf32>
    %select_n3A_4100 = arith.select %lt3A_4097, %get3A_4088, %broadcast_in_dim3A_4099 : vector<16xi1>, vector<16xf32>
    %add3A_4101 = arith.addf %add3A_4085, %select_n3A_4100 : vector<16xf32>
    %swap3A_4102 = arith.constant 0 : index
    %swap3A_4103 = tpu.vector_load %arg35[%swap3A_4102] {strides = array<i32>} : memref<48xf32, #tpu.memory_space<vmem>>, vector<16xf32>,
    %swap3A_4104 = vector.shape_cast %swap3A_4103 : vector<16xf32> to vector<16xf32>
    %swap3A_4105 = vector.shape_cast %add3A_4101 : vector<16xf32> to vector<16xf32>
    tpu.vector_store %arg35[%swap3A_4102], %swap3A_4105 {strides = array<i32>} : memref<48xf32, #tpu.memory_space<vmem>>, vector<16xf32>,
    %swap3A_4106 = arith.constant 16 : index
    %swap3A_4107 = tpu.vector_load %arg35[%swap3A_4106] {strides = array<i32>} : memref<48xf32, #tpu.memory_space<vmem>>, vector<16xf32>,
    %swap3A_4108 = vector.shape_cast %swap3A_4107 : vector<16xf32> to vector<16xf32>
    %swap3A_4109 = vector.shape_cast %parallel_loop3A_3702 : vector<16xf32> to vector<16xf32>
    tpu.vector_store %arg35[%swap3A_4106], %swap3A_4109 {strides = array<i32>} : memref<48xf32, #tpu.memory_space<vmem>>, vector<16xf32>,
    %swap3A_4110 = arith.constant 32 : index
    %swap3A_4111 = tpu.vector_load %arg35[%swap3A_4110] {strides = array<i32>} : memref<48xf32, #tpu.memory_space<vmem>>, vector<16xf32>,
    %swap3A_4112 = vector.shape_cast %swap3A_4111 : vector<16xf32> to vector<16xf32>
    %swap3A_4113 = vector.shape_cast %parallel_loop3A_3712 : vector<16xf32> to vector<16xf32>
    tpu.vector_store %arg35[%swap3A_4110], %swap3A_4113 {strides = array<i32>} : memref<48xf32, #tpu.memory_space<vmem>>, vector<16xf32>,
    "tpu.region"() ({
      %run_scoped3A = tpu.sem_alloc : memref<!tpu.dma_semaphore, #tpu.memory_space<semaphore_mem>>
      %dma_start3A_4114 = arith.constant 0 : i32
      %dma_start3A_4115 = tpu.memref_slice %arg12[%add3A, %dma_start3A_4114] : memref<32x48xf32, #tpu.memory_space<hbm>> -> memref<1x48xf32, #tpu.memory_space<hbm>>
      %dma_start3A_4116 = tpu.memref_squeeze %dma_start3A_4115 : memref<1x48xf32, #tpu.memory_space<hbm>> -> memref<48xf32, #tpu.memory_space<hbm>>
      %dma_start3A_4117 = arith.constant 0 : i32
      %dma_start3A_4118 = tpu.memref_slice %arg12[%add3A, %dma_start3A_4117] : memref<32x48xf32, #tpu.memory_space<hbm>> -> memref<1x48xf32, #tpu.memory_space<hbm>>
      %dma_start3A_4119 = tpu.memref_squeeze %dma_start3A_4118 : memref<1x48xf32, #tpu.memory_space<hbm>> -> memref<48xf32, #tpu.memory_space<hbm>>
      tpu.enqueue_dma source(%arg35 : memref<48xf32, #tpu.memory_space<vmem>>) target(%dma_start3A_4119 : memref<48xf32, #tpu.memory_space<hbm>>) target_semaphore(%run_scoped3A : memref<!tpu.dma_semaphore, #tpu.memory_space<semaphore_mem>>)
      %dma_wait3A_4120 = arith.constant 0 : i32
      %dma_wait3A_4121 = tpu.memref_slice %arg12[%add3A, %dma_wait3A_4120] : memref<32x48xf32, #tpu.memory_space<hbm>> -> memref<1x48xf32, #tpu.memory_space<hbm>>
      %dma_wait3A_4122 = tpu.memref_squeeze %dma_wait3A_4121 : memref<1x48xf32, #tpu.memory_space<hbm>> -> memref<48xf32, #tpu.memory_space<hbm>>
      %dma_wait3A_4123 = arith.constant 0 : i32
      %dma_wait3A_4124 = tpu.memref_slice %arg12[%add3A, %dma_wait3A_4123] : memref<32x48xf32, #tpu.memory_space<hbm>> -> memref<1x48xf32, #tpu.memory_space<hbm>>
      %dma_wait3A_4125 = tpu.memref_squeeze %dma_wait3A_4124 : memref<1x48xf32, #tpu.memory_space<hbm>> -> memref<48xf32, #tpu.memory_space<hbm>>
      tpu.wait_dma2 semaphore(%run_scoped3A : memref<!tpu.dma_semaphore, #tpu.memory_space<semaphore_mem>>) src(%arg35 : memref<48xf32, #tpu.memory_space<vmem>>) dst(%dma_wait3A_4125 : memref<48xf32, #tpu.memory_space<hbm>>)
      tpu.yield
    }) : () -> ()
    return
  }
}

</mosaic_0001>

<sc_bundles>
// kernel: kernel.3.cloned.1.call-start
scs
__scs_entry_jumppad:
0x0: {  	(pc) =	sbr.rel $0x88, $3  }
0x1: {  	(tag) =	ssettag $0x0;
	lr =	simm.s32 $0x1  }
0x2: {  	[smem:$0x3F98] =	sst lr;
	_ =	strace $0xD0000000  }
0x3: {  	_ = 	snop  }
0x4: {  	_ = 	snop  }
0x5: {  	_ = 	snop  }
0x6: {  	_ = 	snop  }
0x7: {  	_ = 	snop  }
__scs_overlays_trampoline_lowered:
0x8: {  	[smem:$0x3FA7] =	sst s0  }
0x9: {  	[smem:$0x3FA8] =	sst s1  }
0xa: {  	[smem:$0x3FA9] =	sst s2  }
0xb: {  	[smem:$0x3FAA] =	sst s3  }
0xc: {  	[smem:$0x3FAB] =	sst s4  }
0xd: {  	[smem:$0x3FAC] =	sst s5  }
0xe: {  	[smem:$0x3FAD] =	sst s6  }
0xf: {  	[smem:$0x3FAE] =	sst s7  }
0x10: {  	[smem:$0x3FAF] =	sst s8  }
0x11: {  	[smem:$0x3FB0] =	sst s9;
	s0 =	simm.s32 @!p0 $0x0  }
0x12: {  	s1 =	sld [smem:$0x3F96];
	s0 =	simm.s32 @p0 $0x1  }
0x13: {  	[smem:$0x3FB1] =	sst s0;
	s0 =	simm.s32 @!p1 $0x0  }
0x14: {  	s2 =	sld [smem:$0x3F95];
	s0 =	simm.s32 @p1 $0x1  }
0x15: {  	[smem:$0x3FB2] =	sst s0;
	s0 =	simm.s32 @!p2 $0x0  }
0x16: {  	s3 =	sld [smem:$0x3FDB];
	s0 =	simm.s32 @p2 $0x1  }
0x17: {  	s4 =	simm.s32 $0x1BF5;
	[smem:$0x3FB4] =	sst s0  }
0x18: {  	s0 =	sld [smem:$0x3F97];
	_ =	swait.ge [sflag:s4], $0x0  }
0x19: {  	s7 =	sld [smem:$0x3F98]  }
0x1a: {  	s8 =	sadd.s32 $0xFFFFE003, lr  }
0x1b: {  	s9 =	sadd.s32 $0xFFFFFEF7, lr;
	s5 =	simm.s32 $0xFFFFFFFF;
	p2 =	slt.u32 s8, $0xFFFFF086  }
0x1c: {  	p1 =	slt.u32 s9, $0xF7A;
	s5 =	simm.s32 @!p2 $0x0  }
0x1d: {  	s5 =	simm.s32 @p1 $0x1;
	p0 =	seq.s32 s7, s2  }
0x1e: {  	s7 =	smul.u32 @!p0 $0xF7A, s2;
	p2 =	seq.s32 @!p0 s5, $0x0  }
0x1f: {  	s9 =	smul.u32 $0xF7A, s1;
	s8 =	simm.s32 @!p0 $0x1BF5;
	p2 =	por !p2, p0  }
0x20: {  	[sflag:s8] =	ssyncset.s32 @!p0 $0xFFFFF086;
	s6 =	sadd.s32 @!p0 s3, s7;
	s7 =	simm.s32 @!p0 $0x108  }
0x21: {  	s3 =	sadd.s32 s3, s9;
	s6 =	sadd.s32 @!p0 $0x88, s6;
	s7 =	simm.s32 @p2 $0x1082  }
0x22: {  	[simem:s7], [sflag:s8] =	dma.local @!p0 [hbm:s6], $0xF7A  }
0x23: {  	s9 =	sor.u32 $0xD0000000, s2;
	s6 =	simm.s32 $0x108;
	_ =	swait.ge @!p0 [sflag:s8], $0x0  }
0x24: {  	s3 =	sadd.s32 $0x88, s3;
	s6 =	simm.s32 @!p1 $0x1082;
	[sflag:s4] =	ssyncset.s32 $0xFFFFF086  }
0x25: {  	[simem:s6], [sflag:s4] =	dma.local [hbm:s3], $0xF7A  }
0x26: {  	[smem:$0x3F98] =	sst s1;
	(tag) =	ssettag s2;
	_ =	strace s9  }
0x27: {  	s1 =	sld [smem:$0x3FA8]  }
0x28: {  	s2 =	sld [smem:$0x3FA9]  }
0x29: {  	s4 =	sld [smem:$0x3FAB]  }
0x2a: {  	p0 =	seq.s32 s5, $0x0;
	s5 =	sld [smem:$0x3FAC]  }
0x2b: {  	s6 =	sld [smem:$0x3FAD]  }
0x2c: {  	s7 =	sld [smem:$0x3FAE]  }
0x2d: {  	s3 =	simm.s32 $0x108;
	s8 =	sld [smem:$0x3FAF]  }
0x2e: {  	s3 =	simm.s32 @!p0 $0x1082;
	s9 =	sld [smem:$0x3FB0]  }
0x2f: {  	lr =	sadd.s32 s0, s3;
	s0 =	sld [smem:$0x3FA7]  }
0x30: {  	s3 =	sld [smem:$0x3FAA]  }
0x31: {  	[smem:$0x3FB3] =	sst s10  }
0x32: {  	s10 =	sld [smem:$0x3FB1];
	_ =	sdelay $0x3  }
0x33: {  	p0 =	seq.s32 s10, $0x1;
	s10 =	sld [smem:$0x3FB3];
	_ =	sdelay $0x3  }
0x34: {  	[smem:$0x3FB3] =	sst s10  }
0x35: {  	s10 =	sld [smem:$0x3FB2];
	_ =	sdelay $0x3  }
0x36: {  	p1 =	seq.s32 s10, $0x1;
	s10 =	sld [smem:$0x3FB3];
	_ =	sdelay $0x3  }
0x37: {  	[smem:$0x3FB3] =	sst s10  }
0x38: {  	s10 =	sld [smem:$0x3FB4]  }
0x39: {  	_ = 	snop;
	(pc) =	sbr.ind lr, $3  }
0x3a: {  	_ = 	snop  }
0x3b: {  	_ = 	snop  }
0x3c: {  	p2 =	seq.s32 s10, $0x1;
	s10 =	sld [smem:$0x3FB3]  }
0x3d: {  	_ =	shalt  }
0x3e: {  	_ =	shalt  }
0x3f: {  	_ =	shalt  }
0x40: {  	_ =	shalt  }
0x41: {  	_ =	shalt  }
0x42: {  	_ =	shalt  }
0x43: {  	_ =	shalt  }
0x44: {  	_ =	shalt  }
0x45: {  	_ =	shalt  }
0x46: {  	_ =	shalt  }
0x47: {  	_ =	shalt  }
0x48: {  	_ =	shalt  }
0x49: {  	_ =	shalt  }
0x4a: {  	_ =	shalt  }
0x4b: {  	_ =	shalt  }
0x4c: {  	_ =	shalt  }
0x4d: {  	_ =	shalt  }
0x4e: {  	_ =	shalt  }
0x4f: {  	_ =	shalt  }
0x50: {  	_ =	shalt  }
0x51: {  	_ =	shalt  }
0x52: {  	_ =	shalt  }
0x53: {  	_ =	shalt  }
0x54: {  	_ =	shalt  }
0x55: {  	_ =	shalt  }
0x56: {  	_ =	shalt  }
0x57: {  	_ =	shalt  }
0x58: {  	_ =	shalt  }
0x59: {  	_ =	shalt  }
0x5a: {  	_ =	shalt  }
0x5b: {  	_ =	shalt  }
0x5c: {  	_ =	shalt  }
0x5d: {  	_ =	shalt  }
0x5e: {  	_ =	shalt  }
0x5f: {  	_ =	shalt  }
0x60: {  	_ =	shalt  }
0x61: {  	_ =	shalt  }
0x62: {  	_ =	shalt  }
0x63: {  	_ =	shalt  }
0x64: {  	_ =	shalt  }
0x65: {  	_ =	shalt  }
0x66: {  	_ =	shalt  }
0x67: {  	_ =	shalt  }
0x68: {  	_ =	shalt  }
0x69: {  	_ =	shalt  }
0x6a: {  	_ =	shalt  }
0x6b: {  	_ =	shalt  }
0x6c: {  	_ =	shalt  }
0x6d: {  	_ =	shalt  }
0x6e: {  	_ =	shalt  }
0x6f: {  	_ =	shalt  }
0x70: {  	_ =	shalt  }
0x71: {  	_ =	shalt  }
0x72: {  	_ =	shalt  }
0x73: {  	_ =	shalt  }
0x74: {  	_ =	shalt  }
0x75: {  	_ =	shalt  }
0x76: {  	_ =	shalt  }
0x77: {  	_ =	shalt  }
0x78: {  	_ =	shalt  }
0x79: {  	_ =	shalt  }
0x7a: {  	_ =	shalt  }
0x7b: {  	_ =	shalt  }
0x7c: {  	_ =	shalt  }
0x7d: {  	_ =	shalt  }
0x7e: {  	_ =	shalt  }
0x7f: {  	_ =	shalt  }
0x80: {  	_ =	shalt  }
0x81: {  	_ =	shalt  }
0x82: {  	_ =	shalt  }
0x83: {  	_ =	shalt  }
0x84: {  	_ =	shalt  }
0x85: {  	_ =	shalt  }
0x86: {  	_ =	shalt  }
0x87: {  	_ =	shalt  }
.Lfunc_end0:
.L_simem_size_0:
called_computation_lowered:
.L_overlay_start_0:
0x88: {  	s2 =	sld [smem:$0x3FD9]  }
0x89: {  	s3 =	sld [smem:$0x3FFE];
	_ =	sdelay $0x1  }
0x8a: {  	s1 =	srdreg.scid  }
0x8b: {  	s0 =	sand.u32 $0x1, s1  }
0x8c: {  	s18 =	sshll.u32 s0, $0xA;
	s2 =	sadd.s32 s3, s2  }
0x8d: {  	s3 =	sadd.s32 s2, s18  }
0x8e: {  	[smem:$0x3FBF] =	sst s3  }
0x8f: {  	_ = 	snop  }
0x90: {  	s3 =	sld [smem:$0x3FD0];
	(tm) =	ssettm $0x1  }
0x91: {  	s4 =	sld [smem:$0x3FFB];
	_ =	sdelay $0x3  }
0x92: {  	_ =	strace s4  }
0x93: {  	s4 =	sld [smem:$0x3FFC];
	_ =	sdelay $0x3  }
0x94: {  	_ =	strace s4  }
0x95: {  	s4 =	sld [smem:$0x3FFD];
	_ =	sdelay $0x3  }
0x96: {  	_ =	strace s4  }
0x97: {  	_ =	strace $0x8FFFFFFF  }
0x98: {  	s19 =	sld [smem:$0x3FDB];
	_ =	sdelay $0x1  }
0x99: {  	s5 =	simm.s32 $_scs_section_size  }
0x9a: {  	s6 =	simm.s32 $_size__tile_overlayer_lowered;
	s7 =	simm.s32 $_tile_overlayer_lowered  }
0x9b: {  	s22 =	simm.s32 $0x1BFF;
	s21 =	sshll.u32 s7, $0x1;
	s4 =	sadd.s32 s5, s19  }
0x9c: {  	s8 =	simm.s32 $0x0;
	s20 =	sshll.u32 s6, $0x1;
	s6 =	sadd.s32 s21, s4  }
0x9d: {  	[timem:s8], [sflag:s22] =	dma.local [hbm:s6], s20  }
0x9e: {  	_ =	swait.ge [sflag:s22], s20  }
0x9f: {  	s5 =	ssub.s32 $0x0, s20;
	[sflag:s22] =	ssyncset.done $0x0  }
0xa0: {  	[sflag:s22] =	ssyncadd.s32 s5;
	_ =	sdelay $0x1  }
0xa1: {  	s23 =	simm.s32 $0x1B8B  }
0xa2: {  	_ =	swait.ge [sflag:s23], $0x1  }
0xa3: {  	[sflag:s23] =	ssyncset.done $0x0  }
0xa4: {  	s25 =	simm.s32 $0x1B8E;
	s24 =	sld [smem:$0x3FFE];
	[sflag:s23] =	ssyncadd.s32 $0xFFFFFFFF  }
0xa5: {  	s26 =	simm.s32 $execute0_lowered;
	[smem:$0x3FD2] =	sst s25  }
0xa6: {  	s6 =	sshll.u32 s26, $0x1;
	_ =	strace $0x80000046;
	[dreg:$0x1] =	wrdreg $0xFFFFFFFF  }
0xa7: {  	s28 =	simm.s32 $_size_execute0_lowered;
	s4 =	sadd.s32 s4, s6;
	[dreg:$0x0] =	wrdreg $0x0  }
0xa8: {  	s6 =	sshll.u32 s28, $0x1;
	[dreg:$0x2] =	wrdreg s4  }
0xa9: {  	[dreg:$0x3] =	wrdreg s6  }
0xaa: {  	[dreg:$0x4] =	wrdreg $0xC0  }
0xab: {  	_ =	task [dreg:s8], $0x5FFFF  }
0xac: {  	[dreg:$0x1] =	wrdreg $0xFFFFFFFF  }
0xad: {  	[dreg:$0x0] =	wrdreg $0x60  }
0xae: {  	[dreg:$0x2] =	wrdreg s24  }
0xaf: {  	s2 =	sadd.s32 $0x800, s2;
	[dreg:$0x3] =	wrdreg s3  }
0xb0: {  	[dreg:$0x4] =	wrdreg s2  }
0xb1: {  	[dreg:$0x5] =	wrdreg $0x9  }
0xb2: {  	_ =	task.clear_ibuf [dreg:s8], $0x6FFFF;
	_ =	strace $0x90000046  }
0xb3: {  	s29 =	simm.s32 $0x9;
	_ =	strace $0x80000048  }
0xb4: {  	_ =	swait.ge [sflag:s29], $0x1  }
0xb5: {  	[sflag:s29] =	ssyncadd.s32 $0xFFFFFFFF  }
0xb6: {  	_ =	strace $0x90000048  }
0xb7: {  	_ =	sfence  }
0xb8: {  	s30 =	sld [smem:$0x0];
	_ =	sdelay $0x2  }
0xb9: {  	s31 =	sshll.u32 s1, $0xD;
	s1 =	sshrl.u32 s1, $0x2  }
0xba: {  	s3 =	sand.u32 $0x4000, s31;
	s1 =	sadd.s32 s1, s30  }
0xbb: {  	s0 =	sor.u32 s3, s0;
	s1 =	sshll.u32 s1, $0x11  }
0xbc: {  	s0 =	sor.u32 s1, s0  }
0xbd: {  	s0 =	sadd.s32 $0x8F2B, s0  }
0xbe: {  	[sflag:s0] =	ssyncadd.remote.s32 $0x1  }
0xbf: {  	_ =	sfence.sel $0xFFFF  }
0xc0: {  	[dreg:$0x0] =	wrdreg $0xFFFFFFFF;
	(pc) =	sbr.abs _section_cstart, $3  }
0xc1: {  	[dreg:$0x1] =	wrdreg $0xFFFFFFFF  }
0xc2: {  	_ =	task.clear_ibuf [dreg:s8], $0x2FFFF;
	_ =	strace $0x9FFFFFFF  }
0xc3: {  	(tm) =	ssettm $0x7FFFFFFF  }
tec
execute0_lowered:
.L_overlay_start_1:
0x0: {  	(tag) =	ssettag $0x1  }
0x1: {  	s0 =	srdreg.scid  }
0x2: {  	s1 =	stileid.u32;
	s5 =	rddreg [dreg:$0x0];
	s4 =	simm.s32 $0x0  }
0x3: {  	s6 =	sand.u32 $0x1, s0;
	s25 =	sshll.u32 s1, $0x1;
	s3 =	smul.u32 $0x500, s1  }
0x4: {  	[smem:$0x7FF] =	sst s4;
	s30 =	sadd.s32 $0xF200, s5;
	s8 =	sadd.s32 $0x13C00, s5  }
0x5: {  	s9 =	sor.u32 s6, s25;
	s11 =	smul.u32 $0x17DF840, s6;
	[dreg:$0x1d] =	wrdreg s3  }
0x6: {  	s7 =	smul.u32 $0xC40, s9;
	_ =	strace $0x80000047;
	[dreg:$0x8] =	wrdreg s30  }
0x7: {  	s2 =	smul.u32 $0x180, s9;
	[dreg:$0x5] =	wrdreg s8;
	s0 =	sadd.s32 s3, s11  }
0x8: {  	[dreg:$0x9] =	wrdreg s7;
	s3 =	sadd.s32 $0x17DA840, s0  }
0x9: {  	s26 =	sshrl.u32 s2, $0x3;
	s12 =	sadd.s32 $0x17DA850, s0;
	[dreg:$0x10] =	wrdreg s3  }
0xa: {  	s13 =	sadd.s32 $0x17DA860, s0;
	s14 =	sadd.s32 $0x17DA870, s0;
	[dreg:$0x11] =	wrdreg s12  }
0xb: {  	s15 =	sadd.s32 $0x17DA880, s0;
	s16 =	sor.u32 $0x10, s2;
	[dreg:$0xd] =	wrdreg s13  }
0xc: {  	s17 =	sor.u32 $0x20, s2;
	s7 =	sor.u32 $0x30, s2;
	[dreg:$0xe] =	wrdreg s14  }
0xd: {  	s18 =	sor.u32 $0x40, s2;
	s29 =	sadd.s32 s26, s5;
	[dreg:$0xf] =	wrdreg s15  }
0xe: {  	v0 =	vmov s11;
	s19 =	sor.u32 $0x50, s2;
	s10 =	sadd.s32 $0x14E00, s29;
	s11 =	rddreg [dreg:$0x11]  }
0xf: {  	p0 =	slt.u32 s16, $0x2710;
	s1 =	sadd.s32 $0x14800, s29;
	[dreg:$0x4] =	wrdreg s10  }
0x10: {  	v1 =	vlaneseq.u32;
	s16 =	sadd.s32 $0x140, s2;
	s3 =	simm.s32 @!p0 $0x0;
	[dreg:$0x6] =	wrdreg s1  }
0x11: {  	p5 =	slt.u32 s16, $0x2710;
	s3 =	simm.s32 @p0 $0x1;
	v40 =	vor.u32 s11, v1;
	s11 =	rddreg [dreg:$0xd]  }
0x12: {  	s16 =	sadd.s32 $0x17DA8D0, s0;
	p0 =	slt.u32 s17, $0x2710;
	[smem:$0x7CD] =	sst s3  }
0x13: {  	v48 =	vor.u32 s16, v1;
	s16 =	sadd.s32 $0x17DAB90, s0;
	s3 =	simm.s32 @!p0 $0x0;
	v41 =	vor.u32 s11, v1;
	s11 =	rddreg [dreg:$0x9]  }
0x14: {  	[smem:$0x7F1] =	sst s16;
	s3 =	simm.s32 @p0 $0x1;
	p0 =	slt.u32 s7, $0x2710  }
0x15: {  	s16 =	sadd.s32 $0x17DAC00, s0;
	[smem:$0x7CE] =	sst s3;
	s3 =	simm.s32 @!p0 $0x0  }
0x16: {  	[smem:$0x7F8] =	sst s16;
	s3 =	simm.s32 @p0 $0x1;
	p0 =	slt.u32 s18, $0x2710  }
0x17: {  	s18 =	sadd.s32 $0x160, s2;
	[smem:$0x7CF] =	sst s3;
	s3 =	simm.s32 @!p0 $0x0  }
0x18: {  	p1 =	slt.u32 s18, $0x2710;
	s18 =	sadd.s32 $0x17DA950, s0;
	s3 =	simm.s32 @p0 $0x1  }
0x19: {  	p0 =	slt.u32 s19, $0x2710;
	s19 =	sadd.s32 $0x17DA9C0, s0;
	[smem:$0x7D0] =	sst s3  }
0x1a: {  	s24 =	sadd.s32 $0xA800, s5;
	v56 =	vor.u32 s18, v1;
	s18 =	sadd.s32 $0x17DAC10, s0;
	[smem:$0x7E0] =	sst s19  }
0x1b: {  	s3 =	simm.s32 @!p0 $0x0;
	s19 =	sadd.s32 $0x17DA9F0, s0;
	[smem:$0x7F9] =	sst s18  }
0x1c: {  	s20 =	sor.u32 $0x60, s2;
	s3 =	simm.s32 @p0 $0x1;
	[smem:$0x7E3] =	sst s19  }
0x1d: {  	s21 =	sor.u32 $0x70, s2;
	s19 =	sadd.s32 $0x17DAA20, s0;
	[smem:$0x7D1] =	sst s3  }
0x1e: {  	p0 =	slt.u32 s20, $0x2710;
	s20 =	sadd.s32 $0x17DA920, s0;
	[smem:$0x7E6] =	sst s19  }
0x1f: {  	s3 =	simm.s32 @!p0 $0x0;
	s19 =	sadd.s32 $0x17DAA50, s0;
	v53 =	vor.u32 s20, v1;
	s20 =	sld [smem:$0x7E0]  }
0x20: {  	s22 =	sadd.s32 $0x80, s2;
	s3 =	simm.s32 @p0 $0x1;
	[smem:$0x7E9] =	sst s19  }
0x21: {  	p0 =	slt.u32 s21, $0x2710;
	s19 =	sadd.s32 $0x17DAA80, s0;
	[smem:$0x7D2] =	sst s3  }
0x22: {  	s3 =	simm.s32 @!p0 $0x0;
	[dreg:$0x1a] =	wrdreg s19;
	s19 =	sadd.s32 $0x17DAAC0, s0  }
0x23: {  	s3 =	simm.s32 @p0 $0x1;
	p0 =	slt.u32 s22, $0x2710;
	[dreg:$0x17] =	wrdreg s19  }
0x24: {  	s22 =	sadd.s32 $0x17DA940, s0;
	s19 =	smul.u32 $0x620, s6;
	[smem:$0x7D3] =	sst s3  }
0x25: {  	s23 =	sadd.s32 $0x90, s2;
	s3 =	simm.s32 @!p0 $0x0;
	v55 =	vor.u32 s22, v1;
	s22 =	rddreg [dreg:$0x8]  }
0x26: {  	s25 =	sadd.s32 $0xA0, s2;
	s3 =	simm.s32 @p0 $0x1;
	[dreg:$0x12] =	wrdreg s19  }
0x27: {  	p0 =	slt.u32 s23, $0x2710;
	s23 =	sadd.s32 $0x17DA9D0, s0;
	[smem:$0x7D4] =	sst s3  }
0x28: {  	s26 =	sadd.s32 $0xB0, s2;
	s19 =	sadd.s32 $0x17DAAE0, s0;
	[smem:$0x7E1] =	sst s23  }
0x29: {  	s7 =	simm.s32 @!p0 $0x0;
	s23 =	sadd.s32 $0x17DAA00, s0;
	[dreg:$0x18] =	wrdreg s19  }
0x2a: {  	s21 =	sadd.s32 $0x17DA970, s0;
	s7 =	simm.s32 @p0 $0x1;
	[smem:$0x7E4] =	sst s23  }
0x2b: {  	v58 =	vor.u32 s21, v1;
	p0 =	slt.u32 s25, $0x2710;
	s25 =	sadd.s32 $0x17DA910, s0;
	s21 =	sld [smem:$0x7E1]  }
0x2c: {  	s1 =	smul.u32 $0x620, s9;
	s23 =	sadd.s32 $0x17DAA30, s0;
	[smem:$0x7D5] =	sst s7  }
0x2d: {  	s17 =	sadd.s32 $0x150, s2;
	[smem:$0x7E7] =	sst s23;
	s23 =	sadd.s32 $0x17DAA60, s0  }
0x2e: {  	s3 =	simm.s32 @!p0 $0x0;
	v52 =	vor.u32 s25, v1;
	s25 =	sadd.s32 $0x17DAC30, s0;
	[smem:$0x7EA] =	sst s23  }
0x2f: {  	p6 =	slt.u32 s17, $0x2710;
	s3 =	simm.s32 @p0 $0x1;
	[smem:$0x7FB] =	sst s25  }
0x30: {  	p0 =	slt.u32 s26, $0x2710;
	s23 =	sadd.s32 $0x17DAA90, s0;
	[smem:$0x7D6] =	sst s3  }
0x31: {  	s17 =	sadd.s32 $0x17DA960, s0;
	s7 =	simm.s32 @!p0 $0x0;
	[dreg:$0x1b] =	wrdreg s23  }
0x32: {  	s23 =	sshrl.u32 s1, $0x3;
	s7 =	simm.s32 @p0 $0x1;
	s18 =	rddreg [dreg:$0x1b]  }
0x33: {  	s29 =	sadd.s32 $0xC0, s2;
	v57 =	vor.u32 s17, v1;
	s17 =	sadd.s32 s24, s23;
	[smem:$0x7D7] =	sst s7  }
0x34: {  	p0 =	slt.u32 s29, $0x2710;
	s29 =	sadd.s32 $0x17DA980, s0;
	[smem:$0x7FC] =	sst s17  }
0x35: {  	s30 =	sadd.s32 $0xD0, s2;
	s3 =	simm.s32 @!p0 $0x0;
	v59 =	vor.u32 s29, v1;
	s29 =	sld [smem:$0x7E3]  }
0x36: {  	s31 =	sadd.s32 $0x17DA890, s0;
	s17 =	rddreg [dreg:$0x1a];
	s3 =	simm.s32 @p0 $0x1  }
0x37: {  	p0 =	slt.u32 s30, $0x2710;
	s30 =	sadd.s32 $0x17DA9E0, s0;
	[smem:$0x7D8] =	sst s3  }
0x38: {  	[smem:$0x7E2] =	sst s30;
	s30 =	sadd.s32 $0x17DAA10, s0  }
0x39: {  	s26 =	sadd.s32 $0x17DA990, s0;
	s7 =	simm.s32 @!p0 $0x0;
	[smem:$0x7E5] =	sst s30  }
0x3a: {  	s28 =	sadd.s32 $0x17DA9A0, s0;
	v60 =	vor.u32 s26, v1;
	s7 =	simm.s32 @p0 $0x1;
	s26 =	sld [smem:$0x7E2]  }
0x3b: {  	s8 =	sadd.s32 $0xE0, s2;
	s30 =	sadd.s32 $0x17DAA40, s0;
	[smem:$0x7D9] =	sst s7  }
0x3c: {  	p0 =	slt.u32 s8, $0x2710;
	s8 =	sadd.s32 $0x17DA930, s0;
	[smem:$0x7E8] =	sst s30  }
0x3d: {  	[tilespmem:$0x1FAF0] =	vst v0;
	v44 =	vor.u32 s31, v1;
	s3 =	simm.s32 @!p0 $0x0;
	s30 =	sadd.s32 $0x17DAA70, s0;
	v54 =	vor.u32 s8, v1;
	s8 =	sld [smem:$0x7E7]  }
0x3e: {  	v61 =	vor.u32 s28, v1;
	[tilespmem:$0x1FB50] =	vst v44;
	s3 =	simm.s32 @p0 $0x1;
	[dreg:$0x19] =	wrdreg s30  }
0x3f: {  	[tilespmem:$0x1FC60] =	vst v61;
	s30 =	sadd.s32 $0x17DAAA0, s0;
	[smem:$0x7DA] =	sst s3  }
0x40: {  	s31 =	sadd.s32 $0x17DAC40, s0;
	[tilespmem:$0x1FB10] =	vst v40;
	[dreg:$0x14] =	wrdreg s30  }
0x41: {  	s10 =	sadd.s32 $0xF0, s2;
	[tilespmem:$0x1FB90] =	vst v48;
	s30 =	sadd.s32 $0x17DAAD0, s0;
	s16 =	rddreg [dreg:$0x19]  }
0x42: {  	v48 =	vor.u32 s31, v1;
	[tilespmem:$0x1FB20] =	vst v41;
	p0 =	slt.u32 s10, $0x2710;
	[dreg:$0x13] =	wrdreg s30  }
0x43: {  	s12 =	sadd.s32 $0x100, s2;
	[tilespmem:$0x1FF00] =	vst v48;
	v63 =	vor.u32 s20, v1;
	s7 =	simm.s32 @!p0 $0x0;
	s20 =	rddreg [dreg:$0x14]  }
0x44: {  	[tilespmem:$0x1FC20] =	vst v57;
	s7 =	simm.s32 @p0 $0x1;
	s30 =	smul.u32 $0xC40, s6;
	v10 =	vor.u32 s8, v1;
	s8 =	rddreg [dreg:$0x18]  }
0x45: {  	[tilespmem:$0x1FC10] =	vst v56;
	p0 =	slt.u32 s12, $0x2710;
	s12 =	sadd.s32 $0x17DA8E0, s0;
	[smem:$0x7DB] =	sst s7  }
0x46: {  	[tilespmem:$0x1FBE0] =	vst v53;
	v49 =	vor.u32 s12, v1;
	s12 =	sadd.s32 $0x17DABD0, s0;
	[dreg:$0xb] =	wrdreg s30  }
0x47: {  	[tilespmem:$0x1FC30] =	vst v58;
	s3 =	simm.s32 @!p0 $0x0;
	[smem:$0x7F5] =	sst s12  }
0x48: {  	[tilespmem:$0x1FC80] =	vst v63;
	s6 =	ssub.s32 $0x2, s6;
	s3 =	simm.s32 @p0 $0x1;
	s12 =	sld [smem:$0x7E9]  }
0x49: {  	[tilespmem:$0x1FC00] =	vst v55;
	s19 =	sshrl.u32 s6, $0x1;
	s30 =	sadd.s32 $0x17DAAF0, s0;
	[smem:$0x7DC] =	sst s3  }
0x4a: {  	[tilespmem:$0x1FBD0] =	vst v52;
	s6 =	ssub.s32 s6, s19;
	[dreg:$0x1f] =	wrdreg s30  }
0x4b: {  	s13 =	sadd.s32 $0x110, s2;
	v4 =	vor.u32 s21, v1;
	[tilespmem:$0x1FC50] =	vst v60;
	s19 =	sadd.s32 $0x17DAB30, s0;
	[dreg:$0xa] =	wrdreg s6  }
0x4c: {  	[tilespmem:$0x1FC90] =	vst v4;
	p0 =	slt.u32 s13, $0x2710;
	[smem:$0x7EB] =	sst s19  }
0x4d: {  	v21 =	vor.u32 s18, v1;
	[tilespmem:$0x1FC40] =	vst v59;
	s13 =	sadd.s32 $0x17DA8A0, s0;
	s30 =	sadd.s32 $0x17DAB00, s0;
	s19 =	rddreg [dreg:$0xe]  }
0x4e: {  	s18 =	sadd.s32 $0x17DACC0, s0;
	v15 =	vor.u32 s17, v1;
	[tilespmem:$0x1FD50] =	vst v21;
	v45 =	vor.u32 s13, v1;
	s13 =	sadd.s32 $0x17DAB80, s0;
	[dreg:$0x15] =	wrdreg s30  }
0x4f: {  	v56 =	vor.u32 s18, v1;
	[tilespmem:$0x1FD40] =	vst v15;
	s10 =	sadd.s32 $0x17DA9B0, s0;
	s7 =	simm.s32 @!p0 $0x0;
	[smem:$0x7EF] =	sst s13  }
0x50: {  	[tilespmem:$0x1FF80] =	vst v56;
	v6 =	vor.u32 s29, v1;
	s29 =	sadd.s32 $0x17DACA0, s0;
	v62 =	vor.u32 s10, v1;
	s7 =	simm.s32 @p0 $0x1;
	s10 =	rddreg [dreg:$0x1f]  }
0x51: {  	[tilespmem:$0x1FCB0] =	vst v6;
	s30 =	sadd.s32 $0x17DAB10, s0;
	[smem:$0x7DD] =	sst s7  }
0x52: {  	[tilespmem:$0x1FBF0] =	vst v54;
	v54 =	vor.u32 s29, v1;
	s6 =	sshrl.u32 s11, $0x3;
	v42 =	vor.u32 s19, v1;
	s19 =	sadd.s32 $0x17DAB50, s0;
	[dreg:$0x1c] =	wrdreg s30  }
0x53: {  	[tilespmem:$0x1FF60] =	vst v54;
	s11 =	sadd.s32 s6, s5;
	s6 =	sadd.s32 $0x17DABB0, s0;
	[smem:$0x7ED] =	sst s19  }
0x54: {  	v5 =	vor.u32 s26, v1;
	[tilespmem:$0x1FC70] =	vst v62;
	s13 =	sadd.s32 $0x17DABE0, s0;
	[smem:$0x7F3] =	sst s6  }
0x55: {  	s26 =	sadd.s32 $0x17DAC90, s0;
	[tilespmem:$0x1FCA0] =	vst v5;
	[smem:$0x7F6] =	sst s13  }
0x56: {  	v14 =	vor.u32 s16, v1;
	[tilespmem:$0x1FCF0] =	vst v10;
	s30 =	sadd.s32 $0x17DAB20, s0;
	s6 =	sld [smem:$0x7E5]  }
0x57: {  	s14 =	sadd.s32 $0x120, s2;
	s15 =	sadd.s32 $0x130, s2;
	v53 =	vor.u32 s26, v1;
	[tilespmem:$0x1FD30] =	vst v14;
	[dreg:$0x1e] =	wrdreg s30  }
0x58: {  	s16 =	sadd.s32 $0x17DACD0, s0;
	[tilespmem:$0x1FF50] =	vst v53;
	s19 =	sadd.s32 $0x17DABA0, s0;
	s30 =	rddreg [dreg:$0x10]  }
0x59: {  	v22 =	vor.u32 s20, v1;
	[tilespmem:$0x1FBA0] =	vst v49;
	p0 =	slt.u32 s14, $0x2710;
	s14 =	sadd.s32 $0x17DA8B0, s0;
	[smem:$0x7F2] =	sst s19  }
0x5a: {  	v26 =	vor.u32 s8, v1;
	[tilespmem:$0x1FD60] =	vst v22;
	s3 =	simm.s32 @!p0 $0x0;
	v46 =	vor.u32 s14, v1;
	s14 =	sadd.s32 $0x17DAB70, s0;
	s17 =	rddreg [dreg:$0x1c]  }
0x5b: {  	s25 =	sadd.s32 $0x17DAC50, s0;
	v57 =	vor.u32 s16, v1;
	[tilespmem:$0x1FDA0] =	vst v26;
	s3 =	simm.s32 @p0 $0x1;
	v35 =	vor.u32 s14, v1;
	s14 =	sld [smem:$0x7F1]  }
0x5c: {  	v49 =	vor.u32 s25, v1;
	[tilespmem:$0x1FF90] =	vst v57;
	p0 =	slt.u32 s15, $0x2710;
	s15 =	sadd.s32 $0x17DA8C0, s0;
	[smem:$0x7DE] =	sst s3  }
0x5d: {  	[tilespmem:$0x1FF10] =	vst v49;
	s19 =	sadd.s32 $0x17DAC20, s0;
	v47 =	vor.u32 s15, v1;
	s15 =	sshll.u32 s9, $0x4;
	s9 =	rddreg [dreg:$0x1d]  }
0x5e: {  	[tilespmem:$0x1FB60] =	vst v45;
	s3 =	sadd.s32 $0x17DAAB0, s0;
	[smem:$0x7FA] =	sst s19  }
0x5f: {  	[tilespmem:$0x1FB30] =	vst v42;
	v39 =	vor.u32 s30, v1;
	s30 =	sadd.s32 $0x17DAB40, s0;
	[dreg:$0x16] =	wrdreg s3  }
0x60: {  	s1 =	sadd.s32 $0x3100, s23;
	v12 =	vor.u32 s12, v1;
	[tilespmem:$0x1FB70] =	vst v46;
	s7 =	simm.s32 @!p0 $0x0;
	[smem:$0x7EC] =	sst s30  }
0x61: {  	v27 =	vor.u32 s10, v1;
	s10 =	sadd.s32 $0x17DACF0, s0;
	[tilespmem:$0x1FD10] =	vst v12;
	s7 =	simm.s32 @p0 $0x1;
	s30 =	rddreg [dreg:$0xf]  }
0x62: {  	[tilespmem:$0x1FDB0] =	vst v27;
	s3 =	sadd.s32 $0x1880, s23;
	s23 =	sadd.s32 s22, s23;
	[smem:$0x7DF] =	sst s7  }
0x63: {  	s12 =	sadd.s32 s22, s1;
	v59 =	vor.u32 s10, v1;
	[tilespmem:$0x1FE30] =	vst v35;
	[dreg:$0xc] =	wrdreg s23  }
0x64: {  	[tilespmem:$0x1FFB0] =	vst v59;
	p0 =	slt.u32 s2, $0x2710;
	s2 =	sadd.s32 $0x170, s2;
	s21 =	rddreg [dreg:$0x16]  }
0x65: {  	[tilespmem:$0x1FB00] =	vst v39;
	v43 =	vor.u32 s30, v1;
	s30 =	sadd.s32 $0x17DAB60, s0;
	s19 =	sadd.s32 s22, s3;
	s22 =	rddreg [dreg:$0x17]  }
0x66: {  	v29 =	vor.u32 s17, v1;
	[tilespmem:$0x1FB80] =	vst v47;
	p2 =	slt.u32 s2, $0x2710;
	s2 =	sadd.s32 $0x17DA8F0, s0;
	[smem:$0x7EE] =	sst s30  }
0x67: {  	v8 =	vor.u32 s6, v1;
	s6 =	sadd.s32 $0x17DACB0, s0;
	[tilespmem:$0x1FDD0] =	vst v29;
	v50 =	vor.u32 s2, v1;
	s2 =	sshrl.u32 s9, $0x3;
	s9 =	sld [smem:$0x7E8]  }
0x68: {  	s7 =	sadd.s32 $0x17DA900, s0;
	[tilespmem:$0x1FCD0] =	vst v8;
	s30 =	sadd.s32 s15, s5;
	v24 =	vor.u32 s22, v1;
	s22 =	rddreg [dreg:$0x1e]  }
0x69: {  	v37 =	vor.u32 s14, v1;
	[tilespmem:$0x1FB40] =	vst v43;
	v51 =	vor.u32 s7, v1;
	s7 =	sadd.s32 $0x17DABC0, s0;
	[smem:$0x7F0] =	sst s30  }
0x6a: {  	v55 =	vor.u32 s6, v1;
	s15 =	sadd.s32 $0x17DABF0, s0;
	[tilespmem:$0x1FE50] =	vst v37;
	[smem:$0x7F4] =	sst s7  }
0x6b: {  	[tilespmem:$0x1FF70] =	vst v55;
	[smem:$0x7F7] =	sst s15  }
0x6c: {  	[tilespmem:$0x1FBB0] =	vst v50;
	s30 =	sld [smem:$0x7E4]  }
0x6d: {  	v23 =	vor.u32 s21, v1;
	[tilespmem:$0x1FBC0] =	vst v51;
	s7 =	sld [smem:$0x7E6]  }
0x6e: {  	s28 =	sadd.s32 $0x17DAC60, s0;
	s15 =	sld [smem:$0x7EA];
	[tilespmem:$0x1FD70] =	vst v23  }
0x6f: {  	s13 =	sadd.s32 s5, s2;
	s5 =	sadd.s32 s24, s3;
	[tilespmem:$0x1FD80] =	vst v24;
	s3 =	rddreg [dreg:$0x13];
	v30 =	vor.u32 s22, v1  }
0x70: {  	s22 =	rddreg [dreg:$0xb];
	v50 =	vor.u32 s28, v1;
	[tilespmem:$0x1FDE0] =	vst v30  }
0x71: {  	s23 =	stileid.u32;
	s2 =	sadd.s32 $0x17DAD00, s0;
	[smem:$0x7FD] =	sst s5;
	v25 =	vor.u32 s3, v1;
	[tilespmem:$0x1FF20] =	vst v50  }
0x72: {  	s8 =	smul.u32 $0x1880, s23;
	s3 =	sadd.s32 $0x17DACE0, s0;
	s5 =	sld [smem:$0x7EC];
	v60 =	vor.u32 s2, v1;
	[tilespmem:$0x1FD90] =	vst v25  }
0x73: {  	v11 =	vor.u32 s9, v1;
	s9 =	sadd.s32 s24, s1;
	s24 =	smul.u32 $0xC40, s23;
	s23 =	rddreg [dreg:$0x12];
	[tilespmem:$0x1FFC0] =	vst v60  }
0x74: {  	v58 =	vor.u32 s3, v1;
	[tilespmem:$0x1FD00] =	vst v11;
	v13 =	vor.u32 s15, v1;
	s15 =	rddreg [dreg:$0x15]  }
0x75: {  	v7 =	vor.u32 s30, v1;
	[tilespmem:$0x1FFA0] =	vst v58;
	s17 =	sadd.s32 s23, s24;
	s24 =	sld [smem:$0x7EB]  }
0x76: {  	s20 =	sadd.s32 $0x1400, s11;
	s21 =	sadd.s32 $0x4500, s11;
	v9 =	vor.u32 s7, v1;
	[tilespmem:$0x1FCC0] =	vst v7;
	s23 =	sld [smem:$0x7EE]  }
0x77: {  	[tilespmem:$0x1FCE0] =	vst v9;
	v32 =	vor.u32 s5, v1;
	s5 =	sadd.s32 s22, s8;
	s22 =	sadd.s32 $0x7600, s11;
	s11 =	sld [smem:$0x7F0]  }
0x78: {  	[tilespmem:$0x1FD20] =	vst v13;
	v28 =	vor.u32 s15, v1  }
0x79: {  	s7 =	sadd.s32 $0x17DAC70, s0;
	[tilespmem:$0x1FDC0] =	vst v28;
	v31 =	vor.u32 s24, v1;
	s24 =	sld [smem:$0x7EF]  }
0x7a: {  	s30 =	sadd.s32 $0x17DAC80, s0;
	v51 =	vor.u32 s7, v1;
	[tilespmem:$0x1FE00] =	vst v32;
	v34 =	vor.u32 s23, v1;
	s23 =	sadd.s32 $0x15400, s11;
	s11 =	sld [smem:$0x7F3]  }
0x7b: {  	s15 =	sld [smem:$0x7ED];
	s8 =	sadd.s32 $0x17DAD10, s0;
	v52 =	vor.u32 s30, v1;
	[tilespmem:$0x1FF30] =	vst v51  }
0x7c: {  	[tilespmem:$0x1FF40] =	vst v52;
	v61 =	vor.u32 s8, v1;
	v36 =	vor.u32 s24, v1;
	s24 =	sld [smem:$0x7F2]  }
0x7d: {  	[tilespmem:$0x1FFD0] =	vst v61;
	v39 =	vor.u32 s11, v1;
	s11 =	sld [smem:$0x7F7]  }
0x7e: {  	v33 =	vor.u32 s15, v1;
	[tilespmem:$0x1FDF0] =	vst v31  }
0x7f: {  	s15 =	sadd.s32 $0x17DAD20, s0;
	[tilespmem:$0x1FE10] =	vst v33  }
0x80: {  	s0 =	sadd.s32 $0x17DAD30, s0;
	[tilespmem:$0x1FE20] =	vst v34;
	v62 =	vor.u32 s15, v1;
	v38 =	vor.u32 s24, v1;
	s24 =	sadd.s32 $0x13E00, s13;
	v43 =	vor.u32 s11, v1;
	s11 =	sld [smem:$0x7F8]  }
0x81: {  	v63 =	vor.u32 s0, v1;
	[tilespmem:$0x1FFE0] =	vst v62;
	[dreg:$0x7] =	wrdreg s24  }
0x82: {  	[tilespmem:$0x1FFF0] =	vst v63;
	s24 =	sld [smem:$0x7F4]  }
0x83: {  	[tilespmem:$0x1FE40] =	vst v36;
	v44 =	vor.u32 s11, v1;
	s11 =	sld [smem:$0x7F9]  }
0x84: {  	s10 =	rddreg [dreg:$0x2];
	[tilespmem:$0x1FE70] =	vst v39  }
0x85: {  	[tilespmem:$0x1FE60] =	vst v38;
	v40 =	vor.u32 s24, v1;
	s24 =	sld [smem:$0x7F5]  }
0x86: {  	[tilespmem:$0x1FEB0] =	vst v43;
	v45 =	vor.u32 s11, v1;
	s11 =	sld [smem:$0x7FA]  }
0x87: {  	s14 =	rddreg [dreg:$0xa];
	[tilespmem:$0x1FEC0] =	vst v44  }
0x88: {  	[tilespmem:$0x1FE80] =	vst v40;
	v41 =	vor.u32 s24, v1;
	s24 =	sld [smem:$0x7F6]  }
0x89: {  	s31 =	simm.s32 $0x1;
	[tilespmem:$0x1FED0] =	vst v45;
	v46 =	vor.u32 s11, v1;
	s11 =	sld [smem:$0x7FB]  }
0x8a: {  	s26 =	simm.s32 $0x4;
	s25 =	simm.s32 $0x3;
	s16 =	sld [smem:$0x7FD];
	[tilespmem:$0x1FE90] =	vst v41  }
0x8b: {  	s6 =	simm.s32 $0x1200;
	s28 =	simm.s32 $0x0;
	s8 =	rddreg [dreg:$0x1];
	v42 =	vor.u32 s24, v1;
	[tilespmem:$0x1FEE0] =	vst v46  }
0x8c: {  	s2 =	simm.s32 $0x2;
	s1 =	smax.u32 s14, $0x1;
	s15 =	rddreg [dreg:$0xc];
	[tilespmem:$0x1FEA0] =	vst v42;
	v47 =	vor.u32 s11, v1  }
0x8d: {  	vm0 =	vmxor vm0, vm0;
	v19 =	vimm.f32 $0.0e+00;
	s14 =	sadd.s32 $0xA00, s13;
	s24 =	simm.s32 $0x180;
	s11 =	sld [smem:$0x7FC];
	[tilespmem:$0x1FEF0] =	vst v47  }
.LBB2_1:
0x8e: {  	s0 =	rddreg [dreg:$0x4]  }
0x8f: {  	[tilespmem:s4], [sflag:$0x1] =	stream.linear.gather [hbm4b:s0+s4], $0x180, $0x38;
	[tilespmem:$0x6E80] =	vst v63  }
0x90: {  	s7 =	rddreg [dreg:$0x6]  }
0x91: {  	[tilespmem:s24], [sflag:$0x1] =	stream.linear.gather [hbm4b:s7+s4], $0x180, $0x38;
	[tilespmem:$0x6E80] =	vst v63  }
0x92: {  	s18 =	simm.s32 $0x300  }
0x93: {  	[tilespmem:s18], [sflag:$0x1] =	stream.linear.gather [hbm4b:s13+s4], $0x500, $0x38;
	[tilespmem:$0x6E80] =	vst v63  }
0x94: {  	s29 =	simm.s32 $0x800  }
0x95: {  	[tilespmem:s29], [sflag:$0x1] =	stream.linear.gather [hbm4b:s14+s4], $0x500, $0x38;
	[tilespmem:$0x6E80] =	vst v63  }
0x96: {  	s30 =	rddreg [dreg:$0x7];
	s3 =	simm.s32 $0xD00  }
0x97: {  	[tilespmem:s3], [sflag:$0x1] =	stream.linear.gather [hbm4b:s30+s4], $0x500, $0x38;
	[tilespmem:$0x6E80] =	vst v63  }
0x98: {  	s3 =	simm.s32 $0x6D00  }
0x99: {  	[tilespmem:s3], [sflag:$0x2] =	stream.linear.gather [hbm4b:s8+s4], $0x80, $0x38;
	[tilespmem:$0x6E80] =	vst v63  }
0x9a: {  	s7 =	rddreg [dreg:$0x5];
	s18 =	simm.s32 $0x6D80  }
0x9b: {  	[tilespmem:s18], [sflag:$0x2] =	stream.linear.gather [hbm4b:s7+s4], $0x80, $0x38;
	[tilespmem:$0x6E80] =	vst v63  }
0x9c: {  	s29 =	simm.s32 $0x2080  }
0x9d: {  	[tilespmem:s29], [sflag:$0x2] =	stream.linear.gather [hbm4b:s11+s4], $0x620, $0x38;
	[tilespmem:$0x6E80] =	vst v63  }
0x9e: {  	s30 =	simm.s32 $0x3400  }
0x9f: {  	[tilespmem:s30], [sflag:$0x2] =	stream.linear.gather [hbm4b:s15+s4], $0x620, $0x38;
	[tilespmem:$0x6E80] =	vst v63  }
0xa0: {  	s3 =	simm.s32 $0x4780  }
0xa1: {  	[tilespmem:s3], [sflag:$0x2] =	stream.linear.gather [hbm4b:s20+s4], $0xC40, $0x38;
	[tilespmem:$0x6E80] =	vst v63  }
0xa2: {  	s7 =	simm.s32 $0x2700  }
0xa3: {  	[tilespmem:s7], [sflag:$0x2] =	stream.linear.gather [hbm4b:s16+s4], $0x620, $0x38;
	[tilespmem:$0x6E80] =	vst v63  }
0xa4: {  	s18 =	simm.s32 $0x3A80  }
0xa5: {  	[tilespmem:s18], [sflag:$0x2] =	stream.linear.gather [hbm4b:s19+s4], $0x620, $0x38;
	[tilespmem:$0x6E80] =	vst v63  }
0xa6: {  	s29 =	simm.s32 $0x5400  }
0xa7: {  	[tilespmem:s29], [sflag:$0x2] =	stream.linear.gather [hbm4b:s21+s4], $0xC40, $0x38;
	[tilespmem:$0x6E80] =	vst v63  }
0xa8: {  	s30 =	simm.s32 $0x2D80  }
0xa9: {  	[tilespmem:s30], [sflag:$0x2] =	stream.linear.gather [hbm4b:s9+s4], $0x620, $0x38;
	[tilespmem:$0x6E80] =	vst v63  }
0xaa: {  	s3 =	simm.s32 $0x4100  }
0xab: {  	[tilespmem:s3], [sflag:$0x2] =	stream.linear.gather [hbm4b:s12+s4], $0x620, $0x38;
	[tilespmem:$0x6E80] =	vst v63  }
0xac: {  	s7 =	simm.s32 $0x6080  }
0xad: {  	[tilespmem:s7], [sflag:$0x2] =	stream.linear.gather [hbm4b:s22+s4], $0xC40, $0x38;
	[tilespmem:$0x6E80] =	vst v63  }
0xae: {  	[tilespmem:$0x1880] =	vst v19  }
0xaf: {  	[tilespmem:$0x1890] =	vst v19  }
0xb0: {  	[tilespmem:$0x18A0] =	vst v19  }
0xb1: {  	[tilespmem:$0x18B0] =	vst v19  }
0xb2: {  	[tilespmem:$0x18C0] =	vst v19  }
0xb3: {  	[tilespmem:$0x18D0] =	vst v19  }
0xb4: {  	[tilespmem:$0x18E0] =	vst v19  }
0xb5: {  	[tilespmem:$0x18F0] =	vst v19  }
0xb6: {  	[tilespmem:$0x1900] =	vst v19  }
0xb7: {  	[tilespmem:$0x1910] =	vst v19  }
0xb8: {  	[tilespmem:$0x1920] =	vst v19  }
0xb9: {  	[tilespmem:$0x1930] =	vst v19  }
0xba: {  	[tilespmem:$0x1940] =	vst v19  }
0xbb: {  	[tilespmem:$0x1950] =	vst v19  }
0xbc: {  	[tilespmem:$0x1960] =	vst v19  }
0xbd: {  	[tilespmem:$0x1970] =	vst v19  }
0xbe: {  	[tilespmem:$0x1980] =	vst v19  }
0xbf: {  	[tilespmem:$0x1990] =	vst v19  }
0xc0: {  	[tilespmem:$0x19A0] =	vst v19  }
0xc1: {  	[tilespmem:$0x19B0] =	vst v19  }
0xc2: {  	[tilespmem:$0x19C0] =	vst v19  }
0xc3: {  	[tilespmem:$0x19D0] =	vst v19  }
0xc4: {  	[tilespmem:$0x19E0] =	vst v19  }
0xc5: {  	v0 =	vimm.f32 $1.000000000e+00;
	[tilespmem:$0x19F0] =	vst v19  }
0xc6: {  	[tilespmem:$0x1A00] =	vst v0  }
0xc7: {  	[tilespmem:$0x1A10] =	vst v0  }
0xc8: {  	[tilespmem:$0x1A20] =	vst v0  }
0xc9: {  	[tilespmem:$0x1A30] =	vst v0  }
0xca: {  	[tilespmem:$0x1A40] =	vst v0  }
0xcb: {  	[tilespmem:$0x1A50] =	vst v0  }
0xcc: {  	[tilespmem:$0x1A60] =	vst v0  }
0xcd: {  	[tilespmem:$0x1A70] =	vst v0  }
0xce: {  	[tilespmem:$0x1A80] =	vst v0  }
0xcf: {  	[tilespmem:$0x1A90] =	vst v0  }
0xd0: {  	[tilespmem:$0x1AA0] =	vst v0  }
0xd1: {  	[tilespmem:$0x1AB0] =	vst v0  }
0xd2: {  	[tilespmem:$0x1AC0] =	vst v0  }
0xd3: {  	[tilespmem:$0x1AD0] =	vst v0  }
0xd4: {  	[tilespmem:$0x1AE0] =	vst v0  }
0xd5: {  	[tilespmem:$0x1AF0] =	vst v0  }
0xd6: {  	[tilespmem:$0x1B00] =	vst v0  }
0xd7: {  	[tilespmem:$0x1B10] =	vst v0  }
0xd8: {  	[tilespmem:$0x1B20] =	vst v0  }
0xd9: {  	[tilespmem:$0x1B30] =	vst v0  }
0xda: {  	[tilespmem:$0x1B40] =	vst v0  }
0xdb: {  	[tilespmem:$0x1B50] =	vst v0  }
0xdc: {  	[tilespmem:$0x1B60] =	vst v0  }
0xdd: {  	[tilespmem:$0x1B70] =	vst v0  }
0xde: {  	[tilespmem:$0x1B80] =	vst v0  }
0xdf: {  	[tilespmem:$0x1B90] =	vst v0  }
0xe0: {  	[tilespmem:$0x1BA0] =	vst v0  }
0xe1: {  	[tilespmem:$0x1BB0] =	vst v0  }
0xe2: {  	[tilespmem:$0x1BC0] =	vst v0  }
0xe3: {  	[tilespmem:$0x1BD0] =	vst v0  }
0xe4: {  	[tilespmem:$0x1BE0] =	vst v0  }
0xe5: {  	[tilespmem:$0x1BF0] =	vst v0  }
0xe6: {  	[tilespmem:$0x1C00] =	vst v0  }
0xe7: {  	[tilespmem:$0x1C10] =	vst v0  }
0xe8: {  	[tilespmem:$0x1C20] =	vst v0  }
0xe9: {  	[tilespmem:$0x1C30] =	vst v0  }
0xea: {  	[tilespmem:$0x1C40] =	vst v0  }
0xeb: {  	[tilespmem:$0x1C50] =	vst v0  }
0xec: {  	[tilespmem:$0x1C60] =	vst v0  }
0xed: {  	[tilespmem:$0x1C70] =	vst v0  }
0xee: {  	[tilespmem:$0x1C80] =	vst v0  }
0xef: {  	[tilespmem:$0x1C90] =	vst v0  }
0xf0: {  	[tilespmem:$0x1CA0] =	vst v0  }
0xf1: {  	[tilespmem:$0x1CB0] =	vst v0  }
0xf2: {  	[tilespmem:$0x1CC0] =	vst v0  }
0xf3: {  	[tilespmem:$0x1CD0] =	vst v0  }
0xf4: {  	[tilespmem:$0x1CE0] =	vst v0  }
0xf5: {  	[tilespmem:$0x1CF0] =	vst v0  }
0xf6: {  	[tilespmem:$0x1D00] =	vst v0  }
0xf7: {  	[tilespmem:$0x1D10] =	vst v0  }
0xf8: {  	[tilespmem:$0x1D20] =	vst v0  }
0xf9: {  	[tilespmem:$0x1D30] =	vst v0  }
0xfa: {  	[tilespmem:$0x1D40] =	vst v0  }
0xfb: {  	[tilespmem:$0x1D50] =	vst v0  }
0xfc: {  	[tilespmem:$0x1D60] =	vst v0  }
0xfd: {  	[tilespmem:$0x1D70] =	vst v0  }
0xfe: {  	[tilespmem:$0x1D80] =	vst v0  }
0xff: {  	[tilespmem:$0x1D90] =	vst v0  }
0x100: {  	[tilespmem:$0x1DA0] =	vst v0  }
0x101: {  	[tilespmem:$0x1DB0] =	vst v0  }
0x102: {  	[tilespmem:$0x1DC0] =	vst v0  }
0x103: {  	[tilespmem:$0x1DD0] =	vst v0  }
0x104: {  	[tilespmem:$0x1DE0] =	vst v0  }
0x105: {  	[tilespmem:$0x1DF0] =	vst v0  }
0x106: {  	[tilespmem:$0x1E00] =	vst v0  }
0x107: {  	[tilespmem:$0x1E10] =	vst v0  }
0x108: {  	[tilespmem:$0x1E20] =	vst v0  }
0x109: {  	[tilespmem:$0x1E30] =	vst v0  }
0x10a: {  	[tilespmem:$0x1E40] =	vst v0  }
0x10b: {  	[tilespmem:$0x1E50] =	vst v0  }
0x10c: {  	[tilespmem:$0x1E60] =	vst v0  }
0x10d: {  	[tilespmem:$0x1E70] =	vst v0  }
0x10e: {  	[tilespmem:$0x1E80] =	vst v0  }
0x10f: {  	[tilespmem:$0x1E90] =	vst v0  }
0x110: {  	[tilespmem:$0x1EA0] =	vst v0  }
0x111: {  	[tilespmem:$0x1EB0] =	vst v0  }
0x112: {  	[tilespmem:$0x1EC0] =	vst v0  }
0x113: {  	[tilespmem:$0x1ED0] =	vst v0  }
0x114: {  	[tilespmem:$0x1EE0] =	vst v0  }
0x115: {  	[tilespmem:$0x1EF0] =	vst v0  }
0x116: {  	_ =	swait.ge [sflag:s31], $0x180  }
0x117: {  	[sflag:s31] =	ssyncset.done $0x0  }
0x118: {  	[sflag:s31] =	ssyncadd.s32 $0xFFFFFE80  }
0x119: {  	_ =	swait.ge [sflag:s31], $0x180  }
0x11a: {  	[sflag:s31] =	ssyncset.done $0x0  }
0x11b: {  	[sflag:s31] =	ssyncadd.s32 $0xFFFFFE80  }
0x11c: {  	_ =	swait.ge [sflag:s31], $0x500  }
0x11d: {  	[sflag:s31] =	ssyncset.done $0x0  }
0x11e: {  	[sflag:s31] =	ssyncadd.s32 $0xFFFFFB00  }
0x11f: {  	_ =	swait.ge [sflag:s31], $0x500  }
0x120: {  	[sflag:s31] =	ssyncset.done $0x0  }
0x121: {  	[sflag:s31] =	ssyncadd.s32 $0xFFFFFB00  }
0x122: {  	_ =	swait.ge [sflag:s31], $0x500  }
0x123: {  	[sflag:s31] =	ssyncset.done $0x0  }
0x124: {  	[sflag:s31] =	ssyncadd.s32 $0xFFFFFB00  }
0x125: {  	v13 =	vld [tilespmem:$0xD30];
	_ =	sdelay $0x4  }
0x126: {  	[tilespmem:$0x1F0C0] =	vst v13;
	v13 =	vld [tilespmem:$0x840];
	_ =	sdelay $0x4  }
0x127: {  	[tilespmem:$0x1F0B0] =	vst v13;
	v13 =	vld [tilespmem:$0xD40];
	_ =	sdelay $0x4  }
0x128: {  	[tilespmem:$0x1F0E0] =	vst v13;
	v13 =	vld [tilespmem:$0x850];
	_ =	sdelay $0x4  }
0x129: {  	[tilespmem:$0x1F0D0] =	vst v13;
	v13 =	vld [tilespmem:$0xD50];
	_ =	sdelay $0x4  }
0x12a: {  	[tilespmem:$0x1F100] =	vst v13;
	v13 =	vld [tilespmem:$0x360];
	_ =	sdelay $0x4  }
0x12b: {  	[tilespmem:$0x1F0F0] =	vst v13;
	v13 =	vld [tilespmem:$0x860];
	_ =	sdelay $0x4  }
0x12c: {  	[tilespmem:$0x1F110] =	vst v13;
	v13 =	vld [tilespmem:$0xD60];
	_ =	sdelay $0x4  }
0x12d: {  	[tilespmem:$0x1F150] =	vst v13;
	v13 =	vld [tilespmem:$0x370];
	_ =	sdelay $0x4  }
0x12e: {  	[tilespmem:$0x1F120] =	vst v13;
	v13 =	vld [tilespmem:$0x870];
	_ =	sdelay $0x4  }
0x12f: {  	[tilespmem:$0x1F130] =	vst v13;
	v13 =	vld [tilespmem:$0xD70];
	_ =	sdelay $0x4  }
0x130: {  	[tilespmem:$0x1F170] =	vst v13;
	v13 =	vld [tilespmem:$0x380];
	_ =	sdelay $0x4  }
0x131: {  	[tilespmem:$0x1F140] =	vst v13;
	v13 =	vld [tilespmem:$0x880];
	_ =	sdelay $0x4  }
0x132: {  	[tilespmem:$0x1F160] =	vst v13;
	v13 =	vld [tilespmem:$0xD80];
	_ =	sdelay $0x4  }
0x133: {  	[tilespmem:$0x1F190] =	vst v13;
	v13 =	vld [tilespmem:$0x390];
	_ =	sdelay $0x4  }
0x134: {  	[tilespmem:$0x1F180] =	vst v13;
	v13 =	vld [tilespmem:$0x890];
	_ =	sdelay $0x4  }
0x135: {  	[tilespmem:$0x1F1A0] =	vst v13;
	v13 =	vld [tilespmem:$0xD90];
	_ =	sdelay $0x4  }
0x136: {  	[tilespmem:$0x1F1E0] =	vst v13;
	v13 =	vld [tilespmem:$0x3A0];
	_ =	sdelay $0x4  }
0x137: {  	[tilespmem:$0x1F1B0] =	vst v13;
	v13 =	vld [tilespmem:$0x8A0];
	_ =	sdelay $0x4  }
0x138: {  	[tilespmem:$0x1F1C0] =	vst v13;
	v13 =	vld [tilespmem:$0xDA0];
	_ =	sdelay $0x4  }
0x139: {  	[tilespmem:$0x1F200] =	vst v13;
	v13 =	vld [tilespmem:$0x3B0];
	_ =	sdelay $0x4  }
0x13a: {  	[tilespmem:$0x1F1D0] =	vst v13;
	v13 =	vld [tilespmem:$0x8B0];
	_ =	sdelay $0x4  }
0x13b: {  	[tilespmem:$0x1F1F0] =	vst v13;
	v13 =	vld [tilespmem:$0xDB0];
	_ =	sdelay $0x4  }
0x13c: {  	[tilespmem:$0x1F220] =	vst v13;
	v13 =	vld [tilespmem:$0x3C0];
	_ =	sdelay $0x4  }
0x13d: {  	[tilespmem:$0x1F210] =	vst v13;
	v13 =	vld [tilespmem:$0x8C0];
	_ =	sdelay $0x4  }
0x13e: {  	[tilespmem:$0x1F230] =	vst v13;
	v13 =	vld [tilespmem:$0xDC0];
	_ =	sdelay $0x4  }
0x13f: {  	[tilespmem:$0x1F270] =	vst v13;
	v13 =	vld [tilespmem:$0x3D0];
	_ =	sdelay $0x4  }
0x140: {  	[tilespmem:$0x1F240] =	vst v13;
	v13 =	vld [tilespmem:$0x8D0];
	_ =	sdelay $0x4  }
0x141: {  	[tilespmem:$0x1F250] =	vst v13;
	v13 =	vld [tilespmem:$0xDD0];
	_ =	sdelay $0x4  }
0x142: {  	[tilespmem:$0x1F290] =	vst v13;
	v13 =	vld [tilespmem:$0x3E0];
	_ =	sdelay $0x4  }
0x143: {  	[tilespmem:$0x1F260] =	vst v13;
	v13 =	vld [tilespmem:$0x8E0];
	_ =	sdelay $0x4  }
0x144: {  	[tilespmem:$0x1F280] =	vst v13;
	v13 =	vld [tilespmem:$0xDE0];
	_ =	sdelay $0x4  }
0x145: {  	[tilespmem:$0x1F2B0] =	vst v13;
	v13 =	vld [tilespmem:$0x3F0];
	_ =	sdelay $0x4  }
0x146: {  	[tilespmem:$0x1F2A0] =	vst v13;
	v13 =	vld [tilespmem:$0x8F0];
	_ =	sdelay $0x4  }
0x147: {  	[tilespmem:$0x1F2C0] =	vst v13;
	v13 =	vld [tilespmem:$0xDF0];
	_ =	sdelay $0x4  }
0x148: {  	[tilespmem:$0x1F300] =	vst v13;
	v13 =	vld [tilespmem:$0x400];
	_ =	sdelay $0x4  }
0x149: {  	[tilespmem:$0x1F2D0] =	vst v13;
	v13 =	vld [tilespmem:$0x900];
	_ =	sdelay $0x4  }
0x14a: {  	[tilespmem:$0x1F2E0] =	vst v13;
	v13 =	vld [tilespmem:$0xE00];
	_ =	sdelay $0x4  }
0x14b: {  	[tilespmem:$0x1F320] =	vst v13;
	v13 =	vld [tilespmem:$0x410];
	_ =	sdelay $0x4  }
0x14c: {  	[tilespmem:$0x1F2F0] =	vst v13;
	v13 =	vld [tilespmem:$0x910];
	_ =	sdelay $0x4  }
0x14d: {  	[tilespmem:$0x1F310] =	vst v13;
	v13 =	vld [tilespmem:$0xE10];
	_ =	sdelay $0x4  }
0x14e: {  	[tilespmem:$0x1F390] =	vst v13;
	v13 =	vld [tilespmem:$0x420];
	_ =	sdelay $0x4  }
0x14f: {  	[tilespmem:$0x1F330] =	vst v13;
	v13 =	vld [tilespmem:$0x920];
	_ =	sdelay $0x4  }
0x150: {  	[tilespmem:$0x1F360] =	vst v13;
	v13 =	vld [tilespmem:$0xE20];
	_ =	sdelay $0x4  }
0x151: {  	[tilespmem:$0x1F3A0] =	vst v13;
	v13 =	vld [tilespmem:$0x430];
	_ =	sdelay $0x4  }
0x152: {  	[tilespmem:$0x1F340] =	vst v13;
	v13 =	vld [tilespmem:$0x930];
	_ =	sdelay $0x4  }
0x153: {  	[tilespmem:$0x1F370] =	vst v13;
	v13 =	vld [tilespmem:$0xE30];
	_ =	sdelay $0x4  }
0x154: {  	[tilespmem:$0x1F3C0] =	vst v13;
	v13 =	vld [tilespmem:$0x440];
	_ =	sdelay $0x4  }
0x155: {  	[tilespmem:$0x1F350] =	vst v13;
	v13 =	vld [tilespmem:$0x940];
	_ =	sdelay $0x4  }
0x156: {  	[tilespmem:$0x1F380] =	vst v13;
	v13 =	vld [tilespmem:$0xE40];
	_ =	sdelay $0x4  }
0x157: {  	[tilespmem:$0x1F3E0] =	vst v13;
	v13 =	vld [tilespmem:$0x450];
	_ =	sdelay $0x4  }
0x158: {  	[tilespmem:$0x1F3B0] =	vst v13;
	v13 =	vld [tilespmem:$0x950];
	_ =	sdelay $0x4  }
0x159: {  	[tilespmem:$0x1F3D0] =	vst v13;
	v13 =	vld [tilespmem:$0xE50];
	_ =	sdelay $0x4  }
0x15a: {  	[tilespmem:$0x1F440] =	vst v13;
	v13 =	vld [tilespmem:$0x460];
	_ =	sdelay $0x4  }
0x15b: {  	[tilespmem:$0x1F3F0] =	vst v13;
	v13 =	vld [tilespmem:$0x960];
	_ =	sdelay $0x4  }
0x15c: {  	[tilespmem:$0x1F410] =	vst v13;
	v13 =	vld [tilespmem:$0xE60];
	_ =	sdelay $0x4  }
0x15d: {  	[tilespmem:$0x1F470] =	vst v13;
	v13 =	vld [tilespmem:$0x470];
	_ =	sdelay $0x4  }
0x15e: {  	[tilespmem:$0x1F420] =	vst v13;
	v13 =	vld [tilespmem:$0x970];
	_ =	sdelay $0x4  }
0x15f: {  	[tilespmem:$0x1F450] =	vst v13;
	v13 =	vld [tilespmem:$0xE70];
	_ =	sdelay $0x4  }
0x160: {  	[tilespmem:$0x1F520] =	vst v13;
	v13 =	vld [tilespmem:$0x480];
	_ =	sdelay $0x4  }
0x161: {  	[tilespmem:$0x1F490] =	vst v13;
	v13 =	vld [tilespmem:$0x980];
	_ =	sdelay $0x4  }
0x162: {  	[tilespmem:$0x1F4D0] =	vst v13;
	v13 =	vld [tilespmem:$0xE80];
	_ =	sdelay $0x4  }
0x163: {  	[tilespmem:$0x1F540] =	vst v13;
	v13 =	vld [tilespmem:$0x490];
	_ =	sdelay $0x4  }
0x164: {  	[tilespmem:$0x1F4A0] =	vst v13;
	v13 =	vld [tilespmem:$0x990];
	_ =	sdelay $0x4  }
0x165: {  	[tilespmem:$0x1F4E0] =	vst v13;
	v13 =	vld [tilespmem:$0xE90];
	_ =	sdelay $0x4  }
0x166: {  	[tilespmem:$0x1F570] =	vst v13;
	v13 =	vld [tilespmem:$0x4A0];
	_ =	sdelay $0x4  }
0x167: {  	[tilespmem:$0x1F4B0] =	vst v13;
	v13 =	vld [tilespmem:$0x9A0];
	_ =	sdelay $0x4  }
0x168: {  	[tilespmem:$0x1F4F0] =	vst v13;
	v13 =	vld [tilespmem:$0xEA0];
	_ =	sdelay $0x4  }
0x169: {  	[tilespmem:$0x1F5A0] =	vst v13;
	v13 =	vld [tilespmem:$0x4B0];
	_ =	sdelay $0x4  }
0x16a: {  	[tilespmem:$0x1F550] =	vst v13;
	v13 =	vld [tilespmem:$0x9B0];
	_ =	sdelay $0x4  }
0x16b: {  	[tilespmem:$0x1F580] =	vst v13;
	v13 =	vld [tilespmem:$0xEB0];
	_ =	sdelay $0x4  }
0x16c: {  	[tilespmem:$0x1F5E0] =	vst v13;
	v13 =	vld [tilespmem:$0x4C0];
	_ =	sdelay $0x4  }
0x16d: {  	[tilespmem:$0x1F5B0] =	vst v13;
	v13 =	vld [tilespmem:$0x9C0];
	_ =	sdelay $0x4  }
0x16e: {  	[tilespmem:$0x1F5C0] =	vst v13;
	v13 =	vld [tilespmem:$0xEC0];
	_ =	sdelay $0x4  }
0x16f: {  	[tilespmem:$0x1F600] =	vst v13;
	v13 =	vld [tilespmem:$0x4D0];
	_ =	sdelay $0x2  }
0x170: {  	v1 =	vld [tilespmem:$0x0]  }
0x171: {  	v3 =	vld [tilespmem:$0x180]  }
0x172: {  	[tilespmem:$0x1F5D0] =	vst v13;
	v13 =	vld [tilespmem:$0x1FAF0]  }
0x173: {  	v2 =	vld [tilespmem:$0x10]  }
0x174: {  	v5 =	vld [tilespmem:$0x190]  }
0x175: {  	v4 =	vld [tilespmem:$0x20]  }
0x176: {  	v7 =	vld [tilespmem:$0x1A0];
	v1 =	vmul.u32 $0x1388, v1  }
0x177: {  	v6 =	vld [tilespmem:$0x30];
	v3 =	vadd.s32 v13, v3  }
0x178: {  	v9 =	vld [tilespmem:$0x1B0];
	v2 =	vmul.u32 $0x1388, v2;
	v1 =	vadd.s32 v1, v3  }
0x179: {  	v8 =	vld [tilespmem:$0x40];
	[tilespmem:$0x1F400] =	vst v1;
	v1 =	vadd.s32 v13, v5  }
0x17a: {  	v11 =	vld [tilespmem:$0x1C0];
	v3 =	vmul.u32 $0x1388, v4;
	v1 =	vadd.s32 v2, v1  }
0x17b: {  	[tilespmem:$0x1F430] =	vst v1;
	v1 =	vadd.s32 v13, v7  }
0x17c: {  	v0 =	vld [tilespmem:$0x1D0];
	v2 =	vmul.u32 $0x1388, v6;
	v1 =	vadd.s32 v3, v1  }
0x17d: {  	[tilespmem:$0x1F460] =	vst v1;
	v1 =	vadd.s32 v13, v9  }
0x17e: {  	v3 =	vmul.u32 $0x1388, v8;
	v1 =	vadd.s32 v2, v1  }
0x17f: {  	v10 =	vld [tilespmem:$0x50];
	[tilespmem:$0x1F480] =	vst v1;
	v1 =	vadd.s32 v13, v11  }
0x180: {  	v1 =	vadd.s32 v3, v1  }
0x181: {  	[tilespmem:$0x1F4C0] =	vst v1;
	v1 =	vadd.s32 v13, v0;
	v0 =	vld [tilespmem:$0x4F0];
	_ =	sdelay $0x2  }
0x182: {  	v2 =	vmul.u32 $0x1388, v10  }
0x183: {  	v12 =	vld [tilespmem:$0x60]  }
0x184: {  	v15 =	vld [tilespmem:$0x1E0];
	[tilespmem:$0x1F630] =	vst v0;
	v0 =	vadd.s32 v2, v1  }
0x185: {  	[tilespmem:$0x1F500] =	vst v0;
	v0 =	vld [tilespmem:$0x9F0];
	_ =	sdelay $0x2  }
0x186: {  	v3 =	vmul.u32 $0x1388, v12  }
0x187: {  	v14 =	vld [tilespmem:$0x70];
	v1 =	vadd.s32 v13, v15  }
0x188: {  	v17 =	vld [tilespmem:$0x1F0];
	[tilespmem:$0x1F660] =	vst v0;
	v0 =	vadd.s32 v3, v1  }
0x189: {  	[tilespmem:$0x1F510] =	vst v0;
	v0 =	vld [tilespmem:$0xEF0];
	_ =	sdelay $0x2  }
0x18a: {  	v2 =	vmul.u32 $0x1388, v14  }
0x18b: {  	v16 =	vld [tilespmem:$0x80];
	v1 =	vadd.s32 v13, v17  }
0x18c: {  	v21 =	vld [tilespmem:$0x200];
	[tilespmem:$0x1F6F0] =	vst v0;
	v0 =	vadd.s32 v2, v1  }
0x18d: {  	[tilespmem:$0x1F530] =	vst v0;
	v0 =	vld [tilespmem:$0x500];
	_ =	sdelay $0x2  }
0x18e: {  	v3 =	vmul.u32 $0x1388, v16  }
0x18f: {  	v20 =	vld [tilespmem:$0x90];
	v1 =	vadd.s32 v13, v21  }
0x190: {  	v23 =	vld [tilespmem:$0x210];
	[tilespmem:$0x1F640] =	vst v0;
	v0 =	vadd.s32 v3, v1  }
0x191: {  	[tilespmem:$0x1F560] =	vst v0;
	v0 =	vld [tilespmem:$0xA00];
	_ =	sdelay $0x2  }
0x192: {  	v2 =	vmul.u32 $0x1388, v20  }
0x193: {  	v1 =	vadd.s32 v13, v23  }
0x194: {  	[tilespmem:$0x1F670] =	vst v0;
	v0 =	vadd.s32 v2, v1  }
0x195: {  	[tilespmem:$0x1F590] =	vst v0;
	v0 =	vld [tilespmem:$0xF00];
	_ =	sdelay $0x4  }
0x196: {  	[tilespmem:$0x1F720] =	vst v0;
	v0 =	vld [tilespmem:$0x510]  }
0x197: {  	v22 =	vld [tilespmem:$0xA0]  }
0x198: {  	v25 =	vld [tilespmem:$0x220]  }
0x199: {  	v24 =	vld [tilespmem:$0xB0]  }
0x19a: {  	v27 =	vld [tilespmem:$0x230]  }
0x19b: {  	[tilespmem:$0x1F6D0] =	vst v0;
	v0 =	vld [tilespmem:$0xA10]  }
0x19c: {  	v26 =	vld [tilespmem:$0xC0]  }
0x19d: {  	v29 =	vld [tilespmem:$0x240]  }
0x19e: {  	v28 =	vld [tilespmem:$0xD0]  }
0x19f: {  	v31 =	vld [tilespmem:$0x250]  }
0x1a0: {  	v3 =	vmul.u32 $0x1388, v22;
	[tilespmem:$0x1F700] =	vst v0;
	v0 =	vld [tilespmem:$0xF10]  }
0x1a1: {  	v1 =	vadd.s32 v13, v25;
	v2 =	vmul.u32 $0x1388, v24  }
0x1a2: {  	v14 =	vadd.s32 v3, v1;
	v1 =	vadd.s32 v13, v27;
	v3 =	vmul.u32 $0x1388, v26  }
0x1a3: {  	v22 =	vadd.s32 v2, v1;
	v1 =	vadd.s32 v13, v29;
	v2 =	vmul.u32 $0x1388, v28  }
0x1a4: {  	v24 =	vadd.s32 v3, v1;
	v1 =	vadd.s32 v13, v31  }
0x1a5: {  	[tilespmem:$0x1F780] =	vst v0;
	v0 =	vadd.s32 v2, v1  }
0x1a6: {  	[tilespmem:$0x1F610] =	vst v0;
	v0 =	vld [tilespmem:$0x520]  }
0x1a7: {  	v30 =	vld [tilespmem:$0xE0]  }
0x1a8: {  	v33 =	vld [tilespmem:$0x260]  }
0x1a9: {  	v32 =	vld [tilespmem:$0xF0]  }
0x1aa: {  	v35 =	vld [tilespmem:$0x270]  }
0x1ab: {  	[tilespmem:$0x1F730] =	vst v0;
	v0 =	vld [tilespmem:$0xA20];
	_ =	sdelay $0x1  }
0x1ac: {  	v3 =	vmul.u32 $0x1388, v30  }
0x1ad: {  	v1 =	vadd.s32 v13, v33;
	v2 =	vmul.u32 $0x1388, v32  }
0x1ae: {  	v34 =	vld [tilespmem:$0x100];
	v32 =	vadd.s32 v3, v1;
	v1 =	vadd.s32 v13, v35  }
0x1af: {  	v37 =	vld [tilespmem:$0x280];
	[tilespmem:$0x1F750] =	vst v0;
	v0 =	vadd.s32 v2, v1  }
0x1b0: {  	[tilespmem:$0x1F680] =	vst v0;
	v0 =	vld [tilespmem:$0xF20];
	_ =	sdelay $0x2  }
0x1b1: {  	v3 =	vmul.u32 $0x1388, v34  }
0x1b2: {  	v36 =	vld [tilespmem:$0x110];
	v1 =	vadd.s32 v13, v37  }
0x1b3: {  	v39 =	vld [tilespmem:$0x290];
	[tilespmem:$0x1F7B0] =	vst v0;
	v0 =	vadd.s32 v3, v1  }
0x1b4: {  	[tilespmem:$0x1F690] =	vst v0;
	v0 =	vld [tilespmem:$0x530];
	_ =	sdelay $0x1  }
0x1b5: {  	v38 =	vld [tilespmem:$0x120]  }
0x1b6: {  	v41 =	vld [tilespmem:$0x2A0];
	v2 =	vmul.u32 $0x1388, v36  }
0x1b7: {  	v40 =	vld [tilespmem:$0x130];
	v1 =	vadd.s32 v13, v39  }
0x1b8: {  	v43 =	vld [tilespmem:$0x2B0];
	[tilespmem:$0x1F760] =	vst v0;
	v0 =	vadd.s32 v2, v1  }
0x1b9: {  	[tilespmem:$0x1F6B0] =	vst v0;
	v0 =	vld [tilespmem:$0xA30];
	_ =	sdelay $0x2  }
0x1ba: {  	v3 =	vmul.u32 $0x1388, v38  }
0x1bb: {  	v1 =	vadd.s32 v13, v41;
	v2 =	vmul.u32 $0x1388, v40  }
0x1bc: {  	v42 =	vld [tilespmem:$0x140];
	[tilespmem:$0x1F790] =	vst v0;
	v0 =	vadd.s32 v3, v1;
	v1 =	vadd.s32 v13, v43  }
0x1bd: {  	v45 =	vld [tilespmem:$0x2C0];
	[tilespmem:$0x1F6E0] =	vst v0;
	v0 =	vadd.s32 v2, v1  }
0x1be: {  	[tilespmem:$0x1F710] =	vst v0;
	v0 =	vld [tilespmem:$0x540];
	_ =	sdelay $0x2  }
0x1bf: {  	v3 =	vmul.u32 $0x1388, v42  }
0x1c0: {  	v44 =	vld [tilespmem:$0x150];
	v1 =	vadd.s32 v13, v45  }
0x1c1: {  	v47 =	vld [tilespmem:$0x2D0];
	[tilespmem:$0x1F7D0] =	vst v0;
	v0 =	vadd.s32 v3, v1  }
0x1c2: {  	[tilespmem:$0x1F740] =	vst v0;
	v0 =	vld [tilespmem:$0xA40];
	_ =	sdelay $0x1  }
0x1c3: {  	v46 =	vld [tilespmem:$0x160]  }
0x1c4: {  	v49 =	vld [tilespmem:$0x2E0];
	v2 =	vmul.u32 $0x1388, v44  }
0x1c5: {  	v48 =	vld [tilespmem:$0x170];
	v1 =	vadd.s32 v13, v47  }
0x1c6: {  	v51 =	vld [tilespmem:$0x2F0];
	[tilespmem:$0x1F7E0] =	vst v0;
	v0 =	vadd.s32 v2, v1  }
0x1c7: {  	[tilespmem:$0x1F770] =	vst v0;
	v0 =	vld [tilespmem:$0xF40];
	_ =	sdelay $0x2  }
0x1c8: {  	v3 =	vmul.u32 $0x1388, v46  }
0x1c9: {  	v1 =	vadd.s32 v13, v49;
	v2 =	vmul.u32 $0x1388, v48  }
0x1ca: {  	[tilespmem:$0x1F820] =	vst v0;
	v0 =	vadd.s32 v3, v1;
	v1 =	vadd.s32 v13, v51  }
0x1cb: {  	[tilespmem:$0x1F7A0] =	vst v0;
	v0 =	vadd.s32 v2, v1  }
0x1cc: {  	[tilespmem:$0x1F7C0] =	vst v0;
	v0 =	vld [tilespmem:$0xA50];
	_ =	sdelay $0x4  }
0x1cd: {  	[tilespmem:$0x1F7F0] =	vst v0;
	v0 =	vld [tilespmem:$0xF50]  }
0x1ce: {  	v4 =	vld [tilespmem:$0x4E0];
	_ =	sdelay $0x1  }
0x1cf: {  	v50 =	vld [tilespmem:$0x300]  }
0x1d0: {  	v53 =	vld [tilespmem:$0x800]  }
0x1d1: {  	[tilespmem:$0x1F840] =	vst v0;
	v0 =	vld [tilespmem:$0xA60]  }
0x1d2: {  	[tilespmem:$0x1F620] =	vst v4;
	v4 =	vld [tilespmem:$0x9E0]  }
0x1d3: {  	v52 =	vld [tilespmem:$0x310]  }
0x1d4: {  	v55 =	vld [tilespmem:$0x810]  }
0x1d5: {  	v54 =	vld [tilespmem:$0x320]  }
0x1d6: {  	[tilespmem:$0x1F800] =	vst v0;
	v0 =	vld [tilespmem:$0xF60]  }
0x1d7: {  	[tilespmem:$0x1F650] =	vst v4;
	v4 =	vld [tilespmem:$0xEE0]  }
0x1d8: {  	v56 =	vld [tilespmem:$0x820]  }
0x1d9: {  	v57 =	vld [tilespmem:$0x330]  }
0x1da: {  	v62 =	vld [tilespmem:$0x830];
	v3 =	vmul.u32 $0x1388, v50  }
0x1db: {  	v1 =	vadd.s32 v13, v53;
	v2 =	vmul.u32 $0x1388, v52;
	[tilespmem:$0x1F860] =	vst v0;
	v0 =	vld [tilespmem:$0x1F0B0]  }
0x1dc: {  	[tilespmem:$0x1F6C0] =	vst v4;
	v4 =	vmul.u32 $0x1388, v54;
	v1 =	vadd.s32 v3, v1;
	v3 =	vadd.s32 v13, v55  }
0x1dd: {  	v2 =	vadd.s32 v2, v3;
	v3 =	vadd.s32 v13, v56  }
0x1de: {  	v3 =	vadd.s32 v4, v3;
	v4 =	vmul.u32 $0x1388, v57  }
0x1df: {  	v5 =	vadd.s32 v13, v62  }
0x1e0: {  	v4 =	vadd.s32 v4, v5;
	v5 =	vadd.s32 v13, v0;
	v0 =	vld [tilespmem:$0x570];
	_ =	sdelay $0x4  }
0x1e1: {  	[tilespmem:$0x1F830] =	vst v0;
	v0 =	vld [tilespmem:$0x1F0C0];
	_ =	sdelay $0x2  }
0x1e2: {  	v58 =	vld [tilespmem:$0x340];
	_ =	sdelay $0x1  }
0x1e3: {  	vm3 =	vgt.f32 v0, $1.000000010e-01;
	v0 =	vld [tilespmem:$0x1F0D0];
	_ =	sdelay $0x2  }
0x1e4: {  	v6 =	vmul.u32 $0x1388, v58;
	_ =	sdelay $0x1  }
0x1e5: {  	v6 =	vadd.s32 v6, v5;
	v5 =	vadd.s32 v13, v0;
	v0 =	vld [tilespmem:$0xA70];
	_ =	sdelay $0x4  }
0x1e6: {  	[tilespmem:$0x1F850] =	vst v0;
	v0 =	vld [tilespmem:$0x1F0E0];
	_ =	sdelay $0x2  }
0x1e7: {  	v60 =	vld [tilespmem:$0x350];
	_ =	sdelay $0x1  }
0x1e8: {  	vm7 =	vgt.f32 v0, $1.000000010e-01;
	v0 =	vld [tilespmem:$0x1F0F0];
	_ =	sdelay $0x2  }
0x1e9: {  	v7 =	vmul.u32 $0x1388, v60;
	_ =	sdelay $0x1  }
0x1ea: {  	v9 =	vadd.s32 v7, v5;
	v5 =	vmul.u32 $0x1388, v0;
	v0 =	vld [tilespmem:$0xF70];
	_ =	sdelay $0x4  }
0x1eb: {  	[tilespmem:$0x1F890] =	vst v0;
	v0 =	vld [tilespmem:$0x1F100];
	_ =	sdelay $0x4  }
0x1ec: {  	vm1 =	vgt.f32 v0, $1.000000010e-01;
	v0 =	vld [tilespmem:$0x1F110];
	_ =	sdelay $0x4  }
0x1ed: {  	v7 =	vadd.s32 v13, v0;
	v0 =	vld [tilespmem:$0x1F120];
	_ =	sdelay $0x4  }
0x1ee: {  	v8 =	vmul.u32 $0x1388, v0;
	v0 =	vld [tilespmem:$0x580];
	_ =	sdelay $0x4  }
0x1ef: {  	[tilespmem:$0x1F870] =	vst v0;
	v0 =	vld [tilespmem:$0x1F130];
	_ =	sdelay $0x4  }
0x1f0: {  	v10 =	vadd.s32 v5, v7;
	v5 =	vadd.s32 v13, v0;
	v0 =	vld [tilespmem:$0x1F140];
	_ =	sdelay $0x4  }
0x1f1: {  	v7 =	vmul.u32 $0x1388, v0;
	v0 =	vld [tilespmem:$0xA80];
	_ =	sdelay $0x4  }
0x1f2: {  	[tilespmem:$0x1F880] =	vst v0;
	v0 =	vld [tilespmem:$0x1F150];
	_ =	sdelay $0x4  }
0x1f3: {  	vm10 =	vgt.f32 v0, $1.000000010e-01;
	v0 =	vld [tilespmem:$0x1F160];
	_ =	sdelay $0x4  }
0x1f4: {  	v11 =	vadd.s32 v8, v5;
	v5 =	vadd.s32 v13, v0;
	v0 =	vld [tilespmem:$0xF80];
	_ =	sdelay $0x4  }
0x1f5: {  	[tilespmem:$0x1F8A0] =	vst v0;
	v0 =	vld [tilespmem:$0x1F170];
	_ =	sdelay $0x4  }
0x1f6: {  	vm4 =	vgt.f32 v0, $1.000000010e-01;
	v0 =	vld [tilespmem:$0x1F180];
	_ =	sdelay $0x4  }
0x1f7: {  	v15 =	vadd.s32 v7, v5;
	v5 =	vmul.u32 $0x1388, v0;
	v0 =	vld [tilespmem:$0x1F190];
	_ =	sdelay $0x4  }
0x1f8: {  	vm13 =	vgt.f32 v0, $1.000000010e-01;
	v0 =	vld [tilespmem:$0x1F1A0];
	_ =	sdelay $0x4  }
0x1f9: {  	v7 =	vadd.s32 v13, v0;
	v0 =	vld [tilespmem:$0x1F1B0];
	_ =	sdelay $0x4  }
0x1fa: {  	v8 =	vmul.u32 $0x1388, v0;
	v0 =	vld [tilespmem:$0x1F1C0];
	_ =	sdelay $0x4  }
0x1fb: {  	v25 =	vadd.s32 v5, v7;
	v5 =	vadd.s32 v13, v0;
	v0 =	vld [tilespmem:$0x1F1D0];
	_ =	sdelay $0x4  }
0x1fc: {  	v7 =	vmul.u32 $0x1388, v0;
	v0 =	vld [tilespmem:$0xF90];
	_ =	sdelay $0x4  }
0x1fd: {  	[tilespmem:$0x1F8F0] =	vst v0;
	v0 =	vld [tilespmem:$0x1F1E0];
	_ =	sdelay $0x4  }
0x1fe: {  	vm5 =	vgt.f32 v0, $1.000000010e-01;
	v0 =	vld [tilespmem:$0x1F1F0];
	_ =	sdelay $0x4  }
0x1ff: {  	v26 =	vadd.s32 v8, v5;
	v5 =	vadd.s32 v13, v0;
	v0 =	vld [tilespmem:$0x5A0];
	_ =	sdelay $0x4  }
0x200: {  	[tilespmem:$0x1F8B0] =	vst v0;
	v0 =	vld [tilespmem:$0x1F200];
	_ =	sdelay $0x4  }
0x201: {  	vm2 =	vgt.f32 v0, $1.000000010e-01;
	v0 =	vld [tilespmem:$0x1F210];
	_ =	sdelay $0x4  }
0x202: {  	v27 =	vadd.s32 v7, v5;
	v5 =	vmul.u32 $0x1388, v0;
	v0 =	vld [tilespmem:$0xAA0];
	_ =	sdelay $0x4  }
0x203: {  	[tilespmem:$0x1F8D0] =	vst v0;
	v0 =	vld [tilespmem:$0x1F220];
	_ =	sdelay $0x4  }
0x204: {  	vm8 =	vgt.f32 v0, $1.000000010e-01;
	v0 =	vld [tilespmem:$0x1F230];
	_ =	sdelay $0x4  }
0x205: {  	v7 =	vadd.s32 v13, v0;
	v0 =	vld [tilespmem:$0x1F240];
	_ =	sdelay $0x4  }
0x206: {  	v8 =	vmul.u32 $0x1388, v0;
	v0 =	vld [tilespmem:$0xFA0];
	_ =	sdelay $0x4  }
0x207: {  	[tilespmem:$0x1F900] =	vst v0;
	v0 =	vld [tilespmem:$0x1F250];
	_ =	sdelay $0x4  }
0x208: {  	v28 =	vadd.s32 v5, v7;
	v5 =	vadd.s32 v13, v0;
	v0 =	vld [tilespmem:$0x1F260];
	_ =	sdelay $0x4  }
0x209: {  	v7 =	vmul.u32 $0x1388, v0;
	v0 =	vld [tilespmem:$0x5B0];
	_ =	sdelay $0x4  }
0x20a: {  	[tilespmem:$0x1F8C0] =	vst v0;
	v0 =	vld [tilespmem:$0x1F270];
	_ =	sdelay $0x3  }
0x20b: {  	v61 =	vld [tilespmem:$0x9D0]  }
0x20c: {  	vm11 =	vgt.f32 v0, $1.000000010e-01;
	v0 =	vld [tilespmem:$0x1F280]  }
0x20d: {  	v18 =	vld [tilespmem:$0xD00]  }
0x20e: {  	v59 =	vld [tilespmem:$0xD10]  }
0x20f: {  	v63 =	vld [tilespmem:$0xD20]  }
0x210: {  	[tilespmem:$0x1F5F0] =	vst v61;
	v61 =	vld [tilespmem:$0xED0]  }
0x211: {  	v36 =	vadd.s32 v8, v5;
	v8 =	vadd.s32 v13, v0;
	v0 =	vld [tilespmem:$0xAB0]  }
0x212: {  	vm12 =	vgt.f32 v18, $1.000000010e-01;
	v18 =	vld [tilespmem:$0x560]  }
0x213: {  	v31 =	vld [tilespmem:$0xF30]  }
0x214: {  	v38 =	vld [tilespmem:$0x590]  }
0x215: {  	v47 =	vld [tilespmem:$0xA90]  }
0x216: {  	v51 =	vld [tilespmem:$0x550];
	[tilespmem:$0x1F8E0] =	vst v0  }
0x217: {  	v0 =	vld [tilespmem:$0x1F290];
	_ =	sdelay $0x4  }
0x218: {  	vm9 =	vgt.f32 v0, $1.000000010e-01;
	v0 =	vimm.s32 $0x0  }
0x219: {  	v0 =	vsel vm9, $0xFFFFFFFF, v0  }
0x21a: {  	[tilespmem:$0x1F6A0] =	vst v0;
	v0 =	vld [tilespmem:$0x1F2A0];
	_ =	sdelay $0x4  }
0x21b: {  	v33 =	vadd.s32 v7, v8;
	v7 =	vmul.u32 $0x1388, v0;
	v0 =	vld [tilespmem:$0xFB0];
	_ =	sdelay $0x4  }
0x21c: {  	[tilespmem:$0x1F920] =	vst v0;
	v0 =	vld [tilespmem:$0x1F2B0];
	_ =	sdelay $0x4  }
0x21d: {  	vm14 =	vgt.f32 v0, $1.000000010e-01;
	v0 =	vld [tilespmem:$0x1F2C0];
	_ =	sdelay $0x4  }
0x21e: {  	v8 =	vadd.s32 v13, v0;
	v0 =	vld [tilespmem:$0x1F2D0];
	_ =	sdelay $0x4  }
0x21f: {  	v12 =	vmul.u32 $0x1388, v0;
	v0 =	vld [tilespmem:$0x1F2E0];
	_ =	sdelay $0x4  }
0x220: {  	v37 =	vadd.s32 v7, v8;
	v7 =	vadd.s32 v13, v0;
	v0 =	vld [tilespmem:$0x1F2F0];
	_ =	sdelay $0x4  }
0x221: {  	v16 =	vmul.u32 $0x1388, v0;
	v0 =	vld [tilespmem:$0x1F300];
	_ =	sdelay $0x4  }
0x222: {  	vm9 =	vgt.f32 v0, $1.000000010e-01;
	v0 =	vld [tilespmem:$0x1F310];
	_ =	sdelay $0x4  }
0x223: {  	v39 =	vadd.s32 v12, v7;
	v7 =	vadd.s32 v13, v0;
	v0 =	vld [tilespmem:$0xFC0];
	_ =	sdelay $0x4  }
0x224: {  	[tilespmem:$0x1F940] =	vst v0;
	v0 =	vld [tilespmem:$0x1FB00];
	_ =	sdelay $0x4  }
0x225: {  	v42 =	vsel vm12, v1, v0;
	v0 =	vld [tilespmem:$0x1F320];
	_ =	sdelay $0x4  }
0x226: {  	vm12 =	vgt.f32 v0, $1.000000010e-01;
	v0 =	vld [tilespmem:$0x5D0];
	_ =	sdelay $0x4  }
0x227: {  	[tilespmem:$0x1F910] =	vst v0;
	v0 =	vld [tilespmem:$0x1F330];
	_ =	sdelay $0x4  }
0x228: {  	v1 =	vmul.u32 $0x1388, v0;
	v0 =	vld [tilespmem:$0x1F340];
	_ =	sdelay $0x4  }
0x229: {  	v12 =	vmul.u32 $0x1388, v0;
	v0 =	vld [tilespmem:$0x1F350];
	_ =	sdelay $0x4  }
0x22a: {  	v44 =	vadd.s32 v16, v7;
	v16 =	vmul.u32 $0x1388, v0;
	v0 =	vld [tilespmem:$0xAD0];
	_ =	sdelay $0x4  }
0x22b: {  	[tilespmem:$0x1F930] =	vst v0;
	v0 =	vld [tilespmem:$0x1F360];
	_ =	sdelay $0x4  }
0x22c: {  	v17 =	vadd.s32 v13, v0;
	v0 =	vld [tilespmem:$0x1F370];
	_ =	sdelay $0x4  }
0x22d: {  	v20 =	vadd.s32 v13, v0;
	v0 =	vld [tilespmem:$0x1F380];
	_ =	sdelay $0x4  }
0x22e: {  	v21 =	vadd.s32 v13, v0;
	v0 =	vld [tilespmem:$0xFD0];
	_ =	sdelay $0x4  }
0x22f: {  	[tilespmem:$0x1F980] =	vst v0;
	v0 =	vld [tilespmem:$0x5E0];
	_ =	sdelay $0x4  }
0x230: {  	[tilespmem:$0x1F950] =	vst v0;
	v0 =	vld [tilespmem:$0x1FB10];
	_ =	sdelay $0x3  }
0x231: {  	vm6 =	vgt.f32 v59, $1.000000010e-01  }
0x232: {  	v29 =	vsel vm6, v2, v0;
	v0 =	vld [tilespmem:$0x1F390];
	_ =	sdelay $0x4  }
0x233: {  	vm6 =	vgt.f32 v0, $1.000000010e-01;
	v0 =	vld [tilespmem:$0x1FB20];
	_ =	sdelay $0x3  }
0x234: {  	vm15 =	vgt.f32 v63, $1.000000010e-01  }
0x235: {  	v56 =	vsel vm15, v3, v0;
	v0 =	vld [tilespmem:$0xAE0];
	_ =	sdelay $0x4  }
0x236: {  	[tilespmem:$0x1F960] =	vst v0;
	v0 =	vld [tilespmem:$0x1F3A0];
	_ =	sdelay $0x4  }
0x237: {  	vm15 =	vgt.f32 v0, $1.000000010e-01;
	v0 =	vld [tilespmem:$0x1FB30];
	_ =	sdelay $0x4  }
0x238: {  	v55 =	vsel vm3, v4, v0;
	v0 =	vld [tilespmem:$0x1F3B0];
	_ =	sdelay $0x4  }
0x239: {  	v43 =	vadd.s32 v1, v17;
	v1 =	vmul.u32 $0x1388, v0;
	v0 =	vld [tilespmem:$0xFE0];
	_ =	sdelay $0x4  }
0x23a: {  	[tilespmem:$0x1F9A0] =	vst v0;
	v0 =	vld [tilespmem:$0x1F3C0];
	_ =	sdelay $0x4  }
0x23b: {  	vm3 =	vgt.f32 v0, $1.000000010e-01;
	v0 =	vld [tilespmem:$0x1FB40];
	_ =	sdelay $0x4  }
0x23c: {  	v54 =	vsel vm7, v6, v0;
	v0 =	vld [tilespmem:$0x1F3D0];
	_ =	sdelay $0x4  }
0x23d: {  	v2 =	vadd.s32 v13, v0;
	v0 =	vld [tilespmem:$0x5F0];
	_ =	sdelay $0x4  }
0x23e: {  	[tilespmem:$0x1F970] =	vst v0;
	v0 =	vld [tilespmem:$0x1F3E0];
	_ =	sdelay $0x4  }
0x23f: {  	vm7 =	vgt.f32 v0, $1.000000010e-01;
	v0 =	vimm.s32 $0x0  }
0x240: {  	v0 =	vsel vm7, $0xFFFFFFFF, v0  }
0x241: {  	[tilespmem:$0x1F810] =	vst v0;
	v0 =	vld [tilespmem:$0x1F3F0];
	_ =	sdelay $0x4  }
0x242: {  	v58 =	vadd.s32 v1, v2;
	v1 =	vmul.u32 $0x1388, v0;
	v0 =	vld [tilespmem:$0xAF0];
	_ =	sdelay $0x4  }
0x243: {  	[tilespmem:$0x1F990] =	vst v0;
	v0 =	vld [tilespmem:$0x1F400];
	_ =	sdelay $0x4  }
0x244: {  	[tilespmem:$0x1200] =	vst v0;
	v0 =	vld [tilespmem:$0x1FB50];
	_ =	sdelay $0x4  }
0x245: {  	v57 =	vsel vm1, v9, v0;
	v0 =	vld [tilespmem:$0x1F410];
	_ =	sdelay $0x4  }
0x246: {  	v2 =	vadd.s32 v13, v0;
	v0 =	vld [tilespmem:$0x1F420];
	_ =	sdelay $0x4  }
0x247: {  	v3 =	vmul.u32 $0x1388, v0;
	v0 =	vld [tilespmem:$0xFF0];
	_ =	sdelay $0x4  }
0x248: {  	[tilespmem:$0x1FA10] =	vst v0;
	v0 =	vld [tilespmem:$0x1F430];
	_ =	sdelay $0x4  }
0x249: {  	[tilespmem:$0x1210] =	vst v0;
	v0 =	vld [tilespmem:$0x1F440];
	_ =	sdelay $0x4  }
0x24a: {  	vm7 =	vgt.f32 v0, $1.000000010e-01;
	v0 =	vld [tilespmem:$0x1F450];
	_ =	sdelay $0x4  }
0x24b: {  	v45 =	vadd.s32 v16, v21;
	v21 =	vadd.s32 v1, v2;
	v1 =	vadd.s32 v13, v0;
	v0 =	vld [tilespmem:$0x600];
	_ =	sdelay $0x4  }
0x24c: {  	[tilespmem:$0x1F9B0] =	vst v0;
	v0 =	vld [tilespmem:$0x1F460];
	_ =	sdelay $0x4  }
0x24d: {  	[tilespmem:$0x1220] =	vst v0;
	v0 =	vld [tilespmem:$0x1FB60];
	_ =	sdelay $0x4  }
0x24e: {  	v62 =	vsel vm10, v10, v0;
	v0 =	vld [tilespmem:$0x1F470];
	_ =	sdelay $0x4  }
0x24f: {  	vm10 =	vgt.f32 v0, $1.000000010e-01;
	v0 =	vld [tilespmem:$0xB00];
	_ =	sdelay $0x4  }
0x250: {  	[tilespmem:$0x1F9E0] =	vst v0;
	v0 =	vld [tilespmem:$0x1F480];
	_ =	sdelay $0x4  }
0x251: {  	[tilespmem:$0x1230] =	vst v0;
	v0 =	vld [tilespmem:$0x1F490];
	_ =	sdelay $0x4  }
0x252: {  	v63 =	vadd.s32 v3, v1;
	v1 =	vmul.u32 $0x1388, v0;
	v0 =	vld [tilespmem:$0x1F4A0];
	_ =	sdelay $0x4  }
0x253: {  	v3 =	vmul.u32 $0x1388, v0;
	v0 =	vld [tilespmem:$0x1F4B0];
	_ =	sdelay $0x4  }
0x254: {  	v4 =	vmul.u32 $0x1388, v0;
	v0 =	vld [tilespmem:$0x1000];
	_ =	sdelay $0x4  }
0x255: {  	[tilespmem:$0x1FA30] =	vst v0;
	v0 =	vld [tilespmem:$0x1F4C0];
	_ =	sdelay $0x4  }
0x256: {  	[tilespmem:$0x1240] =	vst v0;
	v0 =	vld [tilespmem:$0x1F4D0];
	_ =	sdelay $0x4  }
0x257: {  	v2 =	vadd.s32 v13, v0;
	v0 =	vld [tilespmem:$0x1F4E0];
	_ =	sdelay $0x4  }
0x258: {  	v9 =	vadd.s32 v13, v0;
	v0 =	vld [tilespmem:$0x1F4F0];
	_ =	sdelay $0x4  }
0x259: {  	v23 =	vadd.s32 v13, v0;
	v0 =	vld [tilespmem:$0x610];
	_ =	sdelay $0x4  }
0x25a: {  	[tilespmem:$0x1F9C0] =	vst v0;
	v0 =	vld [tilespmem:$0x1F500];
	_ =	sdelay $0x4  }
0x25b: {  	[tilespmem:$0x1250] =	vst v0;
	v0 =	vld [tilespmem:$0xB10];
	_ =	sdelay $0x3  }
0x25c: {  	v17 =	vadd.s32 v1, v2;
	v2 =	vld [tilespmem:$0x1010]  }
0x25d: {  	[tilespmem:$0x1F9F0] =	vst v0;
	v0 =	vld [tilespmem:$0x1F510];
	_ =	sdelay $0x2  }
0x25e: {  	v1 =	vld [tilespmem:$0x1F520]  }
0x25f: {  	[tilespmem:$0x1FA50] =	vst v2;
	v2 =	vld [tilespmem:$0x1F530]  }
0x260: {  	[tilespmem:$0x1260] =	vst v0;
	v0 =	vld [tilespmem:$0x1FB70];
	_ =	sdelay $0x3  }
0x261: {  	[tilespmem:$0x1270] =	vst v2;
	v2 =	vld [tilespmem:$0x1F540]  }
0x262: {  	v0 =	vsel vm4, v11, v0;
	vm4 =	vgt.f32 v1, $1.000000010e-01;
	v1 =	vld [tilespmem:$0x1FB80];
	_ =	sdelay $0x4  }
0x263: {  	v1 =	vsel vm13, v15, v1;
	vm13 =	vgt.f32 v2, $1.000000010e-01;
	v2 =	vld [tilespmem:$0x1FB90];
	_ =	sdelay $0x4  }
0x264: {  	v16 =	vsel vm5, v25, v2;
	v2 =	vld [tilespmem:$0x1F550];
	_ =	sdelay $0x4  }
0x265: {  	v46 =	vadd.s32 v4, v23;
	v4 =	vmul.u32 $0x1388, v2;
	v2 =	vld [tilespmem:$0x620];
	_ =	sdelay $0x4  }
0x266: {  	[tilespmem:$0x1F9D0] =	vst v2;
	v2 =	vld [tilespmem:$0x1F560];
	_ =	sdelay $0x4  }
0x267: {  	[tilespmem:$0x1280] =	vst v2;
	v2 =	vld [tilespmem:$0x1F570];
	_ =	sdelay $0x4  }
0x268: {  	vm1 =	vgt.f32 v2, $1.000000010e-01;
	v2 =	vld [tilespmem:$0x1FBA0];
	_ =	sdelay $0x4  }
0x269: {  	v15 =	vsel vm2, v26, v2;
	v2 =	vld [tilespmem:$0x1F580];
	_ =	sdelay $0x4  }
0x26a: {  	v49 =	vadd.s32 v3, v9;
	v9 =	vadd.s32 v13, v2;
	v2 =	vld [tilespmem:$0x1F590];
	_ =	sdelay $0x4  }
0x26b: {  	[tilespmem:$0x1290] =	vst v2;
	v2 =	vld [tilespmem:$0x1F5A0];
	_ =	sdelay $0x4  }
0x26c: {  	vm5 =	vgt.f32 v2, $1.000000010e-01;
	v2 =	vld [tilespmem:$0x1F5B0];
	_ =	sdelay $0x4  }
0x26d: {  	v25 =	vadd.s32 v4, v9;
	v4 =	vmul.u32 $0x1388, v2;
	v2 =	vld [tilespmem:$0x1020];
	_ =	sdelay $0x4  }
0x26e: {  	[tilespmem:$0x1FA70] =	vst v2;
	v2 =	vld [tilespmem:$0x1FBB0];
	_ =	sdelay $0x4  }
0x26f: {  	[tilespmem:$0x12A0] =	vst v14;
	v14 =	vsel vm8, v27, v2;
	v2 =	vld [tilespmem:$0x1F5C0];
	_ =	sdelay $0x4  }
0x270: {  	v9 =	vadd.s32 v13, v2;
	v2 =	vld [tilespmem:$0x1F5D0];
	_ =	sdelay $0x4  }
0x271: {  	v10 =	vmul.u32 $0x1388, v2;
	v2 =	vld [tilespmem:$0x630];
	_ =	sdelay $0x4  }
0x272: {  	[tilespmem:$0x1FA40] =	vst v2;
	v2 =	vld [tilespmem:$0x1F5E0];
	_ =	sdelay $0x4  }
0x273: {  	vm8 =	vgt.f32 v2, $1.000000010e-01;
	v2 =	vld [tilespmem:$0x1F5F0];
	_ =	sdelay $0x4  }
0x274: {  	[tilespmem:$0x12B0] =	vst v22;
	v22 =	vadd.s32 v4, v9;
	v4 =	vadd.s32 v13, v2;
	v2 =	vld [tilespmem:$0xB30];
	_ =	sdelay $0x4  }
0x275: {  	[tilespmem:$0x1FA60] =	vst v2;
	v2 =	vld [tilespmem:$0x1FBC0];
	_ =	sdelay $0x4  }
0x276: {  	v52 =	vadd.s32 v12, v20;
	v12 =	vsel vm11, v28, v2;
	v2 =	vld [tilespmem:$0x1F600];
	_ =	sdelay $0x4  }
0x277: {  	vm11 =	vgt.f32 v2, $1.000000010e-01;
	v2 =	vld [tilespmem:$0x1030];
	_ =	sdelay $0x4  }
0x278: {  	[tilespmem:$0x1FA90] =	vst v2;
	v2 =	vld [tilespmem:$0x1F610];
	_ =	sdelay $0x4  }
0x279: {  	[tilespmem:$0x12D0] =	vst v2;
	v2 =	vld [tilespmem:$0x1F620];
	_ =	sdelay $0x4  }
0x27a: {  	[tilespmem:$0x12C0] =	vst v24;
	v24 =	vadd.s32 v10, v4;
	v4 =	vmul.u32 $0x1388, v2;
	v2 =	vld [tilespmem:$0x1F630];
	_ =	sdelay $0x4  }
0x27b: {  	v11 =	vmul.u32 $0x1388, v2;
	v2 =	vld [tilespmem:$0x1F640];
	_ =	sdelay $0x4  }
0x27c: {  	v28 =	vmul.u32 $0x1388, v2;
	v2 =	vld [tilespmem:$0x640];
	_ =	sdelay $0x4  }
0x27d: {  	[tilespmem:$0x1FA80] =	vst v2;
	v2 =	vld [tilespmem:$0x1F650];
	_ =	sdelay $0x4  }
0x27e: {  	v10 =	vadd.s32 v13, v2;
	v2 =	vld [tilespmem:$0x1F660];
	_ =	sdelay $0x4  }
0x27f: {  	v59 =	vadd.s32 v13, v2;
	v2 =	vld [tilespmem:$0x1F670];
	_ =	sdelay $0x4  }
0x280: {  	v60 =	vadd.s32 v13, v2;
	v2 =	vld [tilespmem:$0x1F680];
	_ =	sdelay $0x4  }
0x281: {  	[tilespmem:$0x12F0] =	vst v2;
	v2 =	vld [tilespmem:$0x1040];
	_ =	sdelay $0x4  }
0x282: {  	[tilespmem:$0x1FAA0] =	vst v2;
	v2 =	vld [tilespmem:$0x1F690];
	_ =	sdelay $0x3  }
0x283: {  	v3 =	vld [tilespmem:$0x1F6A0]  }
0x284: {  	[tilespmem:$0x1300] =	vst v2;
	v2 =	vld [tilespmem:$0x1FBD0];
	_ =	sdelay $0x3  }
0x285: {  	vm2 =	vnez.u8 v3  }
0x286: {  	v6 =	vsel vm2, v36, v2;
	v2 =	vld [tilespmem:$0x1FBE0];
	_ =	sdelay $0x4  }
0x287: {  	v7 =	vsel vm14, v33, v2;
	v2 =	vld [tilespmem:$0x1F6B0];
	_ =	sdelay $0x4  }
0x288: {  	[tilespmem:$0x1310] =	vst v2;
	v2 =	vld [tilespmem:$0x1F6C0];
	_ =	sdelay $0x4  }
0x289: {  	vm14 =	vgt.f32 v2, $1.000000010e-01;
	v2 =	vld [tilespmem:$0x1FBF0];
	_ =	sdelay $0x4  }
0x28a: {  	v8 =	vsel vm9, v37, v2;
	v2 =	vld [tilespmem:$0x1F6D0];
	_ =	sdelay $0x4  }
0x28b: {  	v23 =	vadd.s32 v4, v10;
	v4 =	vmul.u32 $0x1388, v2;
	v2 =	vld [tilespmem:$0x1F6E0];
	_ =	sdelay $0x4  }
0x28c: {  	[tilespmem:$0x1320] =	vst v2;
	v2 =	vld [tilespmem:$0x1F6F0];
	_ =	sdelay $0x4  }
0x28d: {  	vm9 =	vgt.f32 v2, $1.000000010e-01;
	v2 =	vimm.s32 $0x0  }
0x28e: {  	v2 =	vsel vm9, $0xFFFFFFFF, v2  }
0x28f: {  	[tilespmem:$0x1FA00] =	vst v2;
	v2 =	vld [tilespmem:$0x1FC00];
	_ =	sdelay $0x4  }
0x290: {  	v9 =	vsel vm12, v39, v2;
	v2 =	vld [tilespmem:$0x1F700];
	_ =	sdelay $0x4  }
0x291: {  	v50 =	vadd.s32 v11, v59;
	v11 =	vadd.s32 v13, v2;
	v2 =	vld [tilespmem:$0x1050];
	_ =	sdelay $0x4  }
0x292: {  	[tilespmem:$0x1FAB0] =	vst v2;
	v2 =	vld [tilespmem:$0x1F710];
	_ =	sdelay $0x4  }
0x293: {  	[tilespmem:$0x1330] =	vst v2;
	v2 =	vld [tilespmem:$0x1F720];
	_ =	sdelay $0x4  }
0x294: {  	vm12 =	vgt.f32 v2, $1.000000010e-01;
	v2 =	vimm.s32 $0x0  }
0x295: {  	v2 =	vsel vm12, $0xFFFFFFFF, v2  }
0x296: {  	[tilespmem:$0x1FA20] =	vst v2;
	v2 =	vld [tilespmem:$0x1F730];
	_ =	sdelay $0x4  }
0x297: {  	v48 =	vadd.s32 v28, v60;
	v28 =	vadd.s32 v4, v11;
	v4 =	vmul.u32 $0x1388, v2;
	v2 =	vld [tilespmem:$0x1F740];
	_ =	sdelay $0x4  }
0x298: {  	[tilespmem:$0x1340] =	vst v2;
	v2 =	vld [tilespmem:$0x1FC10];
	_ =	sdelay $0x4  }
0x299: {  	v5 =	vsel vm6, v44, v2;
	v2 =	vld [tilespmem:$0x1F750];
	_ =	sdelay $0x4  }
0x29a: {  	v11 =	vadd.s32 v13, v2;
	v2 =	vld [tilespmem:$0x1F760];
	_ =	sdelay $0x4  }
0x29b: {  	v20 =	vmul.u32 $0x1388, v2;
	v2 =	vld [tilespmem:$0x1F770];
	_ =	sdelay $0x4  }
0x29c: {  	[tilespmem:$0x1350] =	vst v2;
	v2 =	vld [tilespmem:$0x1F780];
	_ =	sdelay $0x4  }
0x29d: {  	vm9 =	vgt.f32 v2, $1.000000010e-01;
	v2 =	vld [tilespmem:$0x1F790];
	_ =	sdelay $0x4  }
0x29e: {  	v26 =	vadd.s32 v4, v11;
	v4 =	vadd.s32 v13, v2;
	v2 =	vld [tilespmem:$0x1F7A0];
	_ =	sdelay $0x4  }
0x29f: {  	[tilespmem:$0x1360] =	vst v2;
	v2 =	vld [tilespmem:$0x1FC20];
	_ =	sdelay $0x4  }
0x2a0: {  	v3 =	vsel vm15, v43, v2;
	v2 =	vld [tilespmem:$0x1F7B0];
	_ =	sdelay $0x4  }
0x2a1: {  	vm12 =	vgt.f32 v2, $1.000000010e-01;
	v2 =	vld [tilespmem:$0x1F7C0];
	_ =	sdelay $0x4  }
0x2a2: {  	[tilespmem:$0x1370] =	vst v2;
	v2 =	vld [tilespmem:$0x1F7D0];
	_ =	sdelay $0x4  }
0x2a3: {  	v20 =	vadd.s32 v20, v4;
	v4 =	vmul.u32 $0x1388, v2;
	v2 =	vld [tilespmem:$0x1F7E0];
	_ =	sdelay $0x4  }
0x2a4: {  	v53 =	vmul.u32 $0x1388, v51;
	v51 =	vmul.u32 $0x1388, v18;
	v18 =	vadd.s32 v13, v2;
	v2 =	vld [tilespmem:$0x1F7F0];
	_ =	sdelay $0x4  }
0x2a5: {  	v59 =	vadd.s32 v13, v2;
	v2 =	vld [tilespmem:$0x1F800];
	_ =	sdelay $0x4  }
0x2a6: {  	v60 =	vadd.s32 v13, v2;
	v2 =	vld [tilespmem:$0x1FC30];
	_ =	sdelay $0x3  }
0x2a7: {  	v11 =	vadd.s32 v4, v18;
	v4 =	vld [tilespmem:$0x1F810]  }
0x2a8: {  	[tilespmem:$0x1390] =	vst v29;
	v29 =	vsel vm3, v52, v2;
	v2 =	vld [tilespmem:$0x1FC40];
	_ =	sdelay $0x3  }
0x2a9: {  	vm15 =	vnez.u8 v4  }
0x2aa: {  	v27 =	vadd.s32 v53, v59;
	v59 =	vsel vm15, v45, v2;
	v2 =	vld [tilespmem:$0x1F820];
	_ =	sdelay $0x4  }
0x2ab: {  	vm15 =	vgt.f32 v2, $1.000000010e-01;
	v2 =	vld [tilespmem:$0x1FC50];
	_ =	sdelay $0x4  }
0x2ac: {  	v53 =	vadd.s32 v51, v60;
	v60 =	vsel vm7, v58, v2;
	v2 =	vld [tilespmem:$0x1F830];
	_ =	sdelay $0x4  }
0x2ad: {  	v51 =	vmul.u32 $0x1388, v2;
	v2 =	vld [tilespmem:$0x1F840];
	_ =	sdelay $0x4  }
0x2ae: {  	vm7 =	vgt.f32 v2, $1.000000010e-01;
	v2 =	vld [tilespmem:$0x1FC60];
	_ =	sdelay $0x4  }
0x2af: {  	v21 =	vsel vm10, v21, v2;
	v2 =	vld [tilespmem:$0x1F850];
	_ =	sdelay $0x2  }
0x2b0: {  	v4 =	vld [tilespmem:$0x1F880];
	_ =	sdelay $0x1  }
0x2b1: {  	vm2 =	vgt.f32 v61, $1.000000010e-01;
	v61 =	vadd.s32 v13, v2;
	v2 =	vld [tilespmem:$0x1F860];
	_ =	sdelay $0x1  }
0x2b2: {  	[tilespmem:$0x1400] =	vst v1;
	v1 =	vld [tilespmem:$0x1FC80]  }
0x2b3: {  	v58 =	vadd.s32 v13, v4;
	v4 =	vld [tilespmem:$0x1F8A0];
	_ =	sdelay $0x1  }
0x2b4: {  	vm10 =	vgt.f32 v2, $1.000000010e-01;
	v2 =	vimm.s32 $0x0  }
0x2b5: {  	v2 =	vsel vm10, $0xFFFFFFFF, v2  }
0x2b6: {  	[tilespmem:$0x1FAC0] =	vst v2;
	v2 =	vld [tilespmem:$0x1F870]  }
0x2b7: {  	[tilespmem:$0x13F0] =	vst v0;
	v0 =	vld [tilespmem:$0x1F890];
	v1 =	vsel vm13, v17, v1;
	vm13 =	vgt.f32 v4, $1.000000010e-01;
	v4 =	vimm.s32 $0x0  }
0x2b8: {  	v4 =	vsel vm13, $0xFFFFFFFF, v4  }
0x2b9: {  	[tilespmem:$0x1FAD0] =	vst v4;
	v4 =	vld [tilespmem:$0x1F8C0]  }
0x2ba: {  	[tilespmem:$0x13A0] =	vst v56  }
0x2bb: {  	[tilespmem:$0x13D0] =	vst v57;
	v56 =	vadd.s32 v51, v61;
	v51 =	vmul.u32 $0x1388, v38;
	v57 =	vmul.u32 $0x1388, v2  }
0x2bc: {  	vm10 =	vgt.f32 v0, $1.000000010e-01;
	v0 =	vadd.s32 v13, v47  }
0x2bd: {  	v58 =	vadd.s32 v57, v58;
	v57 =	vadd.s32 v51, v0;
	v0 =	vld [tilespmem:$0x1F8B0]  }
0x2be: {  	[tilespmem:$0x1410] =	vst v16;
	v16 =	vmul.u32 $0x1388, v4;
	v4 =	vld [tilespmem:$0x1F8D0];
	_ =	sdelay $0x3  }
0x2bf: {  	v0 =	vmul.u32 $0x1388, v0  }
0x2c0: {  	[tilespmem:$0x1420] =	vst v15;
	v15 =	vadd.s32 v13, v4  }
0x2c1: {  	v15 =	vadd.s32 v0, v15;
	v0 =	vld [tilespmem:$0x1FC90];
	_ =	sdelay $0x4  }
0x2c2: {  	[tilespmem:$0x1440] =	vst v12;
	v12 =	vsel vm1, v49, v0;
	v0 =	vld [tilespmem:$0x1F8F0];
	_ =	sdelay $0x4  }
0x2c3: {  	vm13 =	vgt.f32 v0, $1.000000010e-01;
	v0 =	vld [tilespmem:$0x1FCA0];
	_ =	sdelay $0x4  }
0x2c4: {  	[tilespmem:$0x1430] =	vst v14;
	v14 =	vsel vm5, v46, v0;
	v0 =	vld [tilespmem:$0x1F900];
	_ =	sdelay $0x4  }
0x2c5: {  	vm6 =	vgt.f32 v0, $1.000000010e-01;
	v0 =	vld [tilespmem:$0x1FCB0];
	_ =	sdelay $0x4  }
0x2c6: {  	v25 =	vsel vm8, v25, v0;
	v0 =	vld [tilespmem:$0x1F910];
	_ =	sdelay $0x1  }
0x2c7: {  	v34 =	vld [tilespmem:$0x5C0]  }
0x2c8: {  	v35 =	vld [tilespmem:$0xAC0]  }
0x2c9: {  	v30 =	vld [tilespmem:$0xB20]  }
0x2ca: {  	[tilespmem:$0x1450] =	vst v6;
	v6 =	vmul.u32 $0x1388, v0;
	v0 =	vld [tilespmem:$0x1F920]  }
0x2cb: {  	[tilespmem:$0x12E0] =	vst v32;
	v32 =	vld [tilespmem:$0xB40]  }
0x2cc: {  	v40 =	vld [tilespmem:$0x660]  }
0x2cd: {  	v41 =	vld [tilespmem:$0x680]  }
0x2ce: {  	[tilespmem:$0x1380] =	vst v42;
	v42 =	vld [tilespmem:$0x1070]  }
0x2cf: {  	[tilespmem:$0x13B0] =	vst v55;
	v55 =	vld [tilespmem:$0xB90];
	vm1 =	vgt.f32 v0, $1.000000010e-01;
	v0 =	vimm.s32 $0x0  }
0x2d0: {  	v34 =	vmul.u32 $0x1388, v34;
	[tilespmem:$0x13C0] =	vst v54;
	v54 =	vld [tilespmem:$0x690];
	v0 =	vsel vm1, $0xFFFFFFFF, v0  }
0x2d1: {  	v35 =	vadd.s32 v13, v35;
	[tilespmem:$0x1FAE0] =	vst v0;
	v0 =	vld [tilespmem:$0x1FCC0]  }
0x2d2: {  	[tilespmem:$0x13E0] =	vst v62;
	v62 =	vadd.s32 v34, v35;
	v34 =	vld [tilespmem:$0x6C0]  }
0x2d3: {  	v35 =	vld [tilespmem:$0xBC0]  }
0x2d4: {  	v17 =	vld [tilespmem:$0x6B0]  }
0x2d5: {  	[tilespmem:$0x1500] =	vst v1;
	v1 =	vld [tilespmem:$0x1FA50]  }
0x2d6: {  	[tilespmem:$0x1460] =	vst v7;
	v7 =	vsel vm11, v22, v0;
	v0 =	vld [tilespmem:$0x1F930]  }
0x2d7: {  	v10 =	vld [tilespmem:$0x6D0]  }
0x2d8: {  	v36 =	vld [tilespmem:$0x650]  }
0x2d9: {  	v33 =	vld [tilespmem:$0xB60]  }
0x2da: {  	v37 =	vld [tilespmem:$0xB50]  }
0x2db: {  	v22 =	vadd.s32 v13, v0;
	v0 =	vld [tilespmem:$0x1F940]  }
0x2dc: {  	v39 =	vld [tilespmem:$0x1060]  }
0x2dd: {  	v44 =	vld [tilespmem:$0xB70]  }
0x2de: {  	v43 =	vld [tilespmem:$0x670]  }
0x2df: {  	v18 =	vld [tilespmem:$0xBB0]  }
0x2e0: {  	vm8 =	vgt.f32 v0, $1.000000010e-01;
	v0 =	vld [tilespmem:$0x1F950]  }
0x2e1: {  	v52 =	vld [tilespmem:$0xB80]  }
0x2e2: {  	vm3 =	vgt.f32 v31, $1.000000010e-01;
	v31 =	vld [tilespmem:$0x6A0]  }
0x2e3: {  	v45 =	vld [tilespmem:$0x1080]  }
0x2e4: {  	v4 =	vld [tilespmem:$0x1F8E0]  }
0x2e5: {  	[tilespmem:$0x1470] =	vst v8;
	v8 =	vadd.s32 v6, v22;
	v22 =	vmul.u32 $0x1388, v0;
	v0 =	vld [tilespmem:$0x1FCD0]  }
0x2e6: {  	[tilespmem:$0x14D0] =	vst v60;
	v60 =	vld [tilespmem:$0x1FD00]  }
0x2e7: {  	[tilespmem:$0x14E0] =	vst v21;
	v21 =	vld [tilespmem:$0x1FCF0]  }
0x2e8: {  	v38 =	vld [tilespmem:$0x1090]  }
0x2e9: {  	v47 =	vadd.s32 v13, v4;
	v4 =	vld [tilespmem:$0x6E0]  }
0x2ea: {  	[tilespmem:$0x1480] =	vst v9;
	v9 =	vsel vm2, v24, v0;
	v0 =	vld [tilespmem:$0x1F960]  }
0x2eb: {  	v16 =	vadd.s32 v16, v47;
	v47 =	vld [tilespmem:$0x10B0]  }
0x2ec: {  	v2 =	vld [tilespmem:$0x1FC70]  }
0x2ed: {  	[tilespmem:$0x1520] =	vst v14;
	v14 =	vld [tilespmem:$0x1FD30]  }
0x2ee: {  	[tilespmem:$0x1530] =	vst v25;
	v25 =	vld [tilespmem:$0x1FD40]  }
0x2ef: {  	v24 =	vadd.s32 v13, v0;
	v0 =	vld [tilespmem:$0x1F970]  }
0x2f0: {  	v51 =	vld [tilespmem:$0x10A0]  }
0x2f1: {  	v2 =	vsel vm4, v63, v2;
	v63 =	vld [tilespmem:$0xBA0]  }
0x2f2: {  	[tilespmem:$0x14F0] =	vst v2;
	v2 =	vld [tilespmem:$0x1FA30]  }
0x2f3: {  	v14 =	vsel vm3, v20, v14;
	v20 =	vld [tilespmem:$0x1FA90]  }
0x2f4: {  	v11 =	vsel vm15, v11, v25;
	v61 =	vmul.u32 $0x1388, v0;
	v0 =	vld [tilespmem:$0x1F980]  }
0x2f5: {  	[tilespmem:$0x15C0] =	vst v11;
	v11 =	vld [tilespmem:$0x1FD90]  }
0x2f6: {  	[tilespmem:$0x1510] =	vst v12;
	v12 =	vld [tilespmem:$0x1FA70]  }
0x2f7: {  	v46 =	vld [tilespmem:$0x10C0]  }
0x2f8: {  	vm3 =	vgt.f32 v20, $1.000000010e-01;
	v20 =	vadd.s32 v13, v32;
	v32 =	vld [tilespmem:$0xC00]  }
0x2f9: {  	vm5 =	vgt.f32 v0, $1.000000010e-01;
	v0 =	vld [tilespmem:$0x1F990]  }
0x2fa: {  	v11 =	vsel vm13, v57, v11;
	v57 =	vadd.s32 v13, v63;
	v63 =	vld [tilespmem:$0x750]  }
0x2fb: {  	[tilespmem:$0x1540] =	vst v7;
	v7 =	vld [tilespmem:$0x1FAA0]  }
0x2fc: {  	[tilespmem:$0x1610] =	vst v11;
	v11 =	vld [tilespmem:$0x1FDE0]  }
0x2fd: {  	[tilespmem:$0x1550] =	vst v9;
	v9 =	vld [tilespmem:$0x1FD50]  }
0x2fe: {  	[tilespmem:$0x1490] =	vst v5;
	v5 =	vadd.s32 v22, v24;
	v22 =	vadd.s32 v13, v0;
	v0 =	vld [tilespmem:$0x1FCE0]  }
0x2ff: {  	v25 =	vmul.u32 $0x1388, v36;
	v6 =	vld [tilespmem:$0xBE0]  }
0x300: {  	vm15 =	vgt.f32 v7, $1.000000010e-01;
	v7 =	vadd.s32 v13, v37;
	v37 =	vld [tilespmem:$0x710]  }
0x301: {  	v7 =	vadd.s32 v25, v7;
	v25 =	vadd.s32 v13, v33;
	v33 =	vld [tilespmem:$0x1110]  }
0x302: {  	vm2 =	vgt.f32 v39, $1.000000010e-01;
	v39 =	vld [tilespmem:$0x720]  }
0x303: {  	[tilespmem:$0x14A0] =	vst v3;
	v9 =	vsel vm7, v27, v9;
	v3 =	vsel vm14, v23, v0;
	v0 =	vld [tilespmem:$0x1F9A0]  }
0x304: {  	[tilespmem:$0x15D0] =	vst v9;
	v9 =	vld [tilespmem:$0x1FDA0]  }
0x305: {  	v24 =	vld [tilespmem:$0xBD0]  }
0x306: {  	vm14 =	vgt.f32 v2, $1.000000010e-01;
	v2 =	vld [tilespmem:$0x1FD10]  }
0x307: {  	v27 =	vld [tilespmem:$0xC10]  }
0x308: {  	vm11 =	vgt.f32 v0, $1.000000010e-01;
	v0 =	vld [tilespmem:$0x1F9B0]  }
0x309: {  	v9 =	vsel vm6, v15, v9;
	v15 =	vld [tilespmem:$0x1FDB0]  }
0x30a: {  	[tilespmem:$0x1620] =	vst v9;
	v9 =	vld [tilespmem:$0x1FDF0]  }
0x30b: {  	v2 =	vsel vm9, v28, v2;
	vm9 =	vgt.f32 v1, $1.000000010e-01;
	v1 =	vld [tilespmem:$0x1FD20]  }
0x30c: {  	[tilespmem:$0x1560] =	vst v3;
	v3 =	vld [tilespmem:$0x1FAB0]  }
0x30d: {  	[tilespmem:$0x14B0] =	vst v29;
	v29 =	vmul.u32 $0x1388, v0;
	v0 =	vld [tilespmem:$0x1F9C0]  }
0x30e: {  	v23 =	vld [tilespmem:$0x10D0]  }
0x30f: {  	v40 =	vmul.u32 $0x1388, v40;
	v28 =	vld [tilespmem:$0x1FA40]  }
0x310: {  	v1 =	vsel vm12, v26, v1;
	v26 =	vld [tilespmem:$0x1FA60]  }
0x311: {  	vm7 =	vgt.f32 v3, $1.000000010e-01;
	v3 =	vadd.s32 v40, v25;
	v25 =	vmul.u32 $0x1388, v43;
	v43 =	vld [tilespmem:$0x1FAC0]  }
0x312: {  	v49 =	vmul.u32 $0x1388, v0;
	v0 =	vld [tilespmem:$0x1F9D0]  }
0x313: {  	[tilespmem:$0x1590] =	vst v2;
	v2 =	vadd.s32 v13, v52;
	v52 =	vld [tilespmem:$0x1FAD0]  }
0x314: {  	v5 =	vsel vm11, v5, v11;
	v11 =	vld [tilespmem:$0xC50];
	v28 =	vmul.u32 $0x1388, v28  }
0x315: {  	[tilespmem:$0x1660] =	vst v5;
	v5 =	vld [tilespmem:$0x1FE30];
	v26 =	vadd.s32 v13, v26  }
0x316: {  	vm12 =	vgt.f32 v12, $1.000000010e-01;
	v12 =	vadd.s32 v28, v26;
	v26 =	vld [tilespmem:$0x1FA80]  }
0x317: {  	v22 =	vadd.s32 v61, v22;
	v61 =	vmul.u32 $0x1388, v0;
	v0 =	vld [tilespmem:$0x1F9E0]  }
0x318: {  	[tilespmem:$0x15A0] =	vst v1;
	v1 =	vld [tilespmem:$0x1FD80]  }
0x319: {  	v30 =	vadd.s32 v13, v30;
	v28 =	vld [tilespmem:$0x700]  }
0x31a: {  	v5 =	vsel vm3, v12, v5;
	v30 =	vadd.s32 v61, v30;
	v61 =	vld [tilespmem:$0x1FA00]  }
0x31b: {  	[tilespmem:$0x16B0] =	vst v5;
	v5 =	vld [tilespmem:$0x1FE80];
	v26 =	vmul.u32 $0x1388, v26  }
0x31c: {  	[tilespmem:$0x14C0] =	vst v59;
	v59 =	vadd.s32 v13, v0;
	v0 =	vld [tilespmem:$0x1F9F0]  }
0x31d: {  	v20 =	vadd.s32 v26, v20;
	v26 =	vld [tilespmem:$0x1100]  }
0x31e: {  	v29 =	vadd.s32 v29, v59;
	v59 =	vld [tilespmem:$0x1FA10]  }
0x31f: {  	vm1 =	vnez.u8 v61;
	v61 =	vld [tilespmem:$0x1FA20]  }
0x320: {  	v21 =	vsel vm1, v50, v21;
	v50 =	vld [tilespmem:$0x6F0]  }
0x321: {  	[tilespmem:$0x1570] =	vst v21;
	v21 =	vld [tilespmem:$0x1FD60];
	v0 =	vadd.s32 v13, v0  }
0x322: {  	v0 =	vadd.s32 v49, v0;
	v49 =	vld [tilespmem:$0x10E0]  }
0x323: {  	vm4 =	vgt.f32 v59, $1.000000010e-01;
	v59 =	vld [tilespmem:$0xBF0]  }
0x324: {  	vm1 =	vnez.u8 v61;
	v61 =	vmul.u32 $0x1388, v54;
	v54 =	vld [tilespmem:$0x730]  }
0x325: {  	v9 =	vsel vm4, v22, v9;
	v22 =	vld [tilespmem:$0x1FE10]  }
0x326: {  	v48 =	vsel vm1, v48, v60;
	v60 =	vld [tilespmem:$0x10F0]  }
0x327: {  	vm1 =	vnez.u8 v43;
	[tilespmem:$0x1670] =	vst v9;
	v9 =	vld [tilespmem:$0x1FE40]  }
0x328: {  	v21 =	vsel vm1, v53, v21;
	v53 =	vld [tilespmem:$0x1FD70]  }
0x329: {  	[tilespmem:$0x1580] =	vst v48;
	v48 =	vld [tilespmem:$0x1120];
	vm1 =	vnez.u8 v52  }
0x32a: {  	v4 =	vmul.u32 $0x1388, v4;
	v1 =	vsel vm1, v58, v1;
	v58 =	vld [tilespmem:$0x1130]  }
0x32b: {  	v6 =	vadd.s32 v13, v6;
	[tilespmem:$0x15E0] =	vst v21;
	v21 =	vld [tilespmem:$0x1FAE0]  }
0x32c: {  	v4 =	vadd.s32 v4, v6;
	v6 =	vmul.u32 $0x1388, v50;
	[tilespmem:$0x1600] =	vst v1;
	v1 =	vld [tilespmem:$0x1FDD0]  }
0x32d: {  	v12 =	vadd.s32 v13, v59;
	v0 =	vsel vm9, v0, v22;
	v22 =	vld [tilespmem:$0xC60]  }
0x32e: {  	v6 =	vadd.s32 v6, v12;
	v12 =	vmul.u32 $0x1388, v28;
	v28 =	vld [tilespmem:$0x1170]  }
0x32f: {  	v9 =	vsel vm15, v20, v9;
	v20 =	vld [tilespmem:$0xC70]  }
0x330: {  	[tilespmem:$0x1690] =	vst v0;
	v0 =	vld [tilespmem:$0x1FE60];
	vm6 =	vnez.u8 v21  }
0x331: {  	v40 =	vsel vm10, v56, v53;
	v56 =	vmul.u32 $0x1388, v41;
	v41 =	vld [tilespmem:$0xC20];
	v16 =	vsel vm6, v16, v15  }
0x332: {  	[tilespmem:$0x1630] =	vst v16;
	v16 =	vld [tilespmem:$0x1FE00]  }
0x333: {  	v53 =	vadd.s32 v13, v55;
	[tilespmem:$0x16C0] =	vst v9;
	v9 =	vld [tilespmem:$0x1FE90]  }
0x334: {  	[tilespmem:$0x15B0] =	vst v14;
	v14 =	vadd.s32 v61, v53;
	v61 =	vld [tilespmem:$0x740]  }
0x335: {  	v21 =	vld [tilespmem:$0xC40]  }
0x336: {  	v17 =	vmul.u32 $0x1388, v17;
	v2 =	vadd.s32 v56, v2;
	v56 =	vld [tilespmem:$0xC30];
	v1 =	vsel vm5, v8, v1  }
0x337: {  	v18 =	vadd.s32 v13, v18;
	[tilespmem:$0x1650] =	vst v1;
	v1 =	vld [tilespmem:$0x1FE20];
	v16 =	vsel vm14, v29, v16  }
0x338: {  	v17 =	vadd.s32 v17, v18;
	v18 =	vmul.u32 $0x1388, v34;
	[tilespmem:$0x1680] =	vst v16;
	v16 =	vld [tilespmem:$0x1FE50]  }
0x339: {  	v15 =	vld [tilespmem:$0x1FDC0];
	v8 =	vadd.s32 v13, v35  }
0x33a: {  	vm1 =	vgt.f32 v45, $1.000000010e-01;
	v8 =	vadd.s32 v18, v8;
	v18 =	vld [tilespmem:$0x1150]  }
0x33b: {  	v2 =	vsel vm1, v2, v5;
	v0 =	vsel vm2, v3, v0;
	vm2 =	vgt.f32 v26, $1.000000010e-01;
	v26 =	vld [tilespmem:$0xC80]  }
0x33c: {  	[tilespmem:$0x1700] =	vst v2;
	v2 =	vld [tilespmem:$0x1FED0];
	v1 =	vsel vm12, v30, v1  }
0x33d: {  	[tilespmem:$0x16A0] =	vst v1;
	v1 =	vld [tilespmem:$0x1FE70];
	v7 =	vsel vm7, v7, v16  }
0x33e: {  	vm13 =	vgt.f32 v38, $1.000000010e-01;
	[tilespmem:$0x16D0] =	vst v7;
	v7 =	vld [tilespmem:$0x1FEA0]  }
0x33f: {  	v44 =	vadd.s32 v13, v44;
	v55 =	vmul.u32 $0x1388, v31;
	v9 =	vsel vm13, v14, v9;
	[tilespmem:$0x16E0] =	vst v0;
	v0 =	vld [tilespmem:$0x1FEB0]  }
0x340: {  	v25 =	vadd.s32 v25, v44;
	[tilespmem:$0x1710] =	vst v9;
	v9 =	vld [tilespmem:$0x1FEE0]  }
0x341: {  	vm10 =	vgt.f32 v42, $1.000000010e-01;
	v38 =	vadd.s32 v55, v57;
	v31 =	vsel vm8, v62, v15;
	v62 =	vld [tilespmem:$0x1140]  }
0x342: {  	vm6 =	vgt.f32 v51, $1.000000010e-01;
	vm8 =	vgt.f32 v23, $1.000000010e-01;
	v23 =	vld [tilespmem:$0x1160];
	v1 =	vsel vm10, v25, v1  }
0x343: {  	[tilespmem:$0x16F0] =	vst v1;
	v1 =	vld [tilespmem:$0x1FEC0];
	v7 =	vsel vm6, v38, v7  }
0x344: {  	v10 =	vmul.u32 $0x1388, v10;
	[tilespmem:$0x1720] =	vst v7;
	v7 =	vld [tilespmem:$0x1FEF0]  }
0x345: {  	vm4 =	vgt.f32 v46, $1.000000010e-01;
	v15 =	vadd.s32 v13, v24;
	v24 =	vld [tilespmem:$0x770]  }
0x346: {  	vm3 =	vgt.f32 v49, $1.000000010e-01;
	vm5 =	vgt.f32 v47, $1.000000010e-01;
	v10 =	vadd.s32 v10, v15;
	v15 =	vld [tilespmem:$0x760]  }
0x347: {  	vm1 =	vgt.f32 v33, $1.000000010e-01;
	vm12 =	vgt.f32 v60, $1.000000010e-01;
	v29 =	vld [tilespmem:$0x1190];
	v0 =	vsel vm5, v17, v0  }
0x348: {  	v30 =	vmul.u32 $0x1388, v54;
	v2 =	vsel vm8, v10, v2;
	[tilespmem:$0x1730] =	vst v0;
	v0 =	vld [tilespmem:$0x1FF00];
	v1 =	vsel vm4, v8, v1  }
0x349: {  	v10 =	vadd.s32 v13, v21;
	v17 =	vadd.s32 v13, v56;
	[tilespmem:$0x1740] =	vst v1;
	v1 =	vld [tilespmem:$0x1FF10];
	v6 =	vsel vm12, v6, v7  }
0x34a: {  	v16 =	vadd.s32 v13, v32;
	v8 =	vadd.s32 v30, v17;
	v30 =	vmul.u32 $0x1388, v61;
	[tilespmem:$0x1770] =	vst v6;
	v6 =	vld [tilespmem:$0x1FF50]  }
0x34b: {  	v21 =	vld [tilespmem:$0xCA0];
	v4 =	vsel vm3, v4, v9;
	v3 =	vadd.s32 v12, v16;
	v12 =	vmul.u32 $0x1388, v37  }
0x34c: {  	[tilespmem:$0x1750] =	vst v2;
	v2 =	vld [tilespmem:$0x1FF20];
	v25 =	vadd.s32 v13, v27;
	v9 =	vadd.s32 v30, v10;
	v10 =	vmul.u32 $0x1388, v63  }
0x34d: {  	[tilespmem:$0x1760] =	vst v4;
	v4 =	vld [tilespmem:$0x1FF40];
	v0 =	vsel vm2, v3, v0;
	v5 =	vadd.s32 v12, v25;
	v7 =	vadd.s32 v13, v11  }
0x34e: {  	v27 =	vld [tilespmem:$0x790];
	v1 =	vsel vm1, v5, v1;
	vm1 =	vgt.f32 v18, $1.000000010e-01;
	v3 =	vadd.s32 v10, v7  }
0x34f: {  	v3 =	vsel vm1, v3, v6;
	v6 =	vld [tilespmem:$0x1FF60]  }
0x350: {  	v14 =	vadd.s32 v13, v41;
	vm14 =	vgt.f32 v48, $1.000000010e-01;
	v16 =	vld [tilespmem:$0x780]  }
0x351: {  	vm3 =	vgt.f32 v62, $1.000000010e-01;
	v12 =	vmul.u32 $0x1388, v39;
	v7 =	vmul.u32 $0x1388, v15;
	[tilespmem:$0x1790] =	vst v1;
	v1 =	vld [tilespmem:$0x1FF70]  }
0x352: {  	vm2 =	vgt.f32 v23, $1.000000010e-01;
	v25 =	vld [tilespmem:$0x1180];
	v4 =	vsel vm3, v9, v4;
	v5 =	vadd.s32 v13, v22  }
0x353: {  	v12 =	vadd.s32 v12, v14;
	v9 =	vmul.u32 $0x1388, v24;
	[tilespmem:$0x17C0] =	vst v4;
	v4 =	vld [tilespmem:$0x1FF80];
	v5 =	vadd.s32 v7, v5  }
0x354: {  	v2 =	vsel vm14, v12, v2;
	v12 =	vld [tilespmem:$0x1FF30];
	v5 =	vsel vm2, v5, v6;
	v6 =	vadd.s32 v13, v20  }
0x355: {  	[tilespmem:$0x1780] =	vst v0;
	v14 =	vld [tilespmem:$0xC90];
	vm1 =	vgt.f32 v28, $1.000000010e-01;
	v0 =	vadd.s32 v9, v6;
	v6 =	vmul.u32 $0x1388, v16  }
0x356: {  	v17 =	vld [tilespmem:$0x7A0];
	v0 =	vsel vm1, v0, v1;
	v1 =	vadd.s32 v13, v26  }
0x357: {  	v30 =	vld [tilespmem:$0x11A0];
	vm1 =	vgt.f32 v25, $1.000000010e-01;
	v1 =	vadd.s32 v6, v1  }
0x358: {  	vm15 =	vgt.f32 v58, $1.000000010e-01;
	v1 =	vsel vm1, v1, v4;
	v4 =	vld [tilespmem:$0x1FF90]  }
0x359: {  	v8 =	vsel vm15, v8, v12;
	v12 =	vld [tilespmem:$0xCC0]  }
0x35a: {  	v11 =	vld [tilespmem:$0x7B0];
	v16 =	vmul.u32 $0x1388, v27  }
0x35b: {  	[tilespmem:$0x17A0] =	vst v2;
	v2 =	vadd.s32 v13, v14;
	v10 =	vld [tilespmem:$0xCB0]  }
0x35c: {  	vm2 =	vgt.f32 v29, $1.000000010e-01;
	[tilespmem:$0x17E0] =	vst v5;
	v5 =	vld [tilespmem:$0x1FFA0];
	v2 =	vadd.s32 v16, v2  }
0x35d: {  	[tilespmem:$0x17B0] =	vst v8;
	v15 =	vld [tilespmem:$0x11B0];
	v2 =	vsel vm2, v2, v4  }
0x35e: {  	v8 =	vmul.u32 $0x1388, v17;
	[tilespmem:$0x1810] =	vst v2;
	v2 =	vld [tilespmem:$0x1FFB0]  }
0x35f: {  	v18 =	vld [tilespmem:$0x11C0];
	v4 =	vadd.s32 v13, v21  }
0x360: {  	v7 =	vld [tilespmem:$0x7C0];
	[tilespmem:$0x17D0] =	vst v3;
	vm1 =	vgt.f32 v30, $1.000000010e-01;
	v3 =	vadd.s32 v8, v4;
	v4 =	vmul.u32 $0x1388, v11  }
0x361: {  	v20 =	vld [tilespmem:$0xCD0];
	v3 =	vsel vm1, v3, v5;
	v5 =	vadd.s32 v13, v10  }
0x362: {  	v9 =	vld [tilespmem:$0x7D0];
	[tilespmem:$0x17F0] =	vst v0;
	vm1 =	vgt.f32 v15, $1.000000010e-01;
	v0 =	vadd.s32 v4, v5  }
0x363: {  	v0 =	vsel vm1, v0, v2;
	v2 =	vld [tilespmem:$0x1FFC0]  }
0x364: {  	v6 =	vld [tilespmem:$0x11D0]  }
0x365: {  	v7 =	vmul.u32 $0x1388, v7;
	[tilespmem:$0x1830] =	vst v0;
	v0 =	vld [tilespmem:$0x1FFD0]  }
0x366: {  	v4 =	vadd.s32 v13, v12  }
0x367: {  	[tilespmem:$0x1800] =	vst v1;
	vm2 =	vgt.f32 v18, $1.000000010e-01;
	v1 =	vadd.s32 v7, v4;
	v4 =	vmul.u32 $0x1388, v9  }
0x368: {  	v14 =	vld [tilespmem:$0x7E0];
	v1 =	vsel vm2, v1, v2;
	v2 =	vadd.s32 v13, v20  }
0x369: {  	v16 =	vld [tilespmem:$0xCE0];
	vm1 =	vgt.f32 v6, $1.000000010e-01;
	v2 =	vadd.s32 v4, v2  }
0x36a: {  	v8 =	vld [tilespmem:$0x11E0];
	v0 =	vsel vm1, v2, v0  }
0x36b: {  	[tilespmem:$0x1850] =	vst v0;
	v0 =	vld [tilespmem:$0x1FFE0];
	_ =	sdelay $0x1  }
0x36c: {  	[tilespmem:$0x1820] =	vst v3;
	v3 =	vmul.u32 $0x1388, v14  }
0x36d: {  	v10 =	vld [tilespmem:$0x7F0];
	v2 =	vadd.s32 v13, v16  }
0x36e: {  	v5 =	vld [tilespmem:$0xCF0];
	[tilespmem:$0x1840] =	vst v1;
	vm1 =	vgt.f32 v8, $1.000000010e-01;
	v1 =	vadd.s32 v3, v2  }
0x36f: {  	v7 =	vld [tilespmem:$0x11F0];
	v0 =	vsel vm1, v1, v0  }
0x370: {  	[tilespmem:$0x1860] =	vst v0;
	v0 =	vld [tilespmem:$0x1FFF0];
	_ =	sdelay $0x1  }
0x371: {  	v4 =	vmul.u32 $0x1388, v10  }
0x372: {  	v2 =	vadd.s32 v13, v5  }
0x373: {  	[tilespmem:$0x15F0] =	vst v40;
	v1 =	vadd.s32 v4, v2;
	vm1 =	vgt.f32 v7, $1.000000010e-01  }
0x374: {  	[tilespmem:$0x1640] =	vst v31;
	v0 =	vsel vm1, v1, v0  }
0x375: {  	s18 =	simm.s32 $0x1880;
	[tilespmem:$0x1870] =	vst v0  }
0x376: {  	[hbm4b:s10+s24] =	stream.indirect.scatter [tilespmem:s18], [sflag:$0x3], $0x1, s6, s24, $0xb8;
	[tilespmem:$0x6E80] =	vst v63  }
0x377: {  	_ =	swait.ge [sflag:s2], $0x80  }
0x378: {  	[sflag:s2] =	ssyncset.done $0x0  }
0x379: {  	[sflag:s2] =	ssyncadd.s32 $0xFFFFFF80  }
0x37a: {  	_ =	swait.ge [sflag:s2], $0x80  }
0x37b: {  	[sflag:s2] =	ssyncset.done $0x0  }
0x37c: {  	[sflag:s2] =	ssyncadd.s32 $0xFFFFFF80  }
0x37d: {  	_ =	swait.ge [sflag:s2], $0x620  }
0x37e: {  	[sflag:s2] =	ssyncset.done $0x0  }
0x37f: {  	[sflag:s2] =	ssyncadd.s32 $0xFFFFF9E0  }
0x380: {  	_ =	swait.ge [sflag:s2], $0x620  }
0x381: {  	[sflag:s2] =	ssyncset.done $0x0  }
0x382: {  	[sflag:s2] =	ssyncadd.s32 $0xFFFFF9E0  }
0x383: {  	_ =	swait.ge [sflag:s2], $0xC40  }
0x384: {  	[sflag:s2] =	ssyncset.done $0x0  }
0x385: {  	[sflag:s2] =	ssyncadd.s32 $0xFFFFF3C0  }
0x386: {  	_ =	swait.ge [sflag:s2], $0x620  }
0x387: {  	[sflag:s2] =	ssyncset.done $0x0  }
0x388: {  	[sflag:s2] =	ssyncadd.s32 $0xFFFFF9E0  }
0x389: {  	_ =	swait.ge [sflag:s2], $0x620  }
0x38a: {  	[sflag:s2] =	ssyncset.done $0x0  }
0x38b: {  	[sflag:s2] =	ssyncadd.s32 $0xFFFFF9E0  }
0x38c: {  	_ =	swait.ge [sflag:s2], $0xC40  }
0x38d: {  	[sflag:s2] =	ssyncset.done $0x0  }
0x38e: {  	[sflag:s2] =	ssyncadd.s32 $0xFFFFF3C0  }
0x38f: {  	_ =	swait.ge [sflag:s2], $0x620  }
0x390: {  	[sflag:s2] =	ssyncset.done $0x0  }
0x391: {  	[sflag:s2] =	ssyncadd.s32 $0xFFFFF9E0  }
0x392: {  	_ =	swait.ge [sflag:s2], $0x620  }
0x393: {  	[sflag:s2] =	ssyncset.done $0x0  }
0x394: {  	[sflag:s2] =	ssyncadd.s32 $0xFFFFF9E0  }
0x395: {  	_ =	swait.ge [sflag:s2], $0xC40  }
0x396: {  	[sflag:s2] =	ssyncset.done $0x0  }
0x397: {  	[sflag:s2] =	ssyncadd.s32 $0xFFFFF3C0  }
0x398: {  	v0 =	vld [tilespmem:$0x6D00];
	_ =	sdelay $0x1  }
0x399: {  	s29 =	simm.s32 $0x0  }
0x39a: {  	v1 =	vld [tilespmem:s29+$0x3400]  }
0x39b: {  	v2 =	vld [tilespmem:s29+$0x3A80]  }
0x39c: {  	v21 =	vbroadcast v0, $0x0;
	v24 =	vbroadcast v0, $0x1  }
0x39d: {  	v25 =	vbroadcast v0, $0x2;
	v27 =	vbroadcast v0, $0x4  }
0x39e: {  	v3 =	vld [tilespmem:s29+$0x4100];
	v28 =	vbroadcast v0, $0x5;
	v29 =	vbroadcast v0, $0x6  }
0x39f: {  	v22 =	vbroadcast v0, $0x8;
	v23 =	vbroadcast v0, $0x9  }
0x3a0: {  	v4 =	vmul.f32 v1, v21;
	v5 =	vmul.f32 v2, v24  }
0x3a1: {  	v6 =	vmul.f32 v1, v27;
	v8 =	vmul.f32 v2, v28  }
0x3a2: {  	s30 =	simm.s32 $0x10;
	v10 =	vld [tilespmem:s29+$0x2080];
	v1 =	vmul.f32 v1, v22;
	v2 =	vmul.f32 v2, v23  }
0x3a3: {  	v26 =	vbroadcast v0, $0xA;
	v9 =	vmul.f32 v3, v25;
	v4 =	vadd.f32 v5, v4;
	v5 =	vld [tilespmem:s30+$0x3400]  }
0x3a4: {  	v6 =	vadd.f32 v8, v6;
	v8 =	vmul.f32 v3, v29;
	v1 =	vadd.f32 v2, v1;
	v2 =	vld [tilespmem:s30+$0x3A80]  }
0x3a5: {  	v11 =	vld [tilespmem:s29+$0x2700];
	v30 =	vbroadcast v0, $0x3;
	v3 =	vmul.f32 v3, v26  }
0x3a6: {  	v31 =	vbroadcast v0, $0x7;
	v4 =	vadd.f32 v9, v4;
	v6 =	vadd.f32 v8, v6;
	v8 =	vld [tilespmem:s29+$0x2D80]  }
0x3a7: {  	v32 =	vbroadcast v0, $0xB;
	v0 =	vadd.f32 v3, v1  }
0x3a8: {  	v7 =	vld [tilespmem:s30+$0x4100];
	v4 =	vadd.f32 v4, v30;
	v1 =	vadd.f32 v6, v31;
	v6 =	vmul.f32 v5, v21  }
0x3a9: {  	v0 =	vadd.f32 v0, v32;
	v9 =	vmul.f32 v2, v24;
	v12 =	vmul.f32 v2, v28  }
0x3aa: {  	v2 =	vmul.f32 v2, v23;
	v3 =	vsub.f32 v10, v4;
	v1 =	vsub.f32 v11, v1  }
0x3ab: {  	v11 =	vmul.f32 v5, v27;
	v5 =	vmul.f32 v5, v22;
	v0 =	vsub.f32 v8, v0  }
0x3ac: {  	s0 =	simm.s32 $0x20;
	v9 =	vadd.f32 v9, v6;
	v6 =	vld [tilespmem:s30+$0x2080];
	v8 =	vmul.f32 v3, v3;
	v10 =	vmul.f32 v1, v1  }
0x3ad: {  	v4 =	vmul.f32 v7, v25;
	v3 =	vld [tilespmem:s0+$0x4100];
	v11 =	vadd.f32 v12, v11;
	v12 =	vmul.f32 v7, v29  }
0x3ae: {  	v2 =	vadd.f32 v2, v5;
	v5 =	vld [tilespmem:s0+$0x3400];
	v0 =	vmul.f32 v0, v0;
	v10 =	vadd.f32 v10, v8  }
0x3af: {  	v13 =	vmul.f32 v7, v26;
	v1 =	vld [tilespmem:$0x6D80];
	v9 =	vadd.f32 v4, v9  }
0x3b0: {  	p3 =	slt.u32 s17, $0xC350;
	vm1 =	vmmov vm0;
	v7 =	vld [tilespmem:s0+$0x3A80];
	v0 =	vadd.f32 v10, v0;
	v10 =	vadd.f32 v12, v11  }
0x3b1: {  	vm1 =	vmneg @p3 vm1;
	v8 =	vld [tilespmem:s30+$0x2700];
	v11 =	vadd.f32 v9, v30;
	v12 =	vadd.f32 v13, v2  }
0x3b2: {  	s7 =	simm.s32 $0xC0;
	s6 =	smov.u32 s17;
	v9 =	vld [tilespmem:s30+$0x2D80];
	v2 =	vimm.f32 $0.0e+00;
	v4 =	vmul.f32 v3, v25;
	vm2 =	vlt.f32 v0, $9.999999770e-03  }
.LBB2_2:
0x3b3: {  	v0 =	vmul.f32 v5, v22  }
0x3b4: {  	p3 =	sne.s32 s7, $0x1840;
	v10 =	vadd.f32 v10, v31;
	vm1 =	vmand vm1, vm2;
	v15 =	vmul.f32 v5, v27  }
0x3b5: {  	v6 =	vsub.f32 v6, v11;
	v11 =	vadd.f32 v12, v32;
	v12 =	vsel vm1, $0x3F800000, v19  }
0x3b6: {  	v13 =	vmul.f32 v7, v23;
	v8 =	vsub.f32 v8, v10;
	v2 =	vadd.f32 v12, v2  }
0x3b7: {  	s3 =	sshra.s32 s7, $0x2;
	v10 =	vmul.f32 v5, v21;
	v12 =	vmul.f32 v7, v24  }
0x3b8: {  	v14 =	vld [tilespmem:s3+$0x4100];
	v9 =	vsub.f32 v9, v11;
	v11 =	vmul.f32 v6, v6;
	v8 =	vmul.f32 v8, v8  }
0x3b9: {  	v16 =	vmul.f32 v3, v26;
	v7 =	vmul.f32 v7, v28;
	v6 =	vld [tilespmem:s0+$0x2080]  }
.Ltmp0:
0x3ba: {  	v10 =	vadd.f32 v12, v10;
	v5 =	vld [tilespmem:s3+$0x3400];
	v11 =	vadd.f32 v8, v11;
	v9 =	vmul.f32 v9, v9;
	(pc) =	sbr.rel @p3 .LBB2_2-.Ltmp0, $4  }
0x3bb: {  	s6 =	sadd.s32 $0x10, s6;
	v12 =	vadd.f32 v7, v15;
	v15 =	vmul.f32 v3, v29;
	v0 =	vadd.f32 v13, v0;
	v8 =	vld [tilespmem:s0+$0x2700]  }
0x3bc: {  	p4 =	slt.u32 s6, $0xC350;
	vm1 =	vmmov vm0;
	v13 =	vadd.f32 v4, v10;
	v7 =	vld [tilespmem:s3+$0x3A80];
	v17 =	vadd.f32 v11, v9  }
0x3bd: {  	vm1 =	vmneg @p4 vm1;
	v10 =	vadd.f32 v15, v12;
	v4 =	vmul.f32 v14, v25;
	v3 =	vmovc v14  }
0x3be: {  	s7 =	sadd.s32 $0x40, s7;
	v12 =	vadd.f32 v16, v0;
	v11 =	vadd.f32 v13, v30;
	v9 =	vld [tilespmem:s0+$0x2D80];
	vm2 =	vlt.f32 v17, $9.999999770e-03;
	s0 =	smov.u32 s3  }
0x3bf: {  	v0 =	vmul.f32 v5, v22  }
0x3c0: {  	v10 =	vadd.f32 v10, v31;
	vm1 =	vmand vm1, vm2;
	v34 =	vbroadcast v1, $0x4  }
0x3c1: {  	v35 =	vbroadcast v1, $0x5;
	v6 =	vsub.f32 v6, v11;
	v11 =	vmul.f32 v5, v21  }
0x3c2: {  	vm2 =	vmmov vm0;
	v5 =	vmul.f32 v5, v27;
	v13 =	vmul.f32 v7, v24  }
0x3c3: {  	v12 =	vadd.f32 v12, v32;
	v15 =	vmul.f32 v7, v28;
	v7 =	vmul.f32 v7, v23  }
0x3c4: {  	v14 =	vld [tilespmem:s0+$0x2080];
	v8 =	vsub.f32 v8, v10;
	v6 =	vmul.f32 v6, v6;
	v10 =	vadd.f32 v13, v11  }
0x3c5: {  	v11 =	vld [tilespmem:s0+$0x2700];
	v9 =	vsub.f32 v9, v12;
	v5 =	vadd.f32 v15, v5;
	v12 =	vmul.f32 v3, v29  }
0x3c6: {  	v13 =	vld [tilespmem:s0+$0x2D80];
	v8 =	vmul.f32 v8, v8;
	_ =	swait.ge [sflag:s25], $0x180;
	v0 =	vadd.f32 v7, v0;
	v3 =	vmul.f32 v3, v26  }
0x3c7: {  	v36 =	vbroadcast v1, $0x0;
	[sflag:s25] =	ssyncset.done $0x0;
	v4 =	vadd.f32 v4, v10;
	v5 =	vadd.f32 v12, v5  }
0x3c8: {  	s3 =	simm.s32 $0x500;
	v6 =	vadd.f32 v8, v6;
	v7 =	vmul.f32 v9, v9;
	[sflag:s25] =	ssyncadd.s32 $0xFFFFFE80;
	v0 =	vadd.f32 v3, v0  }
0x3c9: {  	s18 =	simm.s32 $0x1380;
	s7 =	simm.s32 $0x1A00;
	v37 =	vbroadcast v1, $0x6;
	[bflag:$0x0] =	sbarrier.arrive $0xFFFF;
	v4 =	vadd.f32 v4, v30;
	v3 =	vadd.f32 v5, v31  }
0x3ca: {  	v38 =	vbroadcast v1, $0x1;
	v5 =	vadd.f32 v6, v7;
	[hbm4b:s10+s3] =	stream.indirect.scatter [tilespmem:s7], [sflag:$0x3], $0x1, s18, s3, $0xb8;
	v0 =	vadd.f32 v0, v32;
	[tilespmem:$0x6E80] =	vst v63  }
0x3cb: {  	v39 =	vbroadcast v1, $0x2;
	s7 =	simm.s32 $0x0;
	v4 =	vsub.f32 v14, v4;
	v3 =	vsub.f32 v11, v3  }
0x3cc: {  	v40 =	vbroadcast v1, $0x7;
	s0 =	sadd.s32 $0x10, s6;
	v6 =	vsel vm1, $0x3F800000, v19;
	v7 =	vld [tilespmem:s7+$0x4780];
	vm1 =	vlt.f32 v5, $9.999999770e-03  }
0x3cd: {  	p3 =	slt.u32 s0, $0xC350;
	v5 =	vld [tilespmem:s7+$0x5400];
	v0 =	vsub.f32 v13, v0;
	v4 =	vmul.f32 v4, v4;
	v3 =	vmul.f32 v3, v3  }
0x3ce: {  	v41 =	vbroadcast v1, $0x8;
	vm2 =	vmneg @p3 vm2;
	v2 =	vadd.f32 v6, v2  }
0x3cf: {  	vm1 =	vmand vm2, vm1;
	v0 =	vmul.f32 v0, v0;
	v3 =	vadd.f32 v3, v4;
	v4 =	vld [tilespmem:s7+$0x6080]  }
0x3d0: {  	v42 =	vbroadcast v1, $0x9;
	v43 =	vbroadcast v1, $0xA;
	v6 =	vsel vm1, $0x3F800000, v19  }
0x3d1: {  	v2 =	vadd.f32 v6, v2;
	v6 =	vmul.f32 v7, v34;
	v0 =	vadd.f32 v3, v0  }
0x3d2: {  	s18 =	simm.s32 $0x10;
	v8 =	vmul.f32 v7, v36;
	v3 =	vmul.f32 v5, v35  }
0x3d3: {  	v11 =	vld [tilespmem:s18+$0x4780];
	v10 =	vmul.f32 v7, v41;
	v9 =	vmul.f32 v5, v42;
	vm2 =	vlt.f32 v0, $9.999999770e-03  }
0x3d4: {  	s0 =	sadd.s32 $0x10, s0;
	v3 =	vadd.f32 v3, v6;
	v6 =	vmul.f32 v5, v38;
	v0 =	vmul.f32 v4, v37  }
0x3d5: {  	v44 =	vbroadcast v1, $0x3;
	p3 =	slt.u32 s0, $0xC350;
	vm1 =	vmmov vm0;
	v9 =	vadd.f32 v9, v10;
	v10 =	vld [tilespmem:s18+$0x6080]  }
0x3d6: {  	vm1 =	vmneg @p3 vm1;
	v6 =	vadd.f32 v6, v8;
	v8 =	vld [tilespmem:s18+$0x5400];
	v0 =	vadd.f32 v0, v3  }
0x3d7: {  	v45 =	vbroadcast v1, $0xB;
	vm1 =	vmand vm1, vm2;
	v3 =	vmul.f32 v4, v39  }
0x3d8: {  	v13 =	vmul.f32 v11, v36;
	v12 =	vsel vm1, $0x3F800000, v19;
	v0 =	vadd.f32 v0, v40  }
0x3d9: {  	v17 =	vmul.f32 v11, v41;
	v20 =	vadd.f32 v12, v2;
	v3 =	vadd.f32 v3, v6  }
0x3da: {  	v15 =	vmul.f32 v10, v37;
	v6 =	vmul.f32 v4, v43;
	v0 =	vsub.f32 v0, v31  }
0x3db: {  	v16 =	vmul.f32 v10, v39;
	v1 =	vadd.f32 v3, v44;
	v12 =	vmul.f32 v8, v38  }
0x3dc: {  	v2 =	vadd.f32 v6, v9;
	v9 =	vmul.f32 v11, v34;
	v3 =	vmul.f32 v0, v29  }
0x3dd: {  	v6 =	vsub.f32 v1, v30;
	v1 =	vmul.f32 v8, v35;
	v12 =	vadd.f32 v12, v13  }
0x3de: {  	v2 =	vadd.f32 v2, v45;
	v14 =	vmul.f32 v0, v28;
	v13 =	vmul.f32 v8, v42  }
0x3df: {  	v1 =	vadd.f32 v1, v9;
	v9 =	vmul.f32 v6, v24;
	v12 =	vadd.f32 v16, v12  }
0x3e0: {  	v2 =	vsub.f32 v2, v32;
	v16 =	vmul.f32 v10, v43;
	v13 =	vadd.f32 v13, v17  }
0x3e1: {  	s3 =	simm.s32 $0x20;
	v1 =	vadd.f32 v15, v1;
	v15 =	vmul.f32 v6, v25;
	v12 =	vadd.f32 v12, v44  }
0x3e2: {  	v13 =	vadd.f32 v16, v13;
	v9 =	vadd.f32 v14, v9;
	v14 =	vmul.f32 v2, v23;
	v16 =	vld [tilespmem:s3+$0x5400]  }
0x3e3: {  	v0 =	vmul.f32 v0, v27;
	v1 =	vadd.f32 v1, v40;
	v3 =	vadd.f32 v3, v15  }
0x3e4: {  	v15 =	vmul.f32 v2, v26;
	v12 =	vsub.f32 v12, v30;
	v9 =	vadd.f32 v9, v14  }
0x3e5: {  	v13 =	vadd.f32 v13, v45;
	v2 =	vmul.f32 v2, v22;
	v1 =	vsub.f32 v1, v31  }
0x3e6: {  	v3 =	vadd.f32 v3, v15;
	v5 =	vsub.f32 v9, v5;
	v46 =	vmul.f32 v12, v25  }
0x3e7: {  	v9 =	vsub.f32 v13, v32;
	v13 =	vld [tilespmem:s3+$0x6080];
	v47 =	vmul.f32 v16, v35;
	v15 =	vmul.f32 v1, v29  }
0x3e8: {  	v14 =	vmul.f32 v1, v28;
	v17 =	vmul.f32 v1, v27;
	v3 =	vsub.f32 v3, v4  }
0x3e9: {  	v1 =	vld [tilespmem:s3+$0x4780];
	v4 =	vmul.f32 v6, v21;
	v6 =	vmul.f32 v12, v24  }
0x3ea: {  	v57 =	vmul.f32 v16, v42;
	v12 =	vmul.f32 v12, v21;
	v18 =	vand.u32 $0x7FFFFFFF, v3  }
0x3eb: {  	v0 =	vadd.f32 v0, v4;
	v4 =	vadd.f32 v14, v6;
	v6 =	vmul.f32 v9, v26  }
0x3ec: {  	v14 =	vmul.f32 v16, v38;
	v15 =	vadd.f32 v15, v46;
	v49 =	vmul.f32 v13, v37  }
0x3ed: {  	v58 =	vmul.f32 v13, v39;
	v50 =	vmul.f32 v13, v43;
	v0 =	vadd.f32 v0, v2  }
0x3ee: {  	v6 =	vadd.f32 v15, v6;
	v2 =	vmul.f32 v1, v34;
	v48 =	vmul.f32 v1, v36  }
0x3ef: {  	v59 =	vmul.f32 v1, v41;
	v0 =	vsub.f32 v0, v7;
	v7 =	vand.u32 $0x7FFFFFFF, v5  }
0x3f0: {  	s6 =	simm.s32 $0x30;
	v6 =	vsub.f32 v6, v10;
	v10 =	vmul.f32 v9, v23;
	v2 =	vadd.f32 v47, v2  }
0x3f1: {  	v9 =	vmul.f32 v9, v22;
	v14 =	vadd.f32 v14, v48;
	v46 =	vadd.f32 v57, v59;
	v48 =	vld [tilespmem:s6+$0x5400]  }
0x3f2: {  	v60 =	vand.u32 $0x7FFFFFFF, v0;
	v4 =	vadd.f32 v4, v10;
	v2 =	vadd.f32 v49, v2  }
0x3f3: {  	v14 =	vadd.f32 v58, v14;
	v7 =	vmax.f32 v60, v7;
	v15 =	vadd.f32 v50, v46;
	v46 =	vld [tilespmem:s6+$0x6080]  }
0x3f4: {  	v18 =	vmax.f32 v7, v18;
	v4 =	vsub.f32 v4, v8;
	v2 =	vadd.f32 v2, v40  }
0x3f5: {  	v8 =	vadd.f32 v17, v12;
	v7 =	vadd.f32 v14, v44;
	v14 =	vmax.f32 v18, $1.000000000e-30  }
0x3f6: {  	(erf) = vrcp.f32 v14;
	v56 =	vmul.f32 v48, v35;
	v61 =	vsub.f32 v2, v31  }
0x3f7: {  	v58 =	vmul.f32 v48, v42;
	v47 =	vsub.f32 v7, v30;
	v7 =	vadd.f32 v15, v45;
	v2 =	vld [tilespmem:s6+$0x4780]  }
0x3f8: {  	v8 =	vadd.f32 v8, v9;
	v51 =	vmul.f32 v46, v37;
	v53 =	vmul.f32 v46, v39  }
0x3f9: {  	v15 =	vmul.f32 v61, v28;
	v62 =	vmul.f32 v47, v24;
	v63 =	vsub.f32 v7, v32  }
0x3fa: {  	v57 =	vand.u32 $0x7FFFFFFF, v4;
	v14 =	vmul.f32 v61, v29;
	v10 =	vmul.f32 v61, v27  }
0x3fb: {  	v12 =	vadd.f32 v15, v62;
	v15 =	vmul.f32 v47, v25;
	v17 =	vmul.f32 v63, v26  }
0x3fc: {  	v8 =	vsub.f32 v8, v11;
	v9 =	vmul.f32 v2, v34;
	v54 =	vmul.f32 v2, v41  }
0x3fd: {  	v11 =	vmul.f32 v2, v36;
	v14 =	vadd.f32 v14, v15;
	v15 =	vmul.f32 v48, v38  }
0x3fe: {  	v7 =	vand.u32 $0x7FFFFFFF, v6;
	v9 =	vadd.f32 v56, v9;
	v59 =	vadd.f32 v58, v54  }
0x3ff: {  	v52 =	vpop (erf);
	v11 =	vadd.f32 v15, v11;
	v15 =	vand.u32 $0x7FFFFFFF, v8;
	v14 =	vadd.f32 v14, v17  }
0x400: {  	v17 =	vmul.f32 v63, v23;
	v3 =	vmul.f32 v52, v3;
	v15 =	vmax.f32 v15, v57  }
0x401: {  	v9 =	vadd.f32 v51, v9;
	v5 =	vmul.f32 v52, v5;
	v7 =	vmax.f32 v15, v7  }
0x402: {  	v0 =	vmul.f32 v52, v0;
	v11 =	vadd.f32 v53, v11;
	v60 =	vmax.f32 v7, $1.000000000e-30  }
0x403: {  	v15 =	vmul.f32 v46, v43;
	v12 =	vadd.f32 v12, v17;
	(erf) = vrcp.f32 v60  }
0x404: {  	s7 =	simm.s32 $0x40;
	v13 =	vsub.f32 v14, v13;
	v9 =	vadd.f32 v9, v40;
	v5 =	vmul.f32 v5, v5  }
0x405: {  	v14 =	vld [tilespmem:s7+$0x5400];
	v0 =	vmul.f32 v0, v0;
	v11 =	vadd.f32 v11, v44;
	v15 =	vadd.f32 v15, v59  }
0x406: {  	v47 =	vmul.f32 v47, v21;
	v12 =	vsub.f32 v12, v16;
	v9 =	vsub.f32 v9, v31  }
0x407: {  	v3 =	vmul.f32 v3, v3;
	v0 =	vadd.f32 v5, v0;
	v51 =	vsub.f32 v11, v30  }
0x408: {  	v15 =	vadd.f32 v15, v45;
	v11 =	vmul.f32 v9, v29;
	v61 =	vmul.f32 v9, v28  }
0x409: {  	v49 =	vld [tilespmem:s7+$0x4780];
	v17 =	vmul.f32 v9, v27;
	v9 =	vmul.f32 v63, v22;
	v0 =	vadd.f32 v0, v3  }
0x40a: {  	v3 =	vmul.f32 v14, v38;
	v15 =	vsub.f32 v15, v32;
	v62 =	vmul.f32 v51, v25  }
0x40b: {  	v52 =	vld [tilespmem:s7+$0x6080];
	v5 =	vand.u32 $0x7FFFFFFF, v13;
	v55 =	vmul.f32 v14, v42;
	v16 =	vmul.f32 v51, v24  }
0x40c: {  	v59 =	vmul.f32 $4.000000060e-01, v0;
	v11 =	vadd.f32 v11, v62;
	v58 =	vmul.f32 v15, v26;
	v63 =	vpop (erf)  }
0x40d: {  	v16 =	vadd.f32 v61, v16;
	v54 =	vmul.f32 v63, v6;
	v6 =	vadd.f32 v10, v47  }
0x40e: {  	v61 =	vmul.f32 v49, v41;
	v60 =	vadd.f32 $6.000000240e-01, v59;
	v10 =	vadd.f32 v11, v58  }
0x40f: {  	v11 =	vmul.f32 v14, v35;
	v6 =	vadd.f32 v6, v9;
	v9 =	vmul.f32 v49, v34  }
0x410: {  	(erf) = vrcp.f32 v60;
	v50 =	vsub.f32 v10, v46;
	v10 =	vmul.f32 v52, v37  }
0x411: {  	v57 =	vsub.f32 v6, v1;
	v1 =	vmul.f32 v49, v36;
	v6 =	vadd.f32 v11, v9  }
0x412: {  	v47 =	vmul.f32 v0, v18;
	v9 =	vand.u32 $0x7FFFFFFF, v12;
	v11 =	vmul.f32 v52, v39  }
0x413: {  	v1 =	vadd.f32 v3, v1;
	v3 =	vadd.f32 v10, v6;
	v6 =	vand.u32 $0x7FFFFFFF, v57  }
0x414: {  	v0 =	vmul.f32 $5.000000000e-01, v0;
	v10 =	vmul.f32 v52, v43;
	v6 =	vmax.f32 v6, v9  }
0x415: {  	v9 =	vmul.f32 v15, v23;
	v1 =	vadd.f32 v11, v1;
	v3 =	vadd.f32 v3, v40  }
0x416: {  	v46 =	vmax.f32 v6, v5;
	v5 =	vmul.f32 v63, v4;
	v4 =	vadd.f32 v55, v61  }
0x417: {  	v6 =	vmax.f32 v46, $1.000000000e-30;
	v1 =	vadd.f32 v1, v44;
	v3 =	vsub.f32 v3, v31  }
0x418: {  	v8 =	vmul.f32 v63, v8;
	(erf) = vrcp.f32 v6;
	v10 =	vadd.f32 v10, v4  }
0x419: {  	v6 =	vsub.f32 v1, v30;
	v11 =	vmul.f32 v3, v29;
	v1 =	vadd.f32 v16, v9  }
0x41a: {  	s18 =	simm.s32 $0x50;
	v18 =	vmul.f32 v3, v28;
	v9 =	vadd.f32 v10, v45;
	v10 =	vmul.f32 v15, v22;
	v15 =	vpop (erf)  }
0x41b: {  	v4 =	vmul.f32 v3, v27;
	v16 =	vmul.f32 v15, v0;
	v3 =	vsub.f32 v1, v48;
	v1 =	vld [tilespmem:s18+$0x5400]  }
0x41c: {  	v8 =	vmul.f32 v8, v8  }
0x41d: {  	v5 =	vmul.f32 v5, v5;
	v16 =	vmul.f32 v16, v15  }
0x41e: {  	v60 =	vmul.f32 v54, v54;
	v62 =	vmul.f32 v6, v24;
	v58 =	vsub.f32 v9, v32;
	v9 =	vld [tilespmem:s18+$0x6080]  }
0x41f: {  	v8 =	vadd.f32 v5, v8;
	v5 =	vld [tilespmem:s18+$0x4780];
	v63 =	vmul.f32 v6, v25;
	v16 =	vsub.f32 $1.500000000e+00, v16  }
0x420: {  	v18 =	vadd.f32 v18, v62;
	v62 =	vmul.f32 v58, v26;
	v48 =	vmul.f32 v1, v38  }
0x421: {  	v61 =	vadd.f32 v11, v63;
	v59 =	vpop (erf);
	v16 =	vmul.f32 v16, v15;
	v54 =	vmul.f32 v1, v35  }
0x422: {  	v11 =	vmul.f32 v59, v13;
	v13 =	vmul.f32 v51, v21  }
0x423: {  	v55 =	vmul.f32 v9, v37;
	v51 =	vadd.f32 v8, v60;
	v8 =	vadd.f32 v61, v62  }
0x424: {  	v61 =	vmul.f32 v9, v39;
	v62 =	vmul.f32 v5, v34;
	v13 =	vadd.f32 v17, v13  }
0x425: {  	v33 =	vimm.f32 $0.0e+00;
	v57 =	vmul.f32 v59, v57;
	v56 =	vmul.f32 v16, v0  }
0x426: {  	v8 =	vsub.f32 v8, v52;
	v52 =	vmul.f32 $4.000000060e-01, v51;
	v10 =	vadd.f32 v13, v10  }
0x427: {  	v17 =	vmul.f32 v1, v42;
	v54 =	vadd.f32 v54, v62;
	v62 =	vmul.f32 v5, v41  }
0x428: {  	v7 =	vmul.f32 v51, v7;
	v15 =	vsub.f32 v10, v2;
	v10 =	vadd.f32 $6.000000240e-01, v52  }
0x429: {  	v53 =	vand.u32 $0x7FFFFFFF, v50;
	v56 =	vmul.f32 v56, v16;
	v13 =	vmul.f32 v9, v43  }
0x42a: {  	v60 =	vand.u32 $0x7FFFFFFF, v3;
	v2 =	vmul.f32 v5, v36;
	(erf) = vrcp.f32 v10  }
0x42b: {  	v17 =	vadd.f32 v17, v62;
	v52 =	vmul.f32 v59, v12;
	v12 =	vadd.f32 v55, v54  }
0x42c: {  	v2 =	vadd.f32 v48, v2;
	v10 =	vsub.f32 $1.500000000e+00, v56;
	v63 =	vand.u32 $0x7FFFFFFF, v15  }
0x42d: {  	v13 =	vadd.f32 v13, v17;
	v12 =	vadd.f32 v12, v40;
	v48 =	vmax.f32 v63, v60  }
0x42e: {  	v2 =	vadd.f32 v61, v2;
	v10 =	vmul.f32 v10, v16;
	v48 =	vmax.f32 v48, v53  }
0x42f: {  	v56 =	vmul.f32 v58, v23;
	v12 =	vsub.f32 v12, v31;
	v16 =	vmax.f32 v48, $1.000000000e-30  }
0x430: {  	v2 =	vadd.f32 v2, v44;
	v0 =	vmul.f32 v10, v0;
	(erf) = vrcp.f32 v16  }
0x431: {  	v53 =	vmul.f32 v58, v22;
	v54 =	vmul.f32 v12, v29;
	v16 =	vadd.f32 v18, v56  }
0x432: {  	s0 =	sadd.s32 $0x10, s5;
	v17 =	vsub.f32 v2, v30;
	v0 =	vmul.f32 v0, v10;
	v2 =	vmul.f32 $5.000000000e-01, v51  }
0x433: {  	s29 =	sadd.s32 $0x10, s0;
	v55 =	vadd.f32 v13, v45;
	v56 =	vmul.f32 v12, v28;
	v51 =	vmul.f32 v12, v27;
	v13 =	vpop (erf)  }
0x434: {  	s30 =	smov.u32 s29;
	s7 =	simm.s32 $0x180;
	s18 =	smov.u32 s5;
	v14 =	vsub.f32 v16, v14;
	v12 =	vsub.f32 $1.500000000e+00, v0;
	v16 =	vmul.f32 v13, v2  }
.LBB2_4:
0x435: {  	s6 =	smov.u32 s7  }
0x436: {  	s3 =	sshra.s32 s7, $0x2;
	v0 =	vmul.f32 v17, v24;
	v18 =	vand.u32 $0x7FFFFFFF, v8;
	v52 =	vmul.f32 v52, v52;
	s29 =	sadd.s32 $0x10, s29;
	v58 =	vmovc v15;
	s6 =	sadd.s32 $0x40, s7  }
0x437: {  	p3 =	sne.s32 s7, $0x30C0;
	v60 =	vsub.f32 v55, v32;
	v15 =	vmul.f32 v57, v57;
	v16 =	vmul.f32 v16, v13;
	v59 =	vld [tilespmem:s3+$0x5400]  }
0x438: {  	v10 =	vmul.f32 v12, v10;
	v0 =	vadd.f32 v56, v0;
	v56 =	vmul.f32 v17, v25;
	v55 =	vld [tilespmem:s3+$0x4780]  }
0x439: {  	v12 =	vadd.f32 v52, v15;
	v15 =	vmul.f32 v11, v11;
	v16 =	vsub.f32 $1.500000000e+00, v16;
	v57 =	vpop (erf)  }
0x43a: {  	v54 =	vadd.f32 v54, v56;
	v56 =	vmul.f32 v60, v26;
	v52 =	vld [tilespmem:s3+$0x6080];
	v11 =	vmul.f32 v57, v50;
	v50 =	vmovc v8  }
0x43b: {  	p4 =	slt.u32 s18, $0x186A0;
	s18 =	smov.u32 s0;
	s0 =	smov.u32 s30;
	v10 =	vmul.f32 v10, v47;
	v8 =	vmul.f32 v6, v21;
	v12 =	vadd.f32 v12, v15;
	v6 =	vmovc v17  }
0x43c: {  	s30 =	smov.u32 s29;
	v47 =	vmovc v7;
	v13 =	vmul.f32 v16, v13;
	v15 =	vadd.f32 v54, v56;
	v17 =	vmul.f32 v59, v38  }
0x43d: {  	v10 =	vpsel !p4, $0x0, v10;
	v7 =	vmul.f32 v59, v35;
	v16 =	vadd.f32 v4, v8;
	v4 =	vmovc v51  }
0x43e: {  	v33 =	vadd.f32 v10, v33;
	v51 =	vmul.f32 v59, v42;
	v8 =	vsub.f32 v15, v9  }
0x43f: {  	v15 =	vadd.f32 v16, v53;
	v16 =	vmul.f32 $4.000000060e-01, v12;
	v10 =	vmul.f32 v52, v37;
	v9 =	vmovc v52  }
0x440: {  	v54 =	vand.u32 $0x7FFFFFFF, v14;
	v52 =	vmul.f32 v13, v2;
	v53 =	vmul.f32 v9, v43  }
0x441: {  	v61 =	vmul.f32 v55, v34;
	v56 =	vmul.f32 v9, v39;
	v15 =	vsub.f32 v15, v49;
	v49 =	vmovc v5  }
0x442: {  	v62 =	vmul.f32 v55, v36;
	v16 =	vadd.f32 $6.000000240e-01, v16;
	v5 =	vmovc v55;
	v63 =	vmul.f32 v52, v13  }
0x443: {  	v7 =	vadd.f32 v7, v61;
	v55 =	vmul.f32 v5, v41;
	v52 =	vmul.f32 v57, v3;
	v3 =	vmovc v14  }
0x444: {  	v14 =	vadd.f32 v17, v62;
	(erf) = vrcp.f32 v16;
	v16 =	vsub.f32 $1.500000000e+00, v63  }
0x445: {  	v61 =	vmul.f32 v60, v23;
	v7 =	vadd.f32 v10, v7;
	v10 =	vand.u32 $0x7FFFFFFF, v15  }
0x446: {  	v14 =	vadd.f32 v56, v14;
	v17 =	vadd.f32 v51, v55;
	v10 =	vmax.f32 v10, v54  }
0x447: {  	v7 =	vadd.f32 v7, v40;
	v18 =	vmax.f32 v10, v18;
	v10 =	vmul.f32 v16, v13  }
0x448: {  	v13 =	vadd.f32 v14, v44;
	v14 =	vadd.f32 v53, v17;
	v16 =	vmax.f32 v18, $1.000000000e-30  }
0x449: {  	v51 =	vsub.f32 v7, v31;
	v2 =	vmul.f32 v10, v2;
	(erf) = vrcp.f32 v16  }
.Ltmp1:
0x44a: {  	v7 =	vmul.f32 v12, v46;
	v46 =	vmovc v48;
	v17 =	vsub.f32 v13, v30;
	v55 =	vadd.f32 v14, v45;
	(pc) =	sbr.rel @p3 .LBB2_4-.Ltmp1, $4  }
0x44b: {  	v0 =	vadd.f32 v0, v61;
	v48 =	vmovc v18;
	v54 =	vmul.f32 v51, v29;
	v14 =	vmul.f32 v2, v10  }
0x44c: {  	v56 =	vmul.f32 v51, v28;
	v2 =	vmul.f32 $5.000000000e-01, v12  }
0x44d: {  	v53 =	vmul.f32 v60, v22;
	v51 =	vmul.f32 v51, v27;
	v12 =	vsub.f32 $1.500000000e+00, v14;
	v13 =	vpop (erf)  }
0x44e: {  	s7 =	smov.u32 s6;
	v57 =	vmul.f32 v57, v58;
	v14 =	vsub.f32 v0, v1;
	v1 =	vmovc v59;
	v16 =	vmul.f32 v13, v2  }
0x44f: {  	v0 =	vmul.f32 v52, v52;
	v25 =	vmul.f32 v17, v25  }
0x450: {  	v27 =	vsub.f32 v55, v32;
	v24 =	vmul.f32 v17, v24;
	v6 =	vmul.f32 v6, v21  }
0x451: {  	v11 =	vmul.f32 v11, v11;
	v18 =	vmul.f32 v57, v57  }
0x452: {  	v60 =	vand.u32 $0x7FFFFFFF, v8;
	v59 =	vmul.f32 v27, v26;
	v4 =	vadd.f32 v4, v6  }
0x453: {  	v0 =	vadd.f32 v0, v18;
	v18 =	vadd.f32 v54, v25;
	v28 =	vpop (erf);
	v25 =	vmul.f32 v17, v21  }
0x454: {  	v24 =	vadd.f32 v56, v24;
	v17 =	vmul.f32 v27, v23;
	v29 =	vmul.f32 v28, v50  }
0x455: {  	v4 =	vadd.f32 v4, v53;
	v3 =	vmul.f32 v28, v3;
	v62 =	vmul.f32 v28, v15  }
0x456: {  	v6 =	vadd.f32 v0, v11;
	v61 =	vadd.f32 v18, v59;
	v18 =	vmul.f32 v27, v22  }
0x457: {  	v15 =	vadd.f32 v51, v25;
	v3 =	vmul.f32 v3, v3;
	v11 =	vmul.f32 v62, v62  }
0x458: {  	v17 =	vadd.f32 v24, v17;
	v4 =	vsub.f32 v4, v49;
	v30 =	vmul.f32 v29, v29  }
0x459: {  	v0 =	vsub.f32 v61, v9;
	v63 =	vmul.f32 $4.000000060e-01, v6;
	v3 =	vadd.f32 v3, v11  }
0x45a: {  	v28 =	vand.u32 $0x7FFFFFFF, v14;
	v15 =	vadd.f32 v15, v18;
	v32 =	vsub.f32 v17, v1  }
0x45b: {  	v31 =	vand.u32 $0x7FFFFFFF, v4;
	v18 =	vadd.f32 $6.000000240e-01, v63;
	v9 =	vadd.f32 v3, v30  }
0x45c: {  	v21 =	vmax.f32 v31, v28;
	v5 =	vsub.f32 v15, v5;
	v36 =	vand.u32 $0x7FFFFFFF, v32  }
0x45d: {  	v3 =	vmax.f32 v21, v60;
	(erf) = vrcp.f32 v18;
	v35 =	vmul.f32 $4.000000060e-01, v9  }
0x45e: {  	v34 =	vmax.f32 v3, $1.000000000e-30;
	v17 =	vand.u32 $0x7FFFFFFF, v5;
	v18 =	vand.u32 $0x7FFFFFFF, v0  }
0x45f: {  	(erf) = vrcp.f32 v34;
	v1 =	vmax.f32 v17, v36;
	v15 =	vadd.f32 $6.000000240e-01, v35  }
0x460: {  	v1 =	vmax.f32 v1, v18  }
0x461: {  	v37 =	vmax.f32 v1, $1.000000000e-30;
	(erf) = vrcp.f32 v15  }
0x462: {  	(erf) = vrcp.f32 v37;
	_ =	sdelay $0x4  }
0x463: {  	v38 =	vpop (erf)  }
0x464: {  	v17 =	vpop (erf)  }
0x465: {  	v39 =	vmul.f32 v17, v14  }
0x466: {  	v40 =	vmul.f32 v17, v8;
	v18 =	vpop (erf)  }
0x467: {  	v4 =	vmul.f32 v17, v4;
	v14 =	vmul.f32 v39, v39;
	v17 =	vpop (erf)  }
0x468: {  	v11 =	vmul.f32 v17, v32;
	v5 =	vmul.f32 v17, v5  }
0x469: {  	v4 =	vmul.f32 v4, v4;
	v0 =	vmul.f32 v17, v0  }
0x46a: {  	v11 =	vmul.f32 v11, v11;
	v5 =	vmul.f32 v5, v5  }
0x46b: {  	v8 =	vmul.f32 v40, v40;
	v4 =	vadd.f32 v14, v4  }
0x46c: {  	v0 =	vmul.f32 v0, v0;
	v11 =	vadd.f32 v11, v5  }
0x46d: {  	v5 =	vadd.f32 v4, v8  }
0x46e: {  	v4 =	vadd.f32 v11, v0  }
0x46f: {  	v41 =	vmul.f32 $4.000000060e-01, v5  }
0x470: {  	v42 =	vmul.f32 $4.000000060e-01, v4  }
0x471: {  	v0 =	vadd.f32 $6.000000240e-01, v41  }
0x472: {  	v8 =	vadd.f32 $6.000000240e-01, v42  }
0x473: {  	(erf) = vrcp.f32 v0  }
0x474: {  	(erf) = vrcp.f32 v8;
	_ =	sdelay $0x7  }
0x475: {  	v0 =	vpop (erf)  }
0x476: {  	v8 =	vpop (erf)  }
0x477: {  	_ =	swait.ge [sflag:s25], $0x500  }
0x478: {  	[sflag:s25] =	ssyncset.done $0x0  }
0x479: {  	[sflag:s25] =	ssyncadd.s32 $0xFFFFFB00  }
0x47a: {  	s6 =	simm.s32 $0x1200;
	s3 =	simm.s32 $0x1F00;
	v43 =	vmul.f32 v16, v13;
	[bflag:$0x0] =	sbarrier.arrive $0xFFFF  }
0x47b: {  	[tilespmem:s3], [sflag:$0x3] =	stream.indirect.gather [hbm4b:s10+s24], $0x1, s6, s24, $0xb8;
	[tilespmem:$0x6E80] =	vst v63  }
0x47c: {  	v11 =	vsub.f32 $1.500000000e+00, v43;
	_ =	swait.ge [sflag:s25], $0x180  }
0x47d: {  	s7 =	sld [smem:$0x7CD]  }
0x47e: {  	v11 =	vmul.f32 v11, v13;
	[sflag:s25] =	ssyncset.done $0x0  }
0x47f: {  	[sflag:s25] =	ssyncadd.s32 $0xFFFFFE80  }
0x480: {  	v16 =	vmul.f32 v11, v2;
	v44 =	vld [tilespmem:$0x1F00];
	p3 =	seq.s32 s7, $0x1;
	s7 =	sld [smem:$0x7CE]  }
0x481: {  	v17 =	vld [tilespmem:$0x1F20]  }
0x482: {  	v16 =	vmul.f32 v16, v11;
	v45 =	vld [tilespmem:$0x1F10]  }
0x483: {  	p4 =	seq.s32 s7, $0x1;
	s7 =	sld [smem:$0x7CF]  }
0x484: {  	v16 =	vsub.f32 $1.500000000e+00, v16;
	v49 =	vld [tilespmem:$0x1F30]  }
0x485: {  	v14 =	vadd.f32 $0.0e+00, v44  }
0x486: {  	v11 =	vmul.f32 v16, v11;
	v16 =	vpsel !p4, $0x0, v17;
	p4 =	seq.s32 s7, $0x1;
	s7 =	sld [smem:$0x7D0]  }
0x487: {  	v50 =	vld [tilespmem:$0x1F40];
	v13 =	vpsel !p3, $0x0, v45;
	v14 =	vpsel !p0, $0x0, v14  }
0x488: {  	v13 =	vadd.f32 v13, v14  }
0x489: {  	v21 =	vpsel !p4, $0x0, v49;
	p4 =	seq.s32 s7, $0x1;
	s7 =	sld [smem:$0x7D1]  }
0x48a: {  	v17 =	vmul.f32 $5.000000000e-01, v6;
	v13 =	vadd.f32 v16, v13;
	v16 =	vld [tilespmem:$0x1F50]  }
0x48b: {  	v10 =	vmul.f32 v12, v10;
	v51 =	vmul.f32 v11, v2;
	v53 =	vld [tilespmem:$0x1F60]  }
0x48c: {  	v52 =	vmul.f32 v38, v17;
	v14 =	vpsel !p4, $0x0, v50;
	p4 =	seq.s32 s7, $0x1;
	s7 =	sld [smem:$0x7D2]  }
0x48d: {  	v10 =	vmul.f32 v10, v47;
	v2 =	vmul.f32 v51, v11;
	v13 =	vadd.f32 v21, v13  }
0x48e: {  	v28 =	vmul.f32 $5.000000000e-01, v5;
	v22 =	vmul.f32 v52, v38  }
0x48f: {  	v2 =	vsub.f32 $1.500000000e+00, v2;
	v54 =	vld [tilespmem:$0x1F70];
	v13 =	vadd.f32 v14, v13;
	v55 =	vpsel !p4, $0x0, v16;
	p4 =	seq.s32 s7, $0x1  }
0x490: {  	v3 =	vmul.f32 v5, v3;
	v16 =	vsub.f32 $1.500000000e+00, v22;
	v57 =	vpsel !p4, $0x0, v53;
	p4 =	slt.u32 s18, $0x186A0;
	s18 =	sld [smem:$0x7D3]  }
0x491: {  	v31 =	vmul.f32 $5.000000000e-01, v4;
	v2 =	vmul.f32 v2, v11;
	v56 =	vld [tilespmem:$0x1F80];
	v12 =	vadd.f32 v55, v13  }
0x492: {  	s3 =	sld [smem:$0x7D4];
	v15 =	vmul.f32 v16, v38;
	v16 =	vmul.f32 $5.000000000e-01, v9  }
0x493: {  	v2 =	vmul.f32 v2, v7;
	v58 =	vld [tilespmem:$0x1F90];
	v11 =	vadd.f32 v57, v12;
	v10 =	vpsel !p4, $0x0, v10;
	p4 =	seq.s32 s18, $0x1  }
0x494: {  	v30 =	vmul.f32 v0, v28;
	s7 =	sld [smem:$0x7D5];
	v62 =	vmul.f32 v18, v16;
	v59 =	vpsel !p4, $0x0, v54;
	p4 =	slt.u32 s0, $0x186A0  }
0x495: {  	v61 =	vld [tilespmem:$0x1FA0];
	v6 =	vmul.f32 v6, v46;
	v7 =	vadd.f32 v59, v11;
	v2 =	vpsel !p4, $0x0, v2;
	p4 =	seq.s32 s3, $0x1  }
0x496: {  	v60 =	vmul.f32 v15, v17;
	s18 =	sld [smem:$0x7D6];
	v21 =	vmul.f32 v62, v18;
	v13 =	vpsel !p4, $0x0, v56  }
0x497: {  	v63 =	vld [tilespmem:$0x1FB0];
	v22 =	vmul.f32 v30, v0;
	v9 =	vmul.f32 v9, v48;
	p4 =	seq.s32 s7, $0x1;
	v7 =	vadd.f32 v13, v7  }
0x498: {  	v14 =	vmul.f32 v60, v15;
	s3 =	sld [smem:$0x7D7];
	v21 =	vsub.f32 $1.500000000e+00, v21;
	v12 =	vpsel !p4, $0x0, v58  }
0x499: {  	v29 =	vld [tilespmem:$0x1FC0];
	v10 =	vadd.f32 v10, v33;
	v33 =	vmul.f32 v8, v31;
	p4 =	seq.s32 s18, $0x1;
	v7 =	vadd.f32 v12, v7  }
0x49a: {  	v14 =	vsub.f32 $1.500000000e+00, v14;
	s7 =	sld [smem:$0x7D8];
	v11 =	vpsel !p4, $0x0, v61;
	v34 =	vmul.f32 v21, v18  }
0x49b: {  	v32 =	vld [tilespmem:$0x1FD0];
	v36 =	vmul.f32 v33, v8;
	p4 =	seq.s32 s3, $0x1;
	v18 =	vsub.f32 $1.500000000e+00, v22;
	v7 =	vadd.f32 v11, v7  }
0x49c: {  	s18 =	sld [smem:$0x7D9];
	v14 =	vmul.f32 v14, v15;
	v13 =	vpsel !p4, $0x0, v63;
	v37 =	vmul.f32 v34, v16  }
0x49d: {  	v35 =	vld [tilespmem:$0x1FE0];
	p4 =	seq.s32 s7, $0x1;
	v0 =	vmul.f32 v18, v0;
	v18 =	vsub.f32 $1.500000000e+00, v36;
	v7 =	vadd.f32 v13, v7  }
0x49e: {  	s3 =	sld [smem:$0x7DA];
	v12 =	vpsel !p4, $0x0, v29;
	v17 =	vmul.f32 v14, v17;
	v39 =	vmul.f32 v37, v34  }
0x49f: {  	v38 =	vld [tilespmem:$0x1FF0];
	p4 =	seq.s32 s18, $0x1;
	v41 =	vmul.f32 v0, v28;
	v8 =	vmul.f32 v18, v8;
	v7 =	vadd.f32 v12, v7  }
0x4a0: {  	s7 =	sld [smem:$0x7DB];
	v11 =	vpsel !p4, $0x0, v32;
	v17 =	vmul.f32 v17, v14;
	v18 =	vsub.f32 $1.500000000e+00, v39  }
0x4a1: {  	v40 =	vld [tilespmem:$0x2000];
	p4 =	seq.s32 s3, $0x1;
	v43 =	vmul.f32 v41, v0;
	v44 =	vmul.f32 v8, v31;
	v7 =	vadd.f32 v11, v7  }
0x4a2: {  	s18 =	sld [smem:$0x7DC];
	v13 =	vpsel !p4, $0x0, v35;
	v17 =	vsub.f32 $1.500000000e+00, v17;
	v15 =	vmul.f32 v18, v34  }
0x4a3: {  	v42 =	vld [tilespmem:$0x2010];
	p4 =	seq.s32 s7, $0x1;
	v18 =	vsub.f32 $1.500000000e+00, v43;
	v46 =	vmul.f32 v44, v8;
	v7 =	vadd.f32 v13, v7  }
0x4a4: {  	s3 =	sld [smem:$0x7DD];
	v12 =	vpsel !p4, $0x0, v38;
	v14 =	vmul.f32 v17, v14;
	v16 =	vmul.f32 v15, v16  }
0x4a5: {  	v45 =	vld [tilespmem:$0x2020];
	p4 =	seq.s32 s18, $0x1;
	v0 =	vmul.f32 v18, v0;
	v17 =	vsub.f32 $1.500000000e+00, v46;
	v7 =	vadd.f32 v12, v7  }
0x4a6: {  	v2 =	vadd.f32 v2, v10;
	s7 =	sld [smem:$0x7DE];
	v11 =	vpsel !p4, $0x0, v40;
	v48 =	vmul.f32 v16, v15  }
0x4a7: {  	v47 =	vld [tilespmem:$0x2030];
	p4 =	seq.s32 s3, $0x1;
	v10 =	vmul.f32 v0, v28;
	v8 =	vmul.f32 v17, v8;
	v7 =	vadd.f32 v11, v7  }
0x4a8: {  	s18 =	sld [smem:$0x7DF];
	v6 =	vmul.f32 v14, v6;
	v13 =	vpsel !p4, $0x0, v42;
	v14 =	vsub.f32 $1.500000000e+00, v48  }
0x4a9: {  	v49 =	vld [tilespmem:$0x2040];
	p4 =	seq.s32 s7, $0x1;
	v10 =	vmul.f32 v10, v0;
	v16 =	vmul.f32 v8, v31;
	v7 =	vadd.f32 v13, v7  }
0x4aa: {  	v1 =	vmul.f32 v4, v1;
	v12 =	vpsel !p4, $0x0, v45;
	v51 =	vmul.f32 v14, v15  }
0x4ab: {  	p3 =	slt.u32 s30, $0x186A0;
	v50 =	vld [tilespmem:$0x2050];
	p4 =	seq.s32 s18, $0x1;
	v10 =	vsub.f32 $1.500000000e+00, v10;
	v53 =	vmul.f32 v16, v8;
	v7 =	vadd.f32 v12, v7  }
0x4ac: {  	s29 =	sadd.s32 $0x10, s29;
	v6 =	vpsel !p3, $0x0, v6;
	v11 =	vpsel !p4, $0x0, v47;
	v54 =	vmul.f32 v51, v9  }
0x4ad: {  	v52 =	vld [tilespmem:$0x2060];
	p4 =	slt.u32 s29, $0x186A0;
	v0 =	vmul.f32 v10, v0;
	v57 =	vsub.f32 $1.500000000e+00, v53;
	v7 =	vadd.f32 v11, v7  }
0x4ae: {  	v2 =	vadd.f32 v6, v2;
	v13 =	vpsel !p5, $0x0, v49;
	v5 =	vpsel !p4, $0x0, v54  }
0x4af: {  	s0 =	sadd.s32 $0x10, s29;
	v56 =	vld [tilespmem:$0x2070];
	v0 =	vmul.f32 v0, v3;
	v60 =	vmul.f32 v57, v8;
	v55 =	vadd.f32 v13, v7  }
0x4b0: {  	v58 =	vpsel !p6, $0x0, v50;
	p4 =	slt.u32 s0, $0x186A0;
	v2 =	vadd.f32 v5, v2  }
0x4b1: {  	s0 =	sadd.s32 $0x10, s0;
	v0 =	vpsel !p4, $0x0, v0;
	v1 =	vmul.f32 v60, v1;
	v59 =	vadd.f32 v58, v55  }
0x4b2: {  	v61 =	vpsel !p1, $0x0, v52;
	p4 =	slt.u32 s0, $0x186A0;
	v0 =	vadd.f32 v0, v2  }
0x4b3: {  	v1 =	vpsel !p4, $0x0, v1;
	v4 =	vadd.f32 v61, v59  }
0x4b4: {  	v62 =	vpsel !p2, $0x0, v56;
	v0 =	vadd.f32 v1, v0  }
0x4b5: {  	s28 =	sadd.s32 $0x1, s28;
	[tilespmem:$0x6E10] =	vst v20;
	v63 =	vadd.f32 v62, v4  }
0x4b6: {  	p3 =	sne.s32 s28, s1;
	[tilespmem:$0x6E20] =	vst v0  }
.Ltmp2:
0x4b7: {  	s30 =	simm.s32 $0x6E00;
	[tilespmem:$0x6E00] =	vst v63;
	(pc) =	sbr.rel @p3 .LBB2_1-.Ltmp2, $4  }
0x4b8: {  	[hbm4b:s23+s4] =	stream.linear.scatter [tilespmem:s30], [sflag:$0x4], $0x80, $0x38;
	[tilespmem:$0x6E80] =	vst v63  }
0x4b9: {  	_ =	swait.ge [sflag:s26], $0x80  }
0x4ba: {  	[sflag:s26] =	ssyncset.done $0x0  }
0x4bb: {  	[sflag:s26] =	ssyncadd.s32 $0xFFFFFF80  }
0x4bc: {  	_ =	sfence.sel $0x180000  }
0x4bd: {  	[bflag:$0x0] =	sbarrier.arrive $0xFFFF  }
0x4be: {  	_ =	strace $0x90000047  }
0x4bf: {  	s0 =	stileid.u32;
	[bflag:$0x2] =	sbarrier.arrive $0xFFFF  }
0x4c0: {  	p0 =	sne.s32 s0, $0x0;
	s0 =	rddreg [dreg:$0x3]  }
0x4c1: {  	s0 =	sadd.s32 @!p0 $0x100000, s0  }
0x4c2: {  	[sflag:s0] =	ssyncadd.tile.s32 @!p0 $0x1;
	_ =	shalt  }
.Lfunc_end2:
_tile_overlayer_lowered:
.L_overlay_start_2:
0x4c3: {  	(tag) =	ssettag $0x2  }
0x4c4: {  	s0 =	rddreg [dreg:$0x0];
	s2 =	stileid.u32  }
0x4c5: {  	s1 =	rddreg [dreg:$0x1];
	p0 =	sne.s32 s2, $0x0  }
0x4c6: {  	s3 =	rddreg [dreg:$0x2];
	[bflag:$0x3] =	sbarrier.arrive $0xFFFF;
	s2 =	simm.s32 @!p0 $0x1C04  }
0x4c7: {  	[timem:s3], [sflag:s2] =	dma.local @!p0 [hbm:s0], s1  }
0x4c8: {  	s0 =	simm.s32 @!p0 $0x4  }
0x4c9: {  	_ =	swait.ge @!p0 [sflag:s0], s1  }
0x4ca: {  	s1 =	ssub.s32 @!p0 $0x0, s1;
	[sflag:s0] =	ssyncset.done @!p0 $0x0  }
0x4cb: {  	[sflag:s0] =	ssyncadd.s32 @!p0 s1  }
0x4cc: {  	[bflag:$0x3] =	sbarrier.arrive $0xFFFF  }
0x4cd: {  	_ =	shalt  }

</sc_bundles>
